<compile_context>
chip_gen: v7x
topology: tpu7x:2x2x1
jax: 0.10.2.dev20260603
libtpu: 0.0.44.dev20260713+nightly
codegen_flags: <defaults>
</compile_context>

<pallas_src>
import functools

import jax
import jax.numpy as jnp
from jax import lax
from jax.experimental import pallas as pl
from jax.experimental.pallas import tpu as pltpu
from jax.experimental.pallas import tpu_sc as plsc

ROWW = 72
_GDN = lax.GatherDimensionNumbers(
    offset_dims=(), collapsed_slice_dims=(0,), start_index_map=(0,))


def _xlane_sum(v):
    lane = lax.iota(jnp.int32, 16)
    for k in (1, 2, 4, 8):
        idx = jnp.bitwise_xor(lane, k)
        g = lax.gather(v, idx[:, None], _GDN, (1,),
                       mode=lax.GatherScatterMode.PROMISE_IN_BOUNDS)
        v = v + g
    return v
NC, NS = 2, 16
EB = 128


def _dual_mm(x, Wl, bl, Wr, br):
    N, F = x.shape
    H = Wl.shape[1]
    BN = 1000
    assert N % BN == 0

    def body(x_ref, wl_ref, bl_ref, wr_ref, br_ref, xl_ref, xr_ref):
        xb = x_ref[...]
        xl_ref[...] = (
            jnp.dot(xb, wl_ref[...], preferred_element_type=jnp.float32)
            + bl_ref[...]
        )
        xr_ref[...] = (
            jnp.dot(xb, wr_ref[...], preferred_element_type=jnp.float32)
            + br_ref[...]
        )

    return pl.pallas_call(
        body,
        grid=(N // BN,),
        in_specs=[
            pl.BlockSpec((BN, F), lambda i: (i, 0)),
            pl.BlockSpec((F, H), lambda i: (0, 0)),
            pl.BlockSpec((1, H), lambda i: (0, 0)),
            pl.BlockSpec((F, H), lambda i: (0, 0)),
            pl.BlockSpec((1, H), lambda i: (0, 0)),
        ],
        out_specs=[
            pl.BlockSpec((BN, H), lambda i: (i, 0)),
            pl.BlockSpec((BN, H), lambda i: (i, 0)),
        ],
        out_shape=[
            jax.ShapeDtypeStruct((N, H), jnp.float32),
            jax.ShapeDtypeStruct((N, H), jnp.float32),
        ],
    )(x, Wl, bl.reshape(1, H), Wr, br.reshape(1, H))


def _combine_relu_mm(acc, bias, Wl, bl, Wr, br, n_out):
    H = bias.shape[0]
    O = Wl.shape[1]
    BN = 1000
    assert n_out % BN == 0

    def body(a_ref, b1_ref, wl_ref, bl_ref, wr_ref, br_ref, xl_ref, xr_ref):
        a = a_ref[0] + a_ref[1]
        h = a[:, :H] / (a[:, H:H + 1] + 1e-16) + b1_ref[...]
        h = jnp.maximum(h, 0.0)
        xl_ref[...] = (
            jnp.dot(h, wl_ref[...], preferred_element_type=jnp.float32)
            + bl_ref[...]
        )
        xr_ref[...] = (
            jnp.dot(h, wr_ref[...], preferred_element_type=jnp.float32)
            + br_ref[...]
        )

    return pl.pallas_call(
        body,
        grid=(n_out // BN,),
        in_specs=[
            pl.BlockSpec((2, BN, ROWW), lambda i: (0, i, 0)),
            pl.BlockSpec((1, H), lambda i: (0, 0)),
            pl.BlockSpec((H, O), lambda i: (0, 0)),
            pl.BlockSpec((1, O), lambda i: (0, 0)),
            pl.BlockSpec((H, O), lambda i: (0, 0)),
            pl.BlockSpec((1, O), lambda i: (0, 0)),
        ],
        out_specs=[
            pl.BlockSpec((BN, O), lambda i: (i, 0)),
            pl.BlockSpec((BN, O), lambda i: (i, 0)),
        ],
        out_shape=[
            jax.ShapeDtypeStruct((n_out, O), jnp.float32),
            jax.ShapeDtypeStruct((n_out, O), jnp.float32),
        ],
    )(acc, bias.reshape(1, H), Wl, bl.reshape(1, O), Wr, br.reshape(1, O))


def _final_combine(acc, bias, n_out):
    O = bias.shape[0]
    BN = 1000
    assert n_out % BN == 0

    def body(a_ref, b_ref, o_ref):
        a = a_ref[0] + a_ref[1]
        o_ref[...] = a[:, :O] / (a[:, O:O + 1] + 1e-16) + b_ref[...]

    return pl.pallas_call(
        body,
        grid=(n_out // BN,),
        in_specs=[
            pl.BlockSpec((2, BN, ROWW), lambda i: (0, i, 0)),
            pl.BlockSpec((1, O), lambda i: (0, 0)),
        ],
        out_specs=pl.BlockSpec((BN, O), lambda i: (i, 0)),
        out_shape=jax.ShapeDtypeStruct((n_out, O), jnp.float32),
    )(acc, bias.reshape(1, O))


def _edge_pass(xl, xr, att, edge_index, npad):
    E = edge_index.shape[1]
    H = xl.shape[1]
    assert H == 64 and E % EB == 0
    nch = E // EB
    nw = NC * NS
    per_w = -(-nch // nw)
    rows_t = npad // NS
    assert rows_t % EB == 0

    mesh = plsc.VectorSubcoreMesh(
        core_axis_name="c", subcore_axis_name="s",
        num_cores=NC, num_subcores=NS,
    )

    @functools.partial(
        pl.kernel,
        out_type=jax.ShapeDtypeStruct((NC, npad, ROWW), jnp.float32),
        mesh=mesh,
        compiler_params=pltpu.CompilerParams(use_tc_tiling_on_sc=False),
        scratch_types=(
            [pltpu.VMEM((EB,), jnp.int32)] * 3
            + [pltpu.VMEM((EB,), jnp.int32)] * 3
            + [pltpu.VMEM((EB,), jnp.int32)] * 3
            + [pltpu.VMEM((EB, 64), jnp.float32)] * 3
            + [pltpu.VMEM((EB, 64), jnp.float32)] * 3
            + [pltpu.VMEM((EB, ROWW), jnp.float32)] * 3
            + [pltpu.VMEM((H,), jnp.float32)]
            + [pltpu.VMEM_SHARED((npad, ROWW), jnp.float32)]
            + [pltpu.SemaphoreType.DMA] * 9
        ),
    )
    def k(xl_hbm, xr_hbm, att_hbm, edge_hbm, out_hbm,
          si0, si1, si2, di0, di1, di2, sdi0, sdi1, sdi2,
          gl0, gl1, gl2, gr0, gr1, gr2, ob0, ob1, ob2, attv, acc,
          gs0, gs1, gs2, gs3, gs4, gs5, ss0, ss1, ss2):
        cid = lax.axis_index("c")
        sid = lax.axis_index("s")
        wid = sid * NC + cid
        bufs = [(si0, di0, gl0, gr0, gs0, gs1, ob0, ss0, sdi0),
                (si1, di1, gl1, gr1, gs2, gs3, ob1, ss1, sdi1),
                (si2, di2, gl2, gr2, gs4, gs5, ob2, ss2, sdi2)]

        def fetch(c, bu):
            @pl.when(c < nch)
            def _():
                base = c * EB
                pltpu.sync_copy(edge_hbm.at[0, pl.ds(base, EB)], bu[0])
                pltpu.sync_copy(edge_hbm.at[1, pl.ds(base, EB)], bu[1])
                pltpu.async_copy(xl_hbm.at[bu[0]], bu[2], bu[4])
                pltpu.async_copy(xr_hbm.at[bu[1]], bu[3], bu[5])

        pltpu.sync_copy(att_hbm, attv)
        fetch(wid, bufs[0])
        fetch(wid + nw, bufs[1])

        def zrow(i, _):
            for off in (0, 16, 32, 48, 56):
                ob0[i, pl.ds(off, 16)] = jnp.zeros((16,), jnp.float32)
            return _
        lax.fori_loop(0, EB, zrow, None)

        def zacc(r, _):
            pltpu.sync_copy(ob0, acc.at[pl.ds(sid * rows_t + r * EB, EB)])
            return _
        lax.fori_loop(0, rows_t // EB, zacc, None)
        plsc.subcore_barrier()

        def chunk_body(kk, _):
            for b in range(3):
                i = kk * 3 + b
                cidx = wid + i * nw
                bu = bufs[b]
                nbu = bufs[(b + 2) % 3]

                @pl.when(cidx < nch)
                def _(cidx=cidx, bu=bu):
                    pltpu.make_async_copy(xl_hbm.at[bu[0]], bu[2], bu[4]).wait()
                    pltpu.make_async_copy(xr_hbm.at[bu[1]], bu[3], bu[5]).wait()

                @pl.when(jnp.logical_and(i >= 3, cidx - 3 * nw < nch))
                def _(cidx=cidx, bu=bu):
                    pltpu.make_async_copy(
                        bu[6], acc.at[bu[8]], bu[7]).wait()

                fetch(cidx + 2 * nw, nbu)

                @pl.when(cidx < nch)
                def _(cidx=cidx, bu=bu):
                    gl, gr, ob = bu[2], bu[3], bu[6]
                    for c8 in range(EB // 16):
                        bu[8][pl.ds(c8 * 16, 16)] = bu[1][pl.ds(c8 * 16, 16)]
                    atts = [attv[pl.ds(c4 * 16, 16)] for c4 in range(H // 16)]
                    lane = lax.iota(jnp.int32, 16)
                    lo8 = lane < 8
                    lane8 = lane == 8
                    xor8 = jnp.bitwise_xor(lane, 8)

                    @plsc.parallel_loop(0, EB, 1, unroll=4)
                    def _edges(e):
                        vls = []
                        accv = jnp.zeros((16,), jnp.float32)
                        for c4 in range(H // 16):
                            vl = gl[e, pl.ds(c4 * 16, 16)]
                            vr = gr[e, pl.ds(c4 * 16, 16)]
                            v = vl + vr
                            v = jnp.where(v >= 0.0, v, v * 0.2)
                            accv = accv + v * atts[c4]
                            vls.append(vl)
                        pv = jnp.exp(_xlane_sum(accv))
                        for c4 in range(3):
                            ob[e, pl.ds(c4 * 16, 16)] = pv * vls[c4]
                        t3 = pv * vls[3]
                        ob[e, pl.ds(48, 16)] = t3
                        hi = lax.gather(t3, xor8[:, None], _GDN, (1,),
                                        mode=lax.GatherScatterMode.PROMISE_IN_BOUNDS)
                        tail = jnp.where(lo8, hi, jnp.where(lane8, pv, 0.0))
                        ob[e, pl.ds(56, 16)] = tail

                    pltpu.async_copy(ob, acc.at[bu[8]], bu[7], add=True)
            return _
        lax.fori_loop(0, (per_w + 5) // 3, chunk_body, None)

        plsc.subcore_barrier()
        pltpu.sync_copy(acc.at[pl.ds(sid * rows_t, rows_t)],
                        out_hbm.at[cid, pl.ds(sid * rows_t, rows_t)])

    return k(xl, xr, att, edge_index)


def kernel(inputs, edge_index, W1l, b1l, W1r, b1r, att1, bias1,
           W2l, b2l, W2r, b2r, att2, bias2):
    N = inputs.shape[0]
    npad = ((N + NS * EB - 1) // (NS * EB)) * (NS * EB)

    xl1, xr1 = _dual_mm(inputs, W1l, b1l, W1r, b1r)
    acc1 = _edge_pass(xl1, xr1, att1, edge_index, npad)
    xl2, xr2 = _combine_relu_mm(acc1, bias1, W2l, b2l, W2r, b2r, N)
    acc2 = _edge_pass(xl2, xr2, att2, edge_index, npad)
    return _final_combine(acc2, bias2, N)

# --- scband reference (transcript-rebuilt; emitter-appended) ---
"""Pipeline reference for scband-gat-42975442763994 (READ-ONLY COPY).

The authoritative reference and input builder live on the scoring server;
editing this copy changes nothing except your own understanding.
"""

import jax, jax.numpy as jnp
import numpy as np


def _leaky_relu(x, slope=0.2):
    return jnp.where(x >= 0, x, slope * x)


def _gatv2_layer(x, src, dst, Wl, bl, Wr, br, att, bias, N):
    # GATv2Conv, heads=1, concat=True, negative_slope=0.2, add_self_loops=False
    xl = x @ Wl + bl              # source transform  [N, C]
    xr = x @ Wr + br              # target transform  [N, C]
    e = _leaky_relu(xl[src] + xr[dst], 0.2)   # [E, C]
    logits = e @ att              # [E]
    m = jax.ops.segment_max(logits, dst, num_segments=N)
    m = jnp.where(jnp.isneginf(m), 0.0, m)
    ex = jnp.exp(logits - m[dst])
    denom = jax.ops.segment_sum(ex, dst, num_segments=N)
    alpha = ex / (denom[dst] + 1e-16)
    out = jax.ops.segment_sum(xl[src] * alpha[:, None], dst, num_segments=N)
    return out + bias


def setup_inputs(seed: int = 0) -> dict:
    key = jax.random.key(seed)
    ks = jax.random.split(key, 16)
    N, E, F, H, O = 10000, 320000, 128, 64, 64
    inputs = jax.random.normal(ks[0], (N, F), dtype=jnp.float32)
    edge_index = jax.random.randint(ks[1], (2, E), 0, N, dtype=jnp.int32)
    s = 0.08
    return {
        "inputs": inputs,
        "edge_index": edge_index,
        "W1l": jax.random.normal(ks[2], (F, H), dtype=jnp.float32) * s,
        "b1l": jnp.zeros((H,), dtype=jnp.float32),
        "W1r": jax.random.normal(ks[3], (F, H), dtype=jnp.float32) * s,
        "b1r": jnp.zeros((H,), dtype=jnp.float32),
        "att1": jax.random.normal(ks[4], (H,), dtype=jnp.float32) * s,
        "bias1": jnp.zeros((H,), dtype=jnp.float32),
        "W2l": jax.random.normal(ks[5], (H, O), dtype=jnp.float32) * s,
        "b2l": jnp.zeros((O,), dtype=jnp.float32),
        "W2r": jax.random.normal(ks[6], (H, O), dtype=jnp.float32) * s,
        "b2r": jnp.zeros((O,), dtype=jnp.float32),
        "att2": jax.random.normal(ks[7], (O,), dtype=jnp.float32) * s,
        "bias2": jnp.zeros((O,), dtype=jnp.float32),
    }


def reference(inputs, edge_index, W1l, b1l, W1r, b1r, att1, bias1,
              W2l, b2l, W2r, b2r, att2, bias2):
    N = inputs.shape[0]
    src, dst = edge_index[0], edge_index[1]
    h = _gatv2_layer(inputs, src, dst, W1l, b1l, W1r, b1r, att1, bias1, N)
    h = jax.nn.relu(h)
    # dropout with prob_drop=0.0 is identity
    out = _gatv2_layer(h, src, dst, W2l, b2l, W2r, b2r, att2, bias2, N)
    return out

if __name__ == "__main__":
    import jax
    _d = setup_inputs()
    print(jax.jit(kernel)(*tuple(_d.values())))

</pallas_src>

<mosaic_0001>
#map = affine_map<(d0, d1) -> (0, 0)>
#map1 = affine_map<(d0, d1) -> (0)>
#map2 = affine_map<(d0, d1) -> (0, 0, 0)>
module attributes {stable_mosaic.version = 14 : i64} {
  func.func @k(%arg0: i32, %arg1: i32, %arg2: memref<10000x64xf32, #tpu.memory_space<hbm>>, %arg3: memref<10000x64xf32, #tpu.memory_space<hbm>>, %arg4: memref<64xf32, #tpu.memory_space<hbm>>, %arg5: memref<2x320000xi32, #tpu.memory_space<hbm>>, %arg6: memref<2x10240x72xf32, #tpu.memory_space<hbm>>, %arg7: memref<128xi32, #tpu.memory_space<vmem>>, %arg8: memref<128xi32, #tpu.memory_space<vmem>>, %arg9: memref<128xi32, #tpu.memory_space<vmem>>, %arg10: memref<128xi32, #tpu.memory_space<vmem>>, %arg11: memref<128xi32, #tpu.memory_space<vmem>>, %arg12: memref<128xi32, #tpu.memory_space<vmem>>, %arg13: memref<128xi32, #tpu.memory_space<vmem>>, %arg14: memref<128xi32, #tpu.memory_space<vmem>>, %arg15: memref<128xi32, #tpu.memory_space<vmem>>, %arg16: memref<128x64xf32, #tpu.memory_space<vmem>>, %arg17: memref<128x64xf32, #tpu.memory_space<vmem>>, %arg18: memref<128x64xf32, #tpu.memory_space<vmem>>, %arg19: memref<128x64xf32, #tpu.memory_space<vmem>>, %arg20: memref<128x64xf32, #tpu.memory_space<vmem>>, %arg21: memref<128x64xf32, #tpu.memory_space<vmem>>, %arg22: memref<128x72xf32, #tpu.memory_space<vmem>>, %arg23: memref<128x72xf32, #tpu.memory_space<vmem>>, %arg24: memref<128x72xf32, #tpu.memory_space<vmem>>, %arg25: memref<64xf32, #tpu.memory_space<vmem>>, %arg26: memref<10240x72xf32, #tpu.memory_space<vmem_shared>>, %arg27: memref<!tpu.dma_semaphore, #tpu.memory_space<semaphore_mem>>, %arg28: memref<!tpu.dma_semaphore, #tpu.memory_space<semaphore_mem>>, %arg29: memref<!tpu.dma_semaphore, #tpu.memory_space<semaphore_mem>>, %arg30: memref<!tpu.dma_semaphore, #tpu.memory_space<semaphore_mem>>, %arg31: memref<!tpu.dma_semaphore, #tpu.memory_space<semaphore_mem>>, %arg32: memref<!tpu.dma_semaphore, #tpu.memory_space<semaphore_mem>>, %arg33: memref<!tpu.dma_semaphore, #tpu.memory_space<semaphore_mem>>, %arg34: memref<!tpu.dma_semaphore, #tpu.memory_space<semaphore_mem>>, %arg35: memref<!tpu.dma_semaphore, #tpu.memory_space<semaphore_mem>>) attributes {dimension_semantics = [#tpu.dimension_semantics<core_parallel>, #tpu.dimension_semantics<subcore_parallel>], iteration_bounds = array<i64: 2, 16>, scalar_prefetch = 0 : i64, scratch_operands = 29 : i64, tpu.core_type = #tpu.core_type<sc_vector_subcore>, window_params = [{transform_indices = #map}, {transform_indices = #map}, {transform_indices = #map1}, {transform_indices = #map}, {transform_indices = #map2}]} {
    %mul3A = arith.constant 2 : i32
    %mul3A_0 = arith.muli %arg1, %mul3A : i32
    %add3A = arith.addi %mul3A_0, %arg0 : i32
    "tpu.region"() ({
      %run_scoped3A = tpu.sem_alloc : memref<!tpu.dma_semaphore, #tpu.memory_space<semaphore_mem>>
      tpu.enqueue_dma source(%arg4 : memref<64xf32, #tpu.memory_space<hbm>>) target(%arg25 : memref<64xf32, #tpu.memory_space<vmem>>) target_semaphore(%run_scoped3A : memref<!tpu.dma_semaphore, #tpu.memory_space<semaphore_mem>>)
      tpu.wait_dma2 semaphore(%run_scoped3A : memref<!tpu.dma_semaphore, #tpu.memory_space<semaphore_mem>>) src(%arg4 : memref<64xf32, #tpu.memory_space<hbm>>) dst(%arg25 : memref<64xf32, #tpu.memory_space<vmem>>)
      tpu.yield
    }) : () -> ()
    %lt3A = arith.constant 2500 : i32
    %lt3A_1 = arith.cmpi slt, %add3A, %lt3A : i32
    %convert_element_type3A = arith.extui %lt3A_1 : i1 to i32
    %cond3A = arith.constant 0 : i32
    %cond3A_2 = arith.cmpi ne, %convert_element_type3A, %cond3A : i32
    scf.if %cond3A_2 {
      %mul3A_29 = arith.constant 128 : i32
      %mul3A_30 = arith.muli %add3A, %mul3A_29 : i32
      %run_scoped3A = arith.constant 0 : i32
      "tpu.region"() ({
        %run_scoped3A_37 = tpu.sem_alloc : memref<!tpu.dma_semaphore, #tpu.memory_space<semaphore_mem>>
        %dma_start3A_38 = tpu.memref_slice %arg5[%run_scoped3A, %mul3A_30] : memref<2x320000xi32, #tpu.memory_space<hbm>> -> memref<1x128xi32, #tpu.memory_space<hbm>>
        %dma_start3A_39 = tpu.memref_squeeze %dma_start3A_38 : memref<1x128xi32, #tpu.memory_space<hbm>> -> memref<128xi32, #tpu.memory_space<hbm>>
        %dma_start3A_40 = tpu.memref_slice %arg5[%run_scoped3A, %mul3A_30] : memref<2x320000xi32, #tpu.memory_space<hbm>> -> memref<1x128xi32, #tpu.memory_space<hbm>>
        %dma_start3A_41 = tpu.memref_squeeze %dma_start3A_40 : memref<1x128xi32, #tpu.memory_space<hbm>> -> memref<128xi32, #tpu.memory_space<hbm>>
        tpu.enqueue_dma source(%dma_start3A_41 : memref<128xi32, #tpu.memory_space<hbm>>) target(%arg7 : memref<128xi32, #tpu.memory_space<vmem>>) target_semaphore(%run_scoped3A_37 : memref<!tpu.dma_semaphore, #tpu.memory_space<semaphore_mem>>)
        %dma_wait3A = tpu.memref_slice %arg5[%run_scoped3A, %mul3A_30] : memref<2x320000xi32, #tpu.memory_space<hbm>> -> memref<1x128xi32, #tpu.memory_space<hbm>>
        %dma_wait3A_42 = tpu.memref_squeeze %dma_wait3A : memref<1x128xi32, #tpu.memory_space<hbm>> -> memref<128xi32, #tpu.memory_space<hbm>>
        %dma_wait3A_43 = tpu.memref_slice %arg5[%run_scoped3A, %mul3A_30] : memref<2x320000xi32, #tpu.memory_space<hbm>> -> memref<1x128xi32, #tpu.memory_space<hbm>>
        %dma_wait3A_44 = tpu.memref_squeeze %dma_wait3A_43 : memref<1x128xi32, #tpu.memory_space<hbm>> -> memref<128xi32, #tpu.memory_space<hbm>>
        tpu.wait_dma2 semaphore(%run_scoped3A_37 : memref<!tpu.dma_semaphore, #tpu.memory_space<semaphore_mem>>) src(%dma_wait3A_44 : memref<128xi32, #tpu.memory_space<hbm>>) dst(%arg7 : memref<128xi32, #tpu.memory_space<vmem>>)
        tpu.yield
      }) : () -> ()
      %run_scoped3A_31 = arith.constant 1 : i32
      "tpu.region"() ({
        %run_scoped3A_37 = tpu.sem_alloc : memref<!tpu.dma_semaphore, #tpu.memory_space<semaphore_mem>>
        %dma_start3A_38 = tpu.memref_slice %arg5[%run_scoped3A_31, %mul3A_30] : memref<2x320000xi32, #tpu.memory_space<hbm>> -> memref<1x128xi32, #tpu.memory_space<hbm>>
        %dma_start3A_39 = tpu.memref_squeeze %dma_start3A_38 : memref<1x128xi32, #tpu.memory_space<hbm>> -> memref<128xi32, #tpu.memory_space<hbm>>
        %dma_start3A_40 = tpu.memref_slice %arg5[%run_scoped3A_31, %mul3A_30] : memref<2x320000xi32, #tpu.memory_space<hbm>> -> memref<1x128xi32, #tpu.memory_space<hbm>>
        %dma_start3A_41 = tpu.memref_squeeze %dma_start3A_40 : memref<1x128xi32, #tpu.memory_space<hbm>> -> memref<128xi32, #tpu.memory_space<hbm>>
        tpu.enqueue_dma source(%dma_start3A_41 : memref<128xi32, #tpu.memory_space<hbm>>) target(%arg10 : memref<128xi32, #tpu.memory_space<vmem>>) target_semaphore(%run_scoped3A_37 : memref<!tpu.dma_semaphore, #tpu.memory_space<semaphore_mem>>)
        %dma_wait3A = tpu.memref_slice %arg5[%run_scoped3A_31, %mul3A_30] : memref<2x320000xi32, #tpu.memory_space<hbm>> -> memref<1x128xi32, #tpu.memory_space<hbm>>
        %dma_wait3A_42 = tpu.memref_squeeze %dma_wait3A : memref<1x128xi32, #tpu.memory_space<hbm>> -> memref<128xi32, #tpu.memory_space<hbm>>
        %dma_wait3A_43 = tpu.memref_slice %arg5[%run_scoped3A_31, %mul3A_30] : memref<2x320000xi32, #tpu.memory_space<hbm>> -> memref<1x128xi32, #tpu.memory_space<hbm>>
        %dma_wait3A_44 = tpu.memref_squeeze %dma_wait3A_43 : memref<1x128xi32, #tpu.memory_space<hbm>> -> memref<128xi32, #tpu.memory_space<hbm>>
        tpu.wait_dma2 semaphore(%run_scoped3A_37 : memref<!tpu.dma_semaphore, #tpu.memory_space<semaphore_mem>>) src(%dma_wait3A_44 : memref<128xi32, #tpu.memory_space<hbm>>) dst(%arg10 : memref<128xi32, #tpu.memory_space<vmem>>)
        tpu.yield
      }) : () -> ()
      %dma_start3A = arith.constant 0 : i32
      %dma_start3A_32 = arith.constant 0 : i32
      %dma_start3A_33 = tpu.memref_slice %arg2[%dma_start3A, %dma_start3A_32] : memref<10000x64xf32, #tpu.memory_space<hbm>> -> memref<10000x64xf32, #tpu.memory_space<hbm>>
      tpu.enqueue_indirect_dma source(%dma_start3A_33 : memref<10000x64xf32, #tpu.memory_space<hbm>>) target(%arg16 : memref<128x64xf32, #tpu.memory_space<vmem>>) offsets(%arg7 : memref<128xi32, #tpu.memory_space<vmem>>) semaphore(%arg27 : memref<!tpu.dma_semaphore, #tpu.memory_space<semaphore_mem>>)
      %dma_start3A_34 = arith.constant 0 : i32
      %dma_start3A_35 = arith.constant 0 : i32
      %dma_start3A_36 = tpu.memref_slice %arg3[%dma_start3A_34, %dma_start3A_35] : memref<10000x64xf32, #tpu.memory_space<hbm>> -> memref<10000x64xf32, #tpu.memory_space<hbm>>
      tpu.enqueue_indirect_dma source(%dma_start3A_36 : memref<10000x64xf32, #tpu.memory_space<hbm>>) target(%arg19 : memref<128x64xf32, #tpu.memory_space<vmem>>) offsets(%arg10 : memref<128xi32, #tpu.memory_space<vmem>>) semaphore(%arg28 : memref<!tpu.dma_semaphore, #tpu.memory_space<semaphore_mem>>)
    } else {
    }
    %add3A_3 = arith.constant 32 : i32
    %add3A_4 = arith.addi %add3A, %add3A_3 : i32
    %lt3A_5 = arith.constant 2500 : i32
    %lt3A_6 = arith.cmpi slt, %add3A_4, %lt3A_5 : i32
    %convert_element_type3A_7 = arith.extui %lt3A_6 : i1 to i32
    %cond3A_8 = arith.constant 0 : i32
    %cond3A_9 = arith.cmpi ne, %convert_element_type3A_7, %cond3A_8 : i32
    scf.if %cond3A_9 {
      %mul3A_29 = arith.constant 128 : i32
      %mul3A_30 = arith.muli %add3A_4, %mul3A_29 : i32
      %run_scoped3A = arith.constant 0 : i32
      "tpu.region"() ({
        %run_scoped3A_37 = tpu.sem_alloc : memref<!tpu.dma_semaphore, #tpu.memory_space<semaphore_mem>>
        %dma_start3A_38 = tpu.memref_slice %arg5[%run_scoped3A, %mul3A_30] : memref<2x320000xi32, #tpu.memory_space<hbm>> -> memref<1x128xi32, #tpu.memory_space<hbm>>
        %dma_start3A_39 = tpu.memref_squeeze %dma_start3A_38 : memref<1x128xi32, #tpu.memory_space<hbm>> -> memref<128xi32, #tpu.memory_space<hbm>>
        %dma_start3A_40 = tpu.memref_slice %arg5[%run_scoped3A, %mul3A_30] : memref<2x320000xi32, #tpu.memory_space<hbm>> -> memref<1x128xi32, #tpu.memory_space<hbm>>
        %dma_start3A_41 = tpu.memref_squeeze %dma_start3A_40 : memref<1x128xi32, #tpu.memory_space<hbm>> -> memref<128xi32, #tpu.memory_space<hbm>>
        tpu.enqueue_dma source(%dma_start3A_41 : memref<128xi32, #tpu.memory_space<hbm>>) target(%arg8 : memref<128xi32, #tpu.memory_space<vmem>>) target_semaphore(%run_scoped3A_37 : memref<!tpu.dma_semaphore, #tpu.memory_space<semaphore_mem>>)
        %dma_wait3A = tpu.memref_slice %arg5[%run_scoped3A, %mul3A_30] : memref<2x320000xi32, #tpu.memory_space<hbm>> -> memref<1x128xi32, #tpu.memory_space<hbm>>
        %dma_wait3A_42 = tpu.memref_squeeze %dma_wait3A : memref<1x128xi32, #tpu.memory_space<hbm>> -> memref<128xi32, #tpu.memory_space<hbm>>
        %dma_wait3A_43 = tpu.memref_slice %arg5[%run_scoped3A, %mul3A_30] : memref<2x320000xi32, #tpu.memory_space<hbm>> -> memref<1x128xi32, #tpu.memory_space<hbm>>
        %dma_wait3A_44 = tpu.memref_squeeze %dma_wait3A_43 : memref<1x128xi32, #tpu.memory_space<hbm>> -> memref<128xi32, #tpu.memory_space<hbm>>
        tpu.wait_dma2 semaphore(%run_scoped3A_37 : memref<!tpu.dma_semaphore, #tpu.memory_space<semaphore_mem>>) src(%dma_wait3A_44 : memref<128xi32, #tpu.memory_space<hbm>>) dst(%arg8 : memref<128xi32, #tpu.memory_space<vmem>>)
        tpu.yield
      }) : () -> ()
      %run_scoped3A_31 = arith.constant 1 : i32
      "tpu.region"() ({
        %run_scoped3A_37 = tpu.sem_alloc : memref<!tpu.dma_semaphore, #tpu.memory_space<semaphore_mem>>
        %dma_start3A_38 = tpu.memref_slice %arg5[%run_scoped3A_31, %mul3A_30] : memref<2x320000xi32, #tpu.memory_space<hbm>> -> memref<1x128xi32, #tpu.memory_space<hbm>>
        %dma_start3A_39 = tpu.memref_squeeze %dma_start3A_38 : memref<1x128xi32, #tpu.memory_space<hbm>> -> memref<128xi32, #tpu.memory_space<hbm>>
        %dma_start3A_40 = tpu.memref_slice %arg5[%run_scoped3A_31, %mul3A_30] : memref<2x320000xi32, #tpu.memory_space<hbm>> -> memref<1x128xi32, #tpu.memory_space<hbm>>
        %dma_start3A_41 = tpu.memref_squeeze %dma_start3A_40 : memref<1x128xi32, #tpu.memory_space<hbm>> -> memref<128xi32, #tpu.memory_space<hbm>>
        tpu.enqueue_dma source(%dma_start3A_41 : memref<128xi32, #tpu.memory_space<hbm>>) target(%arg11 : memref<128xi32, #tpu.memory_space<vmem>>) target_semaphore(%run_scoped3A_37 : memref<!tpu.dma_semaphore, #tpu.memory_space<semaphore_mem>>)
        %dma_wait3A = tpu.memref_slice %arg5[%run_scoped3A_31, %mul3A_30] : memref<2x320000xi32, #tpu.memory_space<hbm>> -> memref<1x128xi32, #tpu.memory_space<hbm>>
        %dma_wait3A_42 = tpu.memref_squeeze %dma_wait3A : memref<1x128xi32, #tpu.memory_space<hbm>> -> memref<128xi32, #tpu.memory_space<hbm>>
        %dma_wait3A_43 = tpu.memref_slice %arg5[%run_scoped3A_31, %mul3A_30] : memref<2x320000xi32, #tpu.memory_space<hbm>> -> memref<1x128xi32, #tpu.memory_space<hbm>>
        %dma_wait3A_44 = tpu.memref_squeeze %dma_wait3A_43 : memref<1x128xi32, #tpu.memory_space<hbm>> -> memref<128xi32, #tpu.memory_space<hbm>>
        tpu.wait_dma2 semaphore(%run_scoped3A_37 : memref<!tpu.dma_semaphore, #tpu.memory_space<semaphore_mem>>) src(%dma_wait3A_44 : memref<128xi32, #tpu.memory_space<hbm>>) dst(%arg11 : memref<128xi32, #tpu.memory_space<vmem>>)
        tpu.yield
      }) : () -> ()
      %dma_start3A = arith.constant 0 : i32
      %dma_start3A_32 = arith.constant 0 : i32
      %dma_start3A_33 = tpu.memref_slice %arg2[%dma_start3A, %dma_start3A_32] : memref<10000x64xf32, #tpu.memory_space<hbm>> -> memref<10000x64xf32, #tpu.memory_space<hbm>>
      tpu.enqueue_indirect_dma source(%dma_start3A_33 : memref<10000x64xf32, #tpu.memory_space<hbm>>) target(%arg17 : memref<128x64xf32, #tpu.memory_space<vmem>>) offsets(%arg8 : memref<128xi32, #tpu.memory_space<vmem>>) semaphore(%arg29 : memref<!tpu.dma_semaphore, #tpu.memory_space<semaphore_mem>>)
      %dma_start3A_34 = arith.constant 0 : i32
      %dma_start3A_35 = arith.constant 0 : i32
      %dma_start3A_36 = tpu.memref_slice %arg3[%dma_start3A_34, %dma_start3A_35] : memref<10000x64xf32, #tpu.memory_space<hbm>> -> memref<10000x64xf32, #tpu.memory_space<hbm>>
      tpu.enqueue_indirect_dma source(%dma_start3A_36 : memref<10000x64xf32, #tpu.memory_space<hbm>>) target(%arg20 : memref<128x64xf32, #tpu.memory_space<vmem>>) offsets(%arg11 : memref<128xi32, #tpu.memory_space<vmem>>) semaphore(%arg30 : memref<!tpu.dma_semaphore, #tpu.memory_space<semaphore_mem>>)
    } else {
    }
    %scan3A = arith.constant 0 : i32
    %scan3A_10 = arith.constant 128 : i32
    %scan3A_11 = arith.addi %scan3A, %scan3A_10 : i32
    %scan3A_12 = arith.constant 1 : i32
    scf.for %scan3A_29 = %scan3A to %scan3A_11 step %scan3A_12  : i32 {
      %broadcast_in_dim3A = arith.constant 0.000000e+00 : f32
      %broadcast_in_dim3A_30 = vector.broadcast %broadcast_in_dim3A : f32 to vector<16xf32>
      %swap3A = arith.index_cast %scan3A_29 : i32 to index
      %swap3A_31 = arith.constant 0 : index
      %swap3A_32 = tpu.vector_load %arg22[%swap3A, %swap3A_31] {strides = array<i32>} : memref<128x72xf32, #tpu.memory_space<vmem>>, vector<1x16xf32>,
      %swap3A_33 = vector.shape_cast %swap3A_32 : vector<1x16xf32> to vector<16xf32>
      %swap3A_34 = vector.shape_cast %broadcast_in_dim3A_30 : vector<16xf32> to vector<1x16xf32>
      tpu.vector_store %arg22[%swap3A, %swap3A_31], %swap3A_34 {strides = array<i32>} : memref<128x72xf32, #tpu.memory_space<vmem>>, vector<1x16xf32>,
      %broadcast_in_dim3A_35 = arith.constant 0.000000e+00 : f32
      %broadcast_in_dim3A_36 = vector.broadcast %broadcast_in_dim3A_35 : f32 to vector<16xf32>
      %swap3A_37 = arith.index_cast %scan3A_29 : i32 to index
      %swap3A_38 = arith.constant 16 : index
      %swap3A_39 = tpu.vector_load %arg22[%swap3A_37, %swap3A_38] {strides = array<i32>} : memref<128x72xf32, #tpu.memory_space<vmem>>, vector<1x16xf32>,
      %swap3A_40 = vector.shape_cast %swap3A_39 : vector<1x16xf32> to vector<16xf32>
      %swap3A_41 = vector.shape_cast %broadcast_in_dim3A_36 : vector<16xf32> to vector<1x16xf32>
      tpu.vector_store %arg22[%swap3A_37, %swap3A_38], %swap3A_41 {strides = array<i32>} : memref<128x72xf32, #tpu.memory_space<vmem>>, vector<1x16xf32>,
      %broadcast_in_dim3A_42 = arith.constant 0.000000e+00 : f32
      %broadcast_in_dim3A_43 = vector.broadcast %broadcast_in_dim3A_42 : f32 to vector<16xf32>
      %swap3A_44 = arith.index_cast %scan3A_29 : i32 to index
      %swap3A_45 = arith.constant 32 : index
      %swap3A_46 = tpu.vector_load %arg22[%swap3A_44, %swap3A_45] {strides = array<i32>} : memref<128x72xf32, #tpu.memory_space<vmem>>, vector<1x16xf32>,
      %swap3A_47 = vector.shape_cast %swap3A_46 : vector<1x16xf32> to vector<16xf32>
      %swap3A_48 = vector.shape_cast %broadcast_in_dim3A_43 : vector<16xf32> to vector<1x16xf32>
      tpu.vector_store %arg22[%swap3A_44, %swap3A_45], %swap3A_48 {strides = array<i32>} : memref<128x72xf32, #tpu.memory_space<vmem>>, vector<1x16xf32>,
      %broadcast_in_dim3A_49 = arith.constant 0.000000e+00 : f32
      %broadcast_in_dim3A_50 = vector.broadcast %broadcast_in_dim3A_49 : f32 to vector<16xf32>
      %swap3A_51 = arith.index_cast %scan3A_29 : i32 to index
      %swap3A_52 = arith.constant 48 : index
      %swap3A_53 = tpu.vector_load %arg22[%swap3A_51, %swap3A_52] {strides = array<i32>} : memref<128x72xf32, #tpu.memory_space<vmem>>, vector<1x16xf32>,
      %swap3A_54 = vector.shape_cast %swap3A_53 : vector<1x16xf32> to vector<16xf32>
      %swap3A_55 = vector.shape_cast %broadcast_in_dim3A_50 : vector<16xf32> to vector<1x16xf32>
      tpu.vector_store %arg22[%swap3A_51, %swap3A_52], %swap3A_55 {strides = array<i32>} : memref<128x72xf32, #tpu.memory_space<vmem>>, vector<1x16xf32>,
      %broadcast_in_dim3A_56 = arith.constant 0.000000e+00 : f32
      %broadcast_in_dim3A_57 = vector.broadcast %broadcast_in_dim3A_56 : f32 to vector<16xf32>
      %swap3A_58 = arith.index_cast %scan3A_29 : i32 to index
      %swap3A_59 = arith.constant 56 : index
      %swap3A_60 = tpu.vector_load %arg22[%swap3A_58, %swap3A_59] {strides = array<i32>} : memref<128x72xf32, #tpu.memory_space<vmem>>, vector<1x16xf32>,
      %swap3A_61 = vector.shape_cast %swap3A_60 : vector<1x16xf32> to vector<16xf32>
      %swap3A_62 = vector.shape_cast %broadcast_in_dim3A_57 : vector<16xf32> to vector<1x16xf32>
      tpu.vector_store %arg22[%swap3A_58, %swap3A_59], %swap3A_62 {strides = array<i32>} : memref<128x72xf32, #tpu.memory_space<vmem>>, vector<1x16xf32>,
    }
    %scan3A_13 = arith.constant 128 : i32
    %scan3A_14 = arith.constant 0 : i32
    %scan3A_15 = arith.constant 5 : i32
    %scan3A_16 = arith.addi %scan3A_14, %scan3A_15 : i32
    %scan3A_17 = arith.constant 1 : i32
    scf.for %scan3A_29 = %scan3A_14 to %scan3A_16 step %scan3A_17  : i32 {
      %mul3A_30 = arith.constant 640 : i32
      %mul3A_31 = arith.muli %arg1, %mul3A_30 : i32
      %mul3A_32 = arith.constant 128 : i32
      %mul3A_33 = arith.muli %scan3A_29, %mul3A_32 : i32
      %add3A_34 = arith.addi %mul3A_31, %mul3A_33 : i32
      "tpu.region"() ({
        %run_scoped3A = tpu.sem_alloc : memref<!tpu.dma_semaphore, #tpu.memory_space<semaphore_mem>>
        %dma_start3A = arith.constant 0 : i32
        %dma_start3A_35 = tpu.memref_slice %arg26[%add3A_34, %dma_start3A] : memref<10240x72xf32, #tpu.memory_space<vmem_shared>> -> memref<128x72xf32, #tpu.memory_space<vmem_shared>>
        %dma_start3A_36 = arith.constant 0 : i32
        %dma_start3A_37 = tpu.memref_slice %arg26[%add3A_34, %dma_start3A_36] : memref<10240x72xf32, #tpu.memory_space<vmem_shared>> -> memref<128x72xf32, #tpu.memory_space<vmem_shared>>
        tpu.enqueue_dma source(%arg22 : memref<128x72xf32, #tpu.memory_space<vmem>>) target(%dma_start3A_37 : memref<128x72xf32, #tpu.memory_space<vmem_shared>>) target_semaphore(%run_scoped3A : memref<!tpu.dma_semaphore, #tpu.memory_space<semaphore_mem>>)
        %dma_wait3A = arith.constant 0 : i32
        %dma_wait3A_38 = tpu.memref_slice %arg26[%add3A_34, %dma_wait3A] : memref<10240x72xf32, #tpu.memory_space<vmem_shared>> -> memref<128x72xf32, #tpu.memory_space<vmem_shared>>
        %dma_wait3A_39 = arith.constant 0 : i32
        %dma_wait3A_40 = tpu.memref_slice %arg26[%add3A_34, %dma_wait3A_39] : memref<10240x72xf32, #tpu.memory_space<vmem_shared>> -> memref<128x72xf32, #tpu.memory_space<vmem_shared>>
        tpu.wait_dma2 semaphore(%run_scoped3A : memref<!tpu.dma_semaphore, #tpu.memory_space<semaphore_mem>>) src(%arg22 : memref<128x72xf32, #tpu.memory_space<vmem>>) dst(%dma_wait3A_40 : memref<128x72xf32, #tpu.memory_space<vmem_shared>>)
        tpu.yield
      }) : () -> ()
    }
    %scan3A_18 = arith.constant 5 : i32
    %barrier3A = arith.constant 0 : index
    tpu.barrier barrier_id(%barrier3A)
    %scan3A_19 = arith.constant 0 : i32
    %scan3A_20 = arith.constant 28 : i32
    %scan3A_21 = arith.addi %scan3A_19, %scan3A_20 : i32
    %scan3A_22 = arith.constant 1 : i32
    scf.for %scan3A_29 = %scan3A_19 to %scan3A_21 step %scan3A_22  : i32 {
      %mul3A_30 = arith.constant 3 : i32
      %mul3A_31 = arith.muli %scan3A_29, %mul3A_30 : i32
      %add3A_32 = arith.constant 0 : i32
      %add3A_33 = arith.addi %mul3A_31, %add3A_32 : i32
      %mul3A_34 = arith.constant 32 : i32
      %mul3A_35 = arith.muli %add3A_33, %mul3A_34 : i32
      %add3A_36 = arith.addi %add3A, %mul3A_35 : i32
      %lt3A_37 = arith.constant 2500 : i32
      %lt3A_38 = arith.cmpi slt, %add3A_36, %lt3A_37 : i32
      %convert_element_type3A_39 = arith.extui %lt3A_38 : i1 to i32
      %cond3A_40 = arith.constant 0 : i32
      %cond3A_41 = arith.cmpi ne, %convert_element_type3A_39, %cond3A_40 : i32
      scf.if %cond3A_41 {
        %dma_wait3A = arith.constant 0 : i32
        %dma_wait3A_129 = arith.constant 0 : i32
        %dma_wait3A_130 = tpu.memref_slice %arg2[%dma_wait3A, %dma_wait3A_129] : memref<10000x64xf32, #tpu.memory_space<hbm>> -> memref<10000x64xf32, #tpu.memory_space<hbm>>
        tpu.wait_indirect_dma semaphore(%arg27 : memref<!tpu.dma_semaphore, #tpu.memory_space<semaphore_mem>>) src(%dma_wait3A_130 : memref<10000x64xf32, #tpu.memory_space<hbm>>) dst(%arg16 : memref<128x64xf32, #tpu.memory_space<vmem>>)
        %dma_wait3A_131 = arith.constant 0 : i32
        %dma_wait3A_132 = arith.constant 0 : i32
        %dma_wait3A_133 = tpu.memref_slice %arg3[%dma_wait3A_131, %dma_wait3A_132] : memref<10000x64xf32, #tpu.memory_space<hbm>> -> memref<10000x64xf32, #tpu.memory_space<hbm>>
        tpu.wait_indirect_dma semaphore(%arg28 : memref<!tpu.dma_semaphore, #tpu.memory_space<semaphore_mem>>) src(%dma_wait3A_133 : memref<10000x64xf32, #tpu.memory_space<hbm>>) dst(%arg19 : memref<128x64xf32, #tpu.memory_space<vmem>>)
      } else {
      }
      %ge3A = arith.constant 3 : i32
      %ge3A_42 = arith.cmpi sge, %add3A_33, %ge3A : i32
      %sub3A = arith.constant 96 : i32
      %sub3A_43 = arith.subi %add3A_36, %sub3A : i32
      %lt3A_44 = arith.constant 2500 : i32
      %lt3A_45 = arith.cmpi slt, %sub3A_43, %lt3A_44 : i32
      %and3A = arith.andi %ge3A_42, %lt3A_45 : i1
      %convert_element_type3A_46 = arith.extui %and3A : i1 to i32
      %cond3A_47 = arith.constant 0 : i32
      %cond3A_48 = arith.cmpi ne, %convert_element_type3A_46, %cond3A_47 : i32
      scf.if %cond3A_48 {
        %dma_wait3A = arith.constant 0 : i32
        %dma_wait3A_129 = arith.constant 0 : i32
        %dma_wait3A_130 = tpu.memref_slice %arg26[%dma_wait3A, %dma_wait3A_129] : memref<10240x72xf32, #tpu.memory_space<vmem_shared>> -> memref<10240x72xf32, #tpu.memory_space<vmem_shared>>
        tpu.wait_indirect_dma semaphore(%arg33 : memref<!tpu.dma_semaphore, #tpu.memory_space<semaphore_mem>>) src(%arg22 : memref<128x72xf32, #tpu.memory_space<vmem>>) dst(%dma_wait3A_130 : memref<10240x72xf32, #tpu.memory_space<vmem_shared>>)
      } else {
      }
      %add3A_49 = arith.constant 64 : i32
      %add3A_50 = arith.addi %add3A_36, %add3A_49 : i32
      %lt3A_51 = arith.constant 2500 : i32
      %lt3A_52 = arith.cmpi slt, %add3A_50, %lt3A_51 : i32
      %convert_element_type3A_53 = arith.extui %lt3A_52 : i1 to i32
      %cond3A_54 = arith.constant 0 : i32
      %cond3A_55 = arith.cmpi ne, %convert_element_type3A_53, %cond3A_54 : i32
      scf.if %cond3A_55 {
        %mul3A_129 = arith.constant 128 : i32
        %mul3A_130 = arith.muli %add3A_50, %mul3A_129 : i32
        %run_scoped3A = arith.constant 0 : i32
        "tpu.region"() ({
          %run_scoped3A_137 = tpu.sem_alloc : memref<!tpu.dma_semaphore, #tpu.memory_space<semaphore_mem>>
          %dma_start3A_138 = tpu.memref_slice %arg5[%run_scoped3A, %mul3A_130] : memref<2x320000xi32, #tpu.memory_space<hbm>> -> memref<1x128xi32, #tpu.memory_space<hbm>>
          %dma_start3A_139 = tpu.memref_squeeze %dma_start3A_138 : memref<1x128xi32, #tpu.memory_space<hbm>> -> memref<128xi32, #tpu.memory_space<hbm>>
          %dma_start3A_140 = tpu.memref_slice %arg5[%run_scoped3A, %mul3A_130] : memref<2x320000xi32, #tpu.memory_space<hbm>> -> memref<1x128xi32, #tpu.memory_space<hbm>>
          %dma_start3A_141 = tpu.memref_squeeze %dma_start3A_140 : memref<1x128xi32, #tpu.memory_space<hbm>> -> memref<128xi32, #tpu.memory_space<hbm>>
          tpu.enqueue_dma source(%dma_start3A_141 : memref<128xi32, #tpu.memory_space<hbm>>) target(%arg9 : memref<128xi32, #tpu.memory_space<vmem>>) target_semaphore(%run_scoped3A_137 : memref<!tpu.dma_semaphore, #tpu.memory_space<semaphore_mem>>)
          %dma_wait3A = tpu.memref_slice %arg5[%run_scoped3A, %mul3A_130] : memref<2x320000xi32, #tpu.memory_space<hbm>> -> memref<1x128xi32, #tpu.memory_space<hbm>>
          %dma_wait3A_142 = tpu.memref_squeeze %dma_wait3A : memref<1x128xi32, #tpu.memory_space<hbm>> -> memref<128xi32, #tpu.memory_space<hbm>>
          %dma_wait3A_143 = tpu.memref_slice %arg5[%run_scoped3A, %mul3A_130] : memref<2x320000xi32, #tpu.memory_space<hbm>> -> memref<1x128xi32, #tpu.memory_space<hbm>>
          %dma_wait3A_144 = tpu.memref_squeeze %dma_wait3A_143 : memref<1x128xi32, #tpu.memory_space<hbm>> -> memref<128xi32, #tpu.memory_space<hbm>>
          tpu.wait_dma2 semaphore(%run_scoped3A_137 : memref<!tpu.dma_semaphore, #tpu.memory_space<semaphore_mem>>) src(%dma_wait3A_144 : memref<128xi32, #tpu.memory_space<hbm>>) dst(%arg9 : memref<128xi32, #tpu.memory_space<vmem>>)
          tpu.yield
        }) : () -> ()
        %run_scoped3A_131 = arith.constant 1 : i32
        "tpu.region"() ({
          %run_scoped3A_137 = tpu.sem_alloc : memref<!tpu.dma_semaphore, #tpu.memory_space<semaphore_mem>>
          %dma_start3A_138 = tpu.memref_slice %arg5[%run_scoped3A_131, %mul3A_130] : memref<2x320000xi32, #tpu.memory_space<hbm>> -> memref<1x128xi32, #tpu.memory_space<hbm>>
          %dma_start3A_139 = tpu.memref_squeeze %dma_start3A_138 : memref<1x128xi32, #tpu.memory_space<hbm>> -> memref<128xi32, #tpu.memory_space<hbm>>
          %dma_start3A_140 = tpu.memref_slice %arg5[%run_scoped3A_131, %mul3A_130] : memref<2x320000xi32, #tpu.memory_space<hbm>> -> memref<1x128xi32, #tpu.memory_space<hbm>>
          %dma_start3A_141 = tpu.memref_squeeze %dma_start3A_140 : memref<1x128xi32, #tpu.memory_space<hbm>> -> memref<128xi32, #tpu.memory_space<hbm>>
          tpu.enqueue_dma source(%dma_start3A_141 : memref<128xi32, #tpu.memory_space<hbm>>) target(%arg12 : memref<128xi32, #tpu.memory_space<vmem>>) target_semaphore(%run_scoped3A_137 : memref<!tpu.dma_semaphore, #tpu.memory_space<semaphore_mem>>)
          %dma_wait3A = tpu.memref_slice %arg5[%run_scoped3A_131, %mul3A_130] : memref<2x320000xi32, #tpu.memory_space<hbm>> -> memref<1x128xi32, #tpu.memory_space<hbm>>
          %dma_wait3A_142 = tpu.memref_squeeze %dma_wait3A : memref<1x128xi32, #tpu.memory_space<hbm>> -> memref<128xi32, #tpu.memory_space<hbm>>
          %dma_wait3A_143 = tpu.memref_slice %arg5[%run_scoped3A_131, %mul3A_130] : memref<2x320000xi32, #tpu.memory_space<hbm>> -> memref<1x128xi32, #tpu.memory_space<hbm>>
          %dma_wait3A_144 = tpu.memref_squeeze %dma_wait3A_143 : memref<1x128xi32, #tpu.memory_space<hbm>> -> memref<128xi32, #tpu.memory_space<hbm>>
          tpu.wait_dma2 semaphore(%run_scoped3A_137 : memref<!tpu.dma_semaphore, #tpu.memory_space<semaphore_mem>>) src(%dma_wait3A_144 : memref<128xi32, #tpu.memory_space<hbm>>) dst(%arg12 : memref<128xi32, #tpu.memory_space<vmem>>)
          tpu.yield
        }) : () -> ()
        %dma_start3A = arith.constant 0 : i32
        %dma_start3A_132 = arith.constant 0 : i32
        %dma_start3A_133 = tpu.memref_slice %arg2[%dma_start3A, %dma_start3A_132] : memref<10000x64xf32, #tpu.memory_space<hbm>> -> memref<10000x64xf32, #tpu.memory_space<hbm>>
        tpu.enqueue_indirect_dma source(%dma_start3A_133 : memref<10000x64xf32, #tpu.memory_space<hbm>>) target(%arg18 : memref<128x64xf32, #tpu.memory_space<vmem>>) offsets(%arg9 : memref<128xi32, #tpu.memory_space<vmem>>) semaphore(%arg31 : memref<!tpu.dma_semaphore, #tpu.memory_space<semaphore_mem>>)
        %dma_start3A_134 = arith.constant 0 : i32
        %dma_start3A_135 = arith.constant 0 : i32
        %dma_start3A_136 = tpu.memref_slice %arg3[%dma_start3A_134, %dma_start3A_135] : memref<10000x64xf32, #tpu.memory_space<hbm>> -> memref<10000x64xf32, #tpu.memory_space<hbm>>
        tpu.enqueue_indirect_dma source(%dma_start3A_136 : memref<10000x64xf32, #tpu.memory_space<hbm>>) target(%arg21 : memref<128x64xf32, #tpu.memory_space<vmem>>) offsets(%arg12 : memref<128xi32, #tpu.memory_space<vmem>>) semaphore(%arg32 : memref<!tpu.dma_semaphore, #tpu.memory_space<semaphore_mem>>)
      } else {
      }
      %lt3A_56 = arith.constant 2500 : i32
      %lt3A_57 = arith.cmpi slt, %add3A_36, %lt3A_56 : i32
      %convert_element_type3A_58 = arith.extui %lt3A_57 : i1 to i32
      %cond3A_59 = arith.constant 0 : i32
      %cond3A_60 = arith.cmpi ne, %convert_element_type3A_58, %cond3A_59 : i32
      scf.if %cond3A_60 {
        %get3A = arith.constant 0 : index
        %get3A_129 = tpu.vector_load %arg10[%get3A] {strides = array<i32>} : memref<128xi32, #tpu.memory_space<vmem>>, vector<16xi32>,
        %get3A_130 = vector.shape_cast %get3A_129 : vector<16xi32> to vector<16xi32>
        %swap3A = arith.constant 0 : index
        %swap3A_131 = tpu.vector_load %arg13[%swap3A] {strides = array<i32>} : memref<128xi32, #tpu.memory_space<vmem>>, vector<16xi32>,
        %swap3A_132 = vector.shape_cast %swap3A_131 : vector<16xi32> to vector<16xi32>
        %swap3A_133 = vector.shape_cast %get3A_130 : vector<16xi32> to vector<16xi32>
        tpu.vector_store %arg13[%swap3A], %swap3A_133 {strides = array<i32>} : memref<128xi32, #tpu.memory_space<vmem>>, vector<16xi32>,
        %get3A_134 = arith.constant 16 : index
        %get3A_135 = tpu.vector_load %arg10[%get3A_134] {strides = array<i32>} : memref<128xi32, #tpu.memory_space<vmem>>, vector<16xi32>,
        %get3A_136 = vector.shape_cast %get3A_135 : vector<16xi32> to vector<16xi32>
        %swap3A_137 = arith.constant 16 : index
        %swap3A_138 = tpu.vector_load %arg13[%swap3A_137] {strides = array<i32>} : memref<128xi32, #tpu.memory_space<vmem>>, vector<16xi32>,
        %swap3A_139 = vector.shape_cast %swap3A_138 : vector<16xi32> to vector<16xi32>
        %swap3A_140 = vector.shape_cast %get3A_136 : vector<16xi32> to vector<16xi32>
        tpu.vector_store %arg13[%swap3A_137], %swap3A_140 {strides = array<i32>} : memref<128xi32, #tpu.memory_space<vmem>>, vector<16xi32>,
        %get3A_141 = arith.constant 32 : index
        %get3A_142 = tpu.vector_load %arg10[%get3A_141] {strides = array<i32>} : memref<128xi32, #tpu.memory_space<vmem>>, vector<16xi32>,
        %get3A_143 = vector.shape_cast %get3A_142 : vector<16xi32> to vector<16xi32>
        %swap3A_144 = arith.constant 32 : index
        %swap3A_145 = tpu.vector_load %arg13[%swap3A_144] {strides = array<i32>} : memref<128xi32, #tpu.memory_space<vmem>>, vector<16xi32>,
        %swap3A_146 = vector.shape_cast %swap3A_145 : vector<16xi32> to vector<16xi32>
        %swap3A_147 = vector.shape_cast %get3A_143 : vector<16xi32> to vector<16xi32>
        tpu.vector_store %arg13[%swap3A_144], %swap3A_147 {strides = array<i32>} : memref<128xi32, #tpu.memory_space<vmem>>, vector<16xi32>,
        %get3A_148 = arith.constant 48 : index
        %get3A_149 = tpu.vector_load %arg10[%get3A_148] {strides = array<i32>} : memref<128xi32, #tpu.memory_space<vmem>>, vector<16xi32>,
        %get3A_150 = vector.shape_cast %get3A_149 : vector<16xi32> to vector<16xi32>
        %swap3A_151 = arith.constant 48 : index
        %swap3A_152 = tpu.vector_load %arg13[%swap3A_151] {strides = array<i32>} : memref<128xi32, #tpu.memory_space<vmem>>, vector<16xi32>,
        %swap3A_153 = vector.shape_cast %swap3A_152 : vector<16xi32> to vector<16xi32>
        %swap3A_154 = vector.shape_cast %get3A_150 : vector<16xi32> to vector<16xi32>
        tpu.vector_store %arg13[%swap3A_151], %swap3A_154 {strides = array<i32>} : memref<128xi32, #tpu.memory_space<vmem>>, vector<16xi32>,
        %get3A_155 = arith.constant 64 : index
        %get3A_156 = tpu.vector_load %arg10[%get3A_155] {strides = array<i32>} : memref<128xi32, #tpu.memory_space<vmem>>, vector<16xi32>,
        %get3A_157 = vector.shape_cast %get3A_156 : vector<16xi32> to vector<16xi32>
        %swap3A_158 = arith.constant 64 : index
        %swap3A_159 = tpu.vector_load %arg13[%swap3A_158] {strides = array<i32>} : memref<128xi32, #tpu.memory_space<vmem>>, vector<16xi32>,
        %swap3A_160 = vector.shape_cast %swap3A_159 : vector<16xi32> to vector<16xi32>
        %swap3A_161 = vector.shape_cast %get3A_157 : vector<16xi32> to vector<16xi32>
        tpu.vector_store %arg13[%swap3A_158], %swap3A_161 {strides = array<i32>} : memref<128xi32, #tpu.memory_space<vmem>>, vector<16xi32>,
        %get3A_162 = arith.constant 80 : index
        %get3A_163 = tpu.vector_load %arg10[%get3A_162] {strides = array<i32>} : memref<128xi32, #tpu.memory_space<vmem>>, vector<16xi32>,
        %get3A_164 = vector.shape_cast %get3A_163 : vector<16xi32> to vector<16xi32>
        %swap3A_165 = arith.constant 80 : index
        %swap3A_166 = tpu.vector_load %arg13[%swap3A_165] {strides = array<i32>} : memref<128xi32, #tpu.memory_space<vmem>>, vector<16xi32>,
        %swap3A_167 = vector.shape_cast %swap3A_166 : vector<16xi32> to vector<16xi32>
        %swap3A_168 = vector.shape_cast %get3A_164 : vector<16xi32> to vector<16xi32>
        tpu.vector_store %arg13[%swap3A_165], %swap3A_168 {strides = array<i32>} : memref<128xi32, #tpu.memory_space<vmem>>, vector<16xi32>,
        %get3A_169 = arith.constant 96 : index
        %get3A_170 = tpu.vector_load %arg10[%get3A_169] {strides = array<i32>} : memref<128xi32, #tpu.memory_space<vmem>>, vector<16xi32>,
        %get3A_171 = vector.shape_cast %get3A_170 : vector<16xi32> to vector<16xi32>
        %swap3A_172 = arith.constant 96 : index
        %swap3A_173 = tpu.vector_load %arg13[%swap3A_172] {strides = array<i32>} : memref<128xi32, #tpu.memory_space<vmem>>, vector<16xi32>,
        %swap3A_174 = vector.shape_cast %swap3A_173 : vector<16xi32> to vector<16xi32>
        %swap3A_175 = vector.shape_cast %get3A_171 : vector<16xi32> to vector<16xi32>
        tpu.vector_store %arg13[%swap3A_172], %swap3A_175 {strides = array<i32>} : memref<128xi32, #tpu.memory_space<vmem>>, vector<16xi32>,
        %get3A_176 = arith.constant 112 : index
        %get3A_177 = tpu.vector_load %arg10[%get3A_176] {strides = array<i32>} : memref<128xi32, #tpu.memory_space<vmem>>, vector<16xi32>,
        %get3A_178 = vector.shape_cast %get3A_177 : vector<16xi32> to vector<16xi32>
        %swap3A_179 = arith.constant 112 : index
        %swap3A_180 = tpu.vector_load %arg13[%swap3A_179] {strides = array<i32>} : memref<128xi32, #tpu.memory_space<vmem>>, vector<16xi32>,
        %swap3A_181 = vector.shape_cast %swap3A_180 : vector<16xi32> to vector<16xi32>
        %swap3A_182 = vector.shape_cast %get3A_178 : vector<16xi32> to vector<16xi32>
        tpu.vector_store %arg13[%swap3A_179], %swap3A_182 {strides = array<i32>} : memref<128xi32, #tpu.memory_space<vmem>>, vector<16xi32>,
        %get3A_183 = arith.constant 0 : index
        %get3A_184 = tpu.vector_load %arg25[%get3A_183] {strides = array<i32>} : memref<64xf32, #tpu.memory_space<vmem>>, vector<16xf32>,
        %get3A_185 = vector.shape_cast %get3A_184 : vector<16xf32> to vector<16xf32>
        %get3A_186 = arith.constant 16 : index
        %get3A_187 = tpu.vector_load %arg25[%get3A_186] {strides = array<i32>} : memref<64xf32, #tpu.memory_space<vmem>>, vector<16xf32>,
        %get3A_188 = vector.shape_cast %get3A_187 : vector<16xf32> to vector<16xf32>
        %get3A_189 = arith.constant 32 : index
        %get3A_190 = tpu.vector_load %arg25[%get3A_189] {strides = array<i32>} : memref<64xf32, #tpu.memory_space<vmem>>, vector<16xf32>,
        %get3A_191 = vector.shape_cast %get3A_190 : vector<16xf32> to vector<16xf32>
        %get3A_192 = arith.constant 48 : index
        %get3A_193 = tpu.vector_load %arg25[%get3A_192] {strides = array<i32>} : memref<64xf32, #tpu.memory_space<vmem>>, vector<16xf32>,
        %get3A_194 = vector.shape_cast %get3A_193 : vector<16xf32> to vector<16xf32>
        %iota3A = tpu.iota {dimensions = array<i32: 0>} : vector<16xi32>
        %lt3A_195 = arith.constant 8 : i32
        %lt3A_196 = vector.broadcast %lt3A_195 : i32 to vector<16xi32>
        %lt3A_197 = arith.cmpi slt, %iota3A, %lt3A_196 : vector<16xi32>
        %eq3A = arith.constant 8 : i32
        %eq3A_198 = vector.broadcast %eq3A : i32 to vector<16xi32>
        %eq3A_199 = arith.cmpi eq, %iota3A, %eq3A_198 : vector<16xi32>
        %xor3A = arith.constant 8 : i32
        %xor3A_200 = vector.broadcast %xor3A : i32 to vector<16xi32>
        %xor3A_201 = arith.xori %iota3A, %xor3A_200 : vector<16xi32>
        %parallel_loop3A = arith.constant 0 : i32
        %parallel_loop3A_202 = arith.constant 128 : i32
        %parallel_loop3A_203 = arith.constant 1 : i32
        scf.for %parallel_loop3A_206 = %parallel_loop3A to %parallel_loop3A_202 step %parallel_loop3A_203  : i32 {
          %parallel_loop3A_207 = arith.constant 0.000000e+00 : f32
          %parallel_loop3A_208 = vector.broadcast %parallel_loop3A_207 : f32 to vector<16xf32>
          %parallel_loop3A_209 = arith.index_cast %parallel_loop3A_206 : i32 to index
          %parallel_loop3A_210 = arith.constant 0 : index
          %parallel_loop3A_211 = tpu.vector_load %arg16[%parallel_loop3A_209, %parallel_loop3A_210] {strides = array<i32>} : memref<128x64xf32, #tpu.memory_space<vmem>>, vector<1x16xf32>,
          %parallel_loop3A_212 = vector.shape_cast %parallel_loop3A_211 : vector<1x16xf32> to vector<16xf32>
          %parallel_loop3A_213 = arith.index_cast %parallel_loop3A_206 : i32 to index
          %parallel_loop3A_214 = arith.constant 0 : index
          %parallel_loop3A_215 = tpu.vector_load %arg19[%parallel_loop3A_213, %parallel_loop3A_214] {strides = array<i32>} : memref<128x64xf32, #tpu.memory_space<vmem>>, vector<1x16xf32>,
          %parallel_loop3A_216 = vector.shape_cast %parallel_loop3A_215 : vector<1x16xf32> to vector<16xf32>
          %parallel_loop3A_217 = arith.addf %parallel_loop3A_212, %parallel_loop3A_216 : vector<16xf32>
          %parallel_loop3A_218 = arith.constant 0.000000e+00 : f32
          %parallel_loop3A_219 = vector.broadcast %parallel_loop3A_218 : f32 to vector<16xf32>
          %parallel_loop3A_220 = arith.cmpf oge, %parallel_loop3A_217, %parallel_loop3A_219 : vector<16xf32>
          %parallel_loop3A_221 = arith.constant 2.000000e-01 : f32
          %parallel_loop3A_222 = vector.broadcast %parallel_loop3A_221 : f32 to vector<16xf32>
          %parallel_loop3A_223 = arith.mulf %parallel_loop3A_217, %parallel_loop3A_222 : vector<16xf32>
          %parallel_loop3A_224 = arith.select %parallel_loop3A_220, %parallel_loop3A_217, %parallel_loop3A_223 : vector<16xi1>, vector<16xf32>
          %parallel_loop3A_225 = arith.mulf %parallel_loop3A_224, %get3A_185 : vector<16xf32>
          %parallel_loop3A_226 = arith.addf %parallel_loop3A_208, %parallel_loop3A_225 : vector<16xf32>
          %parallel_loop3A_227 = arith.index_cast %parallel_loop3A_206 : i32 to index
          %parallel_loop3A_228 = arith.constant 16 : index
          %parallel_loop3A_229 = tpu.vector_load %arg16[%parallel_loop3A_227, %parallel_loop3A_228] {strides = array<i32>} : memref<128x64xf32, #tpu.memory_space<vmem>>, vector<1x16xf32>,
          %parallel_loop3A_230 = vector.shape_cast %parallel_loop3A_229 : vector<1x16xf32> to vector<16xf32>
          %parallel_loop3A_231 = arith.index_cast %parallel_loop3A_206 : i32 to index
          %parallel_loop3A_232 = arith.constant 16 : index
          %parallel_loop3A_233 = tpu.vector_load %arg19[%parallel_loop3A_231, %parallel_loop3A_232] {strides = array<i32>} : memref<128x64xf32, #tpu.memory_space<vmem>>, vector<1x16xf32>,
          %parallel_loop3A_234 = vector.shape_cast %parallel_loop3A_233 : vector<1x16xf32> to vector<16xf32>
          %parallel_loop3A_235 = arith.addf %parallel_loop3A_230, %parallel_loop3A_234 : vector<16xf32>
          %parallel_loop3A_236 = arith.constant 0.000000e+00 : f32
          %parallel_loop3A_237 = vector.broadcast %parallel_loop3A_236 : f32 to vector<16xf32>
          %parallel_loop3A_238 = arith.cmpf oge, %parallel_loop3A_235, %parallel_loop3A_237 : vector<16xf32>
          %parallel_loop3A_239 = arith.constant 2.000000e-01 : f32
          %parallel_loop3A_240 = vector.broadcast %parallel_loop3A_239 : f32 to vector<16xf32>
          %parallel_loop3A_241 = arith.mulf %parallel_loop3A_235, %parallel_loop3A_240 : vector<16xf32>
          %parallel_loop3A_242 = arith.select %parallel_loop3A_238, %parallel_loop3A_235, %parallel_loop3A_241 : vector<16xi1>, vector<16xf32>
          %parallel_loop3A_243 = arith.mulf %parallel_loop3A_242, %get3A_188 : vector<16xf32>
          %parallel_loop3A_244 = arith.addf %parallel_loop3A_226, %parallel_loop3A_243 : vector<16xf32>
          %parallel_loop3A_245 = arith.index_cast %parallel_loop3A_206 : i32 to index
          %parallel_loop3A_246 = arith.constant 32 : index
          %parallel_loop3A_247 = tpu.vector_load %arg16[%parallel_loop3A_245, %parallel_loop3A_246] {strides = array<i32>} : memref<128x64xf32, #tpu.memory_space<vmem>>, vector<1x16xf32>,
          %parallel_loop3A_248 = vector.shape_cast %parallel_loop3A_247 : vector<1x16xf32> to vector<16xf32>
          %parallel_loop3A_249 = arith.index_cast %parallel_loop3A_206 : i32 to index
          %parallel_loop3A_250 = arith.constant 32 : index
          %parallel_loop3A_251 = tpu.vector_load %arg19[%parallel_loop3A_249, %parallel_loop3A_250] {strides = array<i32>} : memref<128x64xf32, #tpu.memory_space<vmem>>, vector<1x16xf32>,
          %parallel_loop3A_252 = vector.shape_cast %parallel_loop3A_251 : vector<1x16xf32> to vector<16xf32>
          %parallel_loop3A_253 = arith.addf %parallel_loop3A_248, %parallel_loop3A_252 : vector<16xf32>
          %parallel_loop3A_254 = arith.constant 0.000000e+00 : f32
          %parallel_loop3A_255 = vector.broadcast %parallel_loop3A_254 : f32 to vector<16xf32>
          %parallel_loop3A_256 = arith.cmpf oge, %parallel_loop3A_253, %parallel_loop3A_255 : vector<16xf32>
          %parallel_loop3A_257 = arith.constant 2.000000e-01 : f32
          %parallel_loop3A_258 = vector.broadcast %parallel_loop3A_257 : f32 to vector<16xf32>
          %parallel_loop3A_259 = arith.mulf %parallel_loop3A_253, %parallel_loop3A_258 : vector<16xf32>
          %parallel_loop3A_260 = arith.select %parallel_loop3A_256, %parallel_loop3A_253, %parallel_loop3A_259 : vector<16xi1>, vector<16xf32>
          %parallel_loop3A_261 = arith.mulf %parallel_loop3A_260, %get3A_191 : vector<16xf32>
          %parallel_loop3A_262 = arith.addf %parallel_loop3A_244, %parallel_loop3A_261 : vector<16xf32>
          %parallel_loop3A_263 = arith.index_cast %parallel_loop3A_206 : i32 to index
          %parallel_loop3A_264 = arith.constant 48 : index
          %parallel_loop3A_265 = tpu.vector_load %arg16[%parallel_loop3A_263, %parallel_loop3A_264] {strides = array<i32>} : memref<128x64xf32, #tpu.memory_space<vmem>>, vector<1x16xf32>,
          %parallel_loop3A_266 = vector.shape_cast %parallel_loop3A_265 : vector<1x16xf32> to vector<16xf32>
          %parallel_loop3A_267 = arith.index_cast %parallel_loop3A_206 : i32 to index
          %parallel_loop3A_268 = arith.constant 48 : index
          %parallel_loop3A_269 = tpu.vector_load %arg19[%parallel_loop3A_267, %parallel_loop3A_268] {strides = array<i32>} : memref<128x64xf32, #tpu.memory_space<vmem>>, vector<1x16xf32>,
          %parallel_loop3A_270 = vector.shape_cast %parallel_loop3A_269 : vector<1x16xf32> to vector<16xf32>
          %parallel_loop3A_271 = arith.addf %parallel_loop3A_266, %parallel_loop3A_270 : vector<16xf32>
          %parallel_loop3A_272 = arith.constant 0.000000e+00 : f32
          %parallel_loop3A_273 = vector.broadcast %parallel_loop3A_272 : f32 to vector<16xf32>
          %parallel_loop3A_274 = arith.cmpf oge, %parallel_loop3A_271, %parallel_loop3A_273 : vector<16xf32>
          %parallel_loop3A_275 = arith.constant 2.000000e-01 : f32
          %parallel_loop3A_276 = vector.broadcast %parallel_loop3A_275 : f32 to vector<16xf32>
          %parallel_loop3A_277 = arith.mulf %parallel_loop3A_271, %parallel_loop3A_276 : vector<16xf32>
          %parallel_loop3A_278 = arith.select %parallel_loop3A_274, %parallel_loop3A_271, %parallel_loop3A_277 : vector<16xi1>, vector<16xf32>
          %parallel_loop3A_279 = arith.mulf %parallel_loop3A_278, %get3A_194 : vector<16xf32>
          %parallel_loop3A_280 = arith.addf %parallel_loop3A_262, %parallel_loop3A_279 : vector<16xf32>
          %parallel_loop3A_281 = tpu.iota {dimensions = array<i32: 0>} : vector<16xi32>
          %parallel_loop3A_282 = arith.constant 1 : i32
          %parallel_loop3A_283 = vector.broadcast %parallel_loop3A_282 : i32 to vector<16xi32>
          %parallel_loop3A_284 = arith.xori %parallel_loop3A_281, %parallel_loop3A_283 : vector<16xi32>
          %parallel_loop3A_285 = vector.shape_cast %parallel_loop3A_284 : vector<16xi32> to vector<16x1xi32>
          %parallel_loop3A_286 = vector.shape_cast %parallel_loop3A_285 : vector<16x1xi32> to vector<16xi32>
          %parallel_loop3A_287 = tpu.dynamic_gather %parallel_loop3A_280[%parallel_loop3A_286] in [0] : vector<16xf32>, vector<16xi32> -> vector<16xf32>
          %parallel_loop3A_288 = arith.addf %parallel_loop3A_280, %parallel_loop3A_287 : vector<16xf32>
          %parallel_loop3A_289 = arith.constant 2 : i32
          %parallel_loop3A_290 = vector.broadcast %parallel_loop3A_289 : i32 to vector<16xi32>
          %parallel_loop3A_291 = arith.xori %parallel_loop3A_281, %parallel_loop3A_290 : vector<16xi32>
          %parallel_loop3A_292 = vector.shape_cast %parallel_loop3A_291 : vector<16xi32> to vector<16x1xi32>
          %parallel_loop3A_293 = vector.shape_cast %parallel_loop3A_292 : vector<16x1xi32> to vector<16xi32>
          %parallel_loop3A_294 = tpu.dynamic_gather %parallel_loop3A_288[%parallel_loop3A_293] in [0] : vector<16xf32>, vector<16xi32> -> vector<16xf32>
          %parallel_loop3A_295 = arith.addf %parallel_loop3A_288, %parallel_loop3A_294 : vector<16xf32>
          %parallel_loop3A_296 = arith.constant 4 : i32
          %parallel_loop3A_297 = vector.broadcast %parallel_loop3A_296 : i32 to vector<16xi32>
          %parallel_loop3A_298 = arith.xori %parallel_loop3A_281, %parallel_loop3A_297 : vector<16xi32>
          %parallel_loop3A_299 = vector.shape_cast %parallel_loop3A_298 : vector<16xi32> to vector<16x1xi32>
          %parallel_loop3A_300 = vector.shape_cast %parallel_loop3A_299 : vector<16x1xi32> to vector<16xi32>
          %parallel_loop3A_301 = tpu.dynamic_gather %parallel_loop3A_295[%parallel_loop3A_300] in [0] : vector<16xf32>, vector<16xi32> -> vector<16xf32>
          %parallel_loop3A_302 = arith.addf %parallel_loop3A_295, %parallel_loop3A_301 : vector<16xf32>
          %parallel_loop3A_303 = arith.constant 8 : i32
          %parallel_loop3A_304 = vector.broadcast %parallel_loop3A_303 : i32 to vector<16xi32>
          %parallel_loop3A_305 = arith.xori %parallel_loop3A_281, %parallel_loop3A_304 : vector<16xi32>
          %parallel_loop3A_306 = vector.shape_cast %parallel_loop3A_305 : vector<16xi32> to vector<16x1xi32>
          %parallel_loop3A_307 = vector.shape_cast %parallel_loop3A_306 : vector<16x1xi32> to vector<16xi32>
          %parallel_loop3A_308 = tpu.dynamic_gather %parallel_loop3A_302[%parallel_loop3A_307] in [0] : vector<16xf32>, vector<16xi32> -> vector<16xf32>
          %parallel_loop3A_309 = arith.addf %parallel_loop3A_302, %parallel_loop3A_308 : vector<16xf32>
          %parallel_loop3A_310 = math.exp %parallel_loop3A_309 : vector<16xf32>
          %parallel_loop3A_311 = arith.mulf %parallel_loop3A_310, %parallel_loop3A_212 : vector<16xf32>
          %parallel_loop3A_312 = arith.index_cast %parallel_loop3A_206 : i32 to index
          %parallel_loop3A_313 = arith.constant 0 : index
          %parallel_loop3A_314 = tpu.vector_load %arg22[%parallel_loop3A_312, %parallel_loop3A_313] {strides = array<i32>} : memref<128x72xf32, #tpu.memory_space<vmem>>, vector<1x16xf32>,
          %parallel_loop3A_315 = vector.shape_cast %parallel_loop3A_314 : vector<1x16xf32> to vector<16xf32>
          %parallel_loop3A_316 = vector.shape_cast %parallel_loop3A_311 : vector<16xf32> to vector<1x16xf32>
          tpu.vector_store %arg22[%parallel_loop3A_312, %parallel_loop3A_313], %parallel_loop3A_316 {strides = array<i32>} : memref<128x72xf32, #tpu.memory_space<vmem>>, vector<1x16xf32>,
          %parallel_loop3A_317 = arith.mulf %parallel_loop3A_310, %parallel_loop3A_230 : vector<16xf32>
          %parallel_loop3A_318 = arith.index_cast %parallel_loop3A_206 : i32 to index
          %parallel_loop3A_319 = arith.constant 16 : index
          %parallel_loop3A_320 = tpu.vector_load %arg22[%parallel_loop3A_318, %parallel_loop3A_319] {strides = array<i32>} : memref<128x72xf32, #tpu.memory_space<vmem>>, vector<1x16xf32>,
          %parallel_loop3A_321 = vector.shape_cast %parallel_loop3A_320 : vector<1x16xf32> to vector<16xf32>
          %parallel_loop3A_322 = vector.shape_cast %parallel_loop3A_317 : vector<16xf32> to vector<1x16xf32>
          tpu.vector_store %arg22[%parallel_loop3A_318, %parallel_loop3A_319], %parallel_loop3A_322 {strides = array<i32>} : memref<128x72xf32, #tpu.memory_space<vmem>>, vector<1x16xf32>,
          %parallel_loop3A_323 = arith.mulf %parallel_loop3A_310, %parallel_loop3A_248 : vector<16xf32>
          %parallel_loop3A_324 = arith.index_cast %parallel_loop3A_206 : i32 to index
          %parallel_loop3A_325 = arith.constant 32 : index
          %parallel_loop3A_326 = tpu.vector_load %arg22[%parallel_loop3A_324, %parallel_loop3A_325] {strides = array<i32>} : memref<128x72xf32, #tpu.memory_space<vmem>>, vector<1x16xf32>,
          %parallel_loop3A_327 = vector.shape_cast %parallel_loop3A_326 : vector<1x16xf32> to vector<16xf32>
          %parallel_loop3A_328 = vector.shape_cast %parallel_loop3A_323 : vector<16xf32> to vector<1x16xf32>
          tpu.vector_store %arg22[%parallel_loop3A_324, %parallel_loop3A_325], %parallel_loop3A_328 {strides = array<i32>} : memref<128x72xf32, #tpu.memory_space<vmem>>, vector<1x16xf32>,
          %parallel_loop3A_329 = arith.mulf %parallel_loop3A_310, %parallel_loop3A_266 : vector<16xf32>
          %parallel_loop3A_330 = arith.index_cast %parallel_loop3A_206 : i32 to index
          %parallel_loop3A_331 = arith.constant 48 : index
          %parallel_loop3A_332 = tpu.vector_load %arg22[%parallel_loop3A_330, %parallel_loop3A_331] {strides = array<i32>} : memref<128x72xf32, #tpu.memory_space<vmem>>, vector<1x16xf32>,
          %parallel_loop3A_333 = vector.shape_cast %parallel_loop3A_332 : vector<1x16xf32> to vector<16xf32>
          %parallel_loop3A_334 = vector.shape_cast %parallel_loop3A_329 : vector<16xf32> to vector<1x16xf32>
          tpu.vector_store %arg22[%parallel_loop3A_330, %parallel_loop3A_331], %parallel_loop3A_334 {strides = array<i32>} : memref<128x72xf32, #tpu.memory_space<vmem>>, vector<1x16xf32>,
          %parallel_loop3A_335 = vector.shape_cast %xor3A_201 : vector<16xi32> to vector<16x1xi32>
          %parallel_loop3A_336 = vector.shape_cast %parallel_loop3A_335 : vector<16x1xi32> to vector<16xi32>
          %parallel_loop3A_337 = tpu.dynamic_gather %parallel_loop3A_329[%parallel_loop3A_336] in [0] : vector<16xf32>, vector<16xi32> -> vector<16xf32>
          %parallel_loop3A_338 = arith.constant 0.000000e+00 : f32
          %parallel_loop3A_339 = vector.broadcast %parallel_loop3A_338 : f32 to vector<16xf32>
          %parallel_loop3A_340 = arith.select %eq3A_199, %parallel_loop3A_310, %parallel_loop3A_339 : vector<16xi1>, vector<16xf32>
          %parallel_loop3A_341 = arith.select %lt3A_197, %parallel_loop3A_337, %parallel_loop3A_340 : vector<16xi1>, vector<16xf32>
          %parallel_loop3A_342 = arith.index_cast %parallel_loop3A_206 : i32 to index
          %parallel_loop3A_343 = arith.constant 56 : index
          %parallel_loop3A_344 = tpu.vector_load %arg22[%parallel_loop3A_342, %parallel_loop3A_343] {strides = array<i32>} : memref<128x72xf32, #tpu.memory_space<vmem>>, vector<1x16xf32>,
          %parallel_loop3A_345 = vector.shape_cast %parallel_loop3A_344 : vector<1x16xf32> to vector<16xf32>
          %parallel_loop3A_346 = vector.shape_cast %parallel_loop3A_341 : vector<16xf32> to vector<1x16xf32>
          tpu.vector_store %arg22[%parallel_loop3A_342, %parallel_loop3A_343], %parallel_loop3A_346 {strides = array<i32>} : memref<128x72xf32, #tpu.memory_space<vmem>>, vector<1x16xf32>,
        } {sc.loop_unroll_factor = 4 : i64, sc.parallel_access}
        %dma_start3A = arith.constant 0 : i32
        %dma_start3A_204 = arith.constant 0 : i32
        %dma_start3A_205 = tpu.memref_slice %arg26[%dma_start3A, %dma_start3A_204] : memref<10240x72xf32, #tpu.memory_space<vmem_shared>> -> memref<10240x72xf32, #tpu.memory_space<vmem_shared>>
        tpu.enqueue_indirect_dma source(%arg22 : memref<128x72xf32, #tpu.memory_space<vmem>>) target(%dma_start3A_205 : memref<10240x72xf32, #tpu.memory_space<vmem_shared>>) offsets(%arg13 : memref<128xi32, #tpu.memory_space<vmem>>) semaphore(%arg33 : memref<!tpu.dma_semaphore, #tpu.memory_space<semaphore_mem>>) {add = true}
      } else {
      }
      %mul3A_61 = arith.constant 3 : i32
      %mul3A_62 = arith.muli %scan3A_29, %mul3A_61 : i32
      %add3A_63 = arith.constant 1 : i32
      %add3A_64 = arith.addi %mul3A_62, %add3A_63 : i32
      %mul3A_65 = arith.constant 32 : i32
      %mul3A_66 = arith.muli %add3A_64, %mul3A_65 : i32
      %add3A_67 = arith.addi %add3A, %mul3A_66 : i32
      %lt3A_68 = arith.constant 2500 : i32
      %lt3A_69 = arith.cmpi slt, %add3A_67, %lt3A_68 : i32
      %convert_element_type3A_70 = arith.extui %lt3A_69 : i1 to i32
      %cond3A_71 = arith.constant 0 : i32
      %cond3A_72 = arith.cmpi ne, %convert_element_type3A_70, %cond3A_71 : i32
      scf.if %cond3A_72 {
        %dma_wait3A = arith.constant 0 : i32
        %dma_wait3A_129 = arith.constant 0 : i32
        %dma_wait3A_130 = tpu.memref_slice %arg2[%dma_wait3A, %dma_wait3A_129] : memref<10000x64xf32, #tpu.memory_space<hbm>> -> memref<10000x64xf32, #tpu.memory_space<hbm>>
        tpu.wait_indirect_dma semaphore(%arg29 : memref<!tpu.dma_semaphore, #tpu.memory_space<semaphore_mem>>) src(%dma_wait3A_130 : memref<10000x64xf32, #tpu.memory_space<hbm>>) dst(%arg17 : memref<128x64xf32, #tpu.memory_space<vmem>>)
        %dma_wait3A_131 = arith.constant 0 : i32
        %dma_wait3A_132 = arith.constant 0 : i32
        %dma_wait3A_133 = tpu.memref_slice %arg3[%dma_wait3A_131, %dma_wait3A_132] : memref<10000x64xf32, #tpu.memory_space<hbm>> -> memref<10000x64xf32, #tpu.memory_space<hbm>>
        tpu.wait_indirect_dma semaphore(%arg30 : memref<!tpu.dma_semaphore, #tpu.memory_space<semaphore_mem>>) src(%dma_wait3A_133 : memref<10000x64xf32, #tpu.memory_space<hbm>>) dst(%arg20 : memref<128x64xf32, #tpu.memory_space<vmem>>)
      } else {
      }
      %ge3A_73 = arith.constant 3 : i32
      %ge3A_74 = arith.cmpi sge, %add3A_64, %ge3A_73 : i32
      %sub3A_75 = arith.constant 96 : i32
      %sub3A_76 = arith.subi %add3A_67, %sub3A_75 : i32
      %lt3A_77 = arith.constant 2500 : i32
      %lt3A_78 = arith.cmpi slt, %sub3A_76, %lt3A_77 : i32
      %and3A_79 = arith.andi %ge3A_74, %lt3A_78 : i1
      %convert_element_type3A_80 = arith.extui %and3A_79 : i1 to i32
      %cond3A_81 = arith.constant 0 : i32
      %cond3A_82 = arith.cmpi ne, %convert_element_type3A_80, %cond3A_81 : i32
      scf.if %cond3A_82 {
        %dma_wait3A = arith.constant 0 : i32
        %dma_wait3A_129 = arith.constant 0 : i32
        %dma_wait3A_130 = tpu.memref_slice %arg26[%dma_wait3A, %dma_wait3A_129] : memref<10240x72xf32, #tpu.memory_space<vmem_shared>> -> memref<10240x72xf32, #tpu.memory_space<vmem_shared>>
        tpu.wait_indirect_dma semaphore(%arg34 : memref<!tpu.dma_semaphore, #tpu.memory_space<semaphore_mem>>) src(%arg23 : memref<128x72xf32, #tpu.memory_space<vmem>>) dst(%dma_wait3A_130 : memref<10240x72xf32, #tpu.memory_space<vmem_shared>>)
      } else {
      }
      %add3A_83 = arith.constant 64 : i32
      %add3A_84 = arith.addi %add3A_67, %add3A_83 : i32
      %lt3A_85 = arith.constant 2500 : i32
      %lt3A_86 = arith.cmpi slt, %add3A_84, %lt3A_85 : i32
      %convert_element_type3A_87 = arith.extui %lt3A_86 : i1 to i32
      %cond3A_88 = arith.constant 0 : i32
      %cond3A_89 = arith.cmpi ne, %convert_element_type3A_87, %cond3A_88 : i32
      scf.if %cond3A_89 {
        %mul3A_129 = arith.constant 128 : i32
        %mul3A_130 = arith.muli %add3A_84, %mul3A_129 : i32
        %run_scoped3A = arith.constant 0 : i32
        "tpu.region"() ({
          %run_scoped3A_137 = tpu.sem_alloc : memref<!tpu.dma_semaphore, #tpu.memory_space<semaphore_mem>>
          %dma_start3A_138 = tpu.memref_slice %arg5[%run_scoped3A, %mul3A_130] : memref<2x320000xi32, #tpu.memory_space<hbm>> -> memref<1x128xi32, #tpu.memory_space<hbm>>
          %dma_start3A_139 = tpu.memref_squeeze %dma_start3A_138 : memref<1x128xi32, #tpu.memory_space<hbm>> -> memref<128xi32, #tpu.memory_space<hbm>>
          %dma_start3A_140 = tpu.memref_slice %arg5[%run_scoped3A, %mul3A_130] : memref<2x320000xi32, #tpu.memory_space<hbm>> -> memref<1x128xi32, #tpu.memory_space<hbm>>
          %dma_start3A_141 = tpu.memref_squeeze %dma_start3A_140 : memref<1x128xi32, #tpu.memory_space<hbm>> -> memref<128xi32, #tpu.memory_space<hbm>>
          tpu.enqueue_dma source(%dma_start3A_141 : memref<128xi32, #tpu.memory_space<hbm>>) target(%arg7 : memref<128xi32, #tpu.memory_space<vmem>>) target_semaphore(%run_scoped3A_137 : memref<!tpu.dma_semaphore, #tpu.memory_space<semaphore_mem>>)
          %dma_wait3A = tpu.memref_slice %arg5[%run_scoped3A, %mul3A_130] : memref<2x320000xi32, #tpu.memory_space<hbm>> -> memref<1x128xi32, #tpu.memory_space<hbm>>
          %dma_wait3A_142 = tpu.memref_squeeze %dma_wait3A : memref<1x128xi32, #tpu.memory_space<hbm>> -> memref<128xi32, #tpu.memory_space<hbm>>
          %dma_wait3A_143 = tpu.memref_slice %arg5[%run_scoped3A, %mul3A_130] : memref<2x320000xi32, #tpu.memory_space<hbm>> -> memref<1x128xi32, #tpu.memory_space<hbm>>
          %dma_wait3A_144 = tpu.memref_squeeze %dma_wait3A_143 : memref<1x128xi32, #tpu.memory_space<hbm>> -> memref<128xi32, #tpu.memory_space<hbm>>
          tpu.wait_dma2 semaphore(%run_scoped3A_137 : memref<!tpu.dma_semaphore, #tpu.memory_space<semaphore_mem>>) src(%dma_wait3A_144 : memref<128xi32, #tpu.memory_space<hbm>>) dst(%arg7 : memref<128xi32, #tpu.memory_space<vmem>>)
          tpu.yield
        }) : () -> ()
        %run_scoped3A_131 = arith.constant 1 : i32
        "tpu.region"() ({
          %run_scoped3A_137 = tpu.sem_alloc : memref<!tpu.dma_semaphore, #tpu.memory_space<semaphore_mem>>
          %dma_start3A_138 = tpu.memref_slice %arg5[%run_scoped3A_131, %mul3A_130] : memref<2x320000xi32, #tpu.memory_space<hbm>> -> memref<1x128xi32, #tpu.memory_space<hbm>>
          %dma_start3A_139 = tpu.memref_squeeze %dma_start3A_138 : memref<1x128xi32, #tpu.memory_space<hbm>> -> memref<128xi32, #tpu.memory_space<hbm>>
          %dma_start3A_140 = tpu.memref_slice %arg5[%run_scoped3A_131, %mul3A_130] : memref<2x320000xi32, #tpu.memory_space<hbm>> -> memref<1x128xi32, #tpu.memory_space<hbm>>
          %dma_start3A_141 = tpu.memref_squeeze %dma_start3A_140 : memref<1x128xi32, #tpu.memory_space<hbm>> -> memref<128xi32, #tpu.memory_space<hbm>>
          tpu.enqueue_dma source(%dma_start3A_141 : memref<128xi32, #tpu.memory_space<hbm>>) target(%arg10 : memref<128xi32, #tpu.memory_space<vmem>>) target_semaphore(%run_scoped3A_137 : memref<!tpu.dma_semaphore, #tpu.memory_space<semaphore_mem>>)
          %dma_wait3A = tpu.memref_slice %arg5[%run_scoped3A_131, %mul3A_130] : memref<2x320000xi32, #tpu.memory_space<hbm>> -> memref<1x128xi32, #tpu.memory_space<hbm>>
          %dma_wait3A_142 = tpu.memref_squeeze %dma_wait3A : memref<1x128xi32, #tpu.memory_space<hbm>> -> memref<128xi32, #tpu.memory_space<hbm>>
          %dma_wait3A_143 = tpu.memref_slice %arg5[%run_scoped3A_131, %mul3A_130] : memref<2x320000xi32, #tpu.memory_space<hbm>> -> memref<1x128xi32, #tpu.memory_space<hbm>>
          %dma_wait3A_144 = tpu.memref_squeeze %dma_wait3A_143 : memref<1x128xi32, #tpu.memory_space<hbm>> -> memref<128xi32, #tpu.memory_space<hbm>>
          tpu.wait_dma2 semaphore(%run_scoped3A_137 : memref<!tpu.dma_semaphore, #tpu.memory_space<semaphore_mem>>) src(%dma_wait3A_144 : memref<128xi32, #tpu.memory_space<hbm>>) dst(%arg10 : memref<128xi32, #tpu.memory_space<vmem>>)
          tpu.yield
        }) : () -> ()
        %dma_start3A = arith.constant 0 : i32
        %dma_start3A_132 = arith.constant 0 : i32
        %dma_start3A_133 = tpu.memref_slice %arg2[%dma_start3A, %dma_start3A_132] : memref<10000x64xf32, #tpu.memory_space<hbm>> -> memref<10000x64xf32, #tpu.memory_space<hbm>>
        tpu.enqueue_indirect_dma source(%dma_start3A_133 : memref<10000x64xf32, #tpu.memory_space<hbm>>) target(%arg16 : memref<128x64xf32, #tpu.memory_space<vmem>>) offsets(%arg7 : memref<128xi32, #tpu.memory_space<vmem>>) semaphore(%arg27 : memref<!tpu.dma_semaphore, #tpu.memory_space<semaphore_mem>>)
        %dma_start3A_134 = arith.constant 0 : i32
        %dma_start3A_135 = arith.constant 0 : i32
        %dma_start3A_136 = tpu.memref_slice %arg3[%dma_start3A_134, %dma_start3A_135] : memref<10000x64xf32, #tpu.memory_space<hbm>> -> memref<10000x64xf32, #tpu.memory_space<hbm>>
        tpu.enqueue_indirect_dma source(%dma_start3A_136 : memref<10000x64xf32, #tpu.memory_space<hbm>>) target(%arg19 : memref<128x64xf32, #tpu.memory_space<vmem>>) offsets(%arg10 : memref<128xi32, #tpu.memory_space<vmem>>) semaphore(%arg28 : memref<!tpu.dma_semaphore, #tpu.memory_space<semaphore_mem>>)
      } else {
      }
      %lt3A_90 = arith.constant 2500 : i32
      %lt3A_91 = arith.cmpi slt, %add3A_67, %lt3A_90 : i32
      %convert_element_type3A_92 = arith.extui %lt3A_91 : i1 to i32
      %cond3A_93 = arith.constant 0 : i32
      %cond3A_94 = arith.cmpi ne, %convert_element_type3A_92, %cond3A_93 : i32
      scf.if %cond3A_94 {
        %get3A = arith.constant 0 : index
        %get3A_129 = tpu.vector_load %arg11[%get3A] {strides = array<i32>} : memref<128xi32, #tpu.memory_space<vmem>>, vector<16xi32>,
        %get3A_130 = vector.shape_cast %get3A_129 : vector<16xi32> to vector<16xi32>
        %swap3A = arith.constant 0 : index
        %swap3A_131 = tpu.vector_load %arg14[%swap3A] {strides = array<i32>} : memref<128xi32, #tpu.memory_space<vmem>>, vector<16xi32>,
        %swap3A_132 = vector.shape_cast %swap3A_131 : vector<16xi32> to vector<16xi32>
        %swap3A_133 = vector.shape_cast %get3A_130 : vector<16xi32> to vector<16xi32>
        tpu.vector_store %arg14[%swap3A], %swap3A_133 {strides = array<i32>} : memref<128xi32, #tpu.memory_space<vmem>>, vector<16xi32>,
        %get3A_134 = arith.constant 16 : index
        %get3A_135 = tpu.vector_load %arg11[%get3A_134] {strides = array<i32>} : memref<128xi32, #tpu.memory_space<vmem>>, vector<16xi32>,
        %get3A_136 = vector.shape_cast %get3A_135 : vector<16xi32> to vector<16xi32>
        %swap3A_137 = arith.constant 16 : index
        %swap3A_138 = tpu.vector_load %arg14[%swap3A_137] {strides = array<i32>} : memref<128xi32, #tpu.memory_space<vmem>>, vector<16xi32>,
        %swap3A_139 = vector.shape_cast %swap3A_138 : vector<16xi32> to vector<16xi32>
        %swap3A_140 = vector.shape_cast %get3A_136 : vector<16xi32> to vector<16xi32>
        tpu.vector_store %arg14[%swap3A_137], %swap3A_140 {strides = array<i32>} : memref<128xi32, #tpu.memory_space<vmem>>, vector<16xi32>,
        %get3A_141 = arith.constant 32 : index
        %get3A_142 = tpu.vector_load %arg11[%get3A_141] {strides = array<i32>} : memref<128xi32, #tpu.memory_space<vmem>>, vector<16xi32>,
        %get3A_143 = vector.shape_cast %get3A_142 : vector<16xi32> to vector<16xi32>
        %swap3A_144 = arith.constant 32 : index
        %swap3A_145 = tpu.vector_load %arg14[%swap3A_144] {strides = array<i32>} : memref<128xi32, #tpu.memory_space<vmem>>, vector<16xi32>,
        %swap3A_146 = vector.shape_cast %swap3A_145 : vector<16xi32> to vector<16xi32>
        %swap3A_147 = vector.shape_cast %get3A_143 : vector<16xi32> to vector<16xi32>
        tpu.vector_store %arg14[%swap3A_144], %swap3A_147 {strides = array<i32>} : memref<128xi32, #tpu.memory_space<vmem>>, vector<16xi32>,
        %get3A_148 = arith.constant 48 : index
        %get3A_149 = tpu.vector_load %arg11[%get3A_148] {strides = array<i32>} : memref<128xi32, #tpu.memory_space<vmem>>, vector<16xi32>,
        %get3A_150 = vector.shape_cast %get3A_149 : vector<16xi32> to vector<16xi32>
        %swap3A_151 = arith.constant 48 : index
        %swap3A_152 = tpu.vector_load %arg14[%swap3A_151] {strides = array<i32>} : memref<128xi32, #tpu.memory_space<vmem>>, vector<16xi32>,
        %swap3A_153 = vector.shape_cast %swap3A_152 : vector<16xi32> to vector<16xi32>
        %swap3A_154 = vector.shape_cast %get3A_150 : vector<16xi32> to vector<16xi32>
        tpu.vector_store %arg14[%swap3A_151], %swap3A_154 {strides = array<i32>} : memref<128xi32, #tpu.memory_space<vmem>>, vector<16xi32>,
        %get3A_155 = arith.constant 64 : index
        %get3A_156 = tpu.vector_load %arg11[%get3A_155] {strides = array<i32>} : memref<128xi32, #tpu.memory_space<vmem>>, vector<16xi32>,
        %get3A_157 = vector.shape_cast %get3A_156 : vector<16xi32> to vector<16xi32>
        %swap3A_158 = arith.constant 64 : index
        %swap3A_159 = tpu.vector_load %arg14[%swap3A_158] {strides = array<i32>} : memref<128xi32, #tpu.memory_space<vmem>>, vector<16xi32>,
        %swap3A_160 = vector.shape_cast %swap3A_159 : vector<16xi32> to vector<16xi32>
        %swap3A_161 = vector.shape_cast %get3A_157 : vector<16xi32> to vector<16xi32>
        tpu.vector_store %arg14[%swap3A_158], %swap3A_161 {strides = array<i32>} : memref<128xi32, #tpu.memory_space<vmem>>, vector<16xi32>,
        %get3A_162 = arith.constant 80 : index
        %get3A_163 = tpu.vector_load %arg11[%get3A_162] {strides = array<i32>} : memref<128xi32, #tpu.memory_space<vmem>>, vector<16xi32>,
        %get3A_164 = vector.shape_cast %get3A_163 : vector<16xi32> to vector<16xi32>
        %swap3A_165 = arith.constant 80 : index
        %swap3A_166 = tpu.vector_load %arg14[%swap3A_165] {strides = array<i32>} : memref<128xi32, #tpu.memory_space<vmem>>, vector<16xi32>,
        %swap3A_167 = vector.shape_cast %swap3A_166 : vector<16xi32> to vector<16xi32>
        %swap3A_168 = vector.shape_cast %get3A_164 : vector<16xi32> to vector<16xi32>
        tpu.vector_store %arg14[%swap3A_165], %swap3A_168 {strides = array<i32>} : memref<128xi32, #tpu.memory_space<vmem>>, vector<16xi32>,
        %get3A_169 = arith.constant 96 : index
        %get3A_170 = tpu.vector_load %arg11[%get3A_169] {strides = array<i32>} : memref<128xi32, #tpu.memory_space<vmem>>, vector<16xi32>,
        %get3A_171 = vector.shape_cast %get3A_170 : vector<16xi32> to vector<16xi32>
        %swap3A_172 = arith.constant 96 : index
        %swap3A_173 = tpu.vector_load %arg14[%swap3A_172] {strides = array<i32>} : memref<128xi32, #tpu.memory_space<vmem>>, vector<16xi32>,
        %swap3A_174 = vector.shape_cast %swap3A_173 : vector<16xi32> to vector<16xi32>
        %swap3A_175 = vector.shape_cast %get3A_171 : vector<16xi32> to vector<16xi32>
        tpu.vector_store %arg14[%swap3A_172], %swap3A_175 {strides = array<i32>} : memref<128xi32, #tpu.memory_space<vmem>>, vector<16xi32>,
        %get3A_176 = arith.constant 112 : index
        %get3A_177 = tpu.vector_load %arg11[%get3A_176] {strides = array<i32>} : memref<128xi32, #tpu.memory_space<vmem>>, vector<16xi32>,
        %get3A_178 = vector.shape_cast %get3A_177 : vector<16xi32> to vector<16xi32>
        %swap3A_179 = arith.constant 112 : index
        %swap3A_180 = tpu.vector_load %arg14[%swap3A_179] {strides = array<i32>} : memref<128xi32, #tpu.memory_space<vmem>>, vector<16xi32>,
        %swap3A_181 = vector.shape_cast %swap3A_180 : vector<16xi32> to vector<16xi32>
        %swap3A_182 = vector.shape_cast %get3A_178 : vector<16xi32> to vector<16xi32>
        tpu.vector_store %arg14[%swap3A_179], %swap3A_182 {strides = array<i32>} : memref<128xi32, #tpu.memory_space<vmem>>, vector<16xi32>,
        %get3A_183 = arith.constant 0 : index
        %get3A_184 = tpu.vector_load %arg25[%get3A_183] {strides = array<i32>} : memref<64xf32, #tpu.memory_space<vmem>>, vector<16xf32>,
        %get3A_185 = vector.shape_cast %get3A_184 : vector<16xf32> to vector<16xf32>
        %get3A_186 = arith.constant 16 : index
        %get3A_187 = tpu.vector_load %arg25[%get3A_186] {strides = array<i32>} : memref<64xf32, #tpu.memory_space<vmem>>, vector<16xf32>,
        %get3A_188 = vector.shape_cast %get3A_187 : vector<16xf32> to vector<16xf32>
        %get3A_189 = arith.constant 32 : index
        %get3A_190 = tpu.vector_load %arg25[%get3A_189] {strides = array<i32>} : memref<64xf32, #tpu.memory_space<vmem>>, vector<16xf32>,
        %get3A_191 = vector.shape_cast %get3A_190 : vector<16xf32> to vector<16xf32>
        %get3A_192 = arith.constant 48 : index
        %get3A_193 = tpu.vector_load %arg25[%get3A_192] {strides = array<i32>} : memref<64xf32, #tpu.memory_space<vmem>>, vector<16xf32>,
        %get3A_194 = vector.shape_cast %get3A_193 : vector<16xf32> to vector<16xf32>
        %iota3A = tpu.iota {dimensions = array<i32: 0>} : vector<16xi32>
        %lt3A_195 = arith.constant 8 : i32
        %lt3A_196 = vector.broadcast %lt3A_195 : i32 to vector<16xi32>
        %lt3A_197 = arith.cmpi slt, %iota3A, %lt3A_196 : vector<16xi32>
        %eq3A = arith.constant 8 : i32
        %eq3A_198 = vector.broadcast %eq3A : i32 to vector<16xi32>
        %eq3A_199 = arith.cmpi eq, %iota3A, %eq3A_198 : vector<16xi32>
        %xor3A = arith.constant 8 : i32
        %xor3A_200 = vector.broadcast %xor3A : i32 to vector<16xi32>
        %xor3A_201 = arith.xori %iota3A, %xor3A_200 : vector<16xi32>
        %parallel_loop3A = arith.constant 0 : i32
        %parallel_loop3A_202 = arith.constant 128 : i32
        %parallel_loop3A_203 = arith.constant 1 : i32
        scf.for %parallel_loop3A_206 = %parallel_loop3A to %parallel_loop3A_202 step %parallel_loop3A_203  : i32 {
          %parallel_loop3A_207 = arith.constant 0.000000e+00 : f32
          %parallel_loop3A_208 = vector.broadcast %parallel_loop3A_207 : f32 to vector<16xf32>
          %parallel_loop3A_209 = arith.index_cast %parallel_loop3A_206 : i32 to index
          %parallel_loop3A_210 = arith.constant 0 : index
          %parallel_loop3A_211 = tpu.vector_load %arg17[%parallel_loop3A_209, %parallel_loop3A_210] {strides = array<i32>} : memref<128x64xf32, #tpu.memory_space<vmem>>, vector<1x16xf32>,
          %parallel_loop3A_212 = vector.shape_cast %parallel_loop3A_211 : vector<1x16xf32> to vector<16xf32>
          %parallel_loop3A_213 = arith.index_cast %parallel_loop3A_206 : i32 to index
          %parallel_loop3A_214 = arith.constant 0 : index
          %parallel_loop3A_215 = tpu.vector_load %arg20[%parallel_loop3A_213, %parallel_loop3A_214] {strides = array<i32>} : memref<128x64xf32, #tpu.memory_space<vmem>>, vector<1x16xf32>,
          %parallel_loop3A_216 = vector.shape_cast %parallel_loop3A_215 : vector<1x16xf32> to vector<16xf32>
          %parallel_loop3A_217 = arith.addf %parallel_loop3A_212, %parallel_loop3A_216 : vector<16xf32>
          %parallel_loop3A_218 = arith.constant 0.000000e+00 : f32
          %parallel_loop3A_219 = vector.broadcast %parallel_loop3A_218 : f32 to vector<16xf32>
          %parallel_loop3A_220 = arith.cmpf oge, %parallel_loop3A_217, %parallel_loop3A_219 : vector<16xf32>
          %parallel_loop3A_221 = arith.constant 2.000000e-01 : f32
          %parallel_loop3A_222 = vector.broadcast %parallel_loop3A_221 : f32 to vector<16xf32>
          %parallel_loop3A_223 = arith.mulf %parallel_loop3A_217, %parallel_loop3A_222 : vector<16xf32>
          %parallel_loop3A_224 = arith.select %parallel_loop3A_220, %parallel_loop3A_217, %parallel_loop3A_223 : vector<16xi1>, vector<16xf32>
          %parallel_loop3A_225 = arith.mulf %parallel_loop3A_224, %get3A_185 : vector<16xf32>
          %parallel_loop3A_226 = arith.addf %parallel_loop3A_208, %parallel_loop3A_225 : vector<16xf32>
          %parallel_loop3A_227 = arith.index_cast %parallel_loop3A_206 : i32 to index
          %parallel_loop3A_228 = arith.constant 16 : index
          %parallel_loop3A_229 = tpu.vector_load %arg17[%parallel_loop3A_227, %parallel_loop3A_228] {strides = array<i32>} : memref<128x64xf32, #tpu.memory_space<vmem>>, vector<1x16xf32>,
          %parallel_loop3A_230 = vector.shape_cast %parallel_loop3A_229 : vector<1x16xf32> to vector<16xf32>
          %parallel_loop3A_231 = arith.index_cast %parallel_loop3A_206 : i32 to index
          %parallel_loop3A_232 = arith.constant 16 : index
          %parallel_loop3A_233 = tpu.vector_load %arg20[%parallel_loop3A_231, %parallel_loop3A_232] {strides = array<i32>} : memref<128x64xf32, #tpu.memory_space<vmem>>, vector<1x16xf32>,
          %parallel_loop3A_234 = vector.shape_cast %parallel_loop3A_233 : vector<1x16xf32> to vector<16xf32>
          %parallel_loop3A_235 = arith.addf %parallel_loop3A_230, %parallel_loop3A_234 : vector<16xf32>
          %parallel_loop3A_236 = arith.constant 0.000000e+00 : f32
          %parallel_loop3A_237 = vector.broadcast %parallel_loop3A_236 : f32 to vector<16xf32>
          %parallel_loop3A_238 = arith.cmpf oge, %parallel_loop3A_235, %parallel_loop3A_237 : vector<16xf32>
          %parallel_loop3A_239 = arith.constant 2.000000e-01 : f32
          %parallel_loop3A_240 = vector.broadcast %parallel_loop3A_239 : f32 to vector<16xf32>
          %parallel_loop3A_241 = arith.mulf %parallel_loop3A_235, %parallel_loop3A_240 : vector<16xf32>
          %parallel_loop3A_242 = arith.select %parallel_loop3A_238, %parallel_loop3A_235, %parallel_loop3A_241 : vector<16xi1>, vector<16xf32>
          %parallel_loop3A_243 = arith.mulf %parallel_loop3A_242, %get3A_188 : vector<16xf32>
          %parallel_loop3A_244 = arith.addf %parallel_loop3A_226, %parallel_loop3A_243 : vector<16xf32>
          %parallel_loop3A_245 = arith.index_cast %parallel_loop3A_206 : i32 to index
          %parallel_loop3A_246 = arith.constant 32 : index
          %parallel_loop3A_247 = tpu.vector_load %arg17[%parallel_loop3A_245, %parallel_loop3A_246] {strides = array<i32>} : memref<128x64xf32, #tpu.memory_space<vmem>>, vector<1x16xf32>,
          %parallel_loop3A_248 = vector.shape_cast %parallel_loop3A_247 : vector<1x16xf32> to vector<16xf32>
          %parallel_loop3A_249 = arith.index_cast %parallel_loop3A_206 : i32 to index
          %parallel_loop3A_250 = arith.constant 32 : index
          %parallel_loop3A_251 = tpu.vector_load %arg20[%parallel_loop3A_249, %parallel_loop3A_250] {strides = array<i32>} : memref<128x64xf32, #tpu.memory_space<vmem>>, vector<1x16xf32>,
          %parallel_loop3A_252 = vector.shape_cast %parallel_loop3A_251 : vector<1x16xf32> to vector<16xf32>
          %parallel_loop3A_253 = arith.addf %parallel_loop3A_248, %parallel_loop3A_252 : vector<16xf32>
          %parallel_loop3A_254 = arith.constant 0.000000e+00 : f32
          %parallel_loop3A_255 = vector.broadcast %parallel_loop3A_254 : f32 to vector<16xf32>
          %parallel_loop3A_256 = arith.cmpf oge, %parallel_loop3A_253, %parallel_loop3A_255 : vector<16xf32>
          %parallel_loop3A_257 = arith.constant 2.000000e-01 : f32
          %parallel_loop3A_258 = vector.broadcast %parallel_loop3A_257 : f32 to vector<16xf32>
          %parallel_loop3A_259 = arith.mulf %parallel_loop3A_253, %parallel_loop3A_258 : vector<16xf32>
          %parallel_loop3A_260 = arith.select %parallel_loop3A_256, %parallel_loop3A_253, %parallel_loop3A_259 : vector<16xi1>, vector<16xf32>
          %parallel_loop3A_261 = arith.mulf %parallel_loop3A_260, %get3A_191 : vector<16xf32>
          %parallel_loop3A_262 = arith.addf %parallel_loop3A_244, %parallel_loop3A_261 : vector<16xf32>
          %parallel_loop3A_263 = arith.index_cast %parallel_loop3A_206 : i32 to index
          %parallel_loop3A_264 = arith.constant 48 : index
          %parallel_loop3A_265 = tpu.vector_load %arg17[%parallel_loop3A_263, %parallel_loop3A_264] {strides = array<i32>} : memref<128x64xf32, #tpu.memory_space<vmem>>, vector<1x16xf32>,
          %parallel_loop3A_266 = vector.shape_cast %parallel_loop3A_265 : vector<1x16xf32> to vector<16xf32>
          %parallel_loop3A_267 = arith.index_cast %parallel_loop3A_206 : i32 to index
          %parallel_loop3A_268 = arith.constant 48 : index
          %parallel_loop3A_269 = tpu.vector_load %arg20[%parallel_loop3A_267, %parallel_loop3A_268] {strides = array<i32>} : memref<128x64xf32, #tpu.memory_space<vmem>>, vector<1x16xf32>,
          %parallel_loop3A_270 = vector.shape_cast %parallel_loop3A_269 : vector<1x16xf32> to vector<16xf32>
          %parallel_loop3A_271 = arith.addf %parallel_loop3A_266, %parallel_loop3A_270 : vector<16xf32>
          %parallel_loop3A_272 = arith.constant 0.000000e+00 : f32
          %parallel_loop3A_273 = vector.broadcast %parallel_loop3A_272 : f32 to vector<16xf32>
          %parallel_loop3A_274 = arith.cmpf oge, %parallel_loop3A_271, %parallel_loop3A_273 : vector<16xf32>
          %parallel_loop3A_275 = arith.constant 2.000000e-01 : f32
          %parallel_loop3A_276 = vector.broadcast %parallel_loop3A_275 : f32 to vector<16xf32>
          %parallel_loop3A_277 = arith.mulf %parallel_loop3A_271, %parallel_loop3A_276 : vector<16xf32>
          %parallel_loop3A_278 = arith.select %parallel_loop3A_274, %parallel_loop3A_271, %parallel_loop3A_277 : vector<16xi1>, vector<16xf32>
          %parallel_loop3A_279 = arith.mulf %parallel_loop3A_278, %get3A_194 : vector<16xf32>
          %parallel_loop3A_280 = arith.addf %parallel_loop3A_262, %parallel_loop3A_279 : vector<16xf32>
          %parallel_loop3A_281 = tpu.iota {dimensions = array<i32: 0>} : vector<16xi32>
          %parallel_loop3A_282 = arith.constant 1 : i32
          %parallel_loop3A_283 = vector.broadcast %parallel_loop3A_282 : i32 to vector<16xi32>
          %parallel_loop3A_284 = arith.xori %parallel_loop3A_281, %parallel_loop3A_283 : vector<16xi32>
          %parallel_loop3A_285 = vector.shape_cast %parallel_loop3A_284 : vector<16xi32> to vector<16x1xi32>
          %parallel_loop3A_286 = vector.shape_cast %parallel_loop3A_285 : vector<16x1xi32> to vector<16xi32>
          %parallel_loop3A_287 = tpu.dynamic_gather %parallel_loop3A_280[%parallel_loop3A_286] in [0] : vector<16xf32>, vector<16xi32> -> vector<16xf32>
          %parallel_loop3A_288 = arith.addf %parallel_loop3A_280, %parallel_loop3A_287 : vector<16xf32>
          %parallel_loop3A_289 = arith.constant 2 : i32
          %parallel_loop3A_290 = vector.broadcast %parallel_loop3A_289 : i32 to vector<16xi32>
          %parallel_loop3A_291 = arith.xori %parallel_loop3A_281, %parallel_loop3A_290 : vector<16xi32>
          %parallel_loop3A_292 = vector.shape_cast %parallel_loop3A_291 : vector<16xi32> to vector<16x1xi32>
          %parallel_loop3A_293 = vector.shape_cast %parallel_loop3A_292 : vector<16x1xi32> to vector<16xi32>
          %parallel_loop3A_294 = tpu.dynamic_gather %parallel_loop3A_288[%parallel_loop3A_293] in [0] : vector<16xf32>, vector<16xi32> -> vector<16xf32>
          %parallel_loop3A_295 = arith.addf %parallel_loop3A_288, %parallel_loop3A_294 : vector<16xf32>
          %parallel_loop3A_296 = arith.constant 4 : i32
          %parallel_loop3A_297 = vector.broadcast %parallel_loop3A_296 : i32 to vector<16xi32>
          %parallel_loop3A_298 = arith.xori %parallel_loop3A_281, %parallel_loop3A_297 : vector<16xi32>
          %parallel_loop3A_299 = vector.shape_cast %parallel_loop3A_298 : vector<16xi32> to vector<16x1xi32>
          %parallel_loop3A_300 = vector.shape_cast %parallel_loop3A_299 : vector<16x1xi32> to vector<16xi32>
          %parallel_loop3A_301 = tpu.dynamic_gather %parallel_loop3A_295[%parallel_loop3A_300] in [0] : vector<16xf32>, vector<16xi32> -> vector<16xf32>
          %parallel_loop3A_302 = arith.addf %parallel_loop3A_295, %parallel_loop3A_301 : vector<16xf32>
          %parallel_loop3A_303 = arith.constant 8 : i32
          %parallel_loop3A_304 = vector.broadcast %parallel_loop3A_303 : i32 to vector<16xi32>
          %parallel_loop3A_305 = arith.xori %parallel_loop3A_281, %parallel_loop3A_304 : vector<16xi32>
          %parallel_loop3A_306 = vector.shape_cast %parallel_loop3A_305 : vector<16xi32> to vector<16x1xi32>
          %parallel_loop3A_307 = vector.shape_cast %parallel_loop3A_306 : vector<16x1xi32> to vector<16xi32>
          %parallel_loop3A_308 = tpu.dynamic_gather %parallel_loop3A_302[%parallel_loop3A_307] in [0] : vector<16xf32>, vector<16xi32> -> vector<16xf32>
          %parallel_loop3A_309 = arith.addf %parallel_loop3A_302, %parallel_loop3A_308 : vector<16xf32>
          %parallel_loop3A_310 = math.exp %parallel_loop3A_309 : vector<16xf32>
          %parallel_loop3A_311 = arith.mulf %parallel_loop3A_310, %parallel_loop3A_212 : vector<16xf32>
          %parallel_loop3A_312 = arith.index_cast %parallel_loop3A_206 : i32 to index
          %parallel_loop3A_313 = arith.constant 0 : index
          %parallel_loop3A_314 = tpu.vector_load %arg23[%parallel_loop3A_312, %parallel_loop3A_313] {strides = array<i32>} : memref<128x72xf32, #tpu.memory_space<vmem>>, vector<1x16xf32>,
          %parallel_loop3A_315 = vector.shape_cast %parallel_loop3A_314 : vector<1x16xf32> to vector<16xf32>
          %parallel_loop3A_316 = vector.shape_cast %parallel_loop3A_311 : vector<16xf32> to vector<1x16xf32>
          tpu.vector_store %arg23[%parallel_loop3A_312, %parallel_loop3A_313], %parallel_loop3A_316 {strides = array<i32>} : memref<128x72xf32, #tpu.memory_space<vmem>>, vector<1x16xf32>,
          %parallel_loop3A_317 = arith.mulf %parallel_loop3A_310, %parallel_loop3A_230 : vector<16xf32>
          %parallel_loop3A_318 = arith.index_cast %parallel_loop3A_206 : i32 to index
          %parallel_loop3A_319 = arith.constant 16 : index
          %parallel_loop3A_320 = tpu.vector_load %arg23[%parallel_loop3A_318, %parallel_loop3A_319] {strides = array<i32>} : memref<128x72xf32, #tpu.memory_space<vmem>>, vector<1x16xf32>,
          %parallel_loop3A_321 = vector.shape_cast %parallel_loop3A_320 : vector<1x16xf32> to vector<16xf32>
          %parallel_loop3A_322 = vector.shape_cast %parallel_loop3A_317 : vector<16xf32> to vector<1x16xf32>
          tpu.vector_store %arg23[%parallel_loop3A_318, %parallel_loop3A_319], %parallel_loop3A_322 {strides = array<i32>} : memref<128x72xf32, #tpu.memory_space<vmem>>, vector<1x16xf32>,
          %parallel_loop3A_323 = arith.mulf %parallel_loop3A_310, %parallel_loop3A_248 : vector<16xf32>
          %parallel_loop3A_324 = arith.index_cast %parallel_loop3A_206 : i32 to index
          %parallel_loop3A_325 = arith.constant 32 : index
          %parallel_loop3A_326 = tpu.vector_load %arg23[%parallel_loop3A_324, %parallel_loop3A_325] {strides = array<i32>} : memref<128x72xf32, #tpu.memory_space<vmem>>, vector<1x16xf32>,
          %parallel_loop3A_327 = vector.shape_cast %parallel_loop3A_326 : vector<1x16xf32> to vector<16xf32>
          %parallel_loop3A_328 = vector.shape_cast %parallel_loop3A_323 : vector<16xf32> to vector<1x16xf32>
          tpu.vector_store %arg23[%parallel_loop3A_324, %parallel_loop3A_325], %parallel_loop3A_328 {strides = array<i32>} : memref<128x72xf32, #tpu.memory_space<vmem>>, vector<1x16xf32>,
          %parallel_loop3A_329 = arith.mulf %parallel_loop3A_310, %parallel_loop3A_266 : vector<16xf32>
          %parallel_loop3A_330 = arith.index_cast %parallel_loop3A_206 : i32 to index
          %parallel_loop3A_331 = arith.constant 48 : index
          %parallel_loop3A_332 = tpu.vector_load %arg23[%parallel_loop3A_330, %parallel_loop3A_331] {strides = array<i32>} : memref<128x72xf32, #tpu.memory_space<vmem>>, vector<1x16xf32>,
          %parallel_loop3A_333 = vector.shape_cast %parallel_loop3A_332 : vector<1x16xf32> to vector<16xf32>
          %parallel_loop3A_334 = vector.shape_cast %parallel_loop3A_329 : vector<16xf32> to vector<1x16xf32>
          tpu.vector_store %arg23[%parallel_loop3A_330, %parallel_loop3A_331], %parallel_loop3A_334 {strides = array<i32>} : memref<128x72xf32, #tpu.memory_space<vmem>>, vector<1x16xf32>,
          %parallel_loop3A_335 = vector.shape_cast %xor3A_201 : vector<16xi32> to vector<16x1xi32>
          %parallel_loop3A_336 = vector.shape_cast %parallel_loop3A_335 : vector<16x1xi32> to vector<16xi32>
          %parallel_loop3A_337 = tpu.dynamic_gather %parallel_loop3A_329[%parallel_loop3A_336] in [0] : vector<16xf32>, vector<16xi32> -> vector<16xf32>
          %parallel_loop3A_338 = arith.constant 0.000000e+00 : f32
          %parallel_loop3A_339 = vector.broadcast %parallel_loop3A_338 : f32 to vector<16xf32>
          %parallel_loop3A_340 = arith.select %eq3A_199, %parallel_loop3A_310, %parallel_loop3A_339 : vector<16xi1>, vector<16xf32>
          %parallel_loop3A_341 = arith.select %lt3A_197, %parallel_loop3A_337, %parallel_loop3A_340 : vector<16xi1>, vector<16xf32>
          %parallel_loop3A_342 = arith.index_cast %parallel_loop3A_206 : i32 to index
          %parallel_loop3A_343 = arith.constant 56 : index
          %parallel_loop3A_344 = tpu.vector_load %arg23[%parallel_loop3A_342, %parallel_loop3A_343] {strides = array<i32>} : memref<128x72xf32, #tpu.memory_space<vmem>>, vector<1x16xf32>,
          %parallel_loop3A_345 = vector.shape_cast %parallel_loop3A_344 : vector<1x16xf32> to vector<16xf32>
          %parallel_loop3A_346 = vector.shape_cast %parallel_loop3A_341 : vector<16xf32> to vector<1x16xf32>
          tpu.vector_store %arg23[%parallel_loop3A_342, %parallel_loop3A_343], %parallel_loop3A_346 {strides = array<i32>} : memref<128x72xf32, #tpu.memory_space<vmem>>, vector<1x16xf32>,
        } {sc.loop_unroll_factor = 4 : i64, sc.parallel_access}
        %dma_start3A = arith.constant 0 : i32
        %dma_start3A_204 = arith.constant 0 : i32
        %dma_start3A_205 = tpu.memref_slice %arg26[%dma_start3A, %dma_start3A_204] : memref<10240x72xf32, #tpu.memory_space<vmem_shared>> -> memref<10240x72xf32, #tpu.memory_space<vmem_shared>>
        tpu.enqueue_indirect_dma source(%arg23 : memref<128x72xf32, #tpu.memory_space<vmem>>) target(%dma_start3A_205 : memref<10240x72xf32, #tpu.memory_space<vmem_shared>>) offsets(%arg14 : memref<128xi32, #tpu.memory_space<vmem>>) semaphore(%arg34 : memref<!tpu.dma_semaphore, #tpu.memory_space<semaphore_mem>>) {add = true}
      } else {
      }
      %mul3A_95 = arith.constant 3 : i32
      %mul3A_96 = arith.muli %scan3A_29, %mul3A_95 : i32
      %add3A_97 = arith.constant 2 : i32
      %add3A_98 = arith.addi %mul3A_96, %add3A_97 : i32
      %mul3A_99 = arith.constant 32 : i32
      %mul3A_100 = arith.muli %add3A_98, %mul3A_99 : i32
      %add3A_101 = arith.addi %add3A, %mul3A_100 : i32
      %lt3A_102 = arith.constant 2500 : i32
      %lt3A_103 = arith.cmpi slt, %add3A_101, %lt3A_102 : i32
      %convert_element_type3A_104 = arith.extui %lt3A_103 : i1 to i32
      %cond3A_105 = arith.constant 0 : i32
      %cond3A_106 = arith.cmpi ne, %convert_element_type3A_104, %cond3A_105 : i32
      scf.if %cond3A_106 {
        %dma_wait3A = arith.constant 0 : i32
        %dma_wait3A_129 = arith.constant 0 : i32
        %dma_wait3A_130 = tpu.memref_slice %arg2[%dma_wait3A, %dma_wait3A_129] : memref<10000x64xf32, #tpu.memory_space<hbm>> -> memref<10000x64xf32, #tpu.memory_space<hbm>>
        tpu.wait_indirect_dma semaphore(%arg31 : memref<!tpu.dma_semaphore, #tpu.memory_space<semaphore_mem>>) src(%dma_wait3A_130 : memref<10000x64xf32, #tpu.memory_space<hbm>>) dst(%arg18 : memref<128x64xf32, #tpu.memory_space<vmem>>)
        %dma_wait3A_131 = arith.constant 0 : i32
        %dma_wait3A_132 = arith.constant 0 : i32
        %dma_wait3A_133 = tpu.memref_slice %arg3[%dma_wait3A_131, %dma_wait3A_132] : memref<10000x64xf32, #tpu.memory_space<hbm>> -> memref<10000x64xf32, #tpu.memory_space<hbm>>
        tpu.wait_indirect_dma semaphore(%arg32 : memref<!tpu.dma_semaphore, #tpu.memory_space<semaphore_mem>>) src(%dma_wait3A_133 : memref<10000x64xf32, #tpu.memory_space<hbm>>) dst(%arg21 : memref<128x64xf32, #tpu.memory_space<vmem>>)
      } else {
      }
      %ge3A_107 = arith.constant 3 : i32
      %ge3A_108 = arith.cmpi sge, %add3A_98, %ge3A_107 : i32
      %sub3A_109 = arith.constant 96 : i32
      %sub3A_110 = arith.subi %add3A_101, %sub3A_109 : i32
      %lt3A_111 = arith.constant 2500 : i32
      %lt3A_112 = arith.cmpi slt, %sub3A_110, %lt3A_111 : i32
      %and3A_113 = arith.andi %ge3A_108, %lt3A_112 : i1
      %convert_element_type3A_114 = arith.extui %and3A_113 : i1 to i32
      %cond3A_115 = arith.constant 0 : i32
      %cond3A_116 = arith.cmpi ne, %convert_element_type3A_114, %cond3A_115 : i32
      scf.if %cond3A_116 {
        %dma_wait3A = arith.constant 0 : i32
        %dma_wait3A_129 = arith.constant 0 : i32
        %dma_wait3A_130 = tpu.memref_slice %arg26[%dma_wait3A, %dma_wait3A_129] : memref<10240x72xf32, #tpu.memory_space<vmem_shared>> -> memref<10240x72xf32, #tpu.memory_space<vmem_shared>>
        tpu.wait_indirect_dma semaphore(%arg35 : memref<!tpu.dma_semaphore, #tpu.memory_space<semaphore_mem>>) src(%arg24 : memref<128x72xf32, #tpu.memory_space<vmem>>) dst(%dma_wait3A_130 : memref<10240x72xf32, #tpu.memory_space<vmem_shared>>)
      } else {
      }
      %add3A_117 = arith.constant 64 : i32
      %add3A_118 = arith.addi %add3A_101, %add3A_117 : i32
      %lt3A_119 = arith.constant 2500 : i32
      %lt3A_120 = arith.cmpi slt, %add3A_118, %lt3A_119 : i32
      %convert_element_type3A_121 = arith.extui %lt3A_120 : i1 to i32
      %cond3A_122 = arith.constant 0 : i32
      %cond3A_123 = arith.cmpi ne, %convert_element_type3A_121, %cond3A_122 : i32
      scf.if %cond3A_123 {
        %mul3A_129 = arith.constant 128 : i32
        %mul3A_130 = arith.muli %add3A_118, %mul3A_129 : i32
        %run_scoped3A = arith.constant 0 : i32
        "tpu.region"() ({
          %run_scoped3A_137 = tpu.sem_alloc : memref<!tpu.dma_semaphore, #tpu.memory_space<semaphore_mem>>
          %dma_start3A_138 = tpu.memref_slice %arg5[%run_scoped3A, %mul3A_130] : memref<2x320000xi32, #tpu.memory_space<hbm>> -> memref<1x128xi32, #tpu.memory_space<hbm>>
          %dma_start3A_139 = tpu.memref_squeeze %dma_start3A_138 : memref<1x128xi32, #tpu.memory_space<hbm>> -> memref<128xi32, #tpu.memory_space<hbm>>
          %dma_start3A_140 = tpu.memref_slice %arg5[%run_scoped3A, %mul3A_130] : memref<2x320000xi32, #tpu.memory_space<hbm>> -> memref<1x128xi32, #tpu.memory_space<hbm>>
          %dma_start3A_141 = tpu.memref_squeeze %dma_start3A_140 : memref<1x128xi32, #tpu.memory_space<hbm>> -> memref<128xi32, #tpu.memory_space<hbm>>
          tpu.enqueue_dma source(%dma_start3A_141 : memref<128xi32, #tpu.memory_space<hbm>>) target(%arg8 : memref<128xi32, #tpu.memory_space<vmem>>) target_semaphore(%run_scoped3A_137 : memref<!tpu.dma_semaphore, #tpu.memory_space<semaphore_mem>>)
          %dma_wait3A = tpu.memref_slice %arg5[%run_scoped3A, %mul3A_130] : memref<2x320000xi32, #tpu.memory_space<hbm>> -> memref<1x128xi32, #tpu.memory_space<hbm>>
          %dma_wait3A_142 = tpu.memref_squeeze %dma_wait3A : memref<1x128xi32, #tpu.memory_space<hbm>> -> memref<128xi32, #tpu.memory_space<hbm>>
          %dma_wait3A_143 = tpu.memref_slice %arg5[%run_scoped3A, %mul3A_130] : memref<2x320000xi32, #tpu.memory_space<hbm>> -> memref<1x128xi32, #tpu.memory_space<hbm>>
          %dma_wait3A_144 = tpu.memref_squeeze %dma_wait3A_143 : memref<1x128xi32, #tpu.memory_space<hbm>> -> memref<128xi32, #tpu.memory_space<hbm>>
          tpu.wait_dma2 semaphore(%run_scoped3A_137 : memref<!tpu.dma_semaphore, #tpu.memory_space<semaphore_mem>>) src(%dma_wait3A_144 : memref<128xi32, #tpu.memory_space<hbm>>) dst(%arg8 : memref<128xi32, #tpu.memory_space<vmem>>)
          tpu.yield
        }) : () -> ()
        %run_scoped3A_131 = arith.constant 1 : i32
        "tpu.region"() ({
          %run_scoped3A_137 = tpu.sem_alloc : memref<!tpu.dma_semaphore, #tpu.memory_space<semaphore_mem>>
          %dma_start3A_138 = tpu.memref_slice %arg5[%run_scoped3A_131, %mul3A_130] : memref<2x320000xi32, #tpu.memory_space<hbm>> -> memref<1x128xi32, #tpu.memory_space<hbm>>
          %dma_start3A_139 = tpu.memref_squeeze %dma_start3A_138 : memref<1x128xi32, #tpu.memory_space<hbm>> -> memref<128xi32, #tpu.memory_space<hbm>>
          %dma_start3A_140 = tpu.memref_slice %arg5[%run_scoped3A_131, %mul3A_130] : memref<2x320000xi32, #tpu.memory_space<hbm>> -> memref<1x128xi32, #tpu.memory_space<hbm>>
          %dma_start3A_141 = tpu.memref_squeeze %dma_start3A_140 : memref<1x128xi32, #tpu.memory_space<hbm>> -> memref<128xi32, #tpu.memory_space<hbm>>
          tpu.enqueue_dma source(%dma_start3A_141 : memref<128xi32, #tpu.memory_space<hbm>>) target(%arg11 : memref<128xi32, #tpu.memory_space<vmem>>) target_semaphore(%run_scoped3A_137 : memref<!tpu.dma_semaphore, #tpu.memory_space<semaphore_mem>>)
          %dma_wait3A = tpu.memref_slice %arg5[%run_scoped3A_131, %mul3A_130] : memref<2x320000xi32, #tpu.memory_space<hbm>> -> memref<1x128xi32, #tpu.memory_space<hbm>>
          %dma_wait3A_142 = tpu.memref_squeeze %dma_wait3A : memref<1x128xi32, #tpu.memory_space<hbm>> -> memref<128xi32, #tpu.memory_space<hbm>>
          %dma_wait3A_143 = tpu.memref_slice %arg5[%run_scoped3A_131, %mul3A_130] : memref<2x320000xi32, #tpu.memory_space<hbm>> -> memref<1x128xi32, #tpu.memory_space<hbm>>
          %dma_wait3A_144 = tpu.memref_squeeze %dma_wait3A_143 : memref<1x128xi32, #tpu.memory_space<hbm>> -> memref<128xi32, #tpu.memory_space<hbm>>
          tpu.wait_dma2 semaphore(%run_scoped3A_137 : memref<!tpu.dma_semaphore, #tpu.memory_space<semaphore_mem>>) src(%dma_wait3A_144 : memref<128xi32, #tpu.memory_space<hbm>>) dst(%arg11 : memref<128xi32, #tpu.memory_space<vmem>>)
          tpu.yield
        }) : () -> ()
        %dma_start3A = arith.constant 0 : i32
        %dma_start3A_132 = arith.constant 0 : i32
        %dma_start3A_133 = tpu.memref_slice %arg2[%dma_start3A, %dma_start3A_132] : memref<10000x64xf32, #tpu.memory_space<hbm>> -> memref<10000x64xf32, #tpu.memory_space<hbm>>
        tpu.enqueue_indirect_dma source(%dma_start3A_133 : memref<10000x64xf32, #tpu.memory_space<hbm>>) target(%arg17 : memref<128x64xf32, #tpu.memory_space<vmem>>) offsets(%arg8 : memref<128xi32, #tpu.memory_space<vmem>>) semaphore(%arg29 : memref<!tpu.dma_semaphore, #tpu.memory_space<semaphore_mem>>)
        %dma_start3A_134 = arith.constant 0 : i32
        %dma_start3A_135 = arith.constant 0 : i32
        %dma_start3A_136 = tpu.memref_slice %arg3[%dma_start3A_134, %dma_start3A_135] : memref<10000x64xf32, #tpu.memory_space<hbm>> -> memref<10000x64xf32, #tpu.memory_space<hbm>>
        tpu.enqueue_indirect_dma source(%dma_start3A_136 : memref<10000x64xf32, #tpu.memory_space<hbm>>) target(%arg20 : memref<128x64xf32, #tpu.memory_space<vmem>>) offsets(%arg11 : memref<128xi32, #tpu.memory_space<vmem>>) semaphore(%arg30 : memref<!tpu.dma_semaphore, #tpu.memory_space<semaphore_mem>>)
      } else {
      }
      %lt3A_124 = arith.constant 2500 : i32
      %lt3A_125 = arith.cmpi slt, %add3A_101, %lt3A_124 : i32
      %convert_element_type3A_126 = arith.extui %lt3A_125 : i1 to i32
      %cond3A_127 = arith.constant 0 : i32
      %cond3A_128 = arith.cmpi ne, %convert_element_type3A_126, %cond3A_127 : i32
      scf.if %cond3A_128 {
        %get3A = arith.constant 0 : index
        %get3A_129 = tpu.vector_load %arg12[%get3A] {strides = array<i32>} : memref<128xi32, #tpu.memory_space<vmem>>, vector<16xi32>,
        %get3A_130 = vector.shape_cast %get3A_129 : vector<16xi32> to vector<16xi32>
        %swap3A = arith.constant 0 : index
        %swap3A_131 = tpu.vector_load %arg15[%swap3A] {strides = array<i32>} : memref<128xi32, #tpu.memory_space<vmem>>, vector<16xi32>,
        %swap3A_132 = vector.shape_cast %swap3A_131 : vector<16xi32> to vector<16xi32>
        %swap3A_133 = vector.shape_cast %get3A_130 : vector<16xi32> to vector<16xi32>
        tpu.vector_store %arg15[%swap3A], %swap3A_133 {strides = array<i32>} : memref<128xi32, #tpu.memory_space<vmem>>, vector<16xi32>,
        %get3A_134 = arith.constant 16 : index
        %get3A_135 = tpu.vector_load %arg12[%get3A_134] {strides = array<i32>} : memref<128xi32, #tpu.memory_space<vmem>>, vector<16xi32>,
        %get3A_136 = vector.shape_cast %get3A_135 : vector<16xi32> to vector<16xi32>
        %swap3A_137 = arith.constant 16 : index
        %swap3A_138 = tpu.vector_load %arg15[%swap3A_137] {strides = array<i32>} : memref<128xi32, #tpu.memory_space<vmem>>, vector<16xi32>,
        %swap3A_139 = vector.shape_cast %swap3A_138 : vector<16xi32> to vector<16xi32>
        %swap3A_140 = vector.shape_cast %get3A_136 : vector<16xi32> to vector<16xi32>
        tpu.vector_store %arg15[%swap3A_137], %swap3A_140 {strides = array<i32>} : memref<128xi32, #tpu.memory_space<vmem>>, vector<16xi32>,
        %get3A_141 = arith.constant 32 : index
        %get3A_142 = tpu.vector_load %arg12[%get3A_141] {strides = array<i32>} : memref<128xi32, #tpu.memory_space<vmem>>, vector<16xi32>,
        %get3A_143 = vector.shape_cast %get3A_142 : vector<16xi32> to vector<16xi32>
        %swap3A_144 = arith.constant 32 : index
        %swap3A_145 = tpu.vector_load %arg15[%swap3A_144] {strides = array<i32>} : memref<128xi32, #tpu.memory_space<vmem>>, vector<16xi32>,
        %swap3A_146 = vector.shape_cast %swap3A_145 : vector<16xi32> to vector<16xi32>
        %swap3A_147 = vector.shape_cast %get3A_143 : vector<16xi32> to vector<16xi32>
        tpu.vector_store %arg15[%swap3A_144], %swap3A_147 {strides = array<i32>} : memref<128xi32, #tpu.memory_space<vmem>>, vector<16xi32>,
        %get3A_148 = arith.constant 48 : index
        %get3A_149 = tpu.vector_load %arg12[%get3A_148] {strides = array<i32>} : memref<128xi32, #tpu.memory_space<vmem>>, vector<16xi32>,
        %get3A_150 = vector.shape_cast %get3A_149 : vector<16xi32> to vector<16xi32>
        %swap3A_151 = arith.constant 48 : index
        %swap3A_152 = tpu.vector_load %arg15[%swap3A_151] {strides = array<i32>} : memref<128xi32, #tpu.memory_space<vmem>>, vector<16xi32>,
        %swap3A_153 = vector.shape_cast %swap3A_152 : vector<16xi32> to vector<16xi32>
        %swap3A_154 = vector.shape_cast %get3A_150 : vector<16xi32> to vector<16xi32>
        tpu.vector_store %arg15[%swap3A_151], %swap3A_154 {strides = array<i32>} : memref<128xi32, #tpu.memory_space<vmem>>, vector<16xi32>,
        %get3A_155 = arith.constant 64 : index
        %get3A_156 = tpu.vector_load %arg12[%get3A_155] {strides = array<i32>} : memref<128xi32, #tpu.memory_space<vmem>>, vector<16xi32>,
        %get3A_157 = vector.shape_cast %get3A_156 : vector<16xi32> to vector<16xi32>
        %swap3A_158 = arith.constant 64 : index
        %swap3A_159 = tpu.vector_load %arg15[%swap3A_158] {strides = array<i32>} : memref<128xi32, #tpu.memory_space<vmem>>, vector<16xi32>,
        %swap3A_160 = vector.shape_cast %swap3A_159 : vector<16xi32> to vector<16xi32>
        %swap3A_161 = vector.shape_cast %get3A_157 : vector<16xi32> to vector<16xi32>
        tpu.vector_store %arg15[%swap3A_158], %swap3A_161 {strides = array<i32>} : memref<128xi32, #tpu.memory_space<vmem>>, vector<16xi32>,
        %get3A_162 = arith.constant 80 : index
        %get3A_163 = tpu.vector_load %arg12[%get3A_162] {strides = array<i32>} : memref<128xi32, #tpu.memory_space<vmem>>, vector<16xi32>,
        %get3A_164 = vector.shape_cast %get3A_163 : vector<16xi32> to vector<16xi32>
        %swap3A_165 = arith.constant 80 : index
        %swap3A_166 = tpu.vector_load %arg15[%swap3A_165] {strides = array<i32>} : memref<128xi32, #tpu.memory_space<vmem>>, vector<16xi32>,
        %swap3A_167 = vector.shape_cast %swap3A_166 : vector<16xi32> to vector<16xi32>
        %swap3A_168 = vector.shape_cast %get3A_164 : vector<16xi32> to vector<16xi32>
        tpu.vector_store %arg15[%swap3A_165], %swap3A_168 {strides = array<i32>} : memref<128xi32, #tpu.memory_space<vmem>>, vector<16xi32>,
        %get3A_169 = arith.constant 96 : index
        %get3A_170 = tpu.vector_load %arg12[%get3A_169] {strides = array<i32>} : memref<128xi32, #tpu.memory_space<vmem>>, vector<16xi32>,
        %get3A_171 = vector.shape_cast %get3A_170 : vector<16xi32> to vector<16xi32>
        %swap3A_172 = arith.constant 96 : index
        %swap3A_173 = tpu.vector_load %arg15[%swap3A_172] {strides = array<i32>} : memref<128xi32, #tpu.memory_space<vmem>>, vector<16xi32>,
        %swap3A_174 = vector.shape_cast %swap3A_173 : vector<16xi32> to vector<16xi32>
        %swap3A_175 = vector.shape_cast %get3A_171 : vector<16xi32> to vector<16xi32>
        tpu.vector_store %arg15[%swap3A_172], %swap3A_175 {strides = array<i32>} : memref<128xi32, #tpu.memory_space<vmem>>, vector<16xi32>,
        %get3A_176 = arith.constant 112 : index
        %get3A_177 = tpu.vector_load %arg12[%get3A_176] {strides = array<i32>} : memref<128xi32, #tpu.memory_space<vmem>>, vector<16xi32>,
        %get3A_178 = vector.shape_cast %get3A_177 : vector<16xi32> to vector<16xi32>
        %swap3A_179 = arith.constant 112 : index
        %swap3A_180 = tpu.vector_load %arg15[%swap3A_179] {strides = array<i32>} : memref<128xi32, #tpu.memory_space<vmem>>, vector<16xi32>,
        %swap3A_181 = vector.shape_cast %swap3A_180 : vector<16xi32> to vector<16xi32>
        %swap3A_182 = vector.shape_cast %get3A_178 : vector<16xi32> to vector<16xi32>
        tpu.vector_store %arg15[%swap3A_179], %swap3A_182 {strides = array<i32>} : memref<128xi32, #tpu.memory_space<vmem>>, vector<16xi32>,
        %get3A_183 = arith.constant 0 : index
        %get3A_184 = tpu.vector_load %arg25[%get3A_183] {strides = array<i32>} : memref<64xf32, #tpu.memory_space<vmem>>, vector<16xf32>,
        %get3A_185 = vector.shape_cast %get3A_184 : vector<16xf32> to vector<16xf32>
        %get3A_186 = arith.constant 16 : index
        %get3A_187 = tpu.vector_load %arg25[%get3A_186] {strides = array<i32>} : memref<64xf32, #tpu.memory_space<vmem>>, vector<16xf32>,
        %get3A_188 = vector.shape_cast %get3A_187 : vector<16xf32> to vector<16xf32>
        %get3A_189 = arith.constant 32 : index
        %get3A_190 = tpu.vector_load %arg25[%get3A_189] {strides = array<i32>} : memref<64xf32, #tpu.memory_space<vmem>>, vector<16xf32>,
        %get3A_191 = vector.shape_cast %get3A_190 : vector<16xf32> to vector<16xf32>
        %get3A_192 = arith.constant 48 : index
        %get3A_193 = tpu.vector_load %arg25[%get3A_192] {strides = array<i32>} : memref<64xf32, #tpu.memory_space<vmem>>, vector<16xf32>,
        %get3A_194 = vector.shape_cast %get3A_193 : vector<16xf32> to vector<16xf32>
        %iota3A = tpu.iota {dimensions = array<i32: 0>} : vector<16xi32>
        %lt3A_195 = arith.constant 8 : i32
        %lt3A_196 = vector.broadcast %lt3A_195 : i32 to vector<16xi32>
        %lt3A_197 = arith.cmpi slt, %iota3A, %lt3A_196 : vector<16xi32>
        %eq3A = arith.constant 8 : i32
        %eq3A_198 = vector.broadcast %eq3A : i32 to vector<16xi32>
        %eq3A_199 = arith.cmpi eq, %iota3A, %eq3A_198 : vector<16xi32>
        %xor3A = arith.constant 8 : i32
        %xor3A_200 = vector.broadcast %xor3A : i32 to vector<16xi32>
        %xor3A_201 = arith.xori %iota3A, %xor3A_200 : vector<16xi32>
        %parallel_loop3A = arith.constant 0 : i32
        %parallel_loop3A_202 = arith.constant 128 : i32
        %parallel_loop3A_203 = arith.constant 1 : i32
        scf.for %parallel_loop3A_206 = %parallel_loop3A to %parallel_loop3A_202 step %parallel_loop3A_203  : i32 {
          %parallel_loop3A_207 = arith.constant 0.000000e+00 : f32
          %parallel_loop3A_208 = vector.broadcast %parallel_loop3A_207 : f32 to vector<16xf32>
          %parallel_loop3A_209 = arith.index_cast %parallel_loop3A_206 : i32 to index
          %parallel_loop3A_210 = arith.constant 0 : index
          %parallel_loop3A_211 = tpu.vector_load %arg18[%parallel_loop3A_209, %parallel_loop3A_210] {strides = array<i32>} : memref<128x64xf32, #tpu.memory_space<vmem>>, vector<1x16xf32>,
          %parallel_loop3A_212 = vector.shape_cast %parallel_loop3A_211 : vector<1x16xf32> to vector<16xf32>
          %parallel_loop3A_213 = arith.index_cast %parallel_loop3A_206 : i32 to index
          %parallel_loop3A_214 = arith.constant 0 : index
          %parallel_loop3A_215 = tpu.vector_load %arg21[%parallel_loop3A_213, %parallel_loop3A_214] {strides = array<i32>} : memref<128x64xf32, #tpu.memory_space<vmem>>, vector<1x16xf32>,
          %parallel_loop3A_216 = vector.shape_cast %parallel_loop3A_215 : vector<1x16xf32> to vector<16xf32>
          %parallel_loop3A_217 = arith.addf %parallel_loop3A_212, %parallel_loop3A_216 : vector<16xf32>
          %parallel_loop3A_218 = arith.constant 0.000000e+00 : f32
          %parallel_loop3A_219 = vector.broadcast %parallel_loop3A_218 : f32 to vector<16xf32>
          %parallel_loop3A_220 = arith.cmpf oge, %parallel_loop3A_217, %parallel_loop3A_219 : vector<16xf32>
          %parallel_loop3A_221 = arith.constant 2.000000e-01 : f32
          %parallel_loop3A_222 = vector.broadcast %parallel_loop3A_221 : f32 to vector<16xf32>
          %parallel_loop3A_223 = arith.mulf %parallel_loop3A_217, %parallel_loop3A_222 : vector<16xf32>
          %parallel_loop3A_224 = arith.select %parallel_loop3A_220, %parallel_loop3A_217, %parallel_loop3A_223 : vector<16xi1>, vector<16xf32>
          %parallel_loop3A_225 = arith.mulf %parallel_loop3A_224, %get3A_185 : vector<16xf32>
          %parallel_loop3A_226 = arith.addf %parallel_loop3A_208, %parallel_loop3A_225 : vector<16xf32>
          %parallel_loop3A_227 = arith.index_cast %parallel_loop3A_206 : i32 to index
          %parallel_loop3A_228 = arith.constant 16 : index
          %parallel_loop3A_229 = tpu.vector_load %arg18[%parallel_loop3A_227, %parallel_loop3A_228] {strides = array<i32>} : memref<128x64xf32, #tpu.memory_space<vmem>>, vector<1x16xf32>,
          %parallel_loop3A_230 = vector.shape_cast %parallel_loop3A_229 : vector<1x16xf32> to vector<16xf32>
          %parallel_loop3A_231 = arith.index_cast %parallel_loop3A_206 : i32 to index
          %parallel_loop3A_232 = arith.constant 16 : index
          %parallel_loop3A_233 = tpu.vector_load %arg21[%parallel_loop3A_231, %parallel_loop3A_232] {strides = array<i32>} : memref<128x64xf32, #tpu.memory_space<vmem>>, vector<1x16xf32>,
          %parallel_loop3A_234 = vector.shape_cast %parallel_loop3A_233 : vector<1x16xf32> to vector<16xf32>
          %parallel_loop3A_235 = arith.addf %parallel_loop3A_230, %parallel_loop3A_234 : vector<16xf32>
          %parallel_loop3A_236 = arith.constant 0.000000e+00 : f32
          %parallel_loop3A_237 = vector.broadcast %parallel_loop3A_236 : f32 to vector<16xf32>
          %parallel_loop3A_238 = arith.cmpf oge, %parallel_loop3A_235, %parallel_loop3A_237 : vector<16xf32>
          %parallel_loop3A_239 = arith.constant 2.000000e-01 : f32
          %parallel_loop3A_240 = vector.broadcast %parallel_loop3A_239 : f32 to vector<16xf32>
          %parallel_loop3A_241 = arith.mulf %parallel_loop3A_235, %parallel_loop3A_240 : vector<16xf32>
          %parallel_loop3A_242 = arith.select %parallel_loop3A_238, %parallel_loop3A_235, %parallel_loop3A_241 : vector<16xi1>, vector<16xf32>
          %parallel_loop3A_243 = arith.mulf %parallel_loop3A_242, %get3A_188 : vector<16xf32>
          %parallel_loop3A_244 = arith.addf %parallel_loop3A_226, %parallel_loop3A_243 : vector<16xf32>
          %parallel_loop3A_245 = arith.index_cast %parallel_loop3A_206 : i32 to index
          %parallel_loop3A_246 = arith.constant 32 : index
          %parallel_loop3A_247 = tpu.vector_load %arg18[%parallel_loop3A_245, %parallel_loop3A_246] {strides = array<i32>} : memref<128x64xf32, #tpu.memory_space<vmem>>, vector<1x16xf32>,
          %parallel_loop3A_248 = vector.shape_cast %parallel_loop3A_247 : vector<1x16xf32> to vector<16xf32>
          %parallel_loop3A_249 = arith.index_cast %parallel_loop3A_206 : i32 to index
          %parallel_loop3A_250 = arith.constant 32 : index
          %parallel_loop3A_251 = tpu.vector_load %arg21[%parallel_loop3A_249, %parallel_loop3A_250] {strides = array<i32>} : memref<128x64xf32, #tpu.memory_space<vmem>>, vector<1x16xf32>,
          %parallel_loop3A_252 = vector.shape_cast %parallel_loop3A_251 : vector<1x16xf32> to vector<16xf32>
          %parallel_loop3A_253 = arith.addf %parallel_loop3A_248, %parallel_loop3A_252 : vector<16xf32>
          %parallel_loop3A_254 = arith.constant 0.000000e+00 : f32
          %parallel_loop3A_255 = vector.broadcast %parallel_loop3A_254 : f32 to vector<16xf32>
          %parallel_loop3A_256 = arith.cmpf oge, %parallel_loop3A_253, %parallel_loop3A_255 : vector<16xf32>
          %parallel_loop3A_257 = arith.constant 2.000000e-01 : f32
          %parallel_loop3A_258 = vector.broadcast %parallel_loop3A_257 : f32 to vector<16xf32>
          %parallel_loop3A_259 = arith.mulf %parallel_loop3A_253, %parallel_loop3A_258 : vector<16xf32>
          %parallel_loop3A_260 = arith.select %parallel_loop3A_256, %parallel_loop3A_253, %parallel_loop3A_259 : vector<16xi1>, vector<16xf32>
          %parallel_loop3A_261 = arith.mulf %parallel_loop3A_260, %get3A_191 : vector<16xf32>
          %parallel_loop3A_262 = arith.addf %parallel_loop3A_244, %parallel_loop3A_261 : vector<16xf32>
          %parallel_loop3A_263 = arith.index_cast %parallel_loop3A_206 : i32 to index
          %parallel_loop3A_264 = arith.constant 48 : index
          %parallel_loop3A_265 = tpu.vector_load %arg18[%parallel_loop3A_263, %parallel_loop3A_264] {strides = array<i32>} : memref<128x64xf32, #tpu.memory_space<vmem>>, vector<1x16xf32>,
          %parallel_loop3A_266 = vector.shape_cast %parallel_loop3A_265 : vector<1x16xf32> to vector<16xf32>
          %parallel_loop3A_267 = arith.index_cast %parallel_loop3A_206 : i32 to index
          %parallel_loop3A_268 = arith.constant 48 : index
          %parallel_loop3A_269 = tpu.vector_load %arg21[%parallel_loop3A_267, %parallel_loop3A_268] {strides = array<i32>} : memref<128x64xf32, #tpu.memory_space<vmem>>, vector<1x16xf32>,
          %parallel_loop3A_270 = vector.shape_cast %parallel_loop3A_269 : vector<1x16xf32> to vector<16xf32>
          %parallel_loop3A_271 = arith.addf %parallel_loop3A_266, %parallel_loop3A_270 : vector<16xf32>
          %parallel_loop3A_272 = arith.constant 0.000000e+00 : f32
          %parallel_loop3A_273 = vector.broadcast %parallel_loop3A_272 : f32 to vector<16xf32>
          %parallel_loop3A_274 = arith.cmpf oge, %parallel_loop3A_271, %parallel_loop3A_273 : vector<16xf32>
          %parallel_loop3A_275 = arith.constant 2.000000e-01 : f32
          %parallel_loop3A_276 = vector.broadcast %parallel_loop3A_275 : f32 to vector<16xf32>
          %parallel_loop3A_277 = arith.mulf %parallel_loop3A_271, %parallel_loop3A_276 : vector<16xf32>
          %parallel_loop3A_278 = arith.select %parallel_loop3A_274, %parallel_loop3A_271, %parallel_loop3A_277 : vector<16xi1>, vector<16xf32>
          %parallel_loop3A_279 = arith.mulf %parallel_loop3A_278, %get3A_194 : vector<16xf32>
          %parallel_loop3A_280 = arith.addf %parallel_loop3A_262, %parallel_loop3A_279 : vector<16xf32>
          %parallel_loop3A_281 = tpu.iota {dimensions = array<i32: 0>} : vector<16xi32>
          %parallel_loop3A_282 = arith.constant 1 : i32
          %parallel_loop3A_283 = vector.broadcast %parallel_loop3A_282 : i32 to vector<16xi32>
          %parallel_loop3A_284 = arith.xori %parallel_loop3A_281, %parallel_loop3A_283 : vector<16xi32>
          %parallel_loop3A_285 = vector.shape_cast %parallel_loop3A_284 : vector<16xi32> to vector<16x1xi32>
          %parallel_loop3A_286 = vector.shape_cast %parallel_loop3A_285 : vector<16x1xi32> to vector<16xi32>
          %parallel_loop3A_287 = tpu.dynamic_gather %parallel_loop3A_280[%parallel_loop3A_286] in [0] : vector<16xf32>, vector<16xi32> -> vector<16xf32>
          %parallel_loop3A_288 = arith.addf %parallel_loop3A_280, %parallel_loop3A_287 : vector<16xf32>
          %parallel_loop3A_289 = arith.constant 2 : i32
          %parallel_loop3A_290 = vector.broadcast %parallel_loop3A_289 : i32 to vector<16xi32>
          %parallel_loop3A_291 = arith.xori %parallel_loop3A_281, %parallel_loop3A_290 : vector<16xi32>
          %parallel_loop3A_292 = vector.shape_cast %parallel_loop3A_291 : vector<16xi32> to vector<16x1xi32>
          %parallel_loop3A_293 = vector.shape_cast %parallel_loop3A_292 : vector<16x1xi32> to vector<16xi32>
          %parallel_loop3A_294 = tpu.dynamic_gather %parallel_loop3A_288[%parallel_loop3A_293] in [0] : vector<16xf32>, vector<16xi32> -> vector<16xf32>
          %parallel_loop3A_295 = arith.addf %parallel_loop3A_288, %parallel_loop3A_294 : vector<16xf32>
          %parallel_loop3A_296 = arith.constant 4 : i32
          %parallel_loop3A_297 = vector.broadcast %parallel_loop3A_296 : i32 to vector<16xi32>
          %parallel_loop3A_298 = arith.xori %parallel_loop3A_281, %parallel_loop3A_297 : vector<16xi32>
          %parallel_loop3A_299 = vector.shape_cast %parallel_loop3A_298 : vector<16xi32> to vector<16x1xi32>
          %parallel_loop3A_300 = vector.shape_cast %parallel_loop3A_299 : vector<16x1xi32> to vector<16xi32>
          %parallel_loop3A_301 = tpu.dynamic_gather %parallel_loop3A_295[%parallel_loop3A_300] in [0] : vector<16xf32>, vector<16xi32> -> vector<16xf32>
          %parallel_loop3A_302 = arith.addf %parallel_loop3A_295, %parallel_loop3A_301 : vector<16xf32>
          %parallel_loop3A_303 = arith.constant 8 : i32
          %parallel_loop3A_304 = vector.broadcast %parallel_loop3A_303 : i32 to vector<16xi32>
          %parallel_loop3A_305 = arith.xori %parallel_loop3A_281, %parallel_loop3A_304 : vector<16xi32>
          %parallel_loop3A_306 = vector.shape_cast %parallel_loop3A_305 : vector<16xi32> to vector<16x1xi32>
          %parallel_loop3A_307 = vector.shape_cast %parallel_loop3A_306 : vector<16x1xi32> to vector<16xi32>
          %parallel_loop3A_308 = tpu.dynamic_gather %parallel_loop3A_302[%parallel_loop3A_307] in [0] : vector<16xf32>, vector<16xi32> -> vector<16xf32>
          %parallel_loop3A_309 = arith.addf %parallel_loop3A_302, %parallel_loop3A_308 : vector<16xf32>
          %parallel_loop3A_310 = math.exp %parallel_loop3A_309 : vector<16xf32>
          %parallel_loop3A_311 = arith.mulf %parallel_loop3A_310, %parallel_loop3A_212 : vector<16xf32>
          %parallel_loop3A_312 = arith.index_cast %parallel_loop3A_206 : i32 to index
          %parallel_loop3A_313 = arith.constant 0 : index
          %parallel_loop3A_314 = tpu.vector_load %arg24[%parallel_loop3A_312, %parallel_loop3A_313] {strides = array<i32>} : memref<128x72xf32, #tpu.memory_space<vmem>>, vector<1x16xf32>,
          %parallel_loop3A_315 = vector.shape_cast %parallel_loop3A_314 : vector<1x16xf32> to vector<16xf32>
          %parallel_loop3A_316 = vector.shape_cast %parallel_loop3A_311 : vector<16xf32> to vector<1x16xf32>
          tpu.vector_store %arg24[%parallel_loop3A_312, %parallel_loop3A_313], %parallel_loop3A_316 {strides = array<i32>} : memref<128x72xf32, #tpu.memory_space<vmem>>, vector<1x16xf32>,
          %parallel_loop3A_317 = arith.mulf %parallel_loop3A_310, %parallel_loop3A_230 : vector<16xf32>
          %parallel_loop3A_318 = arith.index_cast %parallel_loop3A_206 : i32 to index
          %parallel_loop3A_319 = arith.constant 16 : index
          %parallel_loop3A_320 = tpu.vector_load %arg24[%parallel_loop3A_318, %parallel_loop3A_319] {strides = array<i32>} : memref<128x72xf32, #tpu.memory_space<vmem>>, vector<1x16xf32>,
          %parallel_loop3A_321 = vector.shape_cast %parallel_loop3A_320 : vector<1x16xf32> to vector<16xf32>
          %parallel_loop3A_322 = vector.shape_cast %parallel_loop3A_317 : vector<16xf32> to vector<1x16xf32>
          tpu.vector_store %arg24[%parallel_loop3A_318, %parallel_loop3A_319], %parallel_loop3A_322 {strides = array<i32>} : memref<128x72xf32, #tpu.memory_space<vmem>>, vector<1x16xf32>,
          %parallel_loop3A_323 = arith.mulf %parallel_loop3A_310, %parallel_loop3A_248 : vector<16xf32>
          %parallel_loop3A_324 = arith.index_cast %parallel_loop3A_206 : i32 to index
          %parallel_loop3A_325 = arith.constant 32 : index
          %parallel_loop3A_326 = tpu.vector_load %arg24[%parallel_loop3A_324, %parallel_loop3A_325] {strides = array<i32>} : memref<128x72xf32, #tpu.memory_space<vmem>>, vector<1x16xf32>,
          %parallel_loop3A_327 = vector.shape_cast %parallel_loop3A_326 : vector<1x16xf32> to vector<16xf32>
          %parallel_loop3A_328 = vector.shape_cast %parallel_loop3A_323 : vector<16xf32> to vector<1x16xf32>
          tpu.vector_store %arg24[%parallel_loop3A_324, %parallel_loop3A_325], %parallel_loop3A_328 {strides = array<i32>} : memref<128x72xf32, #tpu.memory_space<vmem>>, vector<1x16xf32>,
          %parallel_loop3A_329 = arith.mulf %parallel_loop3A_310, %parallel_loop3A_266 : vector<16xf32>
          %parallel_loop3A_330 = arith.index_cast %parallel_loop3A_206 : i32 to index
          %parallel_loop3A_331 = arith.constant 48 : index
          %parallel_loop3A_332 = tpu.vector_load %arg24[%parallel_loop3A_330, %parallel_loop3A_331] {strides = array<i32>} : memref<128x72xf32, #tpu.memory_space<vmem>>, vector<1x16xf32>,
          %parallel_loop3A_333 = vector.shape_cast %parallel_loop3A_332 : vector<1x16xf32> to vector<16xf32>
          %parallel_loop3A_334 = vector.shape_cast %parallel_loop3A_329 : vector<16xf32> to vector<1x16xf32>
          tpu.vector_store %arg24[%parallel_loop3A_330, %parallel_loop3A_331], %parallel_loop3A_334 {strides = array<i32>} : memref<128x72xf32, #tpu.memory_space<vmem>>, vector<1x16xf32>,
          %parallel_loop3A_335 = vector.shape_cast %xor3A_201 : vector<16xi32> to vector<16x1xi32>
          %parallel_loop3A_336 = vector.shape_cast %parallel_loop3A_335 : vector<16x1xi32> to vector<16xi32>
          %parallel_loop3A_337 = tpu.dynamic_gather %parallel_loop3A_329[%parallel_loop3A_336] in [0] : vector<16xf32>, vector<16xi32> -> vector<16xf32>
          %parallel_loop3A_338 = arith.constant 0.000000e+00 : f32
          %parallel_loop3A_339 = vector.broadcast %parallel_loop3A_338 : f32 to vector<16xf32>
          %parallel_loop3A_340 = arith.select %eq3A_199, %parallel_loop3A_310, %parallel_loop3A_339 : vector<16xi1>, vector<16xf32>
          %parallel_loop3A_341 = arith.select %lt3A_197, %parallel_loop3A_337, %parallel_loop3A_340 : vector<16xi1>, vector<16xf32>
          %parallel_loop3A_342 = arith.index_cast %parallel_loop3A_206 : i32 to index
          %parallel_loop3A_343 = arith.constant 56 : index
          %parallel_loop3A_344 = tpu.vector_load %arg24[%parallel_loop3A_342, %parallel_loop3A_343] {strides = array<i32>} : memref<128x72xf32, #tpu.memory_space<vmem>>, vector<1x16xf32>,
          %parallel_loop3A_345 = vector.shape_cast %parallel_loop3A_344 : vector<1x16xf32> to vector<16xf32>
          %parallel_loop3A_346 = vector.shape_cast %parallel_loop3A_341 : vector<16xf32> to vector<1x16xf32>
          tpu.vector_store %arg24[%parallel_loop3A_342, %parallel_loop3A_343], %parallel_loop3A_346 {strides = array<i32>} : memref<128x72xf32, #tpu.memory_space<vmem>>, vector<1x16xf32>,
        } {sc.loop_unroll_factor = 4 : i64, sc.parallel_access}
        %dma_start3A = arith.constant 0 : i32
        %dma_start3A_204 = arith.constant 0 : i32
        %dma_start3A_205 = tpu.memref_slice %arg26[%dma_start3A, %dma_start3A_204] : memref<10240x72xf32, #tpu.memory_space<vmem_shared>> -> memref<10240x72xf32, #tpu.memory_space<vmem_shared>>
        tpu.enqueue_indirect_dma source(%arg24 : memref<128x72xf32, #tpu.memory_space<vmem>>) target(%dma_start3A_205 : memref<10240x72xf32, #tpu.memory_space<vmem_shared>>) offsets(%arg15 : memref<128xi32, #tpu.memory_space<vmem>>) semaphore(%arg35 : memref<!tpu.dma_semaphore, #tpu.memory_space<semaphore_mem>>) {add = true}
      } else {
      }
    }
    %scan3A_23 = arith.constant 28 : i32
    %barrier3A_24 = arith.constant 0 : index
    tpu.barrier barrier_id(%barrier3A_24)
    %mul3A_25 = arith.constant 640 : i32
    %mul3A_26 = arith.muli %arg1, %mul3A_25 : i32
    %mul3A_27 = arith.constant 640 : i32
    %mul3A_28 = arith.muli %arg1, %mul3A_27 : i32
    "tpu.region"() ({
      %run_scoped3A = tpu.sem_alloc : memref<!tpu.dma_semaphore, #tpu.memory_space<semaphore_mem>>
      %dma_start3A = arith.constant 0 : i32
      %dma_start3A_29 = tpu.memref_slice %arg6[%arg0, %mul3A_28, %dma_start3A] : memref<2x10240x72xf32, #tpu.memory_space<hbm>> -> memref<1x640x72xf32, #tpu.memory_space<hbm>>
      %dma_start3A_30 = tpu.memref_squeeze %dma_start3A_29 : memref<1x640x72xf32, #tpu.memory_space<hbm>> -> memref<640x72xf32, #tpu.memory_space<hbm>>
      %dma_start3A_31 = arith.constant 0 : i32
      %dma_start3A_32 = tpu.memref_slice %arg26[%mul3A_26, %dma_start3A_31] : memref<10240x72xf32, #tpu.memory_space<vmem_shared>> -> memref<640x72xf32, #tpu.memory_space<vmem_shared>>
      tpu.enqueue_dma source(%dma_start3A_32 : memref<640x72xf32, #tpu.memory_space<vmem_shared>>) target(%dma_start3A_30 : memref<640x72xf32, #tpu.memory_space<hbm>>) target_semaphore(%run_scoped3A : memref<!tpu.dma_semaphore, #tpu.memory_space<semaphore_mem>>)
      %dma_wait3A = arith.constant 0 : i32
      %dma_wait3A_33 = tpu.memref_slice %arg6[%arg0, %mul3A_28, %dma_wait3A] : memref<2x10240x72xf32, #tpu.memory_space<hbm>> -> memref<1x640x72xf32, #tpu.memory_space<hbm>>
      %dma_wait3A_34 = tpu.memref_squeeze %dma_wait3A_33 : memref<1x640x72xf32, #tpu.memory_space<hbm>> -> memref<640x72xf32, #tpu.memory_space<hbm>>
      %dma_wait3A_35 = arith.constant 0 : i32
      %dma_wait3A_36 = tpu.memref_slice %arg26[%mul3A_26, %dma_wait3A_35] : memref<10240x72xf32, #tpu.memory_space<vmem_shared>> -> memref<640x72xf32, #tpu.memory_space<vmem_shared>>
      tpu.wait_dma2 semaphore(%run_scoped3A : memref<!tpu.dma_semaphore, #tpu.memory_space<semaphore_mem>>) src(%dma_wait3A_36 : memref<640x72xf32, #tpu.memory_space<vmem_shared>>) dst(%dma_wait3A_34 : memref<640x72xf32, #tpu.memory_space<hbm>>)
      tpu.yield
    }) : () -> ()
    return
  }
}

#map = affine_map<(d0, d1) -> (0, 0)>
#map1 = affine_map<(d0, d1) -> (0)>
#map2 = affine_map<(d0, d1) -> (0, 0, 0)>
module attributes {stable_mosaic.version = 14 : i64} {
  func.func @k(%arg0: i32, %arg1: i32, %arg2: memref<10000x64xf32, #tpu.memory_space<hbm>>, %arg3: memref<10000x64xf32, #tpu.memory_space<hbm>>, %arg4: memref<64xf32, #tpu.memory_space<hbm>>, %arg5: memref<2x320000xi32, #tpu.memory_space<hbm>>, %arg6: memref<2x10240x72xf32, #tpu.memory_space<hbm>>, %arg7: memref<128xi32, #tpu.memory_space<vmem>>, %arg8: memref<128xi32, #tpu.memory_space<vmem>>, %arg9: memref<128xi32, #tpu.memory_space<vmem>>, %arg10: memref<128xi32, #tpu.memory_space<vmem>>, %arg11: memref<128xi32, #tpu.memory_space<vmem>>, %arg12: memref<128xi32, #tpu.memory_space<vmem>>, %arg13: memref<128xi32, #tpu.memory_space<vmem>>, %arg14: memref<128xi32, #tpu.memory_space<vmem>>, %arg15: memref<128xi32, #tpu.memory_space<vmem>>, %arg16: memref<128x64xf32, #tpu.memory_space<vmem>>, %arg17: memref<128x64xf32, #tpu.memory_space<vmem>>, %arg18: memref<128x64xf32, #tpu.memory_space<vmem>>, %arg19: memref<128x64xf32, #tpu.memory_space<vmem>>, %arg20: memref<128x64xf32, #tpu.memory_space<vmem>>, %arg21: memref<128x64xf32, #tpu.memory_space<vmem>>, %arg22: memref<128x72xf32, #tpu.memory_space<vmem>>, %arg23: memref<128x72xf32, #tpu.memory_space<vmem>>, %arg24: memref<128x72xf32, #tpu.memory_space<vmem>>, %arg25: memref<64xf32, #tpu.memory_space<vmem>>, %arg26: memref<10240x72xf32, #tpu.memory_space<vmem_shared>>, %arg27: memref<!tpu.dma_semaphore, #tpu.memory_space<semaphore_mem>>, %arg28: memref<!tpu.dma_semaphore, #tpu.memory_space<semaphore_mem>>, %arg29: memref<!tpu.dma_semaphore, #tpu.memory_space<semaphore_mem>>, %arg30: memref<!tpu.dma_semaphore, #tpu.memory_space<semaphore_mem>>, %arg31: memref<!tpu.dma_semaphore, #tpu.memory_space<semaphore_mem>>, %arg32: memref<!tpu.dma_semaphore, #tpu.memory_space<semaphore_mem>>, %arg33: memref<!tpu.dma_semaphore, #tpu.memory_space<semaphore_mem>>, %arg34: memref<!tpu.dma_semaphore, #tpu.memory_space<semaphore_mem>>, %arg35: memref<!tpu.dma_semaphore, #tpu.memory_space<semaphore_mem>>) attributes {dimension_semantics = [#tpu.dimension_semantics<core_parallel>, #tpu.dimension_semantics<subcore_parallel>], iteration_bounds = array<i64: 2, 16>, scalar_prefetch = 0 : i64, scratch_operands = 29 : i64, tpu.core_type = #tpu.core_type<sc_vector_subcore>, window_params = [{transform_indices = #map}, {transform_indices = #map}, {transform_indices = #map1}, {transform_indices = #map}, {transform_indices = #map2}]} {
    %mul3A = arith.constant 2 : i32
    %mul3A_0 = arith.muli %arg1, %mul3A : i32
    %add3A = arith.addi %mul3A_0, %arg0 : i32
    "tpu.region"() ({
      %run_scoped3A = tpu.sem_alloc : memref<!tpu.dma_semaphore, #tpu.memory_space<semaphore_mem>>
      tpu.enqueue_dma source(%arg4 : memref<64xf32, #tpu.memory_space<hbm>>) target(%arg25 : memref<64xf32, #tpu.memory_space<vmem>>) target_semaphore(%run_scoped3A : memref<!tpu.dma_semaphore, #tpu.memory_space<semaphore_mem>>)
      tpu.wait_dma2 semaphore(%run_scoped3A : memref<!tpu.dma_semaphore, #tpu.memory_space<semaphore_mem>>) src(%arg4 : memref<64xf32, #tpu.memory_space<hbm>>) dst(%arg25 : memref<64xf32, #tpu.memory_space<vmem>>)
      tpu.yield
    }) : () -> ()
    %lt3A = arith.constant 2500 : i32
    %lt3A_1 = arith.cmpi slt, %add3A, %lt3A : i32
    %convert_element_type3A = arith.extui %lt3A_1 : i1 to i32
    %cond3A = arith.constant 0 : i32
    %cond3A_2 = arith.cmpi ne, %convert_element_type3A, %cond3A : i32
    scf.if %cond3A_2 {
      %mul3A_29 = arith.constant 128 : i32
      %mul3A_30 = arith.muli %add3A, %mul3A_29 : i32
      %run_scoped3A = arith.constant 0 : i32
      "tpu.region"() ({
        %run_scoped3A_37 = tpu.sem_alloc : memref<!tpu.dma_semaphore, #tpu.memory_space<semaphore_mem>>
        %dma_start3A_38 = tpu.memref_slice %arg5[%run_scoped3A, %mul3A_30] : memref<2x320000xi32, #tpu.memory_space<hbm>> -> memref<1x128xi32, #tpu.memory_space<hbm>>
        %dma_start3A_39 = tpu.memref_squeeze %dma_start3A_38 : memref<1x128xi32, #tpu.memory_space<hbm>> -> memref<128xi32, #tpu.memory_space<hbm>>
        %dma_start3A_40 = tpu.memref_slice %arg5[%run_scoped3A, %mul3A_30] : memref<2x320000xi32, #tpu.memory_space<hbm>> -> memref<1x128xi32, #tpu.memory_space<hbm>>
        %dma_start3A_41 = tpu.memref_squeeze %dma_start3A_40 : memref<1x128xi32, #tpu.memory_space<hbm>> -> memref<128xi32, #tpu.memory_space<hbm>>
        tpu.enqueue_dma source(%dma_start3A_41 : memref<128xi32, #tpu.memory_space<hbm>>) target(%arg7 : memref<128xi32, #tpu.memory_space<vmem>>) target_semaphore(%run_scoped3A_37 : memref<!tpu.dma_semaphore, #tpu.memory_space<semaphore_mem>>)
        %dma_wait3A = tpu.memref_slice %arg5[%run_scoped3A, %mul3A_30] : memref<2x320000xi32, #tpu.memory_space<hbm>> -> memref<1x128xi32, #tpu.memory_space<hbm>>
        %dma_wait3A_42 = tpu.memref_squeeze %dma_wait3A : memref<1x128xi32, #tpu.memory_space<hbm>> -> memref<128xi32, #tpu.memory_space<hbm>>
        %dma_wait3A_43 = tpu.memref_slice %arg5[%run_scoped3A, %mul3A_30] : memref<2x320000xi32, #tpu.memory_space<hbm>> -> memref<1x128xi32, #tpu.memory_space<hbm>>
        %dma_wait3A_44 = tpu.memref_squeeze %dma_wait3A_43 : memref<1x128xi32, #tpu.memory_space<hbm>> -> memref<128xi32, #tpu.memory_space<hbm>>
        tpu.wait_dma2 semaphore(%run_scoped3A_37 : memref<!tpu.dma_semaphore, #tpu.memory_space<semaphore_mem>>) src(%dma_wait3A_44 : memref<128xi32, #tpu.memory_space<hbm>>) dst(%arg7 : memref<128xi32, #tpu.memory_space<vmem>>)
        tpu.yield
      }) : () -> ()
      %run_scoped3A_31 = arith.constant 1 : i32
      "tpu.region"() ({
        %run_scoped3A_37 = tpu.sem_alloc : memref<!tpu.dma_semaphore, #tpu.memory_space<semaphore_mem>>
        %dma_start3A_38 = tpu.memref_slice %arg5[%run_scoped3A_31, %mul3A_30] : memref<2x320000xi32, #tpu.memory_space<hbm>> -> memref<1x128xi32, #tpu.memory_space<hbm>>
        %dma_start3A_39 = tpu.memref_squeeze %dma_start3A_38 : memref<1x128xi32, #tpu.memory_space<hbm>> -> memref<128xi32, #tpu.memory_space<hbm>>
        %dma_start3A_40 = tpu.memref_slice %arg5[%run_scoped3A_31, %mul3A_30] : memref<2x320000xi32, #tpu.memory_space<hbm>> -> memref<1x128xi32, #tpu.memory_space<hbm>>
        %dma_start3A_41 = tpu.memref_squeeze %dma_start3A_40 : memref<1x128xi32, #tpu.memory_space<hbm>> -> memref<128xi32, #tpu.memory_space<hbm>>
        tpu.enqueue_dma source(%dma_start3A_41 : memref<128xi32, #tpu.memory_space<hbm>>) target(%arg10 : memref<128xi32, #tpu.memory_space<vmem>>) target_semaphore(%run_scoped3A_37 : memref<!tpu.dma_semaphore, #tpu.memory_space<semaphore_mem>>)
        %dma_wait3A = tpu.memref_slice %arg5[%run_scoped3A_31, %mul3A_30] : memref<2x320000xi32, #tpu.memory_space<hbm>> -> memref<1x128xi32, #tpu.memory_space<hbm>>
        %dma_wait3A_42 = tpu.memref_squeeze %dma_wait3A : memref<1x128xi32, #tpu.memory_space<hbm>> -> memref<128xi32, #tpu.memory_space<hbm>>
        %dma_wait3A_43 = tpu.memref_slice %arg5[%run_scoped3A_31, %mul3A_30] : memref<2x320000xi32, #tpu.memory_space<hbm>> -> memref<1x128xi32, #tpu.memory_space<hbm>>
        %dma_wait3A_44 = tpu.memref_squeeze %dma_wait3A_43 : memref<1x128xi32, #tpu.memory_space<hbm>> -> memref<128xi32, #tpu.memory_space<hbm>>
        tpu.wait_dma2 semaphore(%run_scoped3A_37 : memref<!tpu.dma_semaphore, #tpu.memory_space<semaphore_mem>>) src(%dma_wait3A_44 : memref<128xi32, #tpu.memory_space<hbm>>) dst(%arg10 : memref<128xi32, #tpu.memory_space<vmem>>)
        tpu.yield
      }) : () -> ()
      %dma_start3A = arith.constant 0 : i32
      %dma_start3A_32 = arith.constant 0 : i32
      %dma_start3A_33 = tpu.memref_slice %arg2[%dma_start3A, %dma_start3A_32] : memref<10000x64xf32, #tpu.memory_space<hbm>> -> memref<10000x64xf32, #tpu.memory_space<hbm>>
      tpu.enqueue_indirect_dma source(%dma_start3A_33 : memref<10000x64xf32, #tpu.memory_space<hbm>>) target(%arg16 : memref<128x64xf32, #tpu.memory_space<vmem>>) offsets(%arg7 : memref<128xi32, #tpu.memory_space<vmem>>) semaphore(%arg27 : memref<!tpu.dma_semaphore, #tpu.memory_space<semaphore_mem>>)
      %dma_start3A_34 = arith.constant 0 : i32
      %dma_start3A_35 = arith.constant 0 : i32
      %dma_start3A_36 = tpu.memref_slice %arg3[%dma_start3A_34, %dma_start3A_35] : memref<10000x64xf32, #tpu.memory_space<hbm>> -> memref<10000x64xf32, #tpu.memory_space<hbm>>
      tpu.enqueue_indirect_dma source(%dma_start3A_36 : memref<10000x64xf32, #tpu.memory_space<hbm>>) target(%arg19 : memref<128x64xf32, #tpu.memory_space<vmem>>) offsets(%arg10 : memref<128xi32, #tpu.memory_space<vmem>>) semaphore(%arg28 : memref<!tpu.dma_semaphore, #tpu.memory_space<semaphore_mem>>)
    } else {
    }
    %add3A_3 = arith.constant 32 : i32
    %add3A_4 = arith.addi %add3A, %add3A_3 : i32
    %lt3A_5 = arith.constant 2500 : i32
    %lt3A_6 = arith.cmpi slt, %add3A_4, %lt3A_5 : i32
    %convert_element_type3A_7 = arith.extui %lt3A_6 : i1 to i32
    %cond3A_8 = arith.constant 0 : i32
    %cond3A_9 = arith.cmpi ne, %convert_element_type3A_7, %cond3A_8 : i32
    scf.if %cond3A_9 {
      %mul3A_29 = arith.constant 128 : i32
      %mul3A_30 = arith.muli %add3A_4, %mul3A_29 : i32
      %run_scoped3A = arith.constant 0 : i32
      "tpu.region"() ({
        %run_scoped3A_37 = tpu.sem_alloc : memref<!tpu.dma_semaphore, #tpu.memory_space<semaphore_mem>>
        %dma_start3A_38 = tpu.memref_slice %arg5[%run_scoped3A, %mul3A_30] : memref<2x320000xi32, #tpu.memory_space<hbm>> -> memref<1x128xi32, #tpu.memory_space<hbm>>
        %dma_start3A_39 = tpu.memref_squeeze %dma_start3A_38 : memref<1x128xi32, #tpu.memory_space<hbm>> -> memref<128xi32, #tpu.memory_space<hbm>>
        %dma_start3A_40 = tpu.memref_slice %arg5[%run_scoped3A, %mul3A_30] : memref<2x320000xi32, #tpu.memory_space<hbm>> -> memref<1x128xi32, #tpu.memory_space<hbm>>
        %dma_start3A_41 = tpu.memref_squeeze %dma_start3A_40 : memref<1x128xi32, #tpu.memory_space<hbm>> -> memref<128xi32, #tpu.memory_space<hbm>>
        tpu.enqueue_dma source(%dma_start3A_41 : memref<128xi32, #tpu.memory_space<hbm>>) target(%arg8 : memref<128xi32, #tpu.memory_space<vmem>>) target_semaphore(%run_scoped3A_37 : memref<!tpu.dma_semaphore, #tpu.memory_space<semaphore_mem>>)
        %dma_wait3A = tpu.memref_slice %arg5[%run_scoped3A, %mul3A_30] : memref<2x320000xi32, #tpu.memory_space<hbm>> -> memref<1x128xi32, #tpu.memory_space<hbm>>
        %dma_wait3A_42 = tpu.memref_squeeze %dma_wait3A : memref<1x128xi32, #tpu.memory_space<hbm>> -> memref<128xi32, #tpu.memory_space<hbm>>
        %dma_wait3A_43 = tpu.memref_slice %arg5[%run_scoped3A, %mul3A_30] : memref<2x320000xi32, #tpu.memory_space<hbm>> -> memref<1x128xi32, #tpu.memory_space<hbm>>
        %dma_wait3A_44 = tpu.memref_squeeze %dma_wait3A_43 : memref<1x128xi32, #tpu.memory_space<hbm>> -> memref<128xi32, #tpu.memory_space<hbm>>
        tpu.wait_dma2 semaphore(%run_scoped3A_37 : memref<!tpu.dma_semaphore, #tpu.memory_space<semaphore_mem>>) src(%dma_wait3A_44 : memref<128xi32, #tpu.memory_space<hbm>>) dst(%arg8 : memref<128xi32, #tpu.memory_space<vmem>>)
        tpu.yield
      }) : () -> ()
      %run_scoped3A_31 = arith.constant 1 : i32
      "tpu.region"() ({
        %run_scoped3A_37 = tpu.sem_alloc : memref<!tpu.dma_semaphore, #tpu.memory_space<semaphore_mem>>
        %dma_start3A_38 = tpu.memref_slice %arg5[%run_scoped3A_31, %mul3A_30] : memref<2x320000xi32, #tpu.memory_space<hbm>> -> memref<1x128xi32, #tpu.memory_space<hbm>>
        %dma_start3A_39 = tpu.memref_squeeze %dma_start3A_38 : memref<1x128xi32, #tpu.memory_space<hbm>> -> memref<128xi32, #tpu.memory_space<hbm>>
        %dma_start3A_40 = tpu.memref_slice %arg5[%run_scoped3A_31, %mul3A_30] : memref<2x320000xi32, #tpu.memory_space<hbm>> -> memref<1x128xi32, #tpu.memory_space<hbm>>
        %dma_start3A_41 = tpu.memref_squeeze %dma_start3A_40 : memref<1x128xi32, #tpu.memory_space<hbm>> -> memref<128xi32, #tpu.memory_space<hbm>>
        tpu.enqueue_dma source(%dma_start3A_41 : memref<128xi32, #tpu.memory_space<hbm>>) target(%arg11 : memref<128xi32, #tpu.memory_space<vmem>>) target_semaphore(%run_scoped3A_37 : memref<!tpu.dma_semaphore, #tpu.memory_space<semaphore_mem>>)
        %dma_wait3A = tpu.memref_slice %arg5[%run_scoped3A_31, %mul3A_30] : memref<2x320000xi32, #tpu.memory_space<hbm>> -> memref<1x128xi32, #tpu.memory_space<hbm>>
        %dma_wait3A_42 = tpu.memref_squeeze %dma_wait3A : memref<1x128xi32, #tpu.memory_space<hbm>> -> memref<128xi32, #tpu.memory_space<hbm>>
        %dma_wait3A_43 = tpu.memref_slice %arg5[%run_scoped3A_31, %mul3A_30] : memref<2x320000xi32, #tpu.memory_space<hbm>> -> memref<1x128xi32, #tpu.memory_space<hbm>>
        %dma_wait3A_44 = tpu.memref_squeeze %dma_wait3A_43 : memref<1x128xi32, #tpu.memory_space<hbm>> -> memref<128xi32, #tpu.memory_space<hbm>>
        tpu.wait_dma2 semaphore(%run_scoped3A_37 : memref<!tpu.dma_semaphore, #tpu.memory_space<semaphore_mem>>) src(%dma_wait3A_44 : memref<128xi32, #tpu.memory_space<hbm>>) dst(%arg11 : memref<128xi32, #tpu.memory_space<vmem>>)
        tpu.yield
      }) : () -> ()
      %dma_start3A = arith.constant 0 : i32
      %dma_start3A_32 = arith.constant 0 : i32
      %dma_start3A_33 = tpu.memref_slice %arg2[%dma_start3A, %dma_start3A_32] : memref<10000x64xf32, #tpu.memory_space<hbm>> -> memref<10000x64xf32, #tpu.memory_space<hbm>>
      tpu.enqueue_indirect_dma source(%dma_start3A_33 : memref<10000x64xf32, #tpu.memory_space<hbm>>) target(%arg17 : memref<128x64xf32, #tpu.memory_space<vmem>>) offsets(%arg8 : memref<128xi32, #tpu.memory_space<vmem>>) semaphore(%arg29 : memref<!tpu.dma_semaphore, #tpu.memory_space<semaphore_mem>>)
      %dma_start3A_34 = arith.constant 0 : i32
      %dma_start3A_35 = arith.constant 0 : i32
      %dma_start3A_36 = tpu.memref_slice %arg3[%dma_start3A_34, %dma_start3A_35] : memref<10000x64xf32, #tpu.memory_space<hbm>> -> memref<10000x64xf32, #tpu.memory_space<hbm>>
      tpu.enqueue_indirect_dma source(%dma_start3A_36 : memref<10000x64xf32, #tpu.memory_space<hbm>>) target(%arg20 : memref<128x64xf32, #tpu.memory_space<vmem>>) offsets(%arg11 : memref<128xi32, #tpu.memory_space<vmem>>) semaphore(%arg30 : memref<!tpu.dma_semaphore, #tpu.memory_space<semaphore_mem>>)
    } else {
    }
    %scan3A = arith.constant 0 : i32
    %scan3A_10 = arith.constant 128 : i32
    %scan3A_11 = arith.addi %scan3A, %scan3A_10 : i32
    %scan3A_12 = arith.constant 1 : i32
    scf.for %scan3A_29 = %scan3A to %scan3A_11 step %scan3A_12  : i32 {
      %broadcast_in_dim3A = arith.constant 0.000000e+00 : f32
      %broadcast_in_dim3A_30 = vector.broadcast %broadcast_in_dim3A : f32 to vector<16xf32>
      %swap3A = arith.index_cast %scan3A_29 : i32 to index
      %swap3A_31 = arith.constant 0 : index
      %swap3A_32 = tpu.vector_load %arg22[%swap3A, %swap3A_31] {strides = array<i32>} : memref<128x72xf32, #tpu.memory_space<vmem>>, vector<1x16xf32>,
      %swap3A_33 = vector.shape_cast %swap3A_32 : vector<1x16xf32> to vector<16xf32>
      %swap3A_34 = vector.shape_cast %broadcast_in_dim3A_30 : vector<16xf32> to vector<1x16xf32>
      tpu.vector_store %arg22[%swap3A, %swap3A_31], %swap3A_34 {strides = array<i32>} : memref<128x72xf32, #tpu.memory_space<vmem>>, vector<1x16xf32>,
      %broadcast_in_dim3A_35 = arith.constant 0.000000e+00 : f32
      %broadcast_in_dim3A_36 = vector.broadcast %broadcast_in_dim3A_35 : f32 to vector<16xf32>
      %swap3A_37 = arith.index_cast %scan3A_29 : i32 to index
      %swap3A_38 = arith.constant 16 : index
      %swap3A_39 = tpu.vector_load %arg22[%swap3A_37, %swap3A_38] {strides = array<i32>} : memref<128x72xf32, #tpu.memory_space<vmem>>, vector<1x16xf32>,
      %swap3A_40 = vector.shape_cast %swap3A_39 : vector<1x16xf32> to vector<16xf32>
      %swap3A_41 = vector.shape_cast %broadcast_in_dim3A_36 : vector<16xf32> to vector<1x16xf32>
      tpu.vector_store %arg22[%swap3A_37, %swap3A_38], %swap3A_41 {strides = array<i32>} : memref<128x72xf32, #tpu.memory_space<vmem>>, vector<1x16xf32>,
      %broadcast_in_dim3A_42 = arith.constant 0.000000e+00 : f32
      %broadcast_in_dim3A_43 = vector.broadcast %broadcast_in_dim3A_42 : f32 to vector<16xf32>
      %swap3A_44 = arith.index_cast %scan3A_29 : i32 to index
      %swap3A_45 = arith.constant 32 : index
      %swap3A_46 = tpu.vector_load %arg22[%swap3A_44, %swap3A_45] {strides = array<i32>} : memref<128x72xf32, #tpu.memory_space<vmem>>, vector<1x16xf32>,
      %swap3A_47 = vector.shape_cast %swap3A_46 : vector<1x16xf32> to vector<16xf32>
      %swap3A_48 = vector.shape_cast %broadcast_in_dim3A_43 : vector<16xf32> to vector<1x16xf32>
      tpu.vector_store %arg22[%swap3A_44, %swap3A_45], %swap3A_48 {strides = array<i32>} : memref<128x72xf32, #tpu.memory_space<vmem>>, vector<1x16xf32>,
      %broadcast_in_dim3A_49 = arith.constant 0.000000e+00 : f32
      %broadcast_in_dim3A_50 = vector.broadcast %broadcast_in_dim3A_49 : f32 to vector<16xf32>
      %swap3A_51 = arith.index_cast %scan3A_29 : i32 to index
      %swap3A_52 = arith.constant 48 : index
      %swap3A_53 = tpu.vector_load %arg22[%swap3A_51, %swap3A_52] {strides = array<i32>} : memref<128x72xf32, #tpu.memory_space<vmem>>, vector<1x16xf32>,
      %swap3A_54 = vector.shape_cast %swap3A_53 : vector<1x16xf32> to vector<16xf32>
      %swap3A_55 = vector.shape_cast %broadcast_in_dim3A_50 : vector<16xf32> to vector<1x16xf32>
      tpu.vector_store %arg22[%swap3A_51, %swap3A_52], %swap3A_55 {strides = array<i32>} : memref<128x72xf32, #tpu.memory_space<vmem>>, vector<1x16xf32>,
      %broadcast_in_dim3A_56 = arith.constant 0.000000e+00 : f32
      %broadcast_in_dim3A_57 = vector.broadcast %broadcast_in_dim3A_56 : f32 to vector<16xf32>
      %swap3A_58 = arith.index_cast %scan3A_29 : i32 to index
      %swap3A_59 = arith.constant 56 : index
      %swap3A_60 = tpu.vector_load %arg22[%swap3A_58, %swap3A_59] {strides = array<i32>} : memref<128x72xf32, #tpu.memory_space<vmem>>, vector<1x16xf32>,
      %swap3A_61 = vector.shape_cast %swap3A_60 : vector<1x16xf32> to vector<16xf32>
      %swap3A_62 = vector.shape_cast %broadcast_in_dim3A_57 : vector<16xf32> to vector<1x16xf32>
      tpu.vector_store %arg22[%swap3A_58, %swap3A_59], %swap3A_62 {strides = array<i32>} : memref<128x72xf32, #tpu.memory_space<vmem>>, vector<1x16xf32>,
    }
    %scan3A_13 = arith.constant 128 : i32
    %scan3A_14 = arith.constant 0 : i32
    %scan3A_15 = arith.constant 5 : i32
    %scan3A_16 = arith.addi %scan3A_14, %scan3A_15 : i32
    %scan3A_17 = arith.constant 1 : i32
    scf.for %scan3A_29 = %scan3A_14 to %scan3A_16 step %scan3A_17  : i32 {
      %mul3A_30 = arith.constant 640 : i32
      %mul3A_31 = arith.muli %arg1, %mul3A_30 : i32
      %mul3A_32 = arith.constant 128 : i32
      %mul3A_33 = arith.muli %scan3A_29, %mul3A_32 : i32
      %add3A_34 = arith.addi %mul3A_31, %mul3A_33 : i32
      "tpu.region"() ({
        %run_scoped3A = tpu.sem_alloc : memref<!tpu.dma_semaphore, #tpu.memory_space<semaphore_mem>>
        %dma_start3A = arith.constant 0 : i32
        %dma_start3A_35 = tpu.memref_slice %arg26[%add3A_34, %dma_start3A] : memref<10240x72xf32, #tpu.memory_space<vmem_shared>> -> memref<128x72xf32, #tpu.memory_space<vmem_shared>>
        %dma_start3A_36 = arith.constant 0 : i32
        %dma_start3A_37 = tpu.memref_slice %arg26[%add3A_34, %dma_start3A_36] : memref<10240x72xf32, #tpu.memory_space<vmem_shared>> -> memref<128x72xf32, #tpu.memory_space<vmem_shared>>
        tpu.enqueue_dma source(%arg22 : memref<128x72xf32, #tpu.memory_space<vmem>>) target(%dma_start3A_37 : memref<128x72xf32, #tpu.memory_space<vmem_shared>>) target_semaphore(%run_scoped3A : memref<!tpu.dma_semaphore, #tpu.memory_space<semaphore_mem>>)
        %dma_wait3A = arith.constant 0 : i32
        %dma_wait3A_38 = tpu.memref_slice %arg26[%add3A_34, %dma_wait3A] : memref<10240x72xf32, #tpu.memory_space<vmem_shared>> -> memref<128x72xf32, #tpu.memory_space<vmem_shared>>
        %dma_wait3A_39 = arith.constant 0 : i32
        %dma_wait3A_40 = tpu.memref_slice %arg26[%add3A_34, %dma_wait3A_39] : memref<10240x72xf32, #tpu.memory_space<vmem_shared>> -> memref<128x72xf32, #tpu.memory_space<vmem_shared>>
        tpu.wait_dma2 semaphore(%run_scoped3A : memref<!tpu.dma_semaphore, #tpu.memory_space<semaphore_mem>>) src(%arg22 : memref<128x72xf32, #tpu.memory_space<vmem>>) dst(%dma_wait3A_40 : memref<128x72xf32, #tpu.memory_space<vmem_shared>>)
        tpu.yield
      }) : () -> ()
    }
    %scan3A_18 = arith.constant 5 : i32
    %barrier3A = arith.constant 0 : index
    tpu.barrier barrier_id(%barrier3A)
    %scan3A_19 = arith.constant 0 : i32
    %scan3A_20 = arith.constant 28 : i32
    %scan3A_21 = arith.addi %scan3A_19, %scan3A_20 : i32
    %scan3A_22 = arith.constant 1 : i32
    scf.for %scan3A_29 = %scan3A_19 to %scan3A_21 step %scan3A_22  : i32 {
      %mul3A_30 = arith.constant 3 : i32
      %mul3A_31 = arith.muli %scan3A_29, %mul3A_30 : i32
      %add3A_32 = arith.constant 0 : i32
      %add3A_33 = arith.addi %mul3A_31, %add3A_32 : i32
      %mul3A_34 = arith.constant 32 : i32
      %mul3A_35 = arith.muli %add3A_33, %mul3A_34 : i32
      %add3A_36 = arith.addi %add3A, %mul3A_35 : i32
      %lt3A_37 = arith.constant 2500 : i32
      %lt3A_38 = arith.cmpi slt, %add3A_36, %lt3A_37 : i32
      %convert_element_type3A_39 = arith.extui %lt3A_38 : i1 to i32
      %cond3A_40 = arith.constant 0 : i32
      %cond3A_41 = arith.cmpi ne, %convert_element_type3A_39, %cond3A_40 : i32
      scf.if %cond3A_41 {
        %dma_wait3A = arith.constant 0 : i32
        %dma_wait3A_129 = arith.constant 0 : i32
        %dma_wait3A_130 = tpu.memref_slice %arg2[%dma_wait3A, %dma_wait3A_129] : memref<10000x64xf32, #tpu.memory_space<hbm>> -> memref<10000x64xf32, #tpu.memory_space<hbm>>
        tpu.wait_indirect_dma semaphore(%arg27 : memref<!tpu.dma_semaphore, #tpu.memory_space<semaphore_mem>>) src(%dma_wait3A_130 : memref<10000x64xf32, #tpu.memory_space<hbm>>) dst(%arg16 : memref<128x64xf32, #tpu.memory_space<vmem>>)
        %dma_wait3A_131 = arith.constant 0 : i32
        %dma_wait3A_132 = arith.constant 0 : i32
        %dma_wait3A_133 = tpu.memref_slice %arg3[%dma_wait3A_131, %dma_wait3A_132] : memref<10000x64xf32, #tpu.memory_space<hbm>> -> memref<10000x64xf32, #tpu.memory_space<hbm>>
        tpu.wait_indirect_dma semaphore(%arg28 : memref<!tpu.dma_semaphore, #tpu.memory_space<semaphore_mem>>) src(%dma_wait3A_133 : memref<10000x64xf32, #tpu.memory_space<hbm>>) dst(%arg19 : memref<128x64xf32, #tpu.memory_space<vmem>>)
      } else {
      }
      %ge3A = arith.constant 3 : i32
      %ge3A_42 = arith.cmpi sge, %add3A_33, %ge3A : i32
      %sub3A = arith.constant 96 : i32
      %sub3A_43 = arith.subi %add3A_36, %sub3A : i32
      %lt3A_44 = arith.constant 2500 : i32
      %lt3A_45 = arith.cmpi slt, %sub3A_43, %lt3A_44 : i32
      %and3A = arith.andi %ge3A_42, %lt3A_45 : i1
      %convert_element_type3A_46 = arith.extui %and3A : i1 to i32
      %cond3A_47 = arith.constant 0 : i32
      %cond3A_48 = arith.cmpi ne, %convert_element_type3A_46, %cond3A_47 : i32
      scf.if %cond3A_48 {
        %dma_wait3A = arith.constant 0 : i32
        %dma_wait3A_129 = arith.constant 0 : i32
        %dma_wait3A_130 = tpu.memref_slice %arg26[%dma_wait3A, %dma_wait3A_129] : memref<10240x72xf32, #tpu.memory_space<vmem_shared>> -> memref<10240x72xf32, #tpu.memory_space<vmem_shared>>
        tpu.wait_indirect_dma semaphore(%arg33 : memref<!tpu.dma_semaphore, #tpu.memory_space<semaphore_mem>>) src(%arg22 : memref<128x72xf32, #tpu.memory_space<vmem>>) dst(%dma_wait3A_130 : memref<10240x72xf32, #tpu.memory_space<vmem_shared>>)
      } else {
      }
      %add3A_49 = arith.constant 64 : i32
      %add3A_50 = arith.addi %add3A_36, %add3A_49 : i32
      %lt3A_51 = arith.constant 2500 : i32
      %lt3A_52 = arith.cmpi slt, %add3A_50, %lt3A_51 : i32
      %convert_element_type3A_53 = arith.extui %lt3A_52 : i1 to i32
      %cond3A_54 = arith.constant 0 : i32
      %cond3A_55 = arith.cmpi ne, %convert_element_type3A_53, %cond3A_54 : i32
      scf.if %cond3A_55 {
        %mul3A_129 = arith.constant 128 : i32
        %mul3A_130 = arith.muli %add3A_50, %mul3A_129 : i32
        %run_scoped3A = arith.constant 0 : i32
        "tpu.region"() ({
          %run_scoped3A_137 = tpu.sem_alloc : memref<!tpu.dma_semaphore, #tpu.memory_space<semaphore_mem>>
          %dma_start3A_138 = tpu.memref_slice %arg5[%run_scoped3A, %mul3A_130] : memref<2x320000xi32, #tpu.memory_space<hbm>> -> memref<1x128xi32, #tpu.memory_space<hbm>>
          %dma_start3A_139 = tpu.memref_squeeze %dma_start3A_138 : memref<1x128xi32, #tpu.memory_space<hbm>> -> memref<128xi32, #tpu.memory_space<hbm>>
          %dma_start3A_140 = tpu.memref_slice %arg5[%run_scoped3A, %mul3A_130] : memref<2x320000xi32, #tpu.memory_space<hbm>> -> memref<1x128xi32, #tpu.memory_space<hbm>>
          %dma_start3A_141 = tpu.memref_squeeze %dma_start3A_140 : memref<1x128xi32, #tpu.memory_space<hbm>> -> memref<128xi32, #tpu.memory_space<hbm>>
          tpu.enqueue_dma source(%dma_start3A_141 : memref<128xi32, #tpu.memory_space<hbm>>) target(%arg9 : memref<128xi32, #tpu.memory_space<vmem>>) target_semaphore(%run_scoped3A_137 : memref<!tpu.dma_semaphore, #tpu.memory_space<semaphore_mem>>)
          %dma_wait3A = tpu.memref_slice %arg5[%run_scoped3A, %mul3A_130] : memref<2x320000xi32, #tpu.memory_space<hbm>> -> memref<1x128xi32, #tpu.memory_space<hbm>>
          %dma_wait3A_142 = tpu.memref_squeeze %dma_wait3A : memref<1x128xi32, #tpu.memory_space<hbm>> -> memref<128xi32, #tpu.memory_space<hbm>>
          %dma_wait3A_143 = tpu.memref_slice %arg5[%run_scoped3A, %mul3A_130] : memref<2x320000xi32, #tpu.memory_space<hbm>> -> memref<1x128xi32, #tpu.memory_space<hbm>>
          %dma_wait3A_144 = tpu.memref_squeeze %dma_wait3A_143 : memref<1x128xi32, #tpu.memory_space<hbm>> -> memref<128xi32, #tpu.memory_space<hbm>>
          tpu.wait_dma2 semaphore(%run_scoped3A_137 : memref<!tpu.dma_semaphore, #tpu.memory_space<semaphore_mem>>) src(%dma_wait3A_144 : memref<128xi32, #tpu.memory_space<hbm>>) dst(%arg9 : memref<128xi32, #tpu.memory_space<vmem>>)
          tpu.yield
        }) : () -> ()
        %run_scoped3A_131 = arith.constant 1 : i32
        "tpu.region"() ({
          %run_scoped3A_137 = tpu.sem_alloc : memref<!tpu.dma_semaphore, #tpu.memory_space<semaphore_mem>>
          %dma_start3A_138 = tpu.memref_slice %arg5[%run_scoped3A_131, %mul3A_130] : memref<2x320000xi32, #tpu.memory_space<hbm>> -> memref<1x128xi32, #tpu.memory_space<hbm>>
          %dma_start3A_139 = tpu.memref_squeeze %dma_start3A_138 : memref<1x128xi32, #tpu.memory_space<hbm>> -> memref<128xi32, #tpu.memory_space<hbm>>
          %dma_start3A_140 = tpu.memref_slice %arg5[%run_scoped3A_131, %mul3A_130] : memref<2x320000xi32, #tpu.memory_space<hbm>> -> memref<1x128xi32, #tpu.memory_space<hbm>>
          %dma_start3A_141 = tpu.memref_squeeze %dma_start3A_140 : memref<1x128xi32, #tpu.memory_space<hbm>> -> memref<128xi32, #tpu.memory_space<hbm>>
          tpu.enqueue_dma source(%dma_start3A_141 : memref<128xi32, #tpu.memory_space<hbm>>) target(%arg12 : memref<128xi32, #tpu.memory_space<vmem>>) target_semaphore(%run_scoped3A_137 : memref<!tpu.dma_semaphore, #tpu.memory_space<semaphore_mem>>)
          %dma_wait3A = tpu.memref_slice %arg5[%run_scoped3A_131, %mul3A_130] : memref<2x320000xi32, #tpu.memory_space<hbm>> -> memref<1x128xi32, #tpu.memory_space<hbm>>
          %dma_wait3A_142 = tpu.memref_squeeze %dma_wait3A : memref<1x128xi32, #tpu.memory_space<hbm>> -> memref<128xi32, #tpu.memory_space<hbm>>
          %dma_wait3A_143 = tpu.memref_slice %arg5[%run_scoped3A_131, %mul3A_130] : memref<2x320000xi32, #tpu.memory_space<hbm>> -> memref<1x128xi32, #tpu.memory_space<hbm>>
          %dma_wait3A_144 = tpu.memref_squeeze %dma_wait3A_143 : memref<1x128xi32, #tpu.memory_space<hbm>> -> memref<128xi32, #tpu.memory_space<hbm>>
          tpu.wait_dma2 semaphore(%run_scoped3A_137 : memref<!tpu.dma_semaphore, #tpu.memory_space<semaphore_mem>>) src(%dma_wait3A_144 : memref<128xi32, #tpu.memory_space<hbm>>) dst(%arg12 : memref<128xi32, #tpu.memory_space<vmem>>)
          tpu.yield
        }) : () -> ()
        %dma_start3A = arith.constant 0 : i32
        %dma_start3A_132 = arith.constant 0 : i32
        %dma_start3A_133 = tpu.memref_slice %arg2[%dma_start3A, %dma_start3A_132] : memref<10000x64xf32, #tpu.memory_space<hbm>> -> memref<10000x64xf32, #tpu.memory_space<hbm>>
        tpu.enqueue_indirect_dma source(%dma_start3A_133 : memref<10000x64xf32, #tpu.memory_space<hbm>>) target(%arg18 : memref<128x64xf32, #tpu.memory_space<vmem>>) offsets(%arg9 : memref<128xi32, #tpu.memory_space<vmem>>) semaphore(%arg31 : memref<!tpu.dma_semaphore, #tpu.memory_space<semaphore_mem>>)
        %dma_start3A_134 = arith.constant 0 : i32
        %dma_start3A_135 = arith.constant 0 : i32
        %dma_start3A_136 = tpu.memref_slice %arg3[%dma_start3A_134, %dma_start3A_135] : memref<10000x64xf32, #tpu.memory_space<hbm>> -> memref<10000x64xf32, #tpu.memory_space<hbm>>
        tpu.enqueue_indirect_dma source(%dma_start3A_136 : memref<10000x64xf32, #tpu.memory_space<hbm>>) target(%arg21 : memref<128x64xf32, #tpu.memory_space<vmem>>) offsets(%arg12 : memref<128xi32, #tpu.memory_space<vmem>>) semaphore(%arg32 : memref<!tpu.dma_semaphore, #tpu.memory_space<semaphore_mem>>)
      } else {
      }
      %lt3A_56 = arith.constant 2500 : i32
      %lt3A_57 = arith.cmpi slt, %add3A_36, %lt3A_56 : i32
      %convert_element_type3A_58 = arith.extui %lt3A_57 : i1 to i32
      %cond3A_59 = arith.constant 0 : i32
      %cond3A_60 = arith.cmpi ne, %convert_element_type3A_58, %cond3A_59 : i32
      scf.if %cond3A_60 {
        %get3A = arith.constant 0 : index
        %get3A_129 = tpu.vector_load %arg10[%get3A] {strides = array<i32>} : memref<128xi32, #tpu.memory_space<vmem>>, vector<16xi32>,
        %get3A_130 = vector.shape_cast %get3A_129 : vector<16xi32> to vector<16xi32>
        %swap3A = arith.constant 0 : index
        %swap3A_131 = tpu.vector_load %arg13[%swap3A] {strides = array<i32>} : memref<128xi32, #tpu.memory_space<vmem>>, vector<16xi32>,
        %swap3A_132 = vector.shape_cast %swap3A_131 : vector<16xi32> to vector<16xi32>
        %swap3A_133 = vector.shape_cast %get3A_130 : vector<16xi32> to vector<16xi32>
        tpu.vector_store %arg13[%swap3A], %swap3A_133 {strides = array<i32>} : memref<128xi32, #tpu.memory_space<vmem>>, vector<16xi32>,
        %get3A_134 = arith.constant 16 : index
        %get3A_135 = tpu.vector_load %arg10[%get3A_134] {strides = array<i32>} : memref<128xi32, #tpu.memory_space<vmem>>, vector<16xi32>,
        %get3A_136 = vector.shape_cast %get3A_135 : vector<16xi32> to vector<16xi32>
        %swap3A_137 = arith.constant 16 : index
        %swap3A_138 = tpu.vector_load %arg13[%swap3A_137] {strides = array<i32>} : memref<128xi32, #tpu.memory_space<vmem>>, vector<16xi32>,
        %swap3A_139 = vector.shape_cast %swap3A_138 : vector<16xi32> to vector<16xi32>
        %swap3A_140 = vector.shape_cast %get3A_136 : vector<16xi32> to vector<16xi32>
        tpu.vector_store %arg13[%swap3A_137], %swap3A_140 {strides = array<i32>} : memref<128xi32, #tpu.memory_space<vmem>>, vector<16xi32>,
        %get3A_141 = arith.constant 32 : index
        %get3A_142 = tpu.vector_load %arg10[%get3A_141] {strides = array<i32>} : memref<128xi32, #tpu.memory_space<vmem>>, vector<16xi32>,
        %get3A_143 = vector.shape_cast %get3A_142 : vector<16xi32> to vector<16xi32>
        %swap3A_144 = arith.constant 32 : index
        %swap3A_145 = tpu.vector_load %arg13[%swap3A_144] {strides = array<i32>} : memref<128xi32, #tpu.memory_space<vmem>>, vector<16xi32>,
        %swap3A_146 = vector.shape_cast %swap3A_145 : vector<16xi32> to vector<16xi32>
        %swap3A_147 = vector.shape_cast %get3A_143 : vector<16xi32> to vector<16xi32>
        tpu.vector_store %arg13[%swap3A_144], %swap3A_147 {strides = array<i32>} : memref<128xi32, #tpu.memory_space<vmem>>, vector<16xi32>,
        %get3A_148 = arith.constant 48 : index
        %get3A_149 = tpu.vector_load %arg10[%get3A_148] {strides = array<i32>} : memref<128xi32, #tpu.memory_space<vmem>>, vector<16xi32>,
        %get3A_150 = vector.shape_cast %get3A_149 : vector<16xi32> to vector<16xi32>
        %swap3A_151 = arith.constant 48 : index
        %swap3A_152 = tpu.vector_load %arg13[%swap3A_151] {strides = array<i32>} : memref<128xi32, #tpu.memory_space<vmem>>, vector<16xi32>,
        %swap3A_153 = vector.shape_cast %swap3A_152 : vector<16xi32> to vector<16xi32>
        %swap3A_154 = vector.shape_cast %get3A_150 : vector<16xi32> to vector<16xi32>
        tpu.vector_store %arg13[%swap3A_151], %swap3A_154 {strides = array<i32>} : memref<128xi32, #tpu.memory_space<vmem>>, vector<16xi32>,
        %get3A_155 = arith.constant 64 : index
        %get3A_156 = tpu.vector_load %arg10[%get3A_155] {strides = array<i32>} : memref<128xi32, #tpu.memory_space<vmem>>, vector<16xi32>,
        %get3A_157 = vector.shape_cast %get3A_156 : vector<16xi32> to vector<16xi32>
        %swap3A_158 = arith.constant 64 : index
        %swap3A_159 = tpu.vector_load %arg13[%swap3A_158] {strides = array<i32>} : memref<128xi32, #tpu.memory_space<vmem>>, vector<16xi32>,
        %swap3A_160 = vector.shape_cast %swap3A_159 : vector<16xi32> to vector<16xi32>
        %swap3A_161 = vector.shape_cast %get3A_157 : vector<16xi32> to vector<16xi32>
        tpu.vector_store %arg13[%swap3A_158], %swap3A_161 {strides = array<i32>} : memref<128xi32, #tpu.memory_space<vmem>>, vector<16xi32>,
        %get3A_162 = arith.constant 80 : index
        %get3A_163 = tpu.vector_load %arg10[%get3A_162] {strides = array<i32>} : memref<128xi32, #tpu.memory_space<vmem>>, vector<16xi32>,
        %get3A_164 = vector.shape_cast %get3A_163 : vector<16xi32> to vector<16xi32>
        %swap3A_165 = arith.constant 80 : index
        %swap3A_166 = tpu.vector_load %arg13[%swap3A_165] {strides = array<i32>} : memref<128xi32, #tpu.memory_space<vmem>>, vector<16xi32>,
        %swap3A_167 = vector.shape_cast %swap3A_166 : vector<16xi32> to vector<16xi32>
        %swap3A_168 = vector.shape_cast %get3A_164 : vector<16xi32> to vector<16xi32>
        tpu.vector_store %arg13[%swap3A_165], %swap3A_168 {strides = array<i32>} : memref<128xi32, #tpu.memory_space<vmem>>, vector<16xi32>,
        %get3A_169 = arith.constant 96 : index
        %get3A_170 = tpu.vector_load %arg10[%get3A_169] {strides = array<i32>} : memref<128xi32, #tpu.memory_space<vmem>>, vector<16xi32>,
        %get3A_171 = vector.shape_cast %get3A_170 : vector<16xi32> to vector<16xi32>
        %swap3A_172 = arith.constant 96 : index
        %swap3A_173 = tpu.vector_load %arg13[%swap3A_172] {strides = array<i32>} : memref<128xi32, #tpu.memory_space<vmem>>, vector<16xi32>,
        %swap3A_174 = vector.shape_cast %swap3A_173 : vector<16xi32> to vector<16xi32>
        %swap3A_175 = vector.shape_cast %get3A_171 : vector<16xi32> to vector<16xi32>
        tpu.vector_store %arg13[%swap3A_172], %swap3A_175 {strides = array<i32>} : memref<128xi32, #tpu.memory_space<vmem>>, vector<16xi32>,
        %get3A_176 = arith.constant 112 : index
        %get3A_177 = tpu.vector_load %arg10[%get3A_176] {strides = array<i32>} : memref<128xi32, #tpu.memory_space<vmem>>, vector<16xi32>,
        %get3A_178 = vector.shape_cast %get3A_177 : vector<16xi32> to vector<16xi32>
        %swap3A_179 = arith.constant 112 : index
        %swap3A_180 = tpu.vector_load %arg13[%swap3A_179] {strides = array<i32>} : memref<128xi32, #tpu.memory_space<vmem>>, vector<16xi32>,
        %swap3A_181 = vector.shape_cast %swap3A_180 : vector<16xi32> to vector<16xi32>
        %swap3A_182 = vector.shape_cast %get3A_178 : vector<16xi32> to vector<16xi32>
        tpu.vector_store %arg13[%swap3A_179], %swap3A_182 {strides = array<i32>} : memref<128xi32, #tpu.memory_space<vmem>>, vector<16xi32>,
        %get3A_183 = arith.constant 0 : index
        %get3A_184 = tpu.vector_load %arg25[%get3A_183] {strides = array<i32>} : memref<64xf32, #tpu.memory_space<vmem>>, vector<16xf32>,
        %get3A_185 = vector.shape_cast %get3A_184 : vector<16xf32> to vector<16xf32>
        %get3A_186 = arith.constant 16 : index
        %get3A_187 = tpu.vector_load %arg25[%get3A_186] {strides = array<i32>} : memref<64xf32, #tpu.memory_space<vmem>>, vector<16xf32>,
        %get3A_188 = vector.shape_cast %get3A_187 : vector<16xf32> to vector<16xf32>
        %get3A_189 = arith.constant 32 : index
        %get3A_190 = tpu.vector_load %arg25[%get3A_189] {strides = array<i32>} : memref<64xf32, #tpu.memory_space<vmem>>, vector<16xf32>,
        %get3A_191 = vector.shape_cast %get3A_190 : vector<16xf32> to vector<16xf32>
        %get3A_192 = arith.constant 48 : index
        %get3A_193 = tpu.vector_load %arg25[%get3A_192] {strides = array<i32>} : memref<64xf32, #tpu.memory_space<vmem>>, vector<16xf32>,
        %get3A_194 = vector.shape_cast %get3A_193 : vector<16xf32> to vector<16xf32>
        %iota3A = tpu.iota {dimensions = array<i32: 0>} : vector<16xi32>
        %lt3A_195 = arith.constant 8 : i32
        %lt3A_196 = vector.broadcast %lt3A_195 : i32 to vector<16xi32>
        %lt3A_197 = arith.cmpi slt, %iota3A, %lt3A_196 : vector<16xi32>
        %eq3A = arith.constant 8 : i32
        %eq3A_198 = vector.broadcast %eq3A : i32 to vector<16xi32>
        %eq3A_199 = arith.cmpi eq, %iota3A, %eq3A_198 : vector<16xi32>
        %xor3A = arith.constant 8 : i32
        %xor3A_200 = vector.broadcast %xor3A : i32 to vector<16xi32>
        %xor3A_201 = arith.xori %iota3A, %xor3A_200 : vector<16xi32>
        %parallel_loop3A = arith.constant 0 : i32
        %parallel_loop3A_202 = arith.constant 128 : i32
        %parallel_loop3A_203 = arith.constant 1 : i32
        scf.for %parallel_loop3A_206 = %parallel_loop3A to %parallel_loop3A_202 step %parallel_loop3A_203  : i32 {
          %parallel_loop3A_207 = arith.constant 0.000000e+00 : f32
          %parallel_loop3A_208 = vector.broadcast %parallel_loop3A_207 : f32 to vector<16xf32>
          %parallel_loop3A_209 = arith.index_cast %parallel_loop3A_206 : i32 to index
          %parallel_loop3A_210 = arith.constant 0 : index
          %parallel_loop3A_211 = tpu.vector_load %arg16[%parallel_loop3A_209, %parallel_loop3A_210] {strides = array<i32>} : memref<128x64xf32, #tpu.memory_space<vmem>>, vector<1x16xf32>,
          %parallel_loop3A_212 = vector.shape_cast %parallel_loop3A_211 : vector<1x16xf32> to vector<16xf32>
          %parallel_loop3A_213 = arith.index_cast %parallel_loop3A_206 : i32 to index
          %parallel_loop3A_214 = arith.constant 0 : index
          %parallel_loop3A_215 = tpu.vector_load %arg19[%parallel_loop3A_213, %parallel_loop3A_214] {strides = array<i32>} : memref<128x64xf32, #tpu.memory_space<vmem>>, vector<1x16xf32>,
          %parallel_loop3A_216 = vector.shape_cast %parallel_loop3A_215 : vector<1x16xf32> to vector<16xf32>
          %parallel_loop3A_217 = arith.addf %parallel_loop3A_212, %parallel_loop3A_216 : vector<16xf32>
          %parallel_loop3A_218 = arith.constant 0.000000e+00 : f32
          %parallel_loop3A_219 = vector.broadcast %parallel_loop3A_218 : f32 to vector<16xf32>
          %parallel_loop3A_220 = arith.cmpf oge, %parallel_loop3A_217, %parallel_loop3A_219 : vector<16xf32>
          %parallel_loop3A_221 = arith.constant 2.000000e-01 : f32
          %parallel_loop3A_222 = vector.broadcast %parallel_loop3A_221 : f32 to vector<16xf32>
          %parallel_loop3A_223 = arith.mulf %parallel_loop3A_217, %parallel_loop3A_222 : vector<16xf32>
          %parallel_loop3A_224 = arith.select %parallel_loop3A_220, %parallel_loop3A_217, %parallel_loop3A_223 : vector<16xi1>, vector<16xf32>
          %parallel_loop3A_225 = arith.mulf %parallel_loop3A_224, %get3A_185 : vector<16xf32>
          %parallel_loop3A_226 = arith.addf %parallel_loop3A_208, %parallel_loop3A_225 : vector<16xf32>
          %parallel_loop3A_227 = arith.index_cast %parallel_loop3A_206 : i32 to index
          %parallel_loop3A_228 = arith.constant 16 : index
          %parallel_loop3A_229 = tpu.vector_load %arg16[%parallel_loop3A_227, %parallel_loop3A_228] {strides = array<i32>} : memref<128x64xf32, #tpu.memory_space<vmem>>, vector<1x16xf32>,
          %parallel_loop3A_230 = vector.shape_cast %parallel_loop3A_229 : vector<1x16xf32> to vector<16xf32>
          %parallel_loop3A_231 = arith.index_cast %parallel_loop3A_206 : i32 to index
          %parallel_loop3A_232 = arith.constant 16 : index
          %parallel_loop3A_233 = tpu.vector_load %arg19[%parallel_loop3A_231, %parallel_loop3A_232] {strides = array<i32>} : memref<128x64xf32, #tpu.memory_space<vmem>>, vector<1x16xf32>,
          %parallel_loop3A_234 = vector.shape_cast %parallel_loop3A_233 : vector<1x16xf32> to vector<16xf32>
          %parallel_loop3A_235 = arith.addf %parallel_loop3A_230, %parallel_loop3A_234 : vector<16xf32>
          %parallel_loop3A_236 = arith.constant 0.000000e+00 : f32
          %parallel_loop3A_237 = vector.broadcast %parallel_loop3A_236 : f32 to vector<16xf32>
          %parallel_loop3A_238 = arith.cmpf oge, %parallel_loop3A_235, %parallel_loop3A_237 : vector<16xf32>
          %parallel_loop3A_239 = arith.constant 2.000000e-01 : f32
          %parallel_loop3A_240 = vector.broadcast %parallel_loop3A_239 : f32 to vector<16xf32>
          %parallel_loop3A_241 = arith.mulf %parallel_loop3A_235, %parallel_loop3A_240 : vector<16xf32>
          %parallel_loop3A_242 = arith.select %parallel_loop3A_238, %parallel_loop3A_235, %parallel_loop3A_241 : vector<16xi1>, vector<16xf32>
          %parallel_loop3A_243 = arith.mulf %parallel_loop3A_242, %get3A_188 : vector<16xf32>
          %parallel_loop3A_244 = arith.addf %parallel_loop3A_226, %parallel_loop3A_243 : vector<16xf32>
          %parallel_loop3A_245 = arith.index_cast %parallel_loop3A_206 : i32 to index
          %parallel_loop3A_246 = arith.constant 32 : index
          %parallel_loop3A_247 = tpu.vector_load %arg16[%parallel_loop3A_245, %parallel_loop3A_246] {strides = array<i32>} : memref<128x64xf32, #tpu.memory_space<vmem>>, vector<1x16xf32>,
          %parallel_loop3A_248 = vector.shape_cast %parallel_loop3A_247 : vector<1x16xf32> to vector<16xf32>
          %parallel_loop3A_249 = arith.index_cast %parallel_loop3A_206 : i32 to index
          %parallel_loop3A_250 = arith.constant 32 : index
          %parallel_loop3A_251 = tpu.vector_load %arg19[%parallel_loop3A_249, %parallel_loop3A_250] {strides = array<i32>} : memref<128x64xf32, #tpu.memory_space<vmem>>, vector<1x16xf32>,
          %parallel_loop3A_252 = vector.shape_cast %parallel_loop3A_251 : vector<1x16xf32> to vector<16xf32>
          %parallel_loop3A_253 = arith.addf %parallel_loop3A_248, %parallel_loop3A_252 : vector<16xf32>
          %parallel_loop3A_254 = arith.constant 0.000000e+00 : f32
          %parallel_loop3A_255 = vector.broadcast %parallel_loop3A_254 : f32 to vector<16xf32>
          %parallel_loop3A_256 = arith.cmpf oge, %parallel_loop3A_253, %parallel_loop3A_255 : vector<16xf32>
          %parallel_loop3A_257 = arith.constant 2.000000e-01 : f32
          %parallel_loop3A_258 = vector.broadcast %parallel_loop3A_257 : f32 to vector<16xf32>
          %parallel_loop3A_259 = arith.mulf %parallel_loop3A_253, %parallel_loop3A_258 : vector<16xf32>
          %parallel_loop3A_260 = arith.select %parallel_loop3A_256, %parallel_loop3A_253, %parallel_loop3A_259 : vector<16xi1>, vector<16xf32>
          %parallel_loop3A_261 = arith.mulf %parallel_loop3A_260, %get3A_191 : vector<16xf32>
          %parallel_loop3A_262 = arith.addf %parallel_loop3A_244, %parallel_loop3A_261 : vector<16xf32>
          %parallel_loop3A_263 = arith.index_cast %parallel_loop3A_206 : i32 to index
          %parallel_loop3A_264 = arith.constant 48 : index
          %parallel_loop3A_265 = tpu.vector_load %arg16[%parallel_loop3A_263, %parallel_loop3A_264] {strides = array<i32>} : memref<128x64xf32, #tpu.memory_space<vmem>>, vector<1x16xf32>,
          %parallel_loop3A_266 = vector.shape_cast %parallel_loop3A_265 : vector<1x16xf32> to vector<16xf32>
          %parallel_loop3A_267 = arith.index_cast %parallel_loop3A_206 : i32 to index
          %parallel_loop3A_268 = arith.constant 48 : index
          %parallel_loop3A_269 = tpu.vector_load %arg19[%parallel_loop3A_267, %parallel_loop3A_268] {strides = array<i32>} : memref<128x64xf32, #tpu.memory_space<vmem>>, vector<1x16xf32>,
          %parallel_loop3A_270 = vector.shape_cast %parallel_loop3A_269 : vector<1x16xf32> to vector<16xf32>
          %parallel_loop3A_271 = arith.addf %parallel_loop3A_266, %parallel_loop3A_270 : vector<16xf32>
          %parallel_loop3A_272 = arith.constant 0.000000e+00 : f32
          %parallel_loop3A_273 = vector.broadcast %parallel_loop3A_272 : f32 to vector<16xf32>
          %parallel_loop3A_274 = arith.cmpf oge, %parallel_loop3A_271, %parallel_loop3A_273 : vector<16xf32>
          %parallel_loop3A_275 = arith.constant 2.000000e-01 : f32
          %parallel_loop3A_276 = vector.broadcast %parallel_loop3A_275 : f32 to vector<16xf32>
          %parallel_loop3A_277 = arith.mulf %parallel_loop3A_271, %parallel_loop3A_276 : vector<16xf32>
          %parallel_loop3A_278 = arith.select %parallel_loop3A_274, %parallel_loop3A_271, %parallel_loop3A_277 : vector<16xi1>, vector<16xf32>
          %parallel_loop3A_279 = arith.mulf %parallel_loop3A_278, %get3A_194 : vector<16xf32>
          %parallel_loop3A_280 = arith.addf %parallel_loop3A_262, %parallel_loop3A_279 : vector<16xf32>
          %parallel_loop3A_281 = tpu.iota {dimensions = array<i32: 0>} : vector<16xi32>
          %parallel_loop3A_282 = arith.constant 1 : i32
          %parallel_loop3A_283 = vector.broadcast %parallel_loop3A_282 : i32 to vector<16xi32>
          %parallel_loop3A_284 = arith.xori %parallel_loop3A_281, %parallel_loop3A_283 : vector<16xi32>
          %parallel_loop3A_285 = vector.shape_cast %parallel_loop3A_284 : vector<16xi32> to vector<16x1xi32>
          %parallel_loop3A_286 = vector.shape_cast %parallel_loop3A_285 : vector<16x1xi32> to vector<16xi32>
          %parallel_loop3A_287 = tpu.dynamic_gather %parallel_loop3A_280[%parallel_loop3A_286] in [0] : vector<16xf32>, vector<16xi32> -> vector<16xf32>
          %parallel_loop3A_288 = arith.addf %parallel_loop3A_280, %parallel_loop3A_287 : vector<16xf32>
          %parallel_loop3A_289 = arith.constant 2 : i32
          %parallel_loop3A_290 = vector.broadcast %parallel_loop3A_289 : i32 to vector<16xi32>
          %parallel_loop3A_291 = arith.xori %parallel_loop3A_281, %parallel_loop3A_290 : vector<16xi32>
          %parallel_loop3A_292 = vector.shape_cast %parallel_loop3A_291 : vector<16xi32> to vector<16x1xi32>
          %parallel_loop3A_293 = vector.shape_cast %parallel_loop3A_292 : vector<16x1xi32> to vector<16xi32>
          %parallel_loop3A_294 = tpu.dynamic_gather %parallel_loop3A_288[%parallel_loop3A_293] in [0] : vector<16xf32>, vector<16xi32> -> vector<16xf32>
          %parallel_loop3A_295 = arith.addf %parallel_loop3A_288, %parallel_loop3A_294 : vector<16xf32>
          %parallel_loop3A_296 = arith.constant 4 : i32
          %parallel_loop3A_297 = vector.broadcast %parallel_loop3A_296 : i32 to vector<16xi32>
          %parallel_loop3A_298 = arith.xori %parallel_loop3A_281, %parallel_loop3A_297 : vector<16xi32>
          %parallel_loop3A_299 = vector.shape_cast %parallel_loop3A_298 : vector<16xi32> to vector<16x1xi32>
          %parallel_loop3A_300 = vector.shape_cast %parallel_loop3A_299 : vector<16x1xi32> to vector<16xi32>
          %parallel_loop3A_301 = tpu.dynamic_gather %parallel_loop3A_295[%parallel_loop3A_300] in [0] : vector<16xf32>, vector<16xi32> -> vector<16xf32>
          %parallel_loop3A_302 = arith.addf %parallel_loop3A_295, %parallel_loop3A_301 : vector<16xf32>
          %parallel_loop3A_303 = arith.constant 8 : i32
          %parallel_loop3A_304 = vector.broadcast %parallel_loop3A_303 : i32 to vector<16xi32>
          %parallel_loop3A_305 = arith.xori %parallel_loop3A_281, %parallel_loop3A_304 : vector<16xi32>
          %parallel_loop3A_306 = vector.shape_cast %parallel_loop3A_305 : vector<16xi32> to vector<16x1xi32>
          %parallel_loop3A_307 = vector.shape_cast %parallel_loop3A_306 : vector<16x1xi32> to vector<16xi32>
          %parallel_loop3A_308 = tpu.dynamic_gather %parallel_loop3A_302[%parallel_loop3A_307] in [0] : vector<16xf32>, vector<16xi32> -> vector<16xf32>
          %parallel_loop3A_309 = arith.addf %parallel_loop3A_302, %parallel_loop3A_308 : vector<16xf32>
          %parallel_loop3A_310 = math.exp %parallel_loop3A_309 : vector<16xf32>
          %parallel_loop3A_311 = arith.mulf %parallel_loop3A_310, %parallel_loop3A_212 : vector<16xf32>
          %parallel_loop3A_312 = arith.index_cast %parallel_loop3A_206 : i32 to index
          %parallel_loop3A_313 = arith.constant 0 : index
          %parallel_loop3A_314 = tpu.vector_load %arg22[%parallel_loop3A_312, %parallel_loop3A_313] {strides = array<i32>} : memref<128x72xf32, #tpu.memory_space<vmem>>, vector<1x16xf32>,
          %parallel_loop3A_315 = vector.shape_cast %parallel_loop3A_314 : vector<1x16xf32> to vector<16xf32>
          %parallel_loop3A_316 = vector.shape_cast %parallel_loop3A_311 : vector<16xf32> to vector<1x16xf32>
          tpu.vector_store %arg22[%parallel_loop3A_312, %parallel_loop3A_313], %parallel_loop3A_316 {strides = array<i32>} : memref<128x72xf32, #tpu.memory_space<vmem>>, vector<1x16xf32>,
          %parallel_loop3A_317 = arith.mulf %parallel_loop3A_310, %parallel_loop3A_230 : vector<16xf32>
          %parallel_loop3A_318 = arith.index_cast %parallel_loop3A_206 : i32 to index
          %parallel_loop3A_319 = arith.constant 16 : index
          %parallel_loop3A_320 = tpu.vector_load %arg22[%parallel_loop3A_318, %parallel_loop3A_319] {strides = array<i32>} : memref<128x72xf32, #tpu.memory_space<vmem>>, vector<1x16xf32>,
          %parallel_loop3A_321 = vector.shape_cast %parallel_loop3A_320 : vector<1x16xf32> to vector<16xf32>
          %parallel_loop3A_322 = vector.shape_cast %parallel_loop3A_317 : vector<16xf32> to vector<1x16xf32>
          tpu.vector_store %arg22[%parallel_loop3A_318, %parallel_loop3A_319], %parallel_loop3A_322 {strides = array<i32>} : memref<128x72xf32, #tpu.memory_space<vmem>>, vector<1x16xf32>,
          %parallel_loop3A_323 = arith.mulf %parallel_loop3A_310, %parallel_loop3A_248 : vector<16xf32>
          %parallel_loop3A_324 = arith.index_cast %parallel_loop3A_206 : i32 to index
          %parallel_loop3A_325 = arith.constant 32 : index
          %parallel_loop3A_326 = tpu.vector_load %arg22[%parallel_loop3A_324, %parallel_loop3A_325] {strides = array<i32>} : memref<128x72xf32, #tpu.memory_space<vmem>>, vector<1x16xf32>,
          %parallel_loop3A_327 = vector.shape_cast %parallel_loop3A_326 : vector<1x16xf32> to vector<16xf32>
          %parallel_loop3A_328 = vector.shape_cast %parallel_loop3A_323 : vector<16xf32> to vector<1x16xf32>
          tpu.vector_store %arg22[%parallel_loop3A_324, %parallel_loop3A_325], %parallel_loop3A_328 {strides = array<i32>} : memref<128x72xf32, #tpu.memory_space<vmem>>, vector<1x16xf32>,
          %parallel_loop3A_329 = arith.mulf %parallel_loop3A_310, %parallel_loop3A_266 : vector<16xf32>
          %parallel_loop3A_330 = arith.index_cast %parallel_loop3A_206 : i32 to index
          %parallel_loop3A_331 = arith.constant 48 : index
          %parallel_loop3A_332 = tpu.vector_load %arg22[%parallel_loop3A_330, %parallel_loop3A_331] {strides = array<i32>} : memref<128x72xf32, #tpu.memory_space<vmem>>, vector<1x16xf32>,
          %parallel_loop3A_333 = vector.shape_cast %parallel_loop3A_332 : vector<1x16xf32> to vector<16xf32>
          %parallel_loop3A_334 = vector.shape_cast %parallel_loop3A_329 : vector<16xf32> to vector<1x16xf32>
          tpu.vector_store %arg22[%parallel_loop3A_330, %parallel_loop3A_331], %parallel_loop3A_334 {strides = array<i32>} : memref<128x72xf32, #tpu.memory_space<vmem>>, vector<1x16xf32>,
          %parallel_loop3A_335 = vector.shape_cast %xor3A_201 : vector<16xi32> to vector<16x1xi32>
          %parallel_loop3A_336 = vector.shape_cast %parallel_loop3A_335 : vector<16x1xi32> to vector<16xi32>
          %parallel_loop3A_337 = tpu.dynamic_gather %parallel_loop3A_329[%parallel_loop3A_336] in [0] : vector<16xf32>, vector<16xi32> -> vector<16xf32>
          %parallel_loop3A_338 = arith.constant 0.000000e+00 : f32
          %parallel_loop3A_339 = vector.broadcast %parallel_loop3A_338 : f32 to vector<16xf32>
          %parallel_loop3A_340 = arith.select %eq3A_199, %parallel_loop3A_310, %parallel_loop3A_339 : vector<16xi1>, vector<16xf32>
          %parallel_loop3A_341 = arith.select %lt3A_197, %parallel_loop3A_337, %parallel_loop3A_340 : vector<16xi1>, vector<16xf32>
          %parallel_loop3A_342 = arith.index_cast %parallel_loop3A_206 : i32 to index
          %parallel_loop3A_343 = arith.constant 56 : index
          %parallel_loop3A_344 = tpu.vector_load %arg22[%parallel_loop3A_342, %parallel_loop3A_343] {strides = array<i32>} : memref<128x72xf32, #tpu.memory_space<vmem>>, vector<1x16xf32>,
          %parallel_loop3A_345 = vector.shape_cast %parallel_loop3A_344 : vector<1x16xf32> to vector<16xf32>
          %parallel_loop3A_346 = vector.shape_cast %parallel_loop3A_341 : vector<16xf32> to vector<1x16xf32>
          tpu.vector_store %arg22[%parallel_loop3A_342, %parallel_loop3A_343], %parallel_loop3A_346 {strides = array<i32>} : memref<128x72xf32, #tpu.memory_space<vmem>>, vector<1x16xf32>,
        } {sc.loop_unroll_factor = 4 : i64, sc.parallel_access}
        %dma_start3A = arith.constant 0 : i32
        %dma_start3A_204 = arith.constant 0 : i32
        %dma_start3A_205 = tpu.memref_slice %arg26[%dma_start3A, %dma_start3A_204] : memref<10240x72xf32, #tpu.memory_space<vmem_shared>> -> memref<10240x72xf32, #tpu.memory_space<vmem_shared>>
        tpu.enqueue_indirect_dma source(%arg22 : memref<128x72xf32, #tpu.memory_space<vmem>>) target(%dma_start3A_205 : memref<10240x72xf32, #tpu.memory_space<vmem_shared>>) offsets(%arg13 : memref<128xi32, #tpu.memory_space<vmem>>) semaphore(%arg33 : memref<!tpu.dma_semaphore, #tpu.memory_space<semaphore_mem>>) {add = true}
      } else {
      }
      %mul3A_61 = arith.constant 3 : i32
      %mul3A_62 = arith.muli %scan3A_29, %mul3A_61 : i32
      %add3A_63 = arith.constant 1 : i32
      %add3A_64 = arith.addi %mul3A_62, %add3A_63 : i32
      %mul3A_65 = arith.constant 32 : i32
      %mul3A_66 = arith.muli %add3A_64, %mul3A_65 : i32
      %add3A_67 = arith.addi %add3A, %mul3A_66 : i32
      %lt3A_68 = arith.constant 2500 : i32
      %lt3A_69 = arith.cmpi slt, %add3A_67, %lt3A_68 : i32
      %convert_element_type3A_70 = arith.extui %lt3A_69 : i1 to i32
      %cond3A_71 = arith.constant 0 : i32
      %cond3A_72 = arith.cmpi ne, %convert_element_type3A_70, %cond3A_71 : i32
      scf.if %cond3A_72 {
        %dma_wait3A = arith.constant 0 : i32
        %dma_wait3A_129 = arith.constant 0 : i32
        %dma_wait3A_130 = tpu.memref_slice %arg2[%dma_wait3A, %dma_wait3A_129] : memref<10000x64xf32, #tpu.memory_space<hbm>> -> memref<10000x64xf32, #tpu.memory_space<hbm>>
        tpu.wait_indirect_dma semaphore(%arg29 : memref<!tpu.dma_semaphore, #tpu.memory_space<semaphore_mem>>) src(%dma_wait3A_130 : memref<10000x64xf32, #tpu.memory_space<hbm>>) dst(%arg17 : memref<128x64xf32, #tpu.memory_space<vmem>>)
        %dma_wait3A_131 = arith.constant 0 : i32
        %dma_wait3A_132 = arith.constant 0 : i32
        %dma_wait3A_133 = tpu.memref_slice %arg3[%dma_wait3A_131, %dma_wait3A_132] : memref<10000x64xf32, #tpu.memory_space<hbm>> -> memref<10000x64xf32, #tpu.memory_space<hbm>>
        tpu.wait_indirect_dma semaphore(%arg30 : memref<!tpu.dma_semaphore, #tpu.memory_space<semaphore_mem>>) src(%dma_wait3A_133 : memref<10000x64xf32, #tpu.memory_space<hbm>>) dst(%arg20 : memref<128x64xf32, #tpu.memory_space<vmem>>)
      } else {
      }
      %ge3A_73 = arith.constant 3 : i32
      %ge3A_74 = arith.cmpi sge, %add3A_64, %ge3A_73 : i32
      %sub3A_75 = arith.constant 96 : i32
      %sub3A_76 = arith.subi %add3A_67, %sub3A_75 : i32
      %lt3A_77 = arith.constant 2500 : i32
      %lt3A_78 = arith.cmpi slt, %sub3A_76, %lt3A_77 : i32
      %and3A_79 = arith.andi %ge3A_74, %lt3A_78 : i1
      %convert_element_type3A_80 = arith.extui %and3A_79 : i1 to i32
      %cond3A_81 = arith.constant 0 : i32
      %cond3A_82 = arith.cmpi ne, %convert_element_type3A_80, %cond3A_81 : i32
      scf.if %cond3A_82 {
        %dma_wait3A = arith.constant 0 : i32
        %dma_wait3A_129 = arith.constant 0 : i32
        %dma_wait3A_130 = tpu.memref_slice %arg26[%dma_wait3A, %dma_wait3A_129] : memref<10240x72xf32, #tpu.memory_space<vmem_shared>> -> memref<10240x72xf32, #tpu.memory_space<vmem_shared>>
        tpu.wait_indirect_dma semaphore(%arg34 : memref<!tpu.dma_semaphore, #tpu.memory_space<semaphore_mem>>) src(%arg23 : memref<128x72xf32, #tpu.memory_space<vmem>>) dst(%dma_wait3A_130 : memref<10240x72xf32, #tpu.memory_space<vmem_shared>>)
      } else {
      }
      %add3A_83 = arith.constant 64 : i32
      %add3A_84 = arith.addi %add3A_67, %add3A_83 : i32
      %lt3A_85 = arith.constant 2500 : i32
      %lt3A_86 = arith.cmpi slt, %add3A_84, %lt3A_85 : i32
      %convert_element_type3A_87 = arith.extui %lt3A_86 : i1 to i32
      %cond3A_88 = arith.constant 0 : i32
      %cond3A_89 = arith.cmpi ne, %convert_element_type3A_87, %cond3A_88 : i32
      scf.if %cond3A_89 {
        %mul3A_129 = arith.constant 128 : i32
        %mul3A_130 = arith.muli %add3A_84, %mul3A_129 : i32
        %run_scoped3A = arith.constant 0 : i32
        "tpu.region"() ({
          %run_scoped3A_137 = tpu.sem_alloc : memref<!tpu.dma_semaphore, #tpu.memory_space<semaphore_mem>>
          %dma_start3A_138 = tpu.memref_slice %arg5[%run_scoped3A, %mul3A_130] : memref<2x320000xi32, #tpu.memory_space<hbm>> -> memref<1x128xi32, #tpu.memory_space<hbm>>
          %dma_start3A_139 = tpu.memref_squeeze %dma_start3A_138 : memref<1x128xi32, #tpu.memory_space<hbm>> -> memref<128xi32, #tpu.memory_space<hbm>>
          %dma_start3A_140 = tpu.memref_slice %arg5[%run_scoped3A, %mul3A_130] : memref<2x320000xi32, #tpu.memory_space<hbm>> -> memref<1x128xi32, #tpu.memory_space<hbm>>
          %dma_start3A_141 = tpu.memref_squeeze %dma_start3A_140 : memref<1x128xi32, #tpu.memory_space<hbm>> -> memref<128xi32, #tpu.memory_space<hbm>>
          tpu.enqueue_dma source(%dma_start3A_141 : memref<128xi32, #tpu.memory_space<hbm>>) target(%arg7 : memref<128xi32, #tpu.memory_space<vmem>>) target_semaphore(%run_scoped3A_137 : memref<!tpu.dma_semaphore, #tpu.memory_space<semaphore_mem>>)
          %dma_wait3A = tpu.memref_slice %arg5[%run_scoped3A, %mul3A_130] : memref<2x320000xi32, #tpu.memory_space<hbm>> -> memref<1x128xi32, #tpu.memory_space<hbm>>
          %dma_wait3A_142 = tpu.memref_squeeze %dma_wait3A : memref<1x128xi32, #tpu.memory_space<hbm>> -> memref<128xi32, #tpu.memory_space<hbm>>
          %dma_wait3A_143 = tpu.memref_slice %arg5[%run_scoped3A, %mul3A_130] : memref<2x320000xi32, #tpu.memory_space<hbm>> -> memref<1x128xi32, #tpu.memory_space<hbm>>
          %dma_wait3A_144 = tpu.memref_squeeze %dma_wait3A_143 : memref<1x128xi32, #tpu.memory_space<hbm>> -> memref<128xi32, #tpu.memory_space<hbm>>
          tpu.wait_dma2 semaphore(%run_scoped3A_137 : memref<!tpu.dma_semaphore, #tpu.memory_space<semaphore_mem>>) src(%dma_wait3A_144 : memref<128xi32, #tpu.memory_space<hbm>>) dst(%arg7 : memref<128xi32, #tpu.memory_space<vmem>>)
          tpu.yield
        }) : () -> ()
        %run_scoped3A_131 = arith.constant 1 : i32
        "tpu.region"() ({
          %run_scoped3A_137 = tpu.sem_alloc : memref<!tpu.dma_semaphore, #tpu.memory_space<semaphore_mem>>
          %dma_start3A_138 = tpu.memref_slice %arg5[%run_scoped3A_131, %mul3A_130] : memref<2x320000xi32, #tpu.memory_space<hbm>> -> memref<1x128xi32, #tpu.memory_space<hbm>>
          %dma_start3A_139 = tpu.memref_squeeze %dma_start3A_138 : memref<1x128xi32, #tpu.memory_space<hbm>> -> memref<128xi32, #tpu.memory_space<hbm>>
          %dma_start3A_140 = tpu.memref_slice %arg5[%run_scoped3A_131, %mul3A_130] : memref<2x320000xi32, #tpu.memory_space<hbm>> -> memref<1x128xi32, #tpu.memory_space<hbm>>
          %dma_start3A_141 = tpu.memref_squeeze %dma_start3A_140 : memref<1x128xi32, #tpu.memory_space<hbm>> -> memref<128xi32, #tpu.memory_space<hbm>>
          tpu.enqueue_dma source(%dma_start3A_141 : memref<128xi32, #tpu.memory_space<hbm>>) target(%arg10 : memref<128xi32, #tpu.memory_space<vmem>>) target_semaphore(%run_scoped3A_137 : memref<!tpu.dma_semaphore, #tpu.memory_space<semaphore_mem>>)
          %dma_wait3A = tpu.memref_slice %arg5[%run_scoped3A_131, %mul3A_130] : memref<2x320000xi32, #tpu.memory_space<hbm>> -> memref<1x128xi32, #tpu.memory_space<hbm>>
          %dma_wait3A_142 = tpu.memref_squeeze %dma_wait3A : memref<1x128xi32, #tpu.memory_space<hbm>> -> memref<128xi32, #tpu.memory_space<hbm>>
          %dma_wait3A_143 = tpu.memref_slice %arg5[%run_scoped3A_131, %mul3A_130] : memref<2x320000xi32, #tpu.memory_space<hbm>> -> memref<1x128xi32, #tpu.memory_space<hbm>>
          %dma_wait3A_144 = tpu.memref_squeeze %dma_wait3A_143 : memref<1x128xi32, #tpu.memory_space<hbm>> -> memref<128xi32, #tpu.memory_space<hbm>>
          tpu.wait_dma2 semaphore(%run_scoped3A_137 : memref<!tpu.dma_semaphore, #tpu.memory_space<semaphore_mem>>) src(%dma_wait3A_144 : memref<128xi32, #tpu.memory_space<hbm>>) dst(%arg10 : memref<128xi32, #tpu.memory_space<vmem>>)
          tpu.yield
        }) : () -> ()
        %dma_start3A = arith.constant 0 : i32
        %dma_start3A_132 = arith.constant 0 : i32
        %dma_start3A_133 = tpu.memref_slice %arg2[%dma_start3A, %dma_start3A_132] : memref<10000x64xf32, #tpu.memory_space<hbm>> -> memref<10000x64xf32, #tpu.memory_space<hbm>>
        tpu.enqueue_indirect_dma source(%dma_start3A_133 : memref<10000x64xf32, #tpu.memory_space<hbm>>) target(%arg16 : memref<128x64xf32, #tpu.memory_space<vmem>>) offsets(%arg7 : memref<128xi32, #tpu.memory_space<vmem>>) semaphore(%arg27 : memref<!tpu.dma_semaphore, #tpu.memory_space<semaphore_mem>>)
        %dma_start3A_134 = arith.constant 0 : i32
        %dma_start3A_135 = arith.constant 0 : i32
        %dma_start3A_136 = tpu.memref_slice %arg3[%dma_start3A_134, %dma_start3A_135] : memref<10000x64xf32, #tpu.memory_space<hbm>> -> memref<10000x64xf32, #tpu.memory_space<hbm>>
        tpu.enqueue_indirect_dma source(%dma_start3A_136 : memref<10000x64xf32, #tpu.memory_space<hbm>>) target(%arg19 : memref<128x64xf32, #tpu.memory_space<vmem>>) offsets(%arg10 : memref<128xi32, #tpu.memory_space<vmem>>) semaphore(%arg28 : memref<!tpu.dma_semaphore, #tpu.memory_space<semaphore_mem>>)
      } else {
      }
      %lt3A_90 = arith.constant 2500 : i32
      %lt3A_91 = arith.cmpi slt, %add3A_67, %lt3A_90 : i32
      %convert_element_type3A_92 = arith.extui %lt3A_91 : i1 to i32
      %cond3A_93 = arith.constant 0 : i32
      %cond3A_94 = arith.cmpi ne, %convert_element_type3A_92, %cond3A_93 : i32
      scf.if %cond3A_94 {
        %get3A = arith.constant 0 : index
        %get3A_129 = tpu.vector_load %arg11[%get3A] {strides = array<i32>} : memref<128xi32, #tpu.memory_space<vmem>>, vector<16xi32>,
        %get3A_130 = vector.shape_cast %get3A_129 : vector<16xi32> to vector<16xi32>
        %swap3A = arith.constant 0 : index
        %swap3A_131 = tpu.vector_load %arg14[%swap3A] {strides = array<i32>} : memref<128xi32, #tpu.memory_space<vmem>>, vector<16xi32>,
        %swap3A_132 = vector.shape_cast %swap3A_131 : vector<16xi32> to vector<16xi32>
        %swap3A_133 = vector.shape_cast %get3A_130 : vector<16xi32> to vector<16xi32>
        tpu.vector_store %arg14[%swap3A], %swap3A_133 {strides = array<i32>} : memref<128xi32, #tpu.memory_space<vmem>>, vector<16xi32>,
        %get3A_134 = arith.constant 16 : index
        %get3A_135 = tpu.vector_load %arg11[%get3A_134] {strides = array<i32>} : memref<128xi32, #tpu.memory_space<vmem>>, vector<16xi32>,
        %get3A_136 = vector.shape_cast %get3A_135 : vector<16xi32> to vector<16xi32>
        %swap3A_137 = arith.constant 16 : index
        %swap3A_138 = tpu.vector_load %arg14[%swap3A_137] {strides = array<i32>} : memref<128xi32, #tpu.memory_space<vmem>>, vector<16xi32>,
        %swap3A_139 = vector.shape_cast %swap3A_138 : vector<16xi32> to vector<16xi32>
        %swap3A_140 = vector.shape_cast %get3A_136 : vector<16xi32> to vector<16xi32>
        tpu.vector_store %arg14[%swap3A_137], %swap3A_140 {strides = array<i32>} : memref<128xi32, #tpu.memory_space<vmem>>, vector<16xi32>,
        %get3A_141 = arith.constant 32 : index
        %get3A_142 = tpu.vector_load %arg11[%get3A_141] {strides = array<i32>} : memref<128xi32, #tpu.memory_space<vmem>>, vector<16xi32>,
        %get3A_143 = vector.shape_cast %get3A_142 : vector<16xi32> to vector<16xi32>
        %swap3A_144 = arith.constant 32 : index
        %swap3A_145 = tpu.vector_load %arg14[%swap3A_144] {strides = array<i32>} : memref<128xi32, #tpu.memory_space<vmem>>, vector<16xi32>,
        %swap3A_146 = vector.shape_cast %swap3A_145 : vector<16xi32> to vector<16xi32>
        %swap3A_147 = vector.shape_cast %get3A_143 : vector<16xi32> to vector<16xi32>
        tpu.vector_store %arg14[%swap3A_144], %swap3A_147 {strides = array<i32>} : memref<128xi32, #tpu.memory_space<vmem>>, vector<16xi32>,
        %get3A_148 = arith.constant 48 : index
        %get3A_149 = tpu.vector_load %arg11[%get3A_148] {strides = array<i32>} : memref<128xi32, #tpu.memory_space<vmem>>, vector<16xi32>,
        %get3A_150 = vector.shape_cast %get3A_149 : vector<16xi32> to vector<16xi32>
        %swap3A_151 = arith.constant 48 : index
        %swap3A_152 = tpu.vector_load %arg14[%swap3A_151] {strides = array<i32>} : memref<128xi32, #tpu.memory_space<vmem>>, vector<16xi32>,
        %swap3A_153 = vector.shape_cast %swap3A_152 : vector<16xi32> to vector<16xi32>
        %swap3A_154 = vector.shape_cast %get3A_150 : vector<16xi32> to vector<16xi32>
        tpu.vector_store %arg14[%swap3A_151], %swap3A_154 {strides = array<i32>} : memref<128xi32, #tpu.memory_space<vmem>>, vector<16xi32>,
        %get3A_155 = arith.constant 64 : index
        %get3A_156 = tpu.vector_load %arg11[%get3A_155] {strides = array<i32>} : memref<128xi32, #tpu.memory_space<vmem>>, vector<16xi32>,
        %get3A_157 = vector.shape_cast %get3A_156 : vector<16xi32> to vector<16xi32>
        %swap3A_158 = arith.constant 64 : index
        %swap3A_159 = tpu.vector_load %arg14[%swap3A_158] {strides = array<i32>} : memref<128xi32, #tpu.memory_space<vmem>>, vector<16xi32>,
        %swap3A_160 = vector.shape_cast %swap3A_159 : vector<16xi32> to vector<16xi32>
        %swap3A_161 = vector.shape_cast %get3A_157 : vector<16xi32> to vector<16xi32>
        tpu.vector_store %arg14[%swap3A_158], %swap3A_161 {strides = array<i32>} : memref<128xi32, #tpu.memory_space<vmem>>, vector<16xi32>,
        %get3A_162 = arith.constant 80 : index
        %get3A_163 = tpu.vector_load %arg11[%get3A_162] {strides = array<i32>} : memref<128xi32, #tpu.memory_space<vmem>>, vector<16xi32>,
        %get3A_164 = vector.shape_cast %get3A_163 : vector<16xi32> to vector<16xi32>
        %swap3A_165 = arith.constant 80 : index
        %swap3A_166 = tpu.vector_load %arg14[%swap3A_165] {strides = array<i32>} : memref<128xi32, #tpu.memory_space<vmem>>, vector<16xi32>,
        %swap3A_167 = vector.shape_cast %swap3A_166 : vector<16xi32> to vector<16xi32>
        %swap3A_168 = vector.shape_cast %get3A_164 : vector<16xi32> to vector<16xi32>
        tpu.vector_store %arg14[%swap3A_165], %swap3A_168 {strides = array<i32>} : memref<128xi32, #tpu.memory_space<vmem>>, vector<16xi32>,
        %get3A_169 = arith.constant 96 : index
        %get3A_170 = tpu.vector_load %arg11[%get3A_169] {strides = array<i32>} : memref<128xi32, #tpu.memory_space<vmem>>, vector<16xi32>,
        %get3A_171 = vector.shape_cast %get3A_170 : vector<16xi32> to vector<16xi32>
        %swap3A_172 = arith.constant 96 : index
        %swap3A_173 = tpu.vector_load %arg14[%swap3A_172] {strides = array<i32>} : memref<128xi32, #tpu.memory_space<vmem>>, vector<16xi32>,
        %swap3A_174 = vector.shape_cast %swap3A_173 : vector<16xi32> to vector<16xi32>
        %swap3A_175 = vector.shape_cast %get3A_171 : vector<16xi32> to vector<16xi32>
        tpu.vector_store %arg14[%swap3A_172], %swap3A_175 {strides = array<i32>} : memref<128xi32, #tpu.memory_space<vmem>>, vector<16xi32>,
        %get3A_176 = arith.constant 112 : index
        %get3A_177 = tpu.vector_load %arg11[%get3A_176] {strides = array<i32>} : memref<128xi32, #tpu.memory_space<vmem>>, vector<16xi32>,
        %get3A_178 = vector.shape_cast %get3A_177 : vector<16xi32> to vector<16xi32>
        %swap3A_179 = arith.constant 112 : index
        %swap3A_180 = tpu.vector_load %arg14[%swap3A_179] {strides = array<i32>} : memref<128xi32, #tpu.memory_space<vmem>>, vector<16xi32>,
        %swap3A_181 = vector.shape_cast %swap3A_180 : vector<16xi32> to vector<16xi32>
        %swap3A_182 = vector.shape_cast %get3A_178 : vector<16xi32> to vector<16xi32>
        tpu.vector_store %arg14[%swap3A_179], %swap3A_182 {strides = array<i32>} : memref<128xi32, #tpu.memory_space<vmem>>, vector<16xi32>,
        %get3A_183 = arith.constant 0 : index
        %get3A_184 = tpu.vector_load %arg25[%get3A_183] {strides = array<i32>} : memref<64xf32, #tpu.memory_space<vmem>>, vector<16xf32>,
        %get3A_185 = vector.shape_cast %get3A_184 : vector<16xf32> to vector<16xf32>
        %get3A_186 = arith.constant 16 : index
        %get3A_187 = tpu.vector_load %arg25[%get3A_186] {strides = array<i32>} : memref<64xf32, #tpu.memory_space<vmem>>, vector<16xf32>,
        %get3A_188 = vector.shape_cast %get3A_187 : vector<16xf32> to vector<16xf32>
        %get3A_189 = arith.constant 32 : index
        %get3A_190 = tpu.vector_load %arg25[%get3A_189] {strides = array<i32>} : memref<64xf32, #tpu.memory_space<vmem>>, vector<16xf32>,
        %get3A_191 = vector.shape_cast %get3A_190 : vector<16xf32> to vector<16xf32>
        %get3A_192 = arith.constant 48 : index
        %get3A_193 = tpu.vector_load %arg25[%get3A_192] {strides = array<i32>} : memref<64xf32, #tpu.memory_space<vmem>>, vector<16xf32>,
        %get3A_194 = vector.shape_cast %get3A_193 : vector<16xf32> to vector<16xf32>
        %iota3A = tpu.iota {dimensions = array<i32: 0>} : vector<16xi32>
        %lt3A_195 = arith.constant 8 : i32
        %lt3A_196 = vector.broadcast %lt3A_195 : i32 to vector<16xi32>
        %lt3A_197 = arith.cmpi slt, %iota3A, %lt3A_196 : vector<16xi32>
        %eq3A = arith.constant 8 : i32
        %eq3A_198 = vector.broadcast %eq3A : i32 to vector<16xi32>
        %eq3A_199 = arith.cmpi eq, %iota3A, %eq3A_198 : vector<16xi32>
        %xor3A = arith.constant 8 : i32
        %xor3A_200 = vector.broadcast %xor3A : i32 to vector<16xi32>
        %xor3A_201 = arith.xori %iota3A, %xor3A_200 : vector<16xi32>
        %parallel_loop3A = arith.constant 0 : i32
        %parallel_loop3A_202 = arith.constant 128 : i32
        %parallel_loop3A_203 = arith.constant 1 : i32
        scf.for %parallel_loop3A_206 = %parallel_loop3A to %parallel_loop3A_202 step %parallel_loop3A_203  : i32 {
          %parallel_loop3A_207 = arith.constant 0.000000e+00 : f32
          %parallel_loop3A_208 = vector.broadcast %parallel_loop3A_207 : f32 to vector<16xf32>
          %parallel_loop3A_209 = arith.index_cast %parallel_loop3A_206 : i32 to index
          %parallel_loop3A_210 = arith.constant 0 : index
          %parallel_loop3A_211 = tpu.vector_load %arg17[%parallel_loop3A_209, %parallel_loop3A_210] {strides = array<i32>} : memref<128x64xf32, #tpu.memory_space<vmem>>, vector<1x16xf32>,
          %parallel_loop3A_212 = vector.shape_cast %parallel_loop3A_211 : vector<1x16xf32> to vector<16xf32>
          %parallel_loop3A_213 = arith.index_cast %parallel_loop3A_206 : i32 to index
          %parallel_loop3A_214 = arith.constant 0 : index
          %parallel_loop3A_215 = tpu.vector_load %arg20[%parallel_loop3A_213, %parallel_loop3A_214] {strides = array<i32>} : memref<128x64xf32, #tpu.memory_space<vmem>>, vector<1x16xf32>,
          %parallel_loop3A_216 = vector.shape_cast %parallel_loop3A_215 : vector<1x16xf32> to vector<16xf32>
          %parallel_loop3A_217 = arith.addf %parallel_loop3A_212, %parallel_loop3A_216 : vector<16xf32>
          %parallel_loop3A_218 = arith.constant 0.000000e+00 : f32
          %parallel_loop3A_219 = vector.broadcast %parallel_loop3A_218 : f32 to vector<16xf32>
          %parallel_loop3A_220 = arith.cmpf oge, %parallel_loop3A_217, %parallel_loop3A_219 : vector<16xf32>
          %parallel_loop3A_221 = arith.constant 2.000000e-01 : f32
          %parallel_loop3A_222 = vector.broadcast %parallel_loop3A_221 : f32 to vector<16xf32>
          %parallel_loop3A_223 = arith.mulf %parallel_loop3A_217, %parallel_loop3A_222 : vector<16xf32>
          %parallel_loop3A_224 = arith.select %parallel_loop3A_220, %parallel_loop3A_217, %parallel_loop3A_223 : vector<16xi1>, vector<16xf32>
          %parallel_loop3A_225 = arith.mulf %parallel_loop3A_224, %get3A_185 : vector<16xf32>
          %parallel_loop3A_226 = arith.addf %parallel_loop3A_208, %parallel_loop3A_225 : vector<16xf32>
          %parallel_loop3A_227 = arith.index_cast %parallel_loop3A_206 : i32 to index
          %parallel_loop3A_228 = arith.constant 16 : index
          %parallel_loop3A_229 = tpu.vector_load %arg17[%parallel_loop3A_227, %parallel_loop3A_228] {strides = array<i32>} : memref<128x64xf32, #tpu.memory_space<vmem>>, vector<1x16xf32>,
          %parallel_loop3A_230 = vector.shape_cast %parallel_loop3A_229 : vector<1x16xf32> to vector<16xf32>
          %parallel_loop3A_231 = arith.index_cast %parallel_loop3A_206 : i32 to index
          %parallel_loop3A_232 = arith.constant 16 : index
          %parallel_loop3A_233 = tpu.vector_load %arg20[%parallel_loop3A_231, %parallel_loop3A_232] {strides = array<i32>} : memref<128x64xf32, #tpu.memory_space<vmem>>, vector<1x16xf32>,
          %parallel_loop3A_234 = vector.shape_cast %parallel_loop3A_233 : vector<1x16xf32> to vector<16xf32>
          %parallel_loop3A_235 = arith.addf %parallel_loop3A_230, %parallel_loop3A_234 : vector<16xf32>
          %parallel_loop3A_236 = arith.constant 0.000000e+00 : f32
          %parallel_loop3A_237 = vector.broadcast %parallel_loop3A_236 : f32 to vector<16xf32>
          %parallel_loop3A_238 = arith.cmpf oge, %parallel_loop3A_235, %parallel_loop3A_237 : vector<16xf32>
          %parallel_loop3A_239 = arith.constant 2.000000e-01 : f32
          %parallel_loop3A_240 = vector.broadcast %parallel_loop3A_239 : f32 to vector<16xf32>
          %parallel_loop3A_241 = arith.mulf %parallel_loop3A_235, %parallel_loop3A_240 : vector<16xf32>
          %parallel_loop3A_242 = arith.select %parallel_loop3A_238, %parallel_loop3A_235, %parallel_loop3A_241 : vector<16xi1>, vector<16xf32>
          %parallel_loop3A_243 = arith.mulf %parallel_loop3A_242, %get3A_188 : vector<16xf32>
          %parallel_loop3A_244 = arith.addf %parallel_loop3A_226, %parallel_loop3A_243 : vector<16xf32>
          %parallel_loop3A_245 = arith.index_cast %parallel_loop3A_206 : i32 to index
          %parallel_loop3A_246 = arith.constant 32 : index
          %parallel_loop3A_247 = tpu.vector_load %arg17[%parallel_loop3A_245, %parallel_loop3A_246] {strides = array<i32>} : memref<128x64xf32, #tpu.memory_space<vmem>>, vector<1x16xf32>,
          %parallel_loop3A_248 = vector.shape_cast %parallel_loop3A_247 : vector<1x16xf32> to vector<16xf32>
          %parallel_loop3A_249 = arith.index_cast %parallel_loop3A_206 : i32 to index
          %parallel_loop3A_250 = arith.constant 32 : index
          %parallel_loop3A_251 = tpu.vector_load %arg20[%parallel_loop3A_249, %parallel_loop3A_250] {strides = array<i32>} : memref<128x64xf32, #tpu.memory_space<vmem>>, vector<1x16xf32>,
          %parallel_loop3A_252 = vector.shape_cast %parallel_loop3A_251 : vector<1x16xf32> to vector<16xf32>
          %parallel_loop3A_253 = arith.addf %parallel_loop3A_248, %parallel_loop3A_252 : vector<16xf32>
          %parallel_loop3A_254 = arith.constant 0.000000e+00 : f32
          %parallel_loop3A_255 = vector.broadcast %parallel_loop3A_254 : f32 to vector<16xf32>
          %parallel_loop3A_256 = arith.cmpf oge, %parallel_loop3A_253, %parallel_loop3A_255 : vector<16xf32>
          %parallel_loop3A_257 = arith.constant 2.000000e-01 : f32
          %parallel_loop3A_258 = vector.broadcast %parallel_loop3A_257 : f32 to vector<16xf32>
          %parallel_loop3A_259 = arith.mulf %parallel_loop3A_253, %parallel_loop3A_258 : vector<16xf32>
          %parallel_loop3A_260 = arith.select %parallel_loop3A_256, %parallel_loop3A_253, %parallel_loop3A_259 : vector<16xi1>, vector<16xf32>
          %parallel_loop3A_261 = arith.mulf %parallel_loop3A_260, %get3A_191 : vector<16xf32>
          %parallel_loop3A_262 = arith.addf %parallel_loop3A_244, %parallel_loop3A_261 : vector<16xf32>
          %parallel_loop3A_263 = arith.index_cast %parallel_loop3A_206 : i32 to index
          %parallel_loop3A_264 = arith.constant 48 : index
          %parallel_loop3A_265 = tpu.vector_load %arg17[%parallel_loop3A_263, %parallel_loop3A_264] {strides = array<i32>} : memref<128x64xf32, #tpu.memory_space<vmem>>, vector<1x16xf32>,
          %parallel_loop3A_266 = vector.shape_cast %parallel_loop3A_265 : vector<1x16xf32> to vector<16xf32>
          %parallel_loop3A_267 = arith.index_cast %parallel_loop3A_206 : i32 to index
          %parallel_loop3A_268 = arith.constant 48 : index
          %parallel_loop3A_269 = tpu.vector_load %arg20[%parallel_loop3A_267, %parallel_loop3A_268] {strides = array<i32>} : memref<128x64xf32, #tpu.memory_space<vmem>>, vector<1x16xf32>,
          %parallel_loop3A_270 = vector.shape_cast %parallel_loop3A_269 : vector<1x16xf32> to vector<16xf32>
          %parallel_loop3A_271 = arith.addf %parallel_loop3A_266, %parallel_loop3A_270 : vector<16xf32>
          %parallel_loop3A_272 = arith.constant 0.000000e+00 : f32
          %parallel_loop3A_273 = vector.broadcast %parallel_loop3A_272 : f32 to vector<16xf32>
          %parallel_loop3A_274 = arith.cmpf oge, %parallel_loop3A_271, %parallel_loop3A_273 : vector<16xf32>
          %parallel_loop3A_275 = arith.constant 2.000000e-01 : f32
          %parallel_loop3A_276 = vector.broadcast %parallel_loop3A_275 : f32 to vector<16xf32>
          %parallel_loop3A_277 = arith.mulf %parallel_loop3A_271, %parallel_loop3A_276 : vector<16xf32>
          %parallel_loop3A_278 = arith.select %parallel_loop3A_274, %parallel_loop3A_271, %parallel_loop3A_277 : vector<16xi1>, vector<16xf32>
          %parallel_loop3A_279 = arith.mulf %parallel_loop3A_278, %get3A_194 : vector<16xf32>
          %parallel_loop3A_280 = arith.addf %parallel_loop3A_262, %parallel_loop3A_279 : vector<16xf32>
          %parallel_loop3A_281 = tpu.iota {dimensions = array<i32: 0>} : vector<16xi32>
          %parallel_loop3A_282 = arith.constant 1 : i32
          %parallel_loop3A_283 = vector.broadcast %parallel_loop3A_282 : i32 to vector<16xi32>
          %parallel_loop3A_284 = arith.xori %parallel_loop3A_281, %parallel_loop3A_283 : vector<16xi32>
          %parallel_loop3A_285 = vector.shape_cast %parallel_loop3A_284 : vector<16xi32> to vector<16x1xi32>
          %parallel_loop3A_286 = vector.shape_cast %parallel_loop3A_285 : vector<16x1xi32> to vector<16xi32>
          %parallel_loop3A_287 = tpu.dynamic_gather %parallel_loop3A_280[%parallel_loop3A_286] in [0] : vector<16xf32>, vector<16xi32> -> vector<16xf32>
          %parallel_loop3A_288 = arith.addf %parallel_loop3A_280, %parallel_loop3A_287 : vector<16xf32>
          %parallel_loop3A_289 = arith.constant 2 : i32
          %parallel_loop3A_290 = vector.broadcast %parallel_loop3A_289 : i32 to vector<16xi32>
          %parallel_loop3A_291 = arith.xori %parallel_loop3A_281, %parallel_loop3A_290 : vector<16xi32>
          %parallel_loop3A_292 = vector.shape_cast %parallel_loop3A_291 : vector<16xi32> to vector<16x1xi32>
          %parallel_loop3A_293 = vector.shape_cast %parallel_loop3A_292 : vector<16x1xi32> to vector<16xi32>
          %parallel_loop3A_294 = tpu.dynamic_gather %parallel_loop3A_288[%parallel_loop3A_293] in [0] : vector<16xf32>, vector<16xi32> -> vector<16xf32>
          %parallel_loop3A_295 = arith.addf %parallel_loop3A_288, %parallel_loop3A_294 : vector<16xf32>
          %parallel_loop3A_296 = arith.constant 4 : i32
          %parallel_loop3A_297 = vector.broadcast %parallel_loop3A_296 : i32 to vector<16xi32>
          %parallel_loop3A_298 = arith.xori %parallel_loop3A_281, %parallel_loop3A_297 : vector<16xi32>
          %parallel_loop3A_299 = vector.shape_cast %parallel_loop3A_298 : vector<16xi32> to vector<16x1xi32>
          %parallel_loop3A_300 = vector.shape_cast %parallel_loop3A_299 : vector<16x1xi32> to vector<16xi32>
          %parallel_loop3A_301 = tpu.dynamic_gather %parallel_loop3A_295[%parallel_loop3A_300] in [0] : vector<16xf32>, vector<16xi32> -> vector<16xf32>
          %parallel_loop3A_302 = arith.addf %parallel_loop3A_295, %parallel_loop3A_301 : vector<16xf32>
          %parallel_loop3A_303 = arith.constant 8 : i32
          %parallel_loop3A_304 = vector.broadcast %parallel_loop3A_303 : i32 to vector<16xi32>
          %parallel_loop3A_305 = arith.xori %parallel_loop3A_281, %parallel_loop3A_304 : vector<16xi32>
          %parallel_loop3A_306 = vector.shape_cast %parallel_loop3A_305 : vector<16xi32> to vector<16x1xi32>
          %parallel_loop3A_307 = vector.shape_cast %parallel_loop3A_306 : vector<16x1xi32> to vector<16xi32>
          %parallel_loop3A_308 = tpu.dynamic_gather %parallel_loop3A_302[%parallel_loop3A_307] in [0] : vector<16xf32>, vector<16xi32> -> vector<16xf32>
          %parallel_loop3A_309 = arith.addf %parallel_loop3A_302, %parallel_loop3A_308 : vector<16xf32>
          %parallel_loop3A_310 = math.exp %parallel_loop3A_309 : vector<16xf32>
          %parallel_loop3A_311 = arith.mulf %parallel_loop3A_310, %parallel_loop3A_212 : vector<16xf32>
          %parallel_loop3A_312 = arith.index_cast %parallel_loop3A_206 : i32 to index
          %parallel_loop3A_313 = arith.constant 0 : index
          %parallel_loop3A_314 = tpu.vector_load %arg23[%parallel_loop3A_312, %parallel_loop3A_313] {strides = array<i32>} : memref<128x72xf32, #tpu.memory_space<vmem>>, vector<1x16xf32>,
          %parallel_loop3A_315 = vector.shape_cast %parallel_loop3A_314 : vector<1x16xf32> to vector<16xf32>
          %parallel_loop3A_316 = vector.shape_cast %parallel_loop3A_311 : vector<16xf32> to vector<1x16xf32>
          tpu.vector_store %arg23[%parallel_loop3A_312, %parallel_loop3A_313], %parallel_loop3A_316 {strides = array<i32>} : memref<128x72xf32, #tpu.memory_space<vmem>>, vector<1x16xf32>,
          %parallel_loop3A_317 = arith.mulf %parallel_loop3A_310, %parallel_loop3A_230 : vector<16xf32>
          %parallel_loop3A_318 = arith.index_cast %parallel_loop3A_206 : i32 to index
          %parallel_loop3A_319 = arith.constant 16 : index
          %parallel_loop3A_320 = tpu.vector_load %arg23[%parallel_loop3A_318, %parallel_loop3A_319] {strides = array<i32>} : memref<128x72xf32, #tpu.memory_space<vmem>>, vector<1x16xf32>,
          %parallel_loop3A_321 = vector.shape_cast %parallel_loop3A_320 : vector<1x16xf32> to vector<16xf32>
          %parallel_loop3A_322 = vector.shape_cast %parallel_loop3A_317 : vector<16xf32> to vector<1x16xf32>
          tpu.vector_store %arg23[%parallel_loop3A_318, %parallel_loop3A_319], %parallel_loop3A_322 {strides = array<i32>} : memref<128x72xf32, #tpu.memory_space<vmem>>, vector<1x16xf32>,
          %parallel_loop3A_323 = arith.mulf %parallel_loop3A_310, %parallel_loop3A_248 : vector<16xf32>
          %parallel_loop3A_324 = arith.index_cast %parallel_loop3A_206 : i32 to index
          %parallel_loop3A_325 = arith.constant 32 : index
          %parallel_loop3A_326 = tpu.vector_load %arg23[%parallel_loop3A_324, %parallel_loop3A_325] {strides = array<i32>} : memref<128x72xf32, #tpu.memory_space<vmem>>, vector<1x16xf32>,
          %parallel_loop3A_327 = vector.shape_cast %parallel_loop3A_326 : vector<1x16xf32> to vector<16xf32>
          %parallel_loop3A_328 = vector.shape_cast %parallel_loop3A_323 : vector<16xf32> to vector<1x16xf32>
          tpu.vector_store %arg23[%parallel_loop3A_324, %parallel_loop3A_325], %parallel_loop3A_328 {strides = array<i32>} : memref<128x72xf32, #tpu.memory_space<vmem>>, vector<1x16xf32>,
          %parallel_loop3A_329 = arith.mulf %parallel_loop3A_310, %parallel_loop3A_266 : vector<16xf32>
          %parallel_loop3A_330 = arith.index_cast %parallel_loop3A_206 : i32 to index
          %parallel_loop3A_331 = arith.constant 48 : index
          %parallel_loop3A_332 = tpu.vector_load %arg23[%parallel_loop3A_330, %parallel_loop3A_331] {strides = array<i32>} : memref<128x72xf32, #tpu.memory_space<vmem>>, vector<1x16xf32>,
          %parallel_loop3A_333 = vector.shape_cast %parallel_loop3A_332 : vector<1x16xf32> to vector<16xf32>
          %parallel_loop3A_334 = vector.shape_cast %parallel_loop3A_329 : vector<16xf32> to vector<1x16xf32>
          tpu.vector_store %arg23[%parallel_loop3A_330, %parallel_loop3A_331], %parallel_loop3A_334 {strides = array<i32>} : memref<128x72xf32, #tpu.memory_space<vmem>>, vector<1x16xf32>,
          %parallel_loop3A_335 = vector.shape_cast %xor3A_201 : vector<16xi32> to vector<16x1xi32>
          %parallel_loop3A_336 = vector.shape_cast %parallel_loop3A_335 : vector<16x1xi32> to vector<16xi32>
          %parallel_loop3A_337 = tpu.dynamic_gather %parallel_loop3A_329[%parallel_loop3A_336] in [0] : vector<16xf32>, vector<16xi32> -> vector<16xf32>
          %parallel_loop3A_338 = arith.constant 0.000000e+00 : f32
          %parallel_loop3A_339 = vector.broadcast %parallel_loop3A_338 : f32 to vector<16xf32>
          %parallel_loop3A_340 = arith.select %eq3A_199, %parallel_loop3A_310, %parallel_loop3A_339 : vector<16xi1>, vector<16xf32>
          %parallel_loop3A_341 = arith.select %lt3A_197, %parallel_loop3A_337, %parallel_loop3A_340 : vector<16xi1>, vector<16xf32>
          %parallel_loop3A_342 = arith.index_cast %parallel_loop3A_206 : i32 to index
          %parallel_loop3A_343 = arith.constant 56 : index
          %parallel_loop3A_344 = tpu.vector_load %arg23[%parallel_loop3A_342, %parallel_loop3A_343] {strides = array<i32>} : memref<128x72xf32, #tpu.memory_space<vmem>>, vector<1x16xf32>,
          %parallel_loop3A_345 = vector.shape_cast %parallel_loop3A_344 : vector<1x16xf32> to vector<16xf32>
          %parallel_loop3A_346 = vector.shape_cast %parallel_loop3A_341 : vector<16xf32> to vector<1x16xf32>
          tpu.vector_store %arg23[%parallel_loop3A_342, %parallel_loop3A_343], %parallel_loop3A_346 {strides = array<i32>} : memref<128x72xf32, #tpu.memory_space<vmem>>, vector<1x16xf32>,
        } {sc.loop_unroll_factor = 4 : i64, sc.parallel_access}
        %dma_start3A = arith.constant 0 : i32
        %dma_start3A_204 = arith.constant 0 : i32
        %dma_start3A_205 = tpu.memref_slice %arg26[%dma_start3A, %dma_start3A_204] : memref<10240x72xf32, #tpu.memory_space<vmem_shared>> -> memref<10240x72xf32, #tpu.memory_space<vmem_shared>>
        tpu.enqueue_indirect_dma source(%arg23 : memref<128x72xf32, #tpu.memory_space<vmem>>) target(%dma_start3A_205 : memref<10240x72xf32, #tpu.memory_space<vmem_shared>>) offsets(%arg14 : memref<128xi32, #tpu.memory_space<vmem>>) semaphore(%arg34 : memref<!tpu.dma_semaphore, #tpu.memory_space<semaphore_mem>>) {add = true}
      } else {
      }
      %mul3A_95 = arith.constant 3 : i32
      %mul3A_96 = arith.muli %scan3A_29, %mul3A_95 : i32
      %add3A_97 = arith.constant 2 : i32
      %add3A_98 = arith.addi %mul3A_96, %add3A_97 : i32
      %mul3A_99 = arith.constant 32 : i32
      %mul3A_100 = arith.muli %add3A_98, %mul3A_99 : i32
      %add3A_101 = arith.addi %add3A, %mul3A_100 : i32
      %lt3A_102 = arith.constant 2500 : i32
      %lt3A_103 = arith.cmpi slt, %add3A_101, %lt3A_102 : i32
      %convert_element_type3A_104 = arith.extui %lt3A_103 : i1 to i32
      %cond3A_105 = arith.constant 0 : i32
      %cond3A_106 = arith.cmpi ne, %convert_element_type3A_104, %cond3A_105 : i32
      scf.if %cond3A_106 {
        %dma_wait3A = arith.constant 0 : i32
        %dma_wait3A_129 = arith.constant 0 : i32
        %dma_wait3A_130 = tpu.memref_slice %arg2[%dma_wait3A, %dma_wait3A_129] : memref<10000x64xf32, #tpu.memory_space<hbm>> -> memref<10000x64xf32, #tpu.memory_space<hbm>>
        tpu.wait_indirect_dma semaphore(%arg31 : memref<!tpu.dma_semaphore, #tpu.memory_space<semaphore_mem>>) src(%dma_wait3A_130 : memref<10000x64xf32, #tpu.memory_space<hbm>>) dst(%arg18 : memref<128x64xf32, #tpu.memory_space<vmem>>)
        %dma_wait3A_131 = arith.constant 0 : i32
        %dma_wait3A_132 = arith.constant 0 : i32
        %dma_wait3A_133 = tpu.memref_slice %arg3[%dma_wait3A_131, %dma_wait3A_132] : memref<10000x64xf32, #tpu.memory_space<hbm>> -> memref<10000x64xf32, #tpu.memory_space<hbm>>
        tpu.wait_indirect_dma semaphore(%arg32 : memref<!tpu.dma_semaphore, #tpu.memory_space<semaphore_mem>>) src(%dma_wait3A_133 : memref<10000x64xf32, #tpu.memory_space<hbm>>) dst(%arg21 : memref<128x64xf32, #tpu.memory_space<vmem>>)
      } else {
      }
      %ge3A_107 = arith.constant 3 : i32
      %ge3A_108 = arith.cmpi sge, %add3A_98, %ge3A_107 : i32
      %sub3A_109 = arith.constant 96 : i32
      %sub3A_110 = arith.subi %add3A_101, %sub3A_109 : i32
      %lt3A_111 = arith.constant 2500 : i32
      %lt3A_112 = arith.cmpi slt, %sub3A_110, %lt3A_111 : i32
      %and3A_113 = arith.andi %ge3A_108, %lt3A_112 : i1
      %convert_element_type3A_114 = arith.extui %and3A_113 : i1 to i32
      %cond3A_115 = arith.constant 0 : i32
      %cond3A_116 = arith.cmpi ne, %convert_element_type3A_114, %cond3A_115 : i32
      scf.if %cond3A_116 {
        %dma_wait3A = arith.constant 0 : i32
        %dma_wait3A_129 = arith.constant 0 : i32
        %dma_wait3A_130 = tpu.memref_slice %arg26[%dma_wait3A, %dma_wait3A_129] : memref<10240x72xf32, #tpu.memory_space<vmem_shared>> -> memref<10240x72xf32, #tpu.memory_space<vmem_shared>>
        tpu.wait_indirect_dma semaphore(%arg35 : memref<!tpu.dma_semaphore, #tpu.memory_space<semaphore_mem>>) src(%arg24 : memref<128x72xf32, #tpu.memory_space<vmem>>) dst(%dma_wait3A_130 : memref<10240x72xf32, #tpu.memory_space<vmem_shared>>)
      } else {
      }
      %add3A_117 = arith.constant 64 : i32
      %add3A_118 = arith.addi %add3A_101, %add3A_117 : i32
      %lt3A_119 = arith.constant 2500 : i32
      %lt3A_120 = arith.cmpi slt, %add3A_118, %lt3A_119 : i32
      %convert_element_type3A_121 = arith.extui %lt3A_120 : i1 to i32
      %cond3A_122 = arith.constant 0 : i32
      %cond3A_123 = arith.cmpi ne, %convert_element_type3A_121, %cond3A_122 : i32
      scf.if %cond3A_123 {
        %mul3A_129 = arith.constant 128 : i32
        %mul3A_130 = arith.muli %add3A_118, %mul3A_129 : i32
        %run_scoped3A = arith.constant 0 : i32
        "tpu.region"() ({
          %run_scoped3A_137 = tpu.sem_alloc : memref<!tpu.dma_semaphore, #tpu.memory_space<semaphore_mem>>
          %dma_start3A_138 = tpu.memref_slice %arg5[%run_scoped3A, %mul3A_130] : memref<2x320000xi32, #tpu.memory_space<hbm>> -> memref<1x128xi32, #tpu.memory_space<hbm>>
          %dma_start3A_139 = tpu.memref_squeeze %dma_start3A_138 : memref<1x128xi32, #tpu.memory_space<hbm>> -> memref<128xi32, #tpu.memory_space<hbm>>
          %dma_start3A_140 = tpu.memref_slice %arg5[%run_scoped3A, %mul3A_130] : memref<2x320000xi32, #tpu.memory_space<hbm>> -> memref<1x128xi32, #tpu.memory_space<hbm>>
          %dma_start3A_141 = tpu.memref_squeeze %dma_start3A_140 : memref<1x128xi32, #tpu.memory_space<hbm>> -> memref<128xi32, #tpu.memory_space<hbm>>
          tpu.enqueue_dma source(%dma_start3A_141 : memref<128xi32, #tpu.memory_space<hbm>>) target(%arg8 : memref<128xi32, #tpu.memory_space<vmem>>) target_semaphore(%run_scoped3A_137 : memref<!tpu.dma_semaphore, #tpu.memory_space<semaphore_mem>>)
          %dma_wait3A = tpu.memref_slice %arg5[%run_scoped3A, %mul3A_130] : memref<2x320000xi32, #tpu.memory_space<hbm>> -> memref<1x128xi32, #tpu.memory_space<hbm>>
          %dma_wait3A_142 = tpu.memref_squeeze %dma_wait3A : memref<1x128xi32, #tpu.memory_space<hbm>> -> memref<128xi32, #tpu.memory_space<hbm>>
          %dma_wait3A_143 = tpu.memref_slice %arg5[%run_scoped3A, %mul3A_130] : memref<2x320000xi32, #tpu.memory_space<hbm>> -> memref<1x128xi32, #tpu.memory_space<hbm>>
          %dma_wait3A_144 = tpu.memref_squeeze %dma_wait3A_143 : memref<1x128xi32, #tpu.memory_space<hbm>> -> memref<128xi32, #tpu.memory_space<hbm>>
          tpu.wait_dma2 semaphore(%run_scoped3A_137 : memref<!tpu.dma_semaphore, #tpu.memory_space<semaphore_mem>>) src(%dma_wait3A_144 : memref<128xi32, #tpu.memory_space<hbm>>) dst(%arg8 : memref<128xi32, #tpu.memory_space<vmem>>)
          tpu.yield
        }) : () -> ()
        %run_scoped3A_131 = arith.constant 1 : i32
        "tpu.region"() ({
          %run_scoped3A_137 = tpu.sem_alloc : memref<!tpu.dma_semaphore, #tpu.memory_space<semaphore_mem>>
          %dma_start3A_138 = tpu.memref_slice %arg5[%run_scoped3A_131, %mul3A_130] : memref<2x320000xi32, #tpu.memory_space<hbm>> -> memref<1x128xi32, #tpu.memory_space<hbm>>
          %dma_start3A_139 = tpu.memref_squeeze %dma_start3A_138 : memref<1x128xi32, #tpu.memory_space<hbm>> -> memref<128xi32, #tpu.memory_space<hbm>>
          %dma_start3A_140 = tpu.memref_slice %arg5[%run_scoped3A_131, %mul3A_130] : memref<2x320000xi32, #tpu.memory_space<hbm>> -> memref<1x128xi32, #tpu.memory_space<hbm>>
          %dma_start3A_141 = tpu.memref_squeeze %dma_start3A_140 : memref<1x128xi32, #tpu.memory_space<hbm>> -> memref<128xi32, #tpu.memory_space<hbm>>
          tpu.enqueue_dma source(%dma_start3A_141 : memref<128xi32, #tpu.memory_space<hbm>>) target(%arg11 : memref<128xi32, #tpu.memory_space<vmem>>) target_semaphore(%run_scoped3A_137 : memref<!tpu.dma_semaphore, #tpu.memory_space<semaphore_mem>>)
          %dma_wait3A = tpu.memref_slice %arg5[%run_scoped3A_131, %mul3A_130] : memref<2x320000xi32, #tpu.memory_space<hbm>> -> memref<1x128xi32, #tpu.memory_space<hbm>>
          %dma_wait3A_142 = tpu.memref_squeeze %dma_wait3A : memref<1x128xi32, #tpu.memory_space<hbm>> -> memref<128xi32, #tpu.memory_space<hbm>>
          %dma_wait3A_143 = tpu.memref_slice %arg5[%run_scoped3A_131, %mul3A_130] : memref<2x320000xi32, #tpu.memory_space<hbm>> -> memref<1x128xi32, #tpu.memory_space<hbm>>
          %dma_wait3A_144 = tpu.memref_squeeze %dma_wait3A_143 : memref<1x128xi32, #tpu.memory_space<hbm>> -> memref<128xi32, #tpu.memory_space<hbm>>
          tpu.wait_dma2 semaphore(%run_scoped3A_137 : memref<!tpu.dma_semaphore, #tpu.memory_space<semaphore_mem>>) src(%dma_wait3A_144 : memref<128xi32, #tpu.memory_space<hbm>>) dst(%arg11 : memref<128xi32, #tpu.memory_space<vmem>>)
          tpu.yield
        }) : () -> ()
        %dma_start3A = arith.constant 0 : i32
        %dma_start3A_132 = arith.constant 0 : i32
        %dma_start3A_133 = tpu.memref_slice %arg2[%dma_start3A, %dma_start3A_132] : memref<10000x64xf32, #tpu.memory_space<hbm>> -> memref<10000x64xf32, #tpu.memory_space<hbm>>
        tpu.enqueue_indirect_dma source(%dma_start3A_133 : memref<10000x64xf32, #tpu.memory_space<hbm>>) target(%arg17 : memref<128x64xf32, #tpu.memory_space<vmem>>) offsets(%arg8 : memref<128xi32, #tpu.memory_space<vmem>>) semaphore(%arg29 : memref<!tpu.dma_semaphore, #tpu.memory_space<semaphore_mem>>)
        %dma_start3A_134 = arith.constant 0 : i32
        %dma_start3A_135 = arith.constant 0 : i32
        %dma_start3A_136 = tpu.memref_slice %arg3[%dma_start3A_134, %dma_start3A_135] : memref<10000x64xf32, #tpu.memory_space<hbm>> -> memref<10000x64xf32, #tpu.memory_space<hbm>>
        tpu.enqueue_indirect_dma source(%dma_start3A_136 : memref<10000x64xf32, #tpu.memory_space<hbm>>) target(%arg20 : memref<128x64xf32, #tpu.memory_space<vmem>>) offsets(%arg11 : memref<128xi32, #tpu.memory_space<vmem>>) semaphore(%arg30 : memref<!tpu.dma_semaphore, #tpu.memory_space<semaphore_mem>>)
      } else {
      }
      %lt3A_124 = arith.constant 2500 : i32
      %lt3A_125 = arith.cmpi slt, %add3A_101, %lt3A_124 : i32
      %convert_element_type3A_126 = arith.extui %lt3A_125 : i1 to i32
      %cond3A_127 = arith.constant 0 : i32
      %cond3A_128 = arith.cmpi ne, %convert_element_type3A_126, %cond3A_127 : i32
      scf.if %cond3A_128 {
        %get3A = arith.constant 0 : index
        %get3A_129 = tpu.vector_load %arg12[%get3A] {strides = array<i32>} : memref<128xi32, #tpu.memory_space<vmem>>, vector<16xi32>,
        %get3A_130 = vector.shape_cast %get3A_129 : vector<16xi32> to vector<16xi32>
        %swap3A = arith.constant 0 : index
        %swap3A_131 = tpu.vector_load %arg15[%swap3A] {strides = array<i32>} : memref<128xi32, #tpu.memory_space<vmem>>, vector<16xi32>,
        %swap3A_132 = vector.shape_cast %swap3A_131 : vector<16xi32> to vector<16xi32>
        %swap3A_133 = vector.shape_cast %get3A_130 : vector<16xi32> to vector<16xi32>
        tpu.vector_store %arg15[%swap3A], %swap3A_133 {strides = array<i32>} : memref<128xi32, #tpu.memory_space<vmem>>, vector<16xi32>,
        %get3A_134 = arith.constant 16 : index
        %get3A_135 = tpu.vector_load %arg12[%get3A_134] {strides = array<i32>} : memref<128xi32, #tpu.memory_space<vmem>>, vector<16xi32>,
        %get3A_136 = vector.shape_cast %get3A_135 : vector<16xi32> to vector<16xi32>
        %swap3A_137 = arith.constant 16 : index
        %swap3A_138 = tpu.vector_load %arg15[%swap3A_137] {strides = array<i32>} : memref<128xi32, #tpu.memory_space<vmem>>, vector<16xi32>,
        %swap3A_139 = vector.shape_cast %swap3A_138 : vector<16xi32> to vector<16xi32>
        %swap3A_140 = vector.shape_cast %get3A_136 : vector<16xi32> to vector<16xi32>
        tpu.vector_store %arg15[%swap3A_137], %swap3A_140 {strides = array<i32>} : memref<128xi32, #tpu.memory_space<vmem>>, vector<16xi32>,
        %get3A_141 = arith.constant 32 : index
        %get3A_142 = tpu.vector_load %arg12[%get3A_141] {strides = array<i32>} : memref<128xi32, #tpu.memory_space<vmem>>, vector<16xi32>,
        %get3A_143 = vector.shape_cast %get3A_142 : vector<16xi32> to vector<16xi32>
        %swap3A_144 = arith.constant 32 : index
        %swap3A_145 = tpu.vector_load %arg15[%swap3A_144] {strides = array<i32>} : memref<128xi32, #tpu.memory_space<vmem>>, vector<16xi32>,
        %swap3A_146 = vector.shape_cast %swap3A_145 : vector<16xi32> to vector<16xi32>
        %swap3A_147 = vector.shape_cast %get3A_143 : vector<16xi32> to vector<16xi32>
        tpu.vector_store %arg15[%swap3A_144], %swap3A_147 {strides = array<i32>} : memref<128xi32, #tpu.memory_space<vmem>>, vector<16xi32>,
        %get3A_148 = arith.constant 48 : index
        %get3A_149 = tpu.vector_load %arg12[%get3A_148] {strides = array<i32>} : memref<128xi32, #tpu.memory_space<vmem>>, vector<16xi32>,
        %get3A_150 = vector.shape_cast %get3A_149 : vector<16xi32> to vector<16xi32>
        %swap3A_151 = arith.constant 48 : index
        %swap3A_152 = tpu.vector_load %arg15[%swap3A_151] {strides = array<i32>} : memref<128xi32, #tpu.memory_space<vmem>>, vector<16xi32>,
        %swap3A_153 = vector.shape_cast %swap3A_152 : vector<16xi32> to vector<16xi32>
        %swap3A_154 = vector.shape_cast %get3A_150 : vector<16xi32> to vector<16xi32>
        tpu.vector_store %arg15[%swap3A_151], %swap3A_154 {strides = array<i32>} : memref<128xi32, #tpu.memory_space<vmem>>, vector<16xi32>,
        %get3A_155 = arith.constant 64 : index
        %get3A_156 = tpu.vector_load %arg12[%get3A_155] {strides = array<i32>} : memref<128xi32, #tpu.memory_space<vmem>>, vector<16xi32>,
        %get3A_157 = vector.shape_cast %get3A_156 : vector<16xi32> to vector<16xi32>
        %swap3A_158 = arith.constant 64 : index
        %swap3A_159 = tpu.vector_load %arg15[%swap3A_158] {strides = array<i32>} : memref<128xi32, #tpu.memory_space<vmem>>, vector<16xi32>,
        %swap3A_160 = vector.shape_cast %swap3A_159 : vector<16xi32> to vector<16xi32>
        %swap3A_161 = vector.shape_cast %get3A_157 : vector<16xi32> to vector<16xi32>
        tpu.vector_store %arg15[%swap3A_158], %swap3A_161 {strides = array<i32>} : memref<128xi32, #tpu.memory_space<vmem>>, vector<16xi32>,
        %get3A_162 = arith.constant 80 : index
        %get3A_163 = tpu.vector_load %arg12[%get3A_162] {strides = array<i32>} : memref<128xi32, #tpu.memory_space<vmem>>, vector<16xi32>,
        %get3A_164 = vector.shape_cast %get3A_163 : vector<16xi32> to vector<16xi32>
        %swap3A_165 = arith.constant 80 : index
        %swap3A_166 = tpu.vector_load %arg15[%swap3A_165] {strides = array<i32>} : memref<128xi32, #tpu.memory_space<vmem>>, vector<16xi32>,
        %swap3A_167 = vector.shape_cast %swap3A_166 : vector<16xi32> to vector<16xi32>
        %swap3A_168 = vector.shape_cast %get3A_164 : vector<16xi32> to vector<16xi32>
        tpu.vector_store %arg15[%swap3A_165], %swap3A_168 {strides = array<i32>} : memref<128xi32, #tpu.memory_space<vmem>>, vector<16xi32>,
        %get3A_169 = arith.constant 96 : index
        %get3A_170 = tpu.vector_load %arg12[%get3A_169] {strides = array<i32>} : memref<128xi32, #tpu.memory_space<vmem>>, vector<16xi32>,
        %get3A_171 = vector.shape_cast %get3A_170 : vector<16xi32> to vector<16xi32>
        %swap3A_172 = arith.constant 96 : index
        %swap3A_173 = tpu.vector_load %arg15[%swap3A_172] {strides = array<i32>} : memref<128xi32, #tpu.memory_space<vmem>>, vector<16xi32>,
        %swap3A_174 = vector.shape_cast %swap3A_173 : vector<16xi32> to vector<16xi32>
        %swap3A_175 = vector.shape_cast %get3A_171 : vector<16xi32> to vector<16xi32>
        tpu.vector_store %arg15[%swap3A_172], %swap3A_175 {strides = array<i32>} : memref<128xi32, #tpu.memory_space<vmem>>, vector<16xi32>,
        %get3A_176 = arith.constant 112 : index
        %get3A_177 = tpu.vector_load %arg12[%get3A_176] {strides = array<i32>} : memref<128xi32, #tpu.memory_space<vmem>>, vector<16xi32>,
        %get3A_178 = vector.shape_cast %get3A_177 : vector<16xi32> to vector<16xi32>
        %swap3A_179 = arith.constant 112 : index
        %swap3A_180 = tpu.vector_load %arg15[%swap3A_179] {strides = array<i32>} : memref<128xi32, #tpu.memory_space<vmem>>, vector<16xi32>,
        %swap3A_181 = vector.shape_cast %swap3A_180 : vector<16xi32> to vector<16xi32>
        %swap3A_182 = vector.shape_cast %get3A_178 : vector<16xi32> to vector<16xi32>
        tpu.vector_store %arg15[%swap3A_179], %swap3A_182 {strides = array<i32>} : memref<128xi32, #tpu.memory_space<vmem>>, vector<16xi32>,
        %get3A_183 = arith.constant 0 : index
        %get3A_184 = tpu.vector_load %arg25[%get3A_183] {strides = array<i32>} : memref<64xf32, #tpu.memory_space<vmem>>, vector<16xf32>,
        %get3A_185 = vector.shape_cast %get3A_184 : vector<16xf32> to vector<16xf32>
        %get3A_186 = arith.constant 16 : index
        %get3A_187 = tpu.vector_load %arg25[%get3A_186] {strides = array<i32>} : memref<64xf32, #tpu.memory_space<vmem>>, vector<16xf32>,
        %get3A_188 = vector.shape_cast %get3A_187 : vector<16xf32> to vector<16xf32>
        %get3A_189 = arith.constant 32 : index
        %get3A_190 = tpu.vector_load %arg25[%get3A_189] {strides = array<i32>} : memref<64xf32, #tpu.memory_space<vmem>>, vector<16xf32>,
        %get3A_191 = vector.shape_cast %get3A_190 : vector<16xf32> to vector<16xf32>
        %get3A_192 = arith.constant 48 : index
        %get3A_193 = tpu.vector_load %arg25[%get3A_192] {strides = array<i32>} : memref<64xf32, #tpu.memory_space<vmem>>, vector<16xf32>,
        %get3A_194 = vector.shape_cast %get3A_193 : vector<16xf32> to vector<16xf32>
        %iota3A = tpu.iota {dimensions = array<i32: 0>} : vector<16xi32>
        %lt3A_195 = arith.constant 8 : i32
        %lt3A_196 = vector.broadcast %lt3A_195 : i32 to vector<16xi32>
        %lt3A_197 = arith.cmpi slt, %iota3A, %lt3A_196 : vector<16xi32>
        %eq3A = arith.constant 8 : i32
        %eq3A_198 = vector.broadcast %eq3A : i32 to vector<16xi32>
        %eq3A_199 = arith.cmpi eq, %iota3A, %eq3A_198 : vector<16xi32>
        %xor3A = arith.constant 8 : i32
        %xor3A_200 = vector.broadcast %xor3A : i32 to vector<16xi32>
        %xor3A_201 = arith.xori %iota3A, %xor3A_200 : vector<16xi32>
        %parallel_loop3A = arith.constant 0 : i32
        %parallel_loop3A_202 = arith.constant 128 : i32
        %parallel_loop3A_203 = arith.constant 1 : i32
        scf.for %parallel_loop3A_206 = %parallel_loop3A to %parallel_loop3A_202 step %parallel_loop3A_203  : i32 {
          %parallel_loop3A_207 = arith.constant 0.000000e+00 : f32
          %parallel_loop3A_208 = vector.broadcast %parallel_loop3A_207 : f32 to vector<16xf32>
          %parallel_loop3A_209 = arith.index_cast %parallel_loop3A_206 : i32 to index
          %parallel_loop3A_210 = arith.constant 0 : index
          %parallel_loop3A_211 = tpu.vector_load %arg18[%parallel_loop3A_209, %parallel_loop3A_210] {strides = array<i32>} : memref<128x64xf32, #tpu.memory_space<vmem>>, vector<1x16xf32>,
          %parallel_loop3A_212 = vector.shape_cast %parallel_loop3A_211 : vector<1x16xf32> to vector<16xf32>
          %parallel_loop3A_213 = arith.index_cast %parallel_loop3A_206 : i32 to index
          %parallel_loop3A_214 = arith.constant 0 : index
          %parallel_loop3A_215 = tpu.vector_load %arg21[%parallel_loop3A_213, %parallel_loop3A_214] {strides = array<i32>} : memref<128x64xf32, #tpu.memory_space<vmem>>, vector<1x16xf32>,
          %parallel_loop3A_216 = vector.shape_cast %parallel_loop3A_215 : vector<1x16xf32> to vector<16xf32>
          %parallel_loop3A_217 = arith.addf %parallel_loop3A_212, %parallel_loop3A_216 : vector<16xf32>
          %parallel_loop3A_218 = arith.constant 0.000000e+00 : f32
          %parallel_loop3A_219 = vector.broadcast %parallel_loop3A_218 : f32 to vector<16xf32>
          %parallel_loop3A_220 = arith.cmpf oge, %parallel_loop3A_217, %parallel_loop3A_219 : vector<16xf32>
          %parallel_loop3A_221 = arith.constant 2.000000e-01 : f32
          %parallel_loop3A_222 = vector.broadcast %parallel_loop3A_221 : f32 to vector<16xf32>
          %parallel_loop3A_223 = arith.mulf %parallel_loop3A_217, %parallel_loop3A_222 : vector<16xf32>
          %parallel_loop3A_224 = arith.select %parallel_loop3A_220, %parallel_loop3A_217, %parallel_loop3A_223 : vector<16xi1>, vector<16xf32>
          %parallel_loop3A_225 = arith.mulf %parallel_loop3A_224, %get3A_185 : vector<16xf32>
          %parallel_loop3A_226 = arith.addf %parallel_loop3A_208, %parallel_loop3A_225 : vector<16xf32>
          %parallel_loop3A_227 = arith.index_cast %parallel_loop3A_206 : i32 to index
          %parallel_loop3A_228 = arith.constant 16 : index
          %parallel_loop3A_229 = tpu.vector_load %arg18[%parallel_loop3A_227, %parallel_loop3A_228] {strides = array<i32>} : memref<128x64xf32, #tpu.memory_space<vmem>>, vector<1x16xf32>,
          %parallel_loop3A_230 = vector.shape_cast %parallel_loop3A_229 : vector<1x16xf32> to vector<16xf32>
          %parallel_loop3A_231 = arith.index_cast %parallel_loop3A_206 : i32 to index
          %parallel_loop3A_232 = arith.constant 16 : index
          %parallel_loop3A_233 = tpu.vector_load %arg21[%parallel_loop3A_231, %parallel_loop3A_232] {strides = array<i32>} : memref<128x64xf32, #tpu.memory_space<vmem>>, vector<1x16xf32>,
          %parallel_loop3A_234 = vector.shape_cast %parallel_loop3A_233 : vector<1x16xf32> to vector<16xf32>
          %parallel_loop3A_235 = arith.addf %parallel_loop3A_230, %parallel_loop3A_234 : vector<16xf32>
          %parallel_loop3A_236 = arith.constant 0.000000e+00 : f32
          %parallel_loop3A_237 = vector.broadcast %parallel_loop3A_236 : f32 to vector<16xf32>
          %parallel_loop3A_238 = arith.cmpf oge, %parallel_loop3A_235, %parallel_loop3A_237 : vector<16xf32>
          %parallel_loop3A_239 = arith.constant 2.000000e-01 : f32
          %parallel_loop3A_240 = vector.broadcast %parallel_loop3A_239 : f32 to vector<16xf32>
          %parallel_loop3A_241 = arith.mulf %parallel_loop3A_235, %parallel_loop3A_240 : vector<16xf32>
          %parallel_loop3A_242 = arith.select %parallel_loop3A_238, %parallel_loop3A_235, %parallel_loop3A_241 : vector<16xi1>, vector<16xf32>
          %parallel_loop3A_243 = arith.mulf %parallel_loop3A_242, %get3A_188 : vector<16xf32>
          %parallel_loop3A_244 = arith.addf %parallel_loop3A_226, %parallel_loop3A_243 : vector<16xf32>
          %parallel_loop3A_245 = arith.index_cast %parallel_loop3A_206 : i32 to index
          %parallel_loop3A_246 = arith.constant 32 : index
          %parallel_loop3A_247 = tpu.vector_load %arg18[%parallel_loop3A_245, %parallel_loop3A_246] {strides = array<i32>} : memref<128x64xf32, #tpu.memory_space<vmem>>, vector<1x16xf32>,
          %parallel_loop3A_248 = vector.shape_cast %parallel_loop3A_247 : vector<1x16xf32> to vector<16xf32>
          %parallel_loop3A_249 = arith.index_cast %parallel_loop3A_206 : i32 to index
          %parallel_loop3A_250 = arith.constant 32 : index
          %parallel_loop3A_251 = tpu.vector_load %arg21[%parallel_loop3A_249, %parallel_loop3A_250] {strides = array<i32>} : memref<128x64xf32, #tpu.memory_space<vmem>>, vector<1x16xf32>,
          %parallel_loop3A_252 = vector.shape_cast %parallel_loop3A_251 : vector<1x16xf32> to vector<16xf32>
          %parallel_loop3A_253 = arith.addf %parallel_loop3A_248, %parallel_loop3A_252 : vector<16xf32>
          %parallel_loop3A_254 = arith.constant 0.000000e+00 : f32
          %parallel_loop3A_255 = vector.broadcast %parallel_loop3A_254 : f32 to vector<16xf32>
          %parallel_loop3A_256 = arith.cmpf oge, %parallel_loop3A_253, %parallel_loop3A_255 : vector<16xf32>
          %parallel_loop3A_257 = arith.constant 2.000000e-01 : f32
          %parallel_loop3A_258 = vector.broadcast %parallel_loop3A_257 : f32 to vector<16xf32>
          %parallel_loop3A_259 = arith.mulf %parallel_loop3A_253, %parallel_loop3A_258 : vector<16xf32>
          %parallel_loop3A_260 = arith.select %parallel_loop3A_256, %parallel_loop3A_253, %parallel_loop3A_259 : vector<16xi1>, vector<16xf32>
          %parallel_loop3A_261 = arith.mulf %parallel_loop3A_260, %get3A_191 : vector<16xf32>
          %parallel_loop3A_262 = arith.addf %parallel_loop3A_244, %parallel_loop3A_261 : vector<16xf32>
          %parallel_loop3A_263 = arith.index_cast %parallel_loop3A_206 : i32 to index
          %parallel_loop3A_264 = arith.constant 48 : index
          %parallel_loop3A_265 = tpu.vector_load %arg18[%parallel_loop3A_263, %parallel_loop3A_264] {strides = array<i32>} : memref<128x64xf32, #tpu.memory_space<vmem>>, vector<1x16xf32>,
          %parallel_loop3A_266 = vector.shape_cast %parallel_loop3A_265 : vector<1x16xf32> to vector<16xf32>
          %parallel_loop3A_267 = arith.index_cast %parallel_loop3A_206 : i32 to index
          %parallel_loop3A_268 = arith.constant 48 : index
          %parallel_loop3A_269 = tpu.vector_load %arg21[%parallel_loop3A_267, %parallel_loop3A_268] {strides = array<i32>} : memref<128x64xf32, #tpu.memory_space<vmem>>, vector<1x16xf32>,
          %parallel_loop3A_270 = vector.shape_cast %parallel_loop3A_269 : vector<1x16xf32> to vector<16xf32>
          %parallel_loop3A_271 = arith.addf %parallel_loop3A_266, %parallel_loop3A_270 : vector<16xf32>
          %parallel_loop3A_272 = arith.constant 0.000000e+00 : f32
          %parallel_loop3A_273 = vector.broadcast %parallel_loop3A_272 : f32 to vector<16xf32>
          %parallel_loop3A_274 = arith.cmpf oge, %parallel_loop3A_271, %parallel_loop3A_273 : vector<16xf32>
          %parallel_loop3A_275 = arith.constant 2.000000e-01 : f32
          %parallel_loop3A_276 = vector.broadcast %parallel_loop3A_275 : f32 to vector<16xf32>
          %parallel_loop3A_277 = arith.mulf %parallel_loop3A_271, %parallel_loop3A_276 : vector<16xf32>
          %parallel_loop3A_278 = arith.select %parallel_loop3A_274, %parallel_loop3A_271, %parallel_loop3A_277 : vector<16xi1>, vector<16xf32>
          %parallel_loop3A_279 = arith.mulf %parallel_loop3A_278, %get3A_194 : vector<16xf32>
          %parallel_loop3A_280 = arith.addf %parallel_loop3A_262, %parallel_loop3A_279 : vector<16xf32>
          %parallel_loop3A_281 = tpu.iota {dimensions = array<i32: 0>} : vector<16xi32>
          %parallel_loop3A_282 = arith.constant 1 : i32
          %parallel_loop3A_283 = vector.broadcast %parallel_loop3A_282 : i32 to vector<16xi32>
          %parallel_loop3A_284 = arith.xori %parallel_loop3A_281, %parallel_loop3A_283 : vector<16xi32>
          %parallel_loop3A_285 = vector.shape_cast %parallel_loop3A_284 : vector<16xi32> to vector<16x1xi32>
          %parallel_loop3A_286 = vector.shape_cast %parallel_loop3A_285 : vector<16x1xi32> to vector<16xi32>
          %parallel_loop3A_287 = tpu.dynamic_gather %parallel_loop3A_280[%parallel_loop3A_286] in [0] : vector<16xf32>, vector<16xi32> -> vector<16xf32>
          %parallel_loop3A_288 = arith.addf %parallel_loop3A_280, %parallel_loop3A_287 : vector<16xf32>
          %parallel_loop3A_289 = arith.constant 2 : i32
          %parallel_loop3A_290 = vector.broadcast %parallel_loop3A_289 : i32 to vector<16xi32>
          %parallel_loop3A_291 = arith.xori %parallel_loop3A_281, %parallel_loop3A_290 : vector<16xi32>
          %parallel_loop3A_292 = vector.shape_cast %parallel_loop3A_291 : vector<16xi32> to vector<16x1xi32>
          %parallel_loop3A_293 = vector.shape_cast %parallel_loop3A_292 : vector<16x1xi32> to vector<16xi32>
          %parallel_loop3A_294 = tpu.dynamic_gather %parallel_loop3A_288[%parallel_loop3A_293] in [0] : vector<16xf32>, vector<16xi32> -> vector<16xf32>
          %parallel_loop3A_295 = arith.addf %parallel_loop3A_288, %parallel_loop3A_294 : vector<16xf32>
          %parallel_loop3A_296 = arith.constant 4 : i32
          %parallel_loop3A_297 = vector.broadcast %parallel_loop3A_296 : i32 to vector<16xi32>
          %parallel_loop3A_298 = arith.xori %parallel_loop3A_281, %parallel_loop3A_297 : vector<16xi32>
          %parallel_loop3A_299 = vector.shape_cast %parallel_loop3A_298 : vector<16xi32> to vector<16x1xi32>
          %parallel_loop3A_300 = vector.shape_cast %parallel_loop3A_299 : vector<16x1xi32> to vector<16xi32>
          %parallel_loop3A_301 = tpu.dynamic_gather %parallel_loop3A_295[%parallel_loop3A_300] in [0] : vector<16xf32>, vector<16xi32> -> vector<16xf32>
          %parallel_loop3A_302 = arith.addf %parallel_loop3A_295, %parallel_loop3A_301 : vector<16xf32>
          %parallel_loop3A_303 = arith.constant 8 : i32
          %parallel_loop3A_304 = vector.broadcast %parallel_loop3A_303 : i32 to vector<16xi32>
          %parallel_loop3A_305 = arith.xori %parallel_loop3A_281, %parallel_loop3A_304 : vector<16xi32>
          %parallel_loop3A_306 = vector.shape_cast %parallel_loop3A_305 : vector<16xi32> to vector<16x1xi32>
          %parallel_loop3A_307 = vector.shape_cast %parallel_loop3A_306 : vector<16x1xi32> to vector<16xi32>
          %parallel_loop3A_308 = tpu.dynamic_gather %parallel_loop3A_302[%parallel_loop3A_307] in [0] : vector<16xf32>, vector<16xi32> -> vector<16xf32>
          %parallel_loop3A_309 = arith.addf %parallel_loop3A_302, %parallel_loop3A_308 : vector<16xf32>
          %parallel_loop3A_310 = math.exp %parallel_loop3A_309 : vector<16xf32>
          %parallel_loop3A_311 = arith.mulf %parallel_loop3A_310, %parallel_loop3A_212 : vector<16xf32>
          %parallel_loop3A_312 = arith.index_cast %parallel_loop3A_206 : i32 to index
          %parallel_loop3A_313 = arith.constant 0 : index
          %parallel_loop3A_314 = tpu.vector_load %arg24[%parallel_loop3A_312, %parallel_loop3A_313] {strides = array<i32>} : memref<128x72xf32, #tpu.memory_space<vmem>>, vector<1x16xf32>,
          %parallel_loop3A_315 = vector.shape_cast %parallel_loop3A_314 : vector<1x16xf32> to vector<16xf32>
          %parallel_loop3A_316 = vector.shape_cast %parallel_loop3A_311 : vector<16xf32> to vector<1x16xf32>
          tpu.vector_store %arg24[%parallel_loop3A_312, %parallel_loop3A_313], %parallel_loop3A_316 {strides = array<i32>} : memref<128x72xf32, #tpu.memory_space<vmem>>, vector<1x16xf32>,
          %parallel_loop3A_317 = arith.mulf %parallel_loop3A_310, %parallel_loop3A_230 : vector<16xf32>
          %parallel_loop3A_318 = arith.index_cast %parallel_loop3A_206 : i32 to index
          %parallel_loop3A_319 = arith.constant 16 : index
          %parallel_loop3A_320 = tpu.vector_load %arg24[%parallel_loop3A_318, %parallel_loop3A_319] {strides = array<i32>} : memref<128x72xf32, #tpu.memory_space<vmem>>, vector<1x16xf32>,
          %parallel_loop3A_321 = vector.shape_cast %parallel_loop3A_320 : vector<1x16xf32> to vector<16xf32>
          %parallel_loop3A_322 = vector.shape_cast %parallel_loop3A_317 : vector<16xf32> to vector<1x16xf32>
          tpu.vector_store %arg24[%parallel_loop3A_318, %parallel_loop3A_319], %parallel_loop3A_322 {strides = array<i32>} : memref<128x72xf32, #tpu.memory_space<vmem>>, vector<1x16xf32>,
          %parallel_loop3A_323 = arith.mulf %parallel_loop3A_310, %parallel_loop3A_248 : vector<16xf32>
          %parallel_loop3A_324 = arith.index_cast %parallel_loop3A_206 : i32 to index
          %parallel_loop3A_325 = arith.constant 32 : index
          %parallel_loop3A_326 = tpu.vector_load %arg24[%parallel_loop3A_324, %parallel_loop3A_325] {strides = array<i32>} : memref<128x72xf32, #tpu.memory_space<vmem>>, vector<1x16xf32>,
          %parallel_loop3A_327 = vector.shape_cast %parallel_loop3A_326 : vector<1x16xf32> to vector<16xf32>
          %parallel_loop3A_328 = vector.shape_cast %parallel_loop3A_323 : vector<16xf32> to vector<1x16xf32>
          tpu.vector_store %arg24[%parallel_loop3A_324, %parallel_loop3A_325], %parallel_loop3A_328 {strides = array<i32>} : memref<128x72xf32, #tpu.memory_space<vmem>>, vector<1x16xf32>,
          %parallel_loop3A_329 = arith.mulf %parallel_loop3A_310, %parallel_loop3A_266 : vector<16xf32>
          %parallel_loop3A_330 = arith.index_cast %parallel_loop3A_206 : i32 to index
          %parallel_loop3A_331 = arith.constant 48 : index
          %parallel_loop3A_332 = tpu.vector_load %arg24[%parallel_loop3A_330, %parallel_loop3A_331] {strides = array<i32>} : memref<128x72xf32, #tpu.memory_space<vmem>>, vector<1x16xf32>,
          %parallel_loop3A_333 = vector.shape_cast %parallel_loop3A_332 : vector<1x16xf32> to vector<16xf32>
          %parallel_loop3A_334 = vector.shape_cast %parallel_loop3A_329 : vector<16xf32> to vector<1x16xf32>
          tpu.vector_store %arg24[%parallel_loop3A_330, %parallel_loop3A_331], %parallel_loop3A_334 {strides = array<i32>} : memref<128x72xf32, #tpu.memory_space<vmem>>, vector<1x16xf32>,
          %parallel_loop3A_335 = vector.shape_cast %xor3A_201 : vector<16xi32> to vector<16x1xi32>
          %parallel_loop3A_336 = vector.shape_cast %parallel_loop3A_335 : vector<16x1xi32> to vector<16xi32>
          %parallel_loop3A_337 = tpu.dynamic_gather %parallel_loop3A_329[%parallel_loop3A_336] in [0] : vector<16xf32>, vector<16xi32> -> vector<16xf32>
          %parallel_loop3A_338 = arith.constant 0.000000e+00 : f32
          %parallel_loop3A_339 = vector.broadcast %parallel_loop3A_338 : f32 to vector<16xf32>
          %parallel_loop3A_340 = arith.select %eq3A_199, %parallel_loop3A_310, %parallel_loop3A_339 : vector<16xi1>, vector<16xf32>
          %parallel_loop3A_341 = arith.select %lt3A_197, %parallel_loop3A_337, %parallel_loop3A_340 : vector<16xi1>, vector<16xf32>
          %parallel_loop3A_342 = arith.index_cast %parallel_loop3A_206 : i32 to index
          %parallel_loop3A_343 = arith.constant 56 : index
          %parallel_loop3A_344 = tpu.vector_load %arg24[%parallel_loop3A_342, %parallel_loop3A_343] {strides = array<i32>} : memref<128x72xf32, #tpu.memory_space<vmem>>, vector<1x16xf32>,
          %parallel_loop3A_345 = vector.shape_cast %parallel_loop3A_344 : vector<1x16xf32> to vector<16xf32>
          %parallel_loop3A_346 = vector.shape_cast %parallel_loop3A_341 : vector<16xf32> to vector<1x16xf32>
          tpu.vector_store %arg24[%parallel_loop3A_342, %parallel_loop3A_343], %parallel_loop3A_346 {strides = array<i32>} : memref<128x72xf32, #tpu.memory_space<vmem>>, vector<1x16xf32>,
        } {sc.loop_unroll_factor = 4 : i64, sc.parallel_access}
        %dma_start3A = arith.constant 0 : i32
        %dma_start3A_204 = arith.constant 0 : i32
        %dma_start3A_205 = tpu.memref_slice %arg26[%dma_start3A, %dma_start3A_204] : memref<10240x72xf32, #tpu.memory_space<vmem_shared>> -> memref<10240x72xf32, #tpu.memory_space<vmem_shared>>
        tpu.enqueue_indirect_dma source(%arg24 : memref<128x72xf32, #tpu.memory_space<vmem>>) target(%dma_start3A_205 : memref<10240x72xf32, #tpu.memory_space<vmem_shared>>) offsets(%arg15 : memref<128xi32, #tpu.memory_space<vmem>>) semaphore(%arg35 : memref<!tpu.dma_semaphore, #tpu.memory_space<semaphore_mem>>) {add = true}
      } else {
      }
    }
    %scan3A_23 = arith.constant 28 : i32
    %barrier3A_24 = arith.constant 0 : index
    tpu.barrier barrier_id(%barrier3A_24)
    %mul3A_25 = arith.constant 640 : i32
    %mul3A_26 = arith.muli %arg1, %mul3A_25 : i32
    %mul3A_27 = arith.constant 640 : i32
    %mul3A_28 = arith.muli %arg1, %mul3A_27 : i32
    "tpu.region"() ({
      %run_scoped3A = tpu.sem_alloc : memref<!tpu.dma_semaphore, #tpu.memory_space<semaphore_mem>>
      %dma_start3A = arith.constant 0 : i32
      %dma_start3A_29 = tpu.memref_slice %arg6[%arg0, %mul3A_28, %dma_start3A] : memref<2x10240x72xf32, #tpu.memory_space<hbm>> -> memref<1x640x72xf32, #tpu.memory_space<hbm>>
      %dma_start3A_30 = tpu.memref_squeeze %dma_start3A_29 : memref<1x640x72xf32, #tpu.memory_space<hbm>> -> memref<640x72xf32, #tpu.memory_space<hbm>>
      %dma_start3A_31 = arith.constant 0 : i32
      %dma_start3A_32 = tpu.memref_slice %arg26[%mul3A_26, %dma_start3A_31] : memref<10240x72xf32, #tpu.memory_space<vmem_shared>> -> memref<640x72xf32, #tpu.memory_space<vmem_shared>>
      tpu.enqueue_dma source(%dma_start3A_32 : memref<640x72xf32, #tpu.memory_space<vmem_shared>>) target(%dma_start3A_30 : memref<640x72xf32, #tpu.memory_space<hbm>>) target_semaphore(%run_scoped3A : memref<!tpu.dma_semaphore, #tpu.memory_space<semaphore_mem>>)
      %dma_wait3A = arith.constant 0 : i32
      %dma_wait3A_33 = tpu.memref_slice %arg6[%arg0, %mul3A_28, %dma_wait3A] : memref<2x10240x72xf32, #tpu.memory_space<hbm>> -> memref<1x640x72xf32, #tpu.memory_space<hbm>>
      %dma_wait3A_34 = tpu.memref_squeeze %dma_wait3A_33 : memref<1x640x72xf32, #tpu.memory_space<hbm>> -> memref<640x72xf32, #tpu.memory_space<hbm>>
      %dma_wait3A_35 = arith.constant 0 : i32
      %dma_wait3A_36 = tpu.memref_slice %arg26[%mul3A_26, %dma_wait3A_35] : memref<10240x72xf32, #tpu.memory_space<vmem_shared>> -> memref<640x72xf32, #tpu.memory_space<vmem_shared>>
      tpu.wait_dma2 semaphore(%run_scoped3A : memref<!tpu.dma_semaphore, #tpu.memory_space<semaphore_mem>>) src(%dma_wait3A_36 : memref<640x72xf32, #tpu.memory_space<vmem_shared>>) dst(%dma_wait3A_34 : memref<640x72xf32, #tpu.memory_space<hbm>>)
      tpu.yield
    }) : () -> ()
    return
  }
}

module attributes {stable_mosaic.version = 14 : i64} {
  func.func @body(%arg0: i32, %arg1: memref<1000x128xf32, #tpu.memory_space<vmem>>, %arg2: memref<128x64xf32, #tpu.memory_space<vmem>>, %arg3: memref<1x64xf32, #tpu.memory_space<vmem>>, %arg4: memref<128x64xf32, #tpu.memory_space<vmem>>, %arg5: memref<1x64xf32, #tpu.memory_space<vmem>>, %arg6: memref<1000x64xf32, #tpu.memory_space<vmem>>, %arg7: memref<1000x64xf32, #tpu.memory_space<vmem>>) attributes {dimension_semantics = [#tpu.dimension_semantics<arbitrary>], iteration_bounds = array<i64: 10>, scalar_prefetch = 0 : i64, scratch_operands = 0 : i64, tpu.core_type = #tpu.core_type<tc>, window_params = [{transform_indices = @transform_0, window_bounds = array<i64: 1000, 128>}, {pipeline_mode = #tpu.pipeline_mode<synchronous>, transform_indices = @transform_1, window_bounds = array<i64: 128, 64>}, {pipeline_mode = #tpu.pipeline_mode<synchronous>, transform_indices = @transform_2, window_bounds = array<i64: 1, 64>}, {pipeline_mode = #tpu.pipeline_mode<synchronous>, transform_indices = @transform_3, window_bounds = array<i64: 128, 64>}, {pipeline_mode = #tpu.pipeline_mode<synchronous>, transform_indices = @transform_4, window_bounds = array<i64: 1, 64>}, {transform_indices = @transform_5, window_bounds = array<i64: 1000, 64>}, {transform_indices = @transform_6, window_bounds = array<i64: 1000, 64>}]} {
    %get3A = arith.constant 0 : index
    %get3A_0 = arith.constant 0 : index
    %get3A_1 = vector.load %arg1[%get3A, %get3A_0] : memref<1000x128xf32, #tpu.memory_space<vmem>>, vector<1000x128xf32>
    %get3A_2 = arith.constant 0 : index
    %get3A_3 = arith.constant 0 : index
    %get3A_4 = vector.load %arg2[%get3A_2, %get3A_3] : memref<128x64xf32, #tpu.memory_space<vmem>>, vector<128x64xf32>
    %dot_general3A = arith.constant dense<0.000000e+00> : vector<1000x64xf32>
    %dot_general3A_5 = tpu.matmul %get3A_1, %get3A_4, %dot_general3A {dimension_numbers = #tpu.dot_dimension_numbers<[1], [0], [0], [1], [0, 0, 1, 1], [], []>, transpose_lhs_hint = false} : vector<1000x128xf32>, vector<128x64xf32>, vector<1000x64xf32> -> vector<1000x64xf32>
    %get3A_6 = arith.constant 0 : index
    %get3A_7 = arith.constant 0 : index
    %get3A_8 = vector.load %arg3[%get3A_6, %get3A_7] : memref<1x64xf32, #tpu.memory_space<vmem>>, vector<1x64xf32>
    %add3A = vector.broadcast %get3A_8 : vector<1x64xf32> to vector<1000x64xf32>
    %add3A_9 = arith.addf %dot_general3A_5, %add3A : vector<1000x64xf32>
    %swap3A = arith.constant 0 : index
    %swap3A_10 = arith.constant 0 : index
    %swap3A_11 = vector.load %arg6[%swap3A, %swap3A_10] : memref<1000x64xf32, #tpu.memory_space<vmem>>, vector<1000x64xf32>
    tpu.vector_store %arg6[%swap3A, %swap3A_10], %add3A_9 {strides = array<i32>} : memref<1000x64xf32, #tpu.memory_space<vmem>>, vector<1000x64xf32>,
    %get3A_12 = arith.constant 0 : index
    %get3A_13 = arith.constant 0 : index
    %get3A_14 = vector.load %arg4[%get3A_12, %get3A_13] : memref<128x64xf32, #tpu.memory_space<vmem>>, vector<128x64xf32>
    %dot_general3A_15 = arith.constant dense<0.000000e+00> : vector<1000x64xf32>
    %dot_general3A_16 = tpu.matmul %get3A_1, %get3A_14, %dot_general3A_15 {dimension_numbers = #tpu.dot_dimension_numbers<[1], [0], [0], [1], [0, 0, 1, 1], [], []>, transpose_lhs_hint = false} : vector<1000x128xf32>, vector<128x64xf32>, vector<1000x64xf32> -> vector<1000x64xf32>
    %get3A_17 = arith.constant 0 : index
    %get3A_18 = arith.constant 0 : index
    %get3A_19 = vector.load %arg5[%get3A_17, %get3A_18] : memref<1x64xf32, #tpu.memory_space<vmem>>, vector<1x64xf32>
    %add3A_20 = vector.broadcast %get3A_19 : vector<1x64xf32> to vector<1000x64xf32>
    %add3A_21 = arith.addf %dot_general3A_16, %add3A_20 : vector<1000x64xf32>
    %swap3A_22 = arith.constant 0 : index
    %swap3A_23 = arith.constant 0 : index
    %swap3A_24 = vector.load %arg7[%swap3A_22, %swap3A_23] : memref<1000x64xf32, #tpu.memory_space<vmem>>, vector<1000x64xf32>
    tpu.vector_store %arg7[%swap3A_22, %swap3A_23], %add3A_21 {strides = array<i32>} : memref<1000x64xf32, #tpu.memory_space<vmem>>, vector<1000x64xf32>,
    return
  }
  func.func @transform_0(%arg0: i32) -> (i32, i32) {
    %c0_i32 = arith.constant 0 : i32
    %c0_i32_0 = arith.constant 0 : i32
    return %arg0, %c0_i32 : i32, i32
  }
  func.func @transform_1(%arg0: i32) -> (i32, i32) {
    %c0_i32 = arith.constant 0 : i32
    %c0_i32_0 = arith.constant 0 : i32
    %c0_i32_1 = arith.constant 0 : i32
    return %c0_i32, %c0_i32_0 : i32, i32
  }
  func.func @transform_2(%arg0: i32) -> (i32, i32) {
    %c0_i32 = arith.constant 0 : i32
    %c0_i32_0 = arith.constant 0 : i32
    %c0_i32_1 = arith.constant 0 : i32
    return %c0_i32, %c0_i32_0 : i32, i32
  }
  func.func @transform_3(%arg0: i32) -> (i32, i32) {
    %c0_i32 = arith.constant 0 : i32
    %c0_i32_0 = arith.constant 0 : i32
    %c0_i32_1 = arith.constant 0 : i32
    return %c0_i32, %c0_i32_0 : i32, i32
  }
  func.func @transform_4(%arg0: i32) -> (i32, i32) {
    %c0_i32 = arith.constant 0 : i32
    %c0_i32_0 = arith.constant 0 : i32
    %c0_i32_1 = arith.constant 0 : i32
    return %c0_i32, %c0_i32_0 : i32, i32
  }
  func.func @transform_5(%arg0: i32) -> (i32, i32) {
    %c0_i32 = arith.constant 0 : i32
    %c0_i32_0 = arith.constant 0 : i32
    return %arg0, %c0_i32 : i32, i32
  }
  func.func @transform_6(%arg0: i32) -> (i32, i32) {
    %c0_i32 = arith.constant 0 : i32
    %c0_i32_0 = arith.constant 0 : i32
    return %arg0, %c0_i32 : i32, i32
  }
}

module attributes {stable_mosaic.version = 14 : i64} {
  func.func @body(%arg0: i32, %arg1: memref<2x1000x72xf32, #tpu.memory_space<vmem>>, %arg2: memref<1x64xf32, #tpu.memory_space<vmem>>, %arg3: memref<64x64xf32, #tpu.memory_space<vmem>>, %arg4: memref<1x64xf32, #tpu.memory_space<vmem>>, %arg5: memref<64x64xf32, #tpu.memory_space<vmem>>, %arg6: memref<1x64xf32, #tpu.memory_space<vmem>>, %arg7: memref<1000x64xf32, #tpu.memory_space<vmem>>, %arg8: memref<1000x64xf32, #tpu.memory_space<vmem>>) attributes {dimension_semantics = [#tpu.dimension_semantics<arbitrary>], iteration_bounds = array<i64: 10>, scalar_prefetch = 0 : i64, scratch_operands = 0 : i64, tpu.core_type = #tpu.core_type<tc>, window_params = [{transform_indices = @transform_0, window_bounds = array<i64: 2, 1000, 72>}, {pipeline_mode = #tpu.pipeline_mode<synchronous>, transform_indices = @transform_1, window_bounds = array<i64: 1, 64>}, {pipeline_mode = #tpu.pipeline_mode<synchronous>, transform_indices = @transform_2, window_bounds = array<i64: 64, 64>}, {pipeline_mode = #tpu.pipeline_mode<synchronous>, transform_indices = @transform_3, window_bounds = array<i64: 1, 64>}, {pipeline_mode = #tpu.pipeline_mode<synchronous>, transform_indices = @transform_4, window_bounds = array<i64: 64, 64>}, {pipeline_mode = #tpu.pipeline_mode<synchronous>, transform_indices = @transform_5, window_bounds = array<i64: 1, 64>}, {transform_indices = @transform_6, window_bounds = array<i64: 1000, 64>}, {transform_indices = @transform_7, window_bounds = array<i64: 1000, 64>}]} {
    %get3A = arith.constant 0 : index
    %get3A_0 = arith.constant 0 : index
    %get3A_1 = arith.constant 0 : index
    %get3A_2 = vector.load %arg1[%get3A, %get3A_0, %get3A_1] : memref<2x1000x72xf32, #tpu.memory_space<vmem>>, vector<1x1000x72xf32>
    %get3A_3 = vector.shape_cast %get3A_2 : vector<1x1000x72xf32> to vector<1000x72xf32>
    %get3A_4 = arith.constant 1 : index
    %get3A_5 = arith.constant 0 : index
    %get3A_6 = arith.constant 0 : index
    %get3A_7 = vector.load %arg1[%get3A_4, %get3A_5, %get3A_6] : memref<2x1000x72xf32, #tpu.memory_space<vmem>>, vector<1x1000x72xf32>
    %get3A_8 = vector.shape_cast %get3A_7 : vector<1x1000x72xf32> to vector<1000x72xf32>
    %add3A = arith.addf %get3A_3, %get3A_8 : vector<1000x72xf32>
    %slice3A = vector.extract_strided_slice %add3A {offsets = [0, 0], sizes = [1000, 64], strides = [1, 1]} : vector<1000x72xf32> to vector<1000x64xf32>
    %slice3A_9 = vector.extract_strided_slice %add3A {offsets = [0, 64], sizes = [1000, 1], strides = [1, 1]} : vector<1000x72xf32> to vector<1000x1xf32>
    %add3A_10 = arith.constant 1.000000e-16 : f32
    %add3A_11 = vector.broadcast %add3A_10 : f32 to vector<1000x1xf32>
    %add3A_12 = arith.addf %slice3A_9, %add3A_11 : vector<1000x1xf32>
    %div3A = vector.broadcast %add3A_12 : vector<1000x1xf32> to vector<1000x64xf32>
    %div3A_13 = arith.divf %slice3A, %div3A : vector<1000x64xf32>
    %get3A_14 = arith.constant 0 : index
    %get3A_15 = arith.constant 0 : index
    %get3A_16 = vector.load %arg2[%get3A_14, %get3A_15] : memref<1x64xf32, #tpu.memory_space<vmem>>, vector<1x64xf32>
    %add3A_17 = vector.broadcast %get3A_16 : vector<1x64xf32> to vector<1000x64xf32>
    %add3A_18 = arith.addf %div3A_13, %add3A_17 : vector<1000x64xf32>
    %max3A = arith.constant 0.000000e+00 : f32
    %max3A_19 = vector.broadcast %max3A : f32 to vector<1000x64xf32>
    %max3A_20 = arith.maximumf %add3A_18, %max3A_19 : vector<1000x64xf32>
    %get3A_21 = arith.constant 0 : index
    %get3A_22 = arith.constant 0 : index
    %get3A_23 = vector.load %arg3[%get3A_21, %get3A_22] : memref<64x64xf32, #tpu.memory_space<vmem>>, vector<64x64xf32>
    %dot_general3A = arith.constant dense<0.000000e+00> : vector<1000x64xf32>
    %dot_general3A_24 = tpu.matmul %max3A_20, %get3A_23, %dot_general3A {dimension_numbers = #tpu.dot_dimension_numbers<[1], [0], [0], [1], [0, 0, 1, 1], [], []>, transpose_lhs_hint = false} : vector<1000x64xf32>, vector<64x64xf32>, vector<1000x64xf32> -> vector<1000x64xf32>
    %get3A_25 = arith.constant 0 : index
    %get3A_26 = arith.constant 0 : index
    %get3A_27 = vector.load %arg4[%get3A_25, %get3A_26] : memref<1x64xf32, #tpu.memory_space<vmem>>, vector<1x64xf32>
    %add3A_28 = vector.broadcast %get3A_27 : vector<1x64xf32> to vector<1000x64xf32>
    %add3A_29 = arith.addf %dot_general3A_24, %add3A_28 : vector<1000x64xf32>
    %swap3A = arith.constant 0 : index
    %swap3A_30 = arith.constant 0 : index
    %swap3A_31 = vector.load %arg7[%swap3A, %swap3A_30] : memref<1000x64xf32, #tpu.memory_space<vmem>>, vector<1000x64xf32>
    tpu.vector_store %arg7[%swap3A, %swap3A_30], %add3A_29 {strides = array<i32>} : memref<1000x64xf32, #tpu.memory_space<vmem>>, vector<1000x64xf32>,
    %get3A_32 = arith.constant 0 : index
    %get3A_33 = arith.constant 0 : index
    %get3A_34 = vector.load %arg5[%get3A_32, %get3A_33] : memref<64x64xf32, #tpu.memory_space<vmem>>, vector<64x64xf32>
    %dot_general3A_35 = arith.constant dense<0.000000e+00> : vector<1000x64xf32>
    %dot_general3A_36 = tpu.matmul %max3A_20, %get3A_34, %dot_general3A_35 {dimension_numbers = #tpu.dot_dimension_numbers<[1], [0], [0], [1], [0, 0, 1, 1], [], []>, transpose_lhs_hint = false} : vector<1000x64xf32>, vector<64x64xf32>, vector<1000x64xf32> -> vector<1000x64xf32>
    %get3A_37 = arith.constant 0 : index
    %get3A_38 = arith.constant 0 : index
    %get3A_39 = vector.load %arg6[%get3A_37, %get3A_38] : memref<1x64xf32, #tpu.memory_space<vmem>>, vector<1x64xf32>
    %add3A_40 = vector.broadcast %get3A_39 : vector<1x64xf32> to vector<1000x64xf32>
    %add3A_41 = arith.addf %dot_general3A_36, %add3A_40 : vector<1000x64xf32>
    %swap3A_42 = arith.constant 0 : index
    %swap3A_43 = arith.constant 0 : index
    %swap3A_44 = vector.load %arg8[%swap3A_42, %swap3A_43] : memref<1000x64xf32, #tpu.memory_space<vmem>>, vector<1000x64xf32>
    tpu.vector_store %arg8[%swap3A_42, %swap3A_43], %add3A_41 {strides = array<i32>} : memref<1000x64xf32, #tpu.memory_space<vmem>>, vector<1000x64xf32>,
    return
  }
  func.func @transform_0(%arg0: i32) -> (i32, i32, i32) {
    %c0_i32 = arith.constant 0 : i32
    %c0_i32_0 = arith.constant 0 : i32
    %c0_i32_1 = arith.constant 0 : i32
    return %c0_i32, %arg0, %c0_i32_0 : i32, i32, i32
  }
  func.func @transform_1(%arg0: i32) -> (i32, i32) {
    %c0_i32 = arith.constant 0 : i32
    %c0_i32_0 = arith.constant 0 : i32
    %c0_i32_1 = arith.constant 0 : i32
    return %c0_i32, %c0_i32_0 : i32, i32
  }
  func.func @transform_2(%arg0: i32) -> (i32, i32) {
    %c0_i32 = arith.constant 0 : i32
    %c0_i32_0 = arith.constant 0 : i32
    %c0_i32_1 = arith.constant 0 : i32
    return %c0_i32, %c0_i32_0 : i32, i32
  }
  func.func @transform_3(%arg0: i32) -> (i32, i32) {
    %c0_i32 = arith.constant 0 : i32
    %c0_i32_0 = arith.constant 0 : i32
    %c0_i32_1 = arith.constant 0 : i32
    return %c0_i32, %c0_i32_0 : i32, i32
  }
  func.func @transform_4(%arg0: i32) -> (i32, i32) {
    %c0_i32 = arith.constant 0 : i32
    %c0_i32_0 = arith.constant 0 : i32
    %c0_i32_1 = arith.constant 0 : i32
    return %c0_i32, %c0_i32_0 : i32, i32
  }
  func.func @transform_5(%arg0: i32) -> (i32, i32) {
    %c0_i32 = arith.constant 0 : i32
    %c0_i32_0 = arith.constant 0 : i32
    %c0_i32_1 = arith.constant 0 : i32
    return %c0_i32, %c0_i32_0 : i32, i32
  }
  func.func @transform_6(%arg0: i32) -> (i32, i32) {
    %c0_i32 = arith.constant 0 : i32
    %c0_i32_0 = arith.constant 0 : i32
    return %arg0, %c0_i32 : i32, i32
  }
  func.func @transform_7(%arg0: i32) -> (i32, i32) {
    %c0_i32 = arith.constant 0 : i32
    %c0_i32_0 = arith.constant 0 : i32
    return %arg0, %c0_i32 : i32, i32
  }
}

module attributes {stable_mosaic.version = 14 : i64} {
  func.func @body(%arg0: i32, %arg1: memref<2x1000x72xf32, #tpu.memory_space<vmem>>, %arg2: memref<1x64xf32, #tpu.memory_space<vmem>>, %arg3: memref<1000x64xf32, #tpu.memory_space<vmem>>) attributes {dimension_semantics = [#tpu.dimension_semantics<arbitrary>], iteration_bounds = array<i64: 10>, scalar_prefetch = 0 : i64, scratch_operands = 0 : i64, tpu.core_type = #tpu.core_type<tc>, window_params = [{transform_indices = @transform_0, window_bounds = array<i64: 2, 1000, 72>}, {pipeline_mode = #tpu.pipeline_mode<synchronous>, transform_indices = @transform_1, window_bounds = array<i64: 1, 64>}, {transform_indices = @transform_2, window_bounds = array<i64: 1000, 64>}]} {
    %get3A = arith.constant 0 : index
    %get3A_0 = arith.constant 0 : index
    %get3A_1 = arith.constant 0 : index
    %get3A_2 = vector.load %arg1[%get3A, %get3A_0, %get3A_1] : memref<2x1000x72xf32, #tpu.memory_space<vmem>>, vector<1x1000x72xf32>
    %get3A_3 = vector.shape_cast %get3A_2 : vector<1x1000x72xf32> to vector<1000x72xf32>
    %get3A_4 = arith.constant 1 : index
    %get3A_5 = arith.constant 0 : index
    %get3A_6 = arith.constant 0 : index
    %get3A_7 = vector.load %arg1[%get3A_4, %get3A_5, %get3A_6] : memref<2x1000x72xf32, #tpu.memory_space<vmem>>, vector<1x1000x72xf32>
    %get3A_8 = vector.shape_cast %get3A_7 : vector<1x1000x72xf32> to vector<1000x72xf32>
    %add3A = arith.addf %get3A_3, %get3A_8 : vector<1000x72xf32>
    %slice3A = vector.extract_strided_slice %add3A {offsets = [0, 0], sizes = [1000, 64], strides = [1, 1]} : vector<1000x72xf32> to vector<1000x64xf32>
    %slice3A_9 = vector.extract_strided_slice %add3A {offsets = [0, 64], sizes = [1000, 1], strides = [1, 1]} : vector<1000x72xf32> to vector<1000x1xf32>
    %add3A_10 = arith.constant 1.000000e-16 : f32
    %add3A_11 = vector.broadcast %add3A_10 : f32 to vector<1000x1xf32>
    %add3A_12 = arith.addf %slice3A_9, %add3A_11 : vector<1000x1xf32>
    %div3A = vector.broadcast %add3A_12 : vector<1000x1xf32> to vector<1000x64xf32>
    %div3A_13 = arith.divf %slice3A, %div3A : vector<1000x64xf32>
    %get3A_14 = arith.constant 0 : index
    %get3A_15 = arith.constant 0 : index
    %get3A_16 = vector.load %arg2[%get3A_14, %get3A_15] : memref<1x64xf32, #tpu.memory_space<vmem>>, vector<1x64xf32>
    %add3A_17 = vector.broadcast %get3A_16 : vector<1x64xf32> to vector<1000x64xf32>
    %add3A_18 = arith.addf %div3A_13, %add3A_17 : vector<1000x64xf32>
    %swap3A = arith.constant 0 : index
    %swap3A_19 = arith.constant 0 : index
    %swap3A_20 = vector.load %arg3[%swap3A, %swap3A_19] : memref<1000x64xf32, #tpu.memory_space<vmem>>, vector<1000x64xf32>
    tpu.vector_store %arg3[%swap3A, %swap3A_19], %add3A_18 {strides = array<i32>} : memref<1000x64xf32, #tpu.memory_space<vmem>>, vector<1000x64xf32>,
    return
  }
  func.func @transform_0(%arg0: i32) -> (i32, i32, i32) {
    %c0_i32 = arith.constant 0 : i32
    %c0_i32_0 = arith.constant 0 : i32
    %c0_i32_1 = arith.constant 0 : i32
    return %c0_i32, %arg0, %c0_i32_0 : i32, i32, i32
  }
  func.func @transform_1(%arg0: i32) -> (i32, i32) {
    %c0_i32 = arith.constant 0 : i32
    %c0_i32_0 = arith.constant 0 : i32
    %c0_i32_1 = arith.constant 0 : i32
    return %c0_i32, %c0_i32_0 : i32, i32
  }
  func.func @transform_2(%arg0: i32) -> (i32, i32) {
    %c0_i32 = arith.constant 0 : i32
    %c0_i32_0 = arith.constant 0 : i32
    return %arg0, %c0_i32 : i32, i32
  }
}

</mosaic_0001>

<sc_bundles>
// kernel: kernel.10.cloned.1.call-start
scs
__scs_entry_jumppad:
0x0: {  	(pc) =	sbr.rel $0x88, $3  }
0x1: {  	(tag) =	ssettag $0x0;
	lr =	simm.s32 $0x1  }
0x2: {  	[smem:$0x3F93] =	sst lr;
	_ =	strace $0xD0000000  }
0x3: {  	_ = 	snop  }
0x4: {  	_ = 	snop  }
0x5: {  	_ = 	snop  }
0x6: {  	_ = 	snop  }
0x7: {  	_ = 	snop  }
__scs_overlays_trampoline_lowered:
0x8: {  	[smem:$0x3FA2] =	sst s0  }
0x9: {  	[smem:$0x3FA3] =	sst s1  }
0xa: {  	[smem:$0x3FA4] =	sst s2  }
0xb: {  	[smem:$0x3FA5] =	sst s3  }
0xc: {  	[smem:$0x3FA6] =	sst s4  }
0xd: {  	[smem:$0x3FA7] =	sst s5  }
0xe: {  	[smem:$0x3FA8] =	sst s6  }
0xf: {  	[smem:$0x3FA9] =	sst s7  }
0x10: {  	[smem:$0x3FAA] =	sst s8  }
0x11: {  	[smem:$0x3FAB] =	sst s9;
	s0 =	simm.s32 @!p0 $0x0  }
0x12: {  	s1 =	sld [smem:$0x3F91];
	s0 =	simm.s32 @p0 $0x1  }
0x13: {  	[smem:$0x3FAC] =	sst s0;
	s0 =	simm.s32 @!p1 $0x0  }
0x14: {  	s2 =	sld [smem:$0x3F90];
	s0 =	simm.s32 @p1 $0x1  }
0x15: {  	[smem:$0x3FAD] =	sst s0;
	s0 =	simm.s32 @!p2 $0x0  }
0x16: {  	s3 =	sld [smem:$0x3FDB];
	s0 =	simm.s32 @p2 $0x1  }
0x17: {  	s4 =	simm.s32 $0x1BF5;
	[smem:$0x3FAF] =	sst s0  }
0x18: {  	s0 =	sld [smem:$0x3F92];
	_ =	swait.ge [sflag:s4], $0x0  }
0x19: {  	s7 =	sld [smem:$0x3F93]  }
0x1a: {  	s8 =	sadd.s32 $0xFFFFE003, lr  }
0x1b: {  	s9 =	sadd.s32 $0xFFFFFEF7, lr;
	s5 =	simm.s32 $0xFFFFFFFF;
	p2 =	slt.u32 s8, $0xFFFFF086  }
0x1c: {  	p1 =	slt.u32 s9, $0xF7A;
	s5 =	simm.s32 @!p2 $0x0  }
0x1d: {  	s5 =	simm.s32 @p1 $0x1;
	p0 =	seq.s32 s7, s2  }
0x1e: {  	s7 =	smul.u32 @!p0 $0xF7A, s2;
	p2 =	seq.s32 @!p0 s5, $0x0  }
0x1f: {  	s9 =	smul.u32 $0xF7A, s1;
	s8 =	simm.s32 @!p0 $0x1BF5;
	p2 =	por !p2, p0  }
0x20: {  	[sflag:s8] =	ssyncset.s32 @!p0 $0xFFFFF086;
	s6 =	sadd.s32 @!p0 s3, s7;
	s7 =	simm.s32 @!p0 $0x108  }
0x21: {  	s3 =	sadd.s32 s3, s9;
	s6 =	sadd.s32 @!p0 $0x88, s6;
	s7 =	simm.s32 @p2 $0x1082  }
0x22: {  	[simem:s7], [sflag:s8] =	dma.local @!p0 [hbm:s6], $0xF7A  }
0x23: {  	s9 =	sor.u32 $0xD0000000, s2;
	s6 =	simm.s32 $0x108;
	_ =	swait.ge @!p0 [sflag:s8], $0x0  }
0x24: {  	s3 =	sadd.s32 $0x88, s3;
	s6 =	simm.s32 @!p1 $0x1082;
	[sflag:s4] =	ssyncset.s32 $0xFFFFF086  }
0x25: {  	[simem:s6], [sflag:s4] =	dma.local [hbm:s3], $0xF7A  }
0x26: {  	[smem:$0x3F93] =	sst s1;
	(tag) =	ssettag s2;
	_ =	strace s9  }
0x27: {  	s1 =	sld [smem:$0x3FA3]  }
0x28: {  	s2 =	sld [smem:$0x3FA4]  }
0x29: {  	s4 =	sld [smem:$0x3FA6]  }
0x2a: {  	p0 =	seq.s32 s5, $0x0;
	s5 =	sld [smem:$0x3FA7]  }
0x2b: {  	s6 =	sld [smem:$0x3FA8]  }
0x2c: {  	s7 =	sld [smem:$0x3FA9]  }
0x2d: {  	s3 =	simm.s32 $0x108;
	s8 =	sld [smem:$0x3FAA]  }
0x2e: {  	s3 =	simm.s32 @!p0 $0x1082;
	s9 =	sld [smem:$0x3FAB]  }
0x2f: {  	lr =	sadd.s32 s0, s3;
	s0 =	sld [smem:$0x3FA2]  }
0x30: {  	s3 =	sld [smem:$0x3FA5]  }
0x31: {  	[smem:$0x3FAE] =	sst s10  }
0x32: {  	s10 =	sld [smem:$0x3FAC];
	_ =	sdelay $0x3  }
0x33: {  	p0 =	seq.s32 s10, $0x1;
	s10 =	sld [smem:$0x3FAE];
	_ =	sdelay $0x3  }
0x34: {  	[smem:$0x3FAE] =	sst s10  }
0x35: {  	s10 =	sld [smem:$0x3FAD];
	_ =	sdelay $0x3  }
0x36: {  	p1 =	seq.s32 s10, $0x1;
	s10 =	sld [smem:$0x3FAE];
	_ =	sdelay $0x3  }
0x37: {  	[smem:$0x3FAE] =	sst s10  }
0x38: {  	s10 =	sld [smem:$0x3FAF]  }
0x39: {  	_ = 	snop;
	(pc) =	sbr.ind lr, $3  }
0x3a: {  	_ = 	snop  }
0x3b: {  	_ = 	snop  }
0x3c: {  	p2 =	seq.s32 s10, $0x1;
	s10 =	sld [smem:$0x3FAE]  }
0x3d: {  	_ =	shalt  }
0x3e: {  	_ =	shalt  }
0x3f: {  	_ =	shalt  }
0x40: {  	_ =	shalt  }
0x41: {  	_ =	shalt  }
0x42: {  	_ =	shalt  }
0x43: {  	_ =	shalt  }
0x44: {  	_ =	shalt  }
0x45: {  	_ =	shalt  }
0x46: {  	_ =	shalt  }
0x47: {  	_ =	shalt  }
0x48: {  	_ =	shalt  }
0x49: {  	_ =	shalt  }
0x4a: {  	_ =	shalt  }
0x4b: {  	_ =	shalt  }
0x4c: {  	_ =	shalt  }
0x4d: {  	_ =	shalt  }
0x4e: {  	_ =	shalt  }
0x4f: {  	_ =	shalt  }
0x50: {  	_ =	shalt  }
0x51: {  	_ =	shalt  }
0x52: {  	_ =	shalt  }
0x53: {  	_ =	shalt  }
0x54: {  	_ =	shalt  }
0x55: {  	_ =	shalt  }
0x56: {  	_ =	shalt  }
0x57: {  	_ =	shalt  }
0x58: {  	_ =	shalt  }
0x59: {  	_ =	shalt  }
0x5a: {  	_ =	shalt  }
0x5b: {  	_ =	shalt  }
0x5c: {  	_ =	shalt  }
0x5d: {  	_ =	shalt  }
0x5e: {  	_ =	shalt  }
0x5f: {  	_ =	shalt  }
0x60: {  	_ =	shalt  }
0x61: {  	_ =	shalt  }
0x62: {  	_ =	shalt  }
0x63: {  	_ =	shalt  }
0x64: {  	_ =	shalt  }
0x65: {  	_ =	shalt  }
0x66: {  	_ =	shalt  }
0x67: {  	_ =	shalt  }
0x68: {  	_ =	shalt  }
0x69: {  	_ =	shalt  }
0x6a: {  	_ =	shalt  }
0x6b: {  	_ =	shalt  }
0x6c: {  	_ =	shalt  }
0x6d: {  	_ =	shalt  }
0x6e: {  	_ =	shalt  }
0x6f: {  	_ =	shalt  }
0x70: {  	_ =	shalt  }
0x71: {  	_ =	shalt  }
0x72: {  	_ =	shalt  }
0x73: {  	_ =	shalt  }
0x74: {  	_ =	shalt  }
0x75: {  	_ =	shalt  }
0x76: {  	_ =	shalt  }
0x77: {  	_ =	shalt  }
0x78: {  	_ =	shalt  }
0x79: {  	_ =	shalt  }
0x7a: {  	_ =	shalt  }
0x7b: {  	_ =	shalt  }
0x7c: {  	_ =	shalt  }
0x7d: {  	_ =	shalt  }
0x7e: {  	_ =	shalt  }
0x7f: {  	_ =	shalt  }
0x80: {  	_ =	shalt  }
0x81: {  	_ =	shalt  }
0x82: {  	_ =	shalt  }
0x83: {  	_ =	shalt  }
0x84: {  	_ =	shalt  }
0x85: {  	_ =	shalt  }
0x86: {  	_ =	shalt  }
0x87: {  	_ =	shalt  }
.Lfunc_end0:
.L_simem_size_0:
called_computation.1_lowered:
.L_overlay_start_0:
0x88: {  	s2 =	sld [smem:$0x3FD9]  }
0x89: {  	s3 =	sld [smem:$0x3FFE];
	_ =	sdelay $0x1  }
0x8a: {  	s1 =	srdreg.scid  }
0x8b: {  	s0 =	sand.u32 $0x1, s1  }
0x8c: {  	s17 =	sshll.u32 s0, $0xA;
	s2 =	sadd.s32 s3, s2  }
0x8d: {  	s2 =	sadd.s32 s2, s17  }
0x8e: {  	[smem:$0x3FBA] =	sst s2  }
0x8f: {  	_ = 	snop  }
0x90: {  	s2 =	sld [smem:$0x3FBD]  }
0x91: {  	s18 =	sld [smem:$0x3FD0];
	(tm) =	ssettm $0x1  }
0x92: {  	s4 =	sld [smem:$0x3FFB];
	_ =	sdelay $0x3  }
0x93: {  	_ =	strace s4  }
0x94: {  	s4 =	sld [smem:$0x3FFC];
	_ =	sdelay $0x3  }
0x95: {  	_ =	strace s4  }
0x96: {  	s4 =	sld [smem:$0x3FFD];
	_ =	sdelay $0x3  }
0x97: {  	_ =	strace s4  }
0x98: {  	_ =	strace $0x8FFFFFFF  }
0x99: {  	s19 =	sld [smem:$0x3FDB];
	_ =	sdelay $0x1  }
0x9a: {  	s5 =	simm.s32 $_scs_section_size  }
0x9b: {  	s6 =	simm.s32 $_size__tile_overlayer_lowered;
	s7 =	simm.s32 $_tile_overlayer_lowered  }
0x9c: {  	s22 =	simm.s32 $0x1BFF;
	s21 =	sshll.u32 s7, $0x1;
	s4 =	sadd.s32 s5, s19  }
0x9d: {  	s8 =	simm.s32 $0x0;
	s20 =	sshll.u32 s6, $0x1;
	s6 =	sadd.s32 s21, s4  }
0x9e: {  	[timem:s8], [sflag:s22] =	dma.local [hbm:s6], s20  }
0x9f: {  	_ =	swait.ge [sflag:s22], s20  }
0xa0: {  	s5 =	ssub.s32 $0x0, s20;
	[sflag:s22] =	ssyncset.done $0x0  }
0xa1: {  	[sflag:s22] =	ssyncadd.s32 s5;
	_ =	sdelay $0x1  }
0xa2: {  	s23 =	simm.s32 $0x1B8B  }
0xa3: {  	_ =	swait.ge [sflag:s23], $0x1  }
0xa4: {  	[sflag:s23] =	ssyncset.done $0x0  }
0xa5: {  	s25 =	simm.s32 $0x1B8E;
	s24 =	sld [smem:$0x3FFE];
	[sflag:s23] =	ssyncadd.s32 $0xFFFFFFFF  }
0xa6: {  	s26 =	simm.s32 $execute0_lowered;
	[smem:$0x3FD2] =	sst s25  }
0xa7: {  	s6 =	sshll.u32 s26, $0x1;
	_ =	strace $0x80000049;
	[dreg:$0x1] =	wrdreg $0xFFFFFFFF  }
0xa8: {  	s28 =	simm.s32 $_size_execute0_lowered;
	s4 =	sadd.s32 s4, s6;
	[dreg:$0x0] =	wrdreg $0x0  }
0xa9: {  	s6 =	sshll.u32 s28, $0x1;
	[dreg:$0x2] =	wrdreg s4  }
0xaa: {  	[dreg:$0x3] =	wrdreg s6  }
0xab: {  	[dreg:$0x4] =	wrdreg $0xC0  }
0xac: {  	_ =	task [dreg:s8], $0x5FFFF  }
0xad: {  	[dreg:$0x1] =	wrdreg $0xFFFFFFFF  }
0xae: {  	[dreg:$0x0] =	wrdreg $0x60  }
0xaf: {  	[dreg:$0x2] =	wrdreg s18  }
0xb0: {  	[dreg:$0x3] =	wrdreg s24  }
0xb1: {  	[dreg:$0x4] =	wrdreg s2  }
0xb2: {  	[dreg:$0x5] =	wrdreg $0x130C00  }
0xb3: {  	[dreg:$0x6] =	wrdreg $0x9  }
0xb4: {  	_ =	task.clear_ibuf [dreg:s8], $0x7FFFF;
	_ =	strace $0x90000049  }
0xb5: {  	s29 =	simm.s32 $0x9;
	_ =	strace $0x8000004B  }
0xb6: {  	_ =	swait.ge [sflag:s29], $0x1  }
0xb7: {  	[sflag:s29] =	ssyncadd.s32 $0xFFFFFFFF  }
0xb8: {  	_ =	strace $0x9000004B  }
0xb9: {  	_ =	sfence  }
0xba: {  	s30 =	sld [smem:$0x0];
	_ =	sdelay $0x2  }
0xbb: {  	s31 =	sshll.u32 s1, $0xD;
	s1 =	sshrl.u32 s1, $0x2  }
0xbc: {  	s3 =	sand.u32 $0x4000, s31;
	s1 =	sadd.s32 s1, s30  }
0xbd: {  	s0 =	sor.u32 s3, s0;
	s1 =	sshll.u32 s1, $0x11  }
0xbe: {  	s0 =	sor.u32 s1, s0  }
0xbf: {  	s0 =	sadd.s32 $0x8F2B, s0  }
0xc0: {  	[sflag:s0] =	ssyncadd.remote.s32 $0x1  }
0xc1: {  	_ =	sfence.sel $0xFFFF  }
0xc2: {  	[dreg:$0x0] =	wrdreg $0xFFFFFFFF;
	(pc) =	sbr.abs _section_cstart, $3  }
0xc3: {  	[dreg:$0x1] =	wrdreg $0xFFFFFFFF  }
0xc4: {  	_ =	task.clear_ibuf [dreg:s8], $0x2FFFF;
	_ =	strace $0x9FFFFFFF  }
0xc5: {  	(tm) =	ssettm $0x7FFFFFFF  }
tec
execute0_lowered:
.L_overlay_start_1:
0x0: {  	(tag) =	ssettag $0x1  }
0x1: {  	s1 =	rddreg [dreg:$0x0]  }
0x2: {  	s0 =	rddreg [dreg:$0x1]  }
0x3: {  	s3 =	rddreg [dreg:$0x3]  }
0x4: {  	s2 =	srdreg.scid;
	s5 =	simm.s32 $0x0;
	s11 =	stileid.u32  }
0x5: {  	s28 =	simm.s32 $0x480;
	s29 =	simm.s32 $0x6480;
	s30 =	simm.s32 $0x200  }
0x6: {  	s31 =	simm.s32 $0x2480;
	s15 =	simm.s32 $0x380;
	s2 =	sand.u32 $0x1, s2  }
0x7: {  	[smem:$0x7FF] =	sst s5;
	s9 =	smul.u32 $0xB400, s11;
	s6 =	sadd.s32 $0x15800, s0  }
0x8: {  	s8 =	sshll.u32 s11, $0x1;
	s7 =	sadd.s32 $0x1E00, s0;
	s18 =	smul.u32 $0x2D000, s11  }
0x9: {  	s4 =	smul.u32 $0xB4000, s2;
	s8 =	sor.u32 s2, s8;
	s2 =	ssub.s32 $0x2, s2  }
0xa: {  	_ =	strace $0x8000004A;
	s17 =	sshll.u32 s8, $0x4;
	s10 =	sshrl.u32 s2, $0x1  }
0xb: {  	s13 =	sor.u32 $0x20, s8;
	s14 =	sor.u32 $0x40, s8;
	s22 =	sadd.s32 s9, s3  }
0xc: {  	s4 =	sadd.s32 s9, s4;
	s12 =	sadd.s32 s7, s17;
	s2 =	ssub.s32 s2, s10  }
0xd: {  	v0 =	vimm.s32 $0xEFCDAB89;
	v1 =	vimm.s32 $0x67452301;
	s17 =	simm.s32 $0xE880;
	s19 =	sadd.s32 $0x9C40, s12;
	[dreg:$0x5] =	wrdreg s12  }
0xe: {  	v2 =	vimm.s32 $0xDCFE98BA;
	v3 =	vimm.s32 $0x54761032;
	s10 =	simm.s32 $0x0;
	s20 =	sadd.s32 $0x200, s12;
	[dreg:$0x6] =	wrdreg s19  }
0xf: {  	v4 =	vimm.s32 $0xBA98FEDC;
	v5 =	vimm.s32 $0x32107654;
	s4 =	sshrl.u32 s4, $0x3;
	s21 =	sadd.s32 $0x9E40, s12;
	[dreg:$0x7] =	wrdreg s20  }
0x10: {  	v6 =	vimm.s32 $0xFEDCBA98;
	v7 =	vimm.s32 $0x76543210;
	v0 =	vunpack.c.l.s4.s8 v0;
	s2 =	smax.u32 s2, $0x1;
	s12 =	simm.s32 $0x300;
	[dreg:$0x8] =	wrdreg s21  }
0x11: {  	v1 =	vunpack.c.l.s4.s8 v1;
	v2 =	vunpack.c.l.s4.s8 v2;
	v3 =	vunpack.c.l.s4.s8 v3;
	s0 =	sadd.s32 s4, s0;
	s4 =	sshrl.u32 s18, $0x2;
	[dreg:$0xb] =	wrdreg s2  }
0x12: {  	v4 =	vunpack.c.l.s4.s8 v4;
	v5 =	vunpack.c.l.s4.s8 v5;
	v6 =	vunpack.c.l.s4.s8 v6;
	s2 =	simm.s32 $0xC480;
	s18 =	simm.s32 $0x400;
	s0 =	sadd.s32 $0x29200, s0  }
0x13: {  	v0 =	vunpack.c.0.s8.s32 v0;
	v1 =	vunpack.c.0.s8.s32 v1;
	v2 =	vunpack.c.0.s8.s32 v2;
	s19 =	simm.s32 $0x10C80;
	s4 =	sadd.s32 s4, s3;
	[dreg:$0x9] =	wrdreg s0  }
0x14: {  	v3 =	vunpack.c.0.s8.s32 v3;
	v4 =	vunpack.c.0.s8.s32 v4;
	v5 =	vunpack.c.0.s8.s32 v5;
	s23 =	sadd.s32 $0x2400, s4;
	s24 =	sadd.s32 $0x4800, s4;
	[dreg:$0xa] =	wrdreg s4  }
.Ltmp0:
0x15: {  	v7 =	vunpack.c.l.s4.s8 v7;
	v1 =	vcombine.low v1, v0;
	s25 =	sadd.s32 $0x6C00, s4;
	[dreg:$0xc] =	wrdreg s23;
	(pc) =	sbr.rel .LBB2_1-.Ltmp0, $4  }
0x16: {  	v2 =	vcombine.low v3, v2;
	v3 =	vcombine.low v5, v4;
	v4 =	vunpack.c.0.s8.s32 v6;
	s26 =	sadd.s32 $0x9000, s4;
	s0 =	sshrl.u32 s22, $0x3;
	[dreg:$0xd] =	wrdreg s24  }
0x17: {  	vm0 =	vcmask $0x3F24;
	vm1 =	vmmov $0xff;
	v5 =	vunpack.c.0.s8.s32 v7;
	s22 =	simm.s32 $0x100;
	s4 =	simm.s32 $0x280;
	[dreg:$0xe] =	wrdreg s25  }
0x18: {  	v0 =	vimm.f32 $0.0e+00;
	v1 =	vand.u32 $0xF, v1;
	v4 =	vand.u32 $0xF, v4;
	[dreg:$0xf] =	wrdreg s26;
	s23 =	simm.s32 $0xA;
	s24 =	simm.s32 $0x180  }
0x19: {  	v2 =	vand.u32 $0xF, v2;
	v3 =	vand.u32 $0xF, v3;
	v4 =	vcombine.low v4, v5;
	[dreg:$0x10] =	wrdreg s0;
	s26 =	simm.s32 $0x80;
	s0 =	simm.s32 $0x8480  }
.LBB2_23:
0x1a: {  	s9 =	stileid.u32;
	[bflag:$0x0] =	sbarrier.arrive $0xFFFF  }
0x1b: {  	s9 =	sshll.u32 s9, $0x6;
	s10 =	rddreg [dreg:$0x9]  }
0x1c: {  	s11 =	rddreg [dreg:$0x10];
	s9 =	sor.u32 $0x1C0A, s9  }
0x1d: {  	[hbm:s10], [sflag:s9] =	dma.local [spmem:s11], $0x1680  }
0x1e: {  	_ =	swait.ge [sflag:s23], $0x1680  }
0x1f: {  	s21 =	rddreg [dreg:$0x11]  }
0x20: {  	s25 =	rddreg [dreg:$0xb];
	s10 =	sadd.s32 $0x1, s21  }
0x21: {  	p0 =	sne.s32 s10, s25  }
.Ltmp1:
0x22: {  	_ = 	snop;
	(pc) =	sbr.rel @!p0 .LBB2_24-.Ltmp1, $3  }
0x23: {  	_ =	sdelay $0x1  }
0x24: {  	[sflag:s23] =	ssyncset.done $0x0  }
0x25: {  	[sflag:s23] =	ssyncadd.s32 $0xFFFFE980  }
.LBB2_1:
0x26: {  	[dreg:$0x11] =	wrdreg s10  }
0x27: {  	s9 =	rddreg [dreg:$0x2];
	s11 =	simm.s32 $0x13080  }
0x28: {  	[tilespmem:s11], [sflag:$0xA] =	stream.linear.gather [hbm4b:s9+s5], $0x40, $0x38;
	[tilespmem:$0x1E4C0] =	vst v63  }
0x29: {  	_ =	swait.ge [sflag:s23], $0x40  }
0x2a: {  	[sflag:s23] =	ssyncset.done $0x0  }
0x2b: {  	s16 =	rddreg [dreg:$0x5];
	[sflag:s23] =	ssyncadd.s32 $0xFFFFFFC0  }
0x2c: {  	[tilespmem:s5], [sflag:$0xA] =	stream.linear.gather [hbm4b:s16+s5], $0x80, $0x38;
	[tilespmem:$0x1E4C0] =	vst v63  }
0x2d: {  	_ =	swait.ge [sflag:s23], $0x80  }
0x2e: {  	[sflag:s23] =	ssyncset.done $0x0  }
0x2f: {  	s20 =	rddreg [dreg:$0x6];
	[sflag:s23] =	ssyncadd.s32 $0xFFFFFF80  }
0x30: {  	[tilespmem:s24], [sflag:$0xA] =	stream.linear.gather [hbm4b:s20+s5], $0x80, $0x38;
	[tilespmem:$0x1E4C0] =	vst v63  }
0x31: {  	_ =	swait.ge [sflag:s23], $0x80  }
0x32: {  	[sflag:s23] =	ssyncset.done $0x0  }
0x33: {  	[sflag:s23] =	ssyncadd.s32 $0xFFFFFF80  }
0x34: {  	[tilespmem:s28], [sflag:$0x1] =	stream.indirect.gather [hbm4b:s1+s26], $0x40, s5, s26, $0xb8;
	[tilespmem:$0x1E4C0] =	vst v63  }
0x35: {  	_ = 	snop  }
0x36: {  	[tilespmem:s29], [sflag:$0x2] =	stream.indirect.gather [hbm4b:s6+s26], $0x40, s24, s26, $0xb8;
	[tilespmem:$0x1E4C0] =	vst v63  }
0x37: {  	s21 =	rddreg [dreg:$0x7]  }
0x38: {  	[tilespmem:s26], [sflag:$0xA] =	stream.linear.gather [hbm4b:s21+s5], $0x80, $0x38;
	[tilespmem:$0x1E4C0] =	vst v63  }
0x39: {  	_ =	swait.ge [sflag:s23], $0x80  }
0x3a: {  	[sflag:s23] =	ssyncset.done $0x0  }
0x3b: {  	s25 =	rddreg [dreg:$0x8];
	[sflag:s23] =	ssyncadd.s32 $0xFFFFFF80  }
0x3c: {  	[tilespmem:s30], [sflag:$0xA] =	stream.linear.gather [hbm4b:s25+s5], $0x80, $0x38;
	[tilespmem:$0x1E4C0] =	vst v63  }
0x3d: {  	_ =	swait.ge [sflag:s23], $0x80  }
0x3e: {  	[sflag:s23] =	ssyncset.done $0x0  }
0x3f: {  	[sflag:s23] =	ssyncadd.s32 $0xFFFFFF80  }
0x40: {  	[tilespmem:s31], [sflag:$0x3] =	stream.indirect.gather [hbm4b:s1+s26], $0x40, s26, s26, $0xb8;
	[tilespmem:$0x1E4C0] =	vst v63  }
0x41: {  	s9 =	simm.s32 $0x0  }
0x42: {  	[tilespmem:s0], [sflag:$0x4] =	stream.indirect.gather [hbm4b:s6+s26], $0x40, s30, s26, $0xb8;
	[tilespmem:$0x1E4C0] =	vst v63  }
0x43: {  	s10 =	simm.s32 $0x120;
	[tilespmem:s9+$0xC4A0] =	vst v0  }
.LBB2_2:
0x44: {  	p0 =	sne.s32 s10, $0x8EE0;
	[tilespmem:s9+$0xC490] =	vst v0;
	s11 =	smov.u32 s10;
	s10 =	sadd.s32 $0x120, s10  }
.Ltmp2:
0x45: {  	[tilespmem:s9+$0xC4B0] =	vst v0;
	(pc) =	sbr.rel @p0 .LBB2_2-.Ltmp2, $4  }
0x46: {  	[tilespmem:s9+$0xC4B8] =	vst v0  }
0x47: {  	[tilespmem:s9+$0xC480] =	vst v0  }
0x48: {  	s9 =	sshra.s32 s11, $0x2  }
0x49: {  	[tilespmem:s9+$0xC4A0] =	vst v0  }
0x4a: {  	[tilespmem:s9+$0xC490] =	vst v0  }
0x4b: {  	[tilespmem:s9+$0xC4B0] =	vst v0  }
0x4c: {  	[tilespmem:s9+$0xC480] =	vst v0  }
0x4d: {  	s11 =	rddreg [dreg:$0xa];
	[tilespmem:s9+$0xC4B8] =	vst v0  }
0x4e: {  	[spmem:s11] =	stream.linear.scatter [tilespmem:s2], [sflag:$0xA], $0x2400, $0x38;
	[tilespmem:$0x1E4C0] =	vst v63  }
0x4f: {  	_ =	swait.ge [sflag:s23], $0x2400  }
0x50: {  	[sflag:s23] =	ssyncset.done $0x0  }
0x51: {  	s16 =	rddreg [dreg:$0xc];
	[sflag:s23] =	ssyncadd.s32 $0xFFFFDC00  }
0x52: {  	[spmem:s16] =	stream.linear.scatter [tilespmem:s2], [sflag:$0xA], $0x2400, $0x38;
	[tilespmem:$0x1E4C0] =	vst v63  }
0x53: {  	_ =	swait.ge [sflag:s23], $0x2400  }
0x54: {  	[sflag:s23] =	ssyncset.done $0x0  }
0x55: {  	s20 =	rddreg [dreg:$0xd];
	[sflag:s23] =	ssyncadd.s32 $0xFFFFDC00  }
0x56: {  	[spmem:s20] =	stream.linear.scatter [tilespmem:s2], [sflag:$0xA], $0x2400, $0x38;
	[tilespmem:$0x1E4C0] =	vst v63  }
0x57: {  	_ =	swait.ge [sflag:s23], $0x2400  }
0x58: {  	[sflag:s23] =	ssyncset.done $0x0  }
0x59: {  	s21 =	rddreg [dreg:$0xe];
	[sflag:s23] =	ssyncadd.s32 $0xFFFFDC00  }
0x5a: {  	[spmem:s21] =	stream.linear.scatter [tilespmem:s2], [sflag:$0xA], $0x2400, $0x38;
	[tilespmem:$0x1E4C0] =	vst v63  }
0x5b: {  	_ =	swait.ge [sflag:s23], $0x2400  }
0x5c: {  	[sflag:s23] =	ssyncset.done $0x0  }
0x5d: {  	s25 =	rddreg [dreg:$0xf];
	[sflag:s23] =	ssyncadd.s32 $0xFFFFDC00  }
0x5e: {  	[spmem:s25] =	stream.linear.scatter [tilespmem:s2], [sflag:$0xA], $0x2400, $0x38;
	[tilespmem:$0x1E4C0] =	vst v63  }
.Ltmp3:
0x5f: {  	_ =	swait.ge [sflag:s23], $0x2400;
	(pc) =	sbr.rel .LBB2_4-.Ltmp3, $4  }
0x60: {  	[sflag:s23] =	ssyncset.done $0x0  }
0x61: {  	[sflag:s23] =	ssyncadd.s32 $0xFFFFDC00  }
0x62: {  	[bflag:$0x0] =	sbarrier.arrive $0xFFFF  }
0x63: {  	s21 =	simm.s32 $0x0  }
.LBB2_22:
0x64: {  	s21 =	sadd.s32 $0x1, s21  }
0x65: {  	p0 =	sne.s32 s21, $0x1C  }
.Ltmp4:
0x66: {  	_ = 	snop;
	(pc) =	sbr.rel @!p0 .LBB2_23-.Ltmp4, $1  }
0x67: {  	_ =	sdelay $0x3  }
.LBB2_4:
0x68: {  	s25 =	smul.u32 $0x60, s21;
	_ =	sdelay $0x1  }
0x69: {  	s9 =	sor.u32 s8, s25  }
0x6a: {  	p1 =	sgt.u32 s9, $0x9C3  }
0x6b: {  	s10 =	simm.s32 @!p1 $0x1  }
0x6c: {  	_ =	swait.ge @!p1 [sflag:s10], $0x2000  }
0x6d: {  	[sflag:s10] =	ssyncset.done @!p1 $0x0  }
0x6e: {  	p0 =	seq.s32 s21, $0x0;
	[sflag:s10] =	ssyncadd.s32 @!p1 $0xFFFFE000;
	s10 =	simm.s32 @!p1 $0x2  }
0x6f: {  	p2 =	sgt.u32 @!p0 s9, $0xA23;
	p3 =	sgt.u32 s9, $0x983;
	_ =	swait.ge @!p1 [sflag:s10], $0x2000  }
.Ltmp5:
0x70: {  	p2 =	por p2, p0;
	[sflag:s10] =	ssyncset.done @!p1 $0x0;
	(pc) =	sbr.rel @p3 .LBB2_6-.Ltmp5, $4  }
0x71: {  	[sflag:s10] =	ssyncadd.s32 @!p1 $0xFFFFE000;
	s10 =	simm.s32 @!p2 $0x7  }
0x72: {  	_ =	swait.ge @!p2 [sflag:s10], $0x2400  }
0x73: {  	[sflag:s10] =	ssyncset.done @!p2 $0x0  }
0x74: {  	[sflag:s10] =	ssyncadd.s32 @!p2 $0xFFFFDC00  }
0x75: {  	s9 =	sshll.u32 s9, $0x4  }
0x76: {  	s9 =	sand.u32 $0x1FFFFFF0, s9  }
0x77: {  	s9 =	sadd.s32 s7, s9  }
0x78: {  	s10 =	sadd.s32 $0x400, s9  }
0x79: {  	[tilespmem:s22], [sflag:$0xA] =	stream.linear.gather [hbm4b:s10+s5], $0x80, $0x38;
	[tilespmem:$0x1E4C0] =	vst v63  }
0x7a: {  	_ =	swait.ge [sflag:s23], $0x80  }
0x7b: {  	[sflag:s23] =	ssyncset.done $0x0  }
0x7c: {  	s9 =	sadd.s32 $0xA040, s9;
	[sflag:s23] =	ssyncadd.s32 $0xFFFFFF80  }
0x7d: {  	[tilespmem:s4], [sflag:$0xA] =	stream.linear.gather [hbm4b:s9+s5], $0x80, $0x38;
	[tilespmem:$0x1E4C0] =	vst v63  }
0x7e: {  	_ =	swait.ge [sflag:s23], $0x80  }
.Ltmp6:
0x7f: {  	[sflag:s23] =	ssyncset.done $0x0;
	(pc) =	sbr.rel .LBB2_7-.Ltmp6, $4  }
0x80: {  	s16 =	simm.s32 $0x4480;
	[sflag:s23] =	ssyncadd.s32 $0xFFFFFF80  }
0x81: {  	[tilespmem:s16], [sflag:$0x5] =	stream.indirect.gather [hbm4b:s1+s26], $0x40, s22, s26, $0xb8;
	[tilespmem:$0x1E4C0] =	vst v63  }
0x82: {  	s20 =	simm.s32 $0xA480  }
0x83: {  	[tilespmem:s20], [sflag:$0x6] =	stream.indirect.gather [hbm4b:s6+s26], $0x40, s4, s26, $0xb8;
	[tilespmem:$0x1E4C0] =	vst v63  }
.LBB2_6:
.Ltmp7:
0x84: {  	(pc) =	sbr.rel @p1 .LBB2_10-.Ltmp7, $1  }
0x85: {  	_ =	sdelay $0x3  }
.LBB2_7:
0x86: {  	v5 =	vld [tilespmem:$0x180]  }
0x87: {  	v6 =	vld [tilespmem:$0x190]  }
0x88: {  	v7 =	vld [tilespmem:$0x1A0]  }
0x89: {  	v8 =	vld [tilespmem:$0x1B0]  }
0x8a: {  	v9 =	vld [tilespmem:$0x1C0]  }
0x8b: {  	v10 =	vld [tilespmem:$0x1D0];
	[tilespmem:$0x300] =	vst v5  }
0x8c: {  	v11 =	vld [tilespmem:$0x1E0];
	[tilespmem:$0x310] =	vst v6  }
0x8d: {  	v12 =	vld [tilespmem:$0x1F0];
	[tilespmem:$0x320] =	vst v7  }
0x8e: {  	[tilespmem:$0x330] =	vst v8  }
0x8f: {  	[tilespmem:$0x340] =	vst v9  }
0x90: {  	[tilespmem:$0x350] =	vst v10  }
0x91: {  	v5 =	vld [tilespmem:$0x13080];
	[tilespmem:$0x360] =	vst v11  }
0x92: {  	s10 =	simm.s32 $0x500;
	v6 =	vld [tilespmem:$0x13090];
	[tilespmem:$0x370] =	vst v12  }
0x93: {  	s9 =	simm.s32 $0x6500;
	v20 =	vld [tilespmem:s10+$0x40]  }
0x94: {  	v9 =	vld [tilespmem:s9+$0x40]  }
0x95: {  	v16 =	vld [tilespmem:s10+$0x50]  }
0x96: {  	v10 =	vld [tilespmem:s9+$0x50]  }
0x97: {  	v15 =	vld [tilespmem:s10+$0x60]  }
0x98: {  	v11 =	vld [tilespmem:s9+$0x60]  }
0x99: {  	v18 =	vld [tilespmem:s10+$0x70]  }
0x9a: {  	v12 =	vld [tilespmem:s9+$0x70]  }
0x9b: {  	v13 =	vld [tilespmem:s9+$0xFFFFFF80]  }
0x9c: {  	v31 =	vld [tilespmem:s10+$0xFFFFFF80]  }
0x9d: {  	v32 =	vld [tilespmem:s10+$0xFFFFFFA0]  }
0x9e: {  	v27 =	vld [tilespmem:s9+$0xFFFFFFA0];
	v9 =	vadd.f32 v9, v20  }
0x9f: {  	v19 =	vld [tilespmem:s9+$0xFFFFFFC0]  }
0xa0: {  	v17 =	vadd.f32 v10, v16;
	v10 =	vld [tilespmem:s10+$0xFFFFFFC0];
	v14 =	vmul.f32 $2.000000030e-01, v9  }
0xa1: {  	v7 =	vld [tilespmem:$0x130A0];
	v11 =	vadd.f32 v11, v15;
	v23 =	vadd.f32 v12, v18;
	vm2 =	vge.f32 v9, $0.0e+00  }
0xa2: {  	v22 =	vld [tilespmem:s9+$0x0];
	v13 =	vadd.f32 v13, v31;
	v21 =	vmul.f32 $2.000000030e-01, v17;
	v14 =	vsel vm2, v9, v14  }
0xa3: {  	v27 =	vadd.f32 v27, v32;
	v9 =	vld [tilespmem:s10+$0x0];
	vm2 =	vge.f32 v17, $0.0e+00;
	v14 =	vmul.f32 v14, v5  }
0xa4: {  	v8 =	vld [tilespmem:$0x130B0];
	v17 =	vsel vm2, v17, v21;
	v21 =	vmul.f32 $2.000000030e-01, v11;
	vm2 =	vge.f32 v11, $0.0e+00  }
0xa5: {  	v30 =	vld [tilespmem:s10+$0xFFFFFF90];
	v19 =	vadd.f32 v19, v10;
	v12 =	vadd.f32 $0.0e+00, v14;
	v14 =	vmul.f32 v17, v6  }
0xa6: {  	v11 =	vsel vm2, v11, v21;
	v17 =	vmul.f32 $2.000000030e-01, v23;
	v21 =	vld [tilespmem:s9+$0xFFFFFF90];
	vm2 =	vge.f32 v23, $0.0e+00  }
0xa7: {  	v24 =	vmul.f32 $2.000000030e-01, v19;
	v11 =	vmul.f32 v11, v7;
	v14 =	vadd.f32 v14, v12;
	v12 =	vld [tilespmem:s10+$0xFFFFFFD0]  }
0xa8: {  	v17 =	vsel vm2, v23, v17;
	v23 =	vld [tilespmem:s9+$0xFFFFFFD0];
	v22 =	vadd.f32 v22, v9;
	vm2 =	vge.f32 v19, $0.0e+00  }
0xa9: {  	v26 =	vld [tilespmem:s9+$0x10];
	v17 =	vmul.f32 v17, v8;
	v19 =	vsel vm2, v19, v24;
	v14 =	vadd.f32 v11, v14  }
0xaa: {  	vm4 =	vge.f32 v13, $0.0e+00;
	v11 =	vld [tilespmem:s10+$0x10];
	v25 =	vmul.f32 $2.000000030e-01, v22;
	v19 =	vmul.f32 v19, v5  }
0xab: {  	v29 =	vld [tilespmem:s9+$0xFFFFFFE0];
	vm3 =	vge.f32 v22, $0.0e+00;
	v21 =	vadd.f32 v21, v30;
	v17 =	vadd.f32 v17, v14  }
0xac: {  	v33 =	vld [tilespmem:s9+$0x20];
	v14 =	vmul.f32 $2.000000030e-01, v13;
	v22 =	vsel vm3, v22, v25;
	v19 =	vadd.f32 $0.0e+00, v19  }
0xad: {  	v35 =	vld [tilespmem:s10+$0xFFFFFFB0];
	v25 =	vmul.f32 $2.000000030e-01, v21;
	v23 =	vadd.f32 v23, v12;
	v22 =	vmul.f32 v22, v5  }
0xae: {  	v36 =	vld [tilespmem:s10+$0xFFFFFFF0];
	vm2 =	vge.f32 v21, $0.0e+00;
	v24 =	vperm.xlane v17, v1;
	v13 =	vsel vm4, v13, v14  }
0xaf: {  	v14 =	vld [tilespmem:s10+$0xFFFFFFE0];
	v28 =	vmul.f32 v13, v5;
	v26 =	vadd.f32 v26, v11;
	vm3 =	vge.f32 v23, $0.0e+00  }
0xb0: {  	v13 =	vld [tilespmem:s10+$0x20];
	v21 =	vsel vm2, v21, v25;
	v22 =	vadd.f32 $0.0e+00, v22;
	vm2 =	vge.f32 v27, $0.0e+00  }
0xb1: {  	v25 =	vld [tilespmem:s9+$0xFFFFFFB0];
	v17 =	vadd.f32 v17, v24;
	v24 =	vmul.f32 $2.000000030e-01, v23;
	v21 =	vmul.f32 v21, v6  }
0xb2: {  	v48 =	vld [tilespmem:s9+$0xFFFFFFF0];
	vm11 =	vge.f32 v26, $0.0e+00;
	v37 =	vmul.f32 $2.000000030e-01, v26;
	v28 =	vadd.f32 $0.0e+00, v28  }
0xb3: {  	v34 =	vperm.xlane v17, v2;
	v23 =	vsel vm3, v23, v24;
	v24 =	vmul.f32 $2.000000030e-01, v27  }
0xb4: {  	v29 =	vadd.f32 v29, v14;
	v26 =	vsel vm11, v26, v37;
	v21 =	vadd.f32 v21, v28  }
0xb5: {  	v23 =	vmul.f32 v23, v6;
	v17 =	vadd.f32 v17, v34;
	v33 =	vadd.f32 v33, v13  }
0xb6: {  	v40 =	vld [tilespmem:s9+$0x30];
	v25 =	vadd.f32 v25, v35;
	v26 =	vmul.f32 v26, v6;
	v24 =	vsel vm2, v27, v24  }
0xb7: {  	v37 =	vld [tilespmem:s10+$0x30];
	v27 =	vadd.f32 v48, v36;
	v39 =	vmul.f32 $2.000000030e-01, v29;
	vm3 =	vge.f32 v29, $0.0e+00  }
0xb8: {  	v19 =	vadd.f32 v23, v19;
	v23 =	vmul.f32 v24, v7;
	v38 =	vperm.xlane v17, v3  }
0xb9: {  	v49 =	vmul.f32 $2.000000030e-01, v33;
	vm2 =	vge.f32 v33, $0.0e+00;
	v50 =	vmul.f32 $2.000000030e-01, v25  }
0xba: {  	v51 =	vmul.f32 $2.000000030e-01, v27;
	v22 =	vadd.f32 v26, v22;
	v29 =	vsel vm3, v29, v39  }
0xbb: {  	vm3 =	vge.f32 v27, $0.0e+00;
	v21 =	vadd.f32 v23, v21;
	v17 =	vadd.f32 v17, v38  }
0xbc: {  	v33 =	vsel vm2, v33, v49;
	v52 =	vadd.f32 v40, v37;
	vm2 =	vge.f32 v25, $0.0e+00  }
0xbd: {  	v26 =	vmul.f32 v29, v7;
	v27 =	vsel vm3, v27, v51;
	v28 =	vmul.f32 v33, v7  }
0xbe: {  	v25 =	vsel vm2, v25, v50;
	v41 =	vperm.xlane v17, v4;
	v24 =	vmul.f32 $2.000000030e-01, v52  }
0xbf: {  	v23 =	vmul.f32 v25, v8;
	v19 =	vadd.f32 v26, v19;
	v25 =	vmul.f32 v27, v8  }
0xc0: {  	vm12 =	vge.f32 v52, $0.0e+00;
	v17 =	vadd.f32 v17, v41  }
0xc1: {  	v22 =	vadd.f32 v28, v22;
	v24 =	vsel vm12, v52, v24;
	v19 =	vadd.f32 v25, v19  }
0xc2: {  	v21 =	vadd.f32 v23, v21;
	v24 =	vmul.f32 v24, v8;
	v17 =	vmul.f32 $1.442695020e+00, v17  }
0xc3: {  	v23 =	vperm.xlane v19, v1  }
0xc4: {  	(erf) = vpow2.f32 v17;
	v17 =	vadd.f32 v24, v22;
	v22 =	vperm.xlane v21, v1;
	_ =	sdelay $0x1  }
0xc5: {  	v19 =	vadd.f32 v19, v23;
	v21 =	vadd.f32 v21, v22  }
0xc6: {  	v24 =	vperm.xlane v17, v1  }
0xc7: {  	v23 =	vperm.xlane v19, v2;
	v22 =	vperm.xlane v21, v2  }
0xc8: {  	v17 =	vadd.f32 v17, v24  }
0xc9: {  	v19 =	vadd.f32 v19, v23;
	v21 =	vadd.f32 v21, v22  }
0xca: {  	s9 =	simm.s32 $0x6600;
	v22 =	vperm.xlane v17, v2  }
0xcb: {  	s20 =	simm.s32 $0x600;
	v26 =	vld [tilespmem:s9+$0x40];
	v25 =	vperm.xlane v19, v3;
	v23 =	vperm.xlane v21, v3  }
0xcc: {  	v22 =	vadd.f32 v17, v22;
	v17 =	vld [tilespmem:s20+$0x40]  }
0xcd: {  	v38 =	vld [tilespmem:s20+$0x70];
	v25 =	vadd.f32 v19, v25;
	v24 =	vpop (erf);
	v21 =	vadd.f32 v21, v23  }
0xce: {  	v28 =	vld [tilespmem:s9+$0x50];
	v34 =	vmul.f32 v24, v18;
	v23 =	vperm.xlane v22, v3  }
0xcf: {  	v18 =	vld [tilespmem:s20+$0x50];
	v53 =	vperm.xlane v25, v4;
	v29 =	vperm.xlane v21, v4  }
0xd0: {  	v19 =	vld [tilespmem:s20+$0x60];
	v40 =	vmul.f32 v24, v20;
	v27 =	vperm.xlane v34, v4;
	v22 =	vadd.f32 v22, v23  }
0xd1: {  	v23 =	vsel vm0, $0x0, v24;
	v20 =	vadd.f32 v26, v17;
	v26 =	vld [tilespmem:s9+$0x70];
	v21 =	vadd.f32 v21, v29  }
0xd2: {  	v39 =	vsel vm1, v27, v23;
	v23 =	vld [tilespmem:s9+$0x60];
	v27 =	vperm.xlane v22, v4  }
0xd3: {  	v54 =	vld [tilespmem:s9+$0x0];
	v41 =	vmul.f32 v24, v16;
	v25 =	vadd.f32 v25, v53;
	v16 =	vmul.f32 $1.442695020e+00, v21  }
0xd4: {  	v45 =	vld [tilespmem:s9+$0x10];
	v21 =	vadd.f32 v22, v27;
	v22 =	vmul.f32 $2.000000030e-01, v20;
	v27 =	vadd.f32 v28, v18  }
0xd5: {  	v42 =	vmul.f32 v24, v15;
	v15 =	vld [tilespmem:s20+$0xFFFFFFC0];
	v25 =	vmul.f32 $1.442695020e+00, v25;
	vm2 =	vge.f32 v20, $0.0e+00  }
0xd6: {  	v29 =	vld [tilespmem:s9+$0xFFFFFFC0];
	v28 =	vmul.f32 $1.442695020e+00, v21;
	v20 =	vsel vm2, v20, v22;
	v21 =	vmul.f32 $2.000000030e-01, v27  }
0xd7: {  	v24 =	vld [tilespmem:s9+$0xFFFFFF80];
	(erf) = vpow2.f32 v16;
	v26 =	vadd.f32 v26, v38;
	v22 =	vadd.f32 v23, v19  }
0xd8: {  	v16 =	vld [tilespmem:s20+$0x0];
	vm2 =	vge.f32 v27, $0.0e+00;
	v23 =	vmul.f32 v20, v5;
	(erf) = vpow2.f32 v25  }
0xd9: {  	v20 =	vld [tilespmem:s20+$0xFFFFFF80];
	v21 =	vsel vm2, v27, v21;
	v25 =	vmul.f32 $2.000000030e-01, v26;
	v27 =	vmul.f32 $2.000000030e-01, v22  }
0xda: {  	v47 =	vld [tilespmem:s9+$0xFFFFFFA0];
	v23 =	vadd.f32 $0.0e+00, v23;
	v43 =	vmul.f32 v21, v6;
	vm2 =	vge.f32 v22, $0.0e+00  }
0xdb: {  	(erf) = vpow2.f32 v28;
	v28 =	vadd.f32 v29, v15;
	v21 =	vld [tilespmem:s20+$0xFFFFFF90];
	v22 =	vsel vm2, v22, v27  }
0xdc: {  	v27 =	vld [tilespmem:s9+$0xFFFFFF90];
	v23 =	vadd.f32 v43, v23;
	vm2 =	vge.f32 v26, $0.0e+00;
	v55 =	vmul.f32 v22, v7  }
0xdd: {  	v57 =	vmul.f32 $2.000000030e-01, v28;
	v29 =	vadd.f32 v54, v16;
	v22 =	vld [tilespmem:s20+$0xFFFFFFD0];
	v25 =	vsel vm2, v26, v25  }
0xde: {  	v26 =	vld [tilespmem:s9+$0xFFFFFFD0];
	v24 =	vadd.f32 v24, v20;
	v25 =	vmul.f32 v25, v8;
	v56 =	vadd.f32 v55, v23  }
0xdf: {  	v51 =	vld [tilespmem:s9+$0x20];
	vm2 =	vge.f32 v28, $0.0e+00;
	vm3 =	vge.f32 v29, $0.0e+00;
	v44 =	vmul.f32 $2.000000030e-01, v29  }
0xe0: {  	v50 =	vld [tilespmem:s9+$0xFFFFFFE0];
	v28 =	vsel vm2, v28, v57;
	v46 =	vmul.f32 $2.000000030e-01, v24;
	v33 =	vadd.f32 v25, v56  }
0xe1: {  	v23 =	vld [tilespmem:s20+$0x10];
	vm13 =	vge.f32 v24, $0.0e+00;
	v49 =	vmul.f32 v28, v5;
	v29 =	vsel vm3, v29, v44  }
0xe2: {  	v28 =	vld [tilespmem:s20+$0x20];
	v27 =	vadd.f32 v27, v21;
	v24 =	vsel vm13, v24, v46;
	v58 =	vperm.xlane v33, v1  }
0xe3: {  	v25 =	vld [tilespmem:s20+$0xFFFFFFA0];
	v29 =	vmul.f32 v29, v5;
	v49 =	vadd.f32 $0.0e+00, v49;
	v60 =	vadd.f32 v26, v22  }
0xe4: {  	v54 =	vld [tilespmem:s9+$0xFFFFFFB0];
	v48 =	vmul.f32 v24, v5;
	v59 =	vmul.f32 $2.000000030e-01, v27;
	v33 =	vadd.f32 v33, v58  }
0xe5: {  	v26 =	vld [tilespmem:s20+$0xFFFFFFE0];
	vm2 =	vge.f32 v27, $0.0e+00;
	v56 =	vadd.f32 $0.0e+00, v29;
	v61 =	vmul.f32 $2.000000030e-01, v60  }
0xe6: {  	v24 =	vld [tilespmem:s20+$0xFFFFFFB0];
	v45 =	vadd.f32 v45, v23;
	vm3 =	vge.f32 v60, $0.0e+00;
	v52 =	vperm.xlane v33, v2  }
0xe7: {  	v48 =	vadd.f32 $0.0e+00, v48;
	v51 =	vadd.f32 v51, v28;
	v44 =	vsel vm2, v27, v59  }
0xe8: {  	v47 =	vadd.f32 v47, v25;
	vm14 =	vge.f32 v45, $0.0e+00;
	v33 =	vadd.f32 v33, v52  }
0xe9: {  	v53 =	vmul.f32 $2.000000030e-01, v45;
	v43 =	vsel vm3, v60, v61;
	v44 =	vmul.f32 v44, v6  }
0xea: {  	v29 =	vld [tilespmem:s20+$0x30];
	v61 =	vmul.f32 $2.000000030e-01, v51;
	v50 =	vadd.f32 v50, v26;
	v63 =	vperm.xlane v33, v3  }
0xeb: {  	v60 =	vld [tilespmem:s9+$0x30];
	v43 =	vmul.f32 v43, v6;
	v54 =	vadd.f32 v54, v24;
	v62 =	vmul.f32 $2.000000030e-01, v47  }
0xec: {  	v45 =	vsel vm14, v45, v53;
	vm2 =	vge.f32 v47, $0.0e+00;
	v33 =	vadd.f32 v33, v63  }
0xed: {  	v27 =	vld [tilespmem:s20+$0xFFFFFFF0];
	v44 =	vadd.f32 v44, v48;
	v55 =	vmul.f32 $2.000000030e-01, v50;
	vm3 =	vge.f32 v50, $0.0e+00  }
0xee: {  	v52 =	vld [tilespmem:s9+$0xFFFFFFF0];
	v45 =	vmul.f32 v45, v6;
	v46 =	vsel vm2, v47, v62;
	v62 =	vperm.xlane v33, v4  }
0xef: {  	v43 =	vadd.f32 v43, v49;
	vm2 =	vge.f32 v51, $0.0e+00;
	v50 =	vsel vm3, v50, v55  }
0xf0: {  	v47 =	vsel vm2, v51, v61;
	v53 =	vadd.f32 v60, v29;
	v33 =	vadd.f32 v33, v62  }
0xf1: {  	v46 =	vmul.f32 v46, v7;
	v45 =	vadd.f32 v45, v56;
	v59 =	vmul.f32 v50, v7  }
0xf2: {  	vm2 =	vge.f32 v54, $0.0e+00;
	v51 =	vpop (erf);
	v47 =	vmul.f32 v47, v7;
	v33 =	vmul.f32 $1.442695020e+00, v33  }
0xf3: {  	v35 =	vmul.f32 v51, v35;
	v58 =	vmul.f32 $2.000000030e-01, v53;
	v52 =	vadd.f32 v52, v27  }
0xf4: {  	v63 =	vmul.f32 $2.000000030e-01, v54;
	vm15 =	vge.f32 v53, $0.0e+00;
	(erf) = vpow2.f32 v33  }
0xf5: {  	v45 =	vadd.f32 v47, v45;
	v48 =	vsel vm15, v53, v58;
	v57 =	vmul.f32 $2.000000030e-01, v52  }
0xf6: {  	v60 =	vsel vm2, v54, v63;
	vm3 =	vge.f32 v52, $0.0e+00;
	v50 =	vmul.f32 v48, v8  }
0xf7: {  	v44 =	vadd.f32 v46, v44;
	v62 =	vmul.f32 v60, v8;
	v61 =	vsel vm3, v52, v57  }
0xf8: {  	s20 =	simm.s32 $0xC510;
	v43 =	vadd.f32 v59, v43;
	v45 =	vadd.f32 v50, v45;
	v63 =	vmul.f32 v61, v8  }
0xf9: {  	[tilespmem:s20+$0x68] =	vst v42;
	v42 =	vmul.f32 v51, v31;
	v44 =	vadd.f32 v62, v44  }
0xfa: {  	[tilespmem:s20+$0x78] =	vst v34;
	v54 =	vperm.xlane v35, v4;
	v56 =	vperm.xlane v45, v1;
	v43 =	vadd.f32 v63, v43  }
0xfb: {  	[tilespmem:s20+$0x48] =	vst v40;
	v55 =	vsel vm0, $0x0, v51;
	v30 =	vmul.f32 v51, v30;
	v53 =	vperm.xlane v44, v1;
	v33 =	vpop (erf)  }
0xfc: {  	[tilespmem:s20+$0x58] =	vst v41;
	v61 =	vsel vm1, v54, v55;
	v57 =	vadd.f32 v45, v56;
	v49 =	vperm.xlane v43, v1;
	v34 =	vpop (erf)  }
0xfd: {  	[tilespmem:s20+$0x80] =	vst v39;
	v44 =	vadd.f32 v44, v53;
	v36 =	vmul.f32 v33, v36;
	v52 =	vmul.f32 v34, v37;
	v37 =	vpop (erf)  }
0xfe: {  	[tilespmem:s20+$0xFFFFFFA0] =	vst v35;
	v62 =	vperm.xlane v57, v2;
	v43 =	vadd.f32 v43, v49;
	v58 =	vmul.f32 v37, v38  }
0xff: {  	[tilespmem:s20+$0xFFFFFFA8] =	vst v61;
	v59 =	vperm.xlane v44, v2;
	v41 =	vperm.xlane v36, v4  }
0x100: {  	v40 =	vsel vm0, $0x0, v33;
	[tilespmem:s20+$0xFFFFFFE8] =	vst v36;
	v31 =	vperm.xlane v43, v2;
	v60 =	vperm.xlane v58, v4  }
0x101: {  	s16 =	simm.s32 $0xC630;
	v39 =	vperm.xlane v52, v4;
	[tilespmem:s20+$0x30] =	vst v52;
	v35 =	vadd.f32 v44, v59;
	v63 =	vsel vm0, $0x0, v37  }
0x102: {  	v44 =	vadd.f32 v57, v62;
	v43 =	vadd.f32 v43, v31;
	[tilespmem:s16+$0x78] =	vst v58;
	v31 =	vsel vm1, v60, v63  }
0x103: {  	s11 =	simm.s32 $0x700;
	s10 =	simm.s32 $0x4;
	v45 =	vperm.xlane v35, v3;
	v38 =	vsel vm0, $0x0, v34;
	[tilespmem:s16+$0x80] =	vst v31;
	v31 =	vmul.f32 v51, v32  }
.LBB2_8:
0x104: {  	v32 =	vld [tilespmem:s11+$0x40];
	v36 =	vperm.xlane v43, v3;
	s9 =	sadd.s32 $0x100, s9;
	[tilespmem:s20+$0xFFFFFF70] =	vst v42;
	v10 =	vmul.f32 v33, v10;
	v40 =	vsel vm1, v41, v40  }
0x105: {  	s10 =	sadd.s32 $0x4, s10;
	v12 =	vmul.f32 v33, v12;
	v41 =	vld [tilespmem:s9+$0x40];
	v35 =	vadd.f32 v35, v45;
	v42 =	vperm.xlane v44, v3;
	[tilespmem:s20+$0xFFFFFFF0] =	vst v40  }
0x106: {  	v14 =	vmul.f32 v33, v14;
	v9 =	vmul.f32 v34, v9;
	p1 =	slt.u32 s10, $0x7C;
	v40 =	vld [tilespmem:s11+$0x50];
	v36 =	vadd.f32 v43, v36;
	[tilespmem:s20+$0xFFFFFF80] =	vst v30  }
0x107: {  	v11 =	vmul.f32 v34, v11;
	v33 =	vld [tilespmem:s9+$0x50];
	v30 =	vperm.xlane v35, v4;
	v42 =	vadd.f32 v44, v42;
	[tilespmem:s20+$0xFFFFFF90] =	vst v31  }
0x108: {  	v13 =	vmul.f32 v34, v13;
	v31 =	vld [tilespmem:s11+$0x60];
	v43 =	vperm.xlane v36, v4;
	[tilespmem:s20+$0xFFFFFFB8] =	vst v10;
	v10 =	vsel vm1, v39, v38  }
0x109: {  	v39 =	vmul.f32 v37, v17;
	v34 =	vld [tilespmem:s9+$0x60];
	v35 =	vadd.f32 v35, v30;
	v38 =	vperm.xlane v42, v4;
	[tilespmem:s20+$0x38] =	vst v10  }
0x10a: {  	v41 =	vadd.f32 v41, v32;
	v30 =	vld [tilespmem:s11+$0x70];
	v44 =	vadd.f32 v36, v43;
	v36 =	vmul.f32 v37, v18;
	[tilespmem:s20+$0xFFFFFFC8] =	vst v12  }
0x10b: {  	v17 =	vmovc v32;
	v37 =	vmul.f32 v37, v19;
	v43 =	vld [tilespmem:s9+$0x70];
	v12 =	vmul.f32 $1.442695020e+00, v35;
	v35 =	vadd.f32 v42, v38;
	[tilespmem:s20+$0xFFFFFFD8] =	vst v14  }
0x10c: {  	v18 =	vmovc v40;
	v10 =	vmovc v15;
	v38 =	vld [tilespmem:s9+$0xFFFFFF80];
	v14 =	vmul.f32 $2.000000030e-01, v41;
	v32 =	vadd.f32 v33, v40;
	v33 =	vmul.f32 $1.442695020e+00, v44;
	[tilespmem:s20+$0x0] =	vst v9  }
0x10d: {  	vm2 =	vge.f32 v41, $0.0e+00;
	v9 =	vmovc v16;
	v15 =	vld [tilespmem:s11+$0xFFFFFFC0];
	v40 =	vmul.f32 $1.442695020e+00, v35;
	(erf) = vpow2.f32 v12;
	[tilespmem:s20+$0x10] =	vst v11;
	v19 =	vmovc v31  }
0x10e: {  	v31 =	vmovc v21;
	v42 =	vld [tilespmem:s9+$0xFFFFFFC0];
	v35 =	vsel vm2, v41, v14;
	v44 =	vmul.f32 $2.000000030e-01, v32;
	v34 =	vadd.f32 v34, v19;
	[tilespmem:s20+$0x20] =	vst v13;
	s20 =	smov.u32 s16  }
0x10f: {  	v11 =	vmovc v23;
	vm2 =	vge.f32 v32, $0.0e+00;
	v16 =	vld [tilespmem:s11+$0x0];
	v41 =	vmul.f32 v35, v5;
	[tilespmem:s16+$0x48] =	vst v39;
	(erf) = vpow2.f32 v33;
	v12 =	vmovc v22  }
0x110: {  	v23 =	vld [tilespmem:s9+$0x0];
	v21 =	vsel vm2, v32, v44;
	v22 =	vmul.f32 $2.000000030e-01, v34;
	v33 =	vadd.f32 v43, v30;
	[tilespmem:s16+$0x58] =	vst v36;
	v32 =	vmovc v25  }
0x111: {  	v13 =	vmovc v28;
	vm2 =	vge.f32 v34, $0.0e+00;
	v14 =	vmovc v26;
	v35 =	vld [tilespmem:s11+$0xFFFFFF80];
	v25 =	vadd.f32 $0.0e+00, v41;
	v36 =	vmul.f32 v21, v6;
	[tilespmem:s16+$0x68] =	vst v37  }
0x112: {  	v21 =	vld [tilespmem:s11+$0xFFFFFF90];
	v22 =	vsel vm2, v34, v22;
	v26 =	vmul.f32 $2.000000030e-01, v33;
	(erf) = vpow2.f32 v40  }
0x113: {  	vm2 =	vge.f32 v33, $0.0e+00;
	v28 =	vld [tilespmem:s9+$0xFFFFFF90];
	v25 =	vadd.f32 v36, v25;
	v34 =	vmul.f32 v22, v7  }
0x114: {  	v37 =	vadd.f32 v42, v15;
	v22 =	vld [tilespmem:s11+$0xFFFFFFD0];
	v26 =	vsel vm2, v33, v26  }
0x115: {  	v39 =	vld [tilespmem:s9+$0xFFFFFFD0];
	v40 =	vadd.f32 v23, v16;
	v25 =	vadd.f32 v34, v25;
	v26 =	vmul.f32 v26, v8  }
0x116: {  	vm2 =	vge.f32 v37, $0.0e+00;
	v34 =	vadd.f32 v38, v35;
	v38 =	vmul.f32 $2.000000030e-01, v37;
	v23 =	vld [tilespmem:s11+$0x10];
	v36 =	vpop (erf)  }
0x117: {  	vm3 =	vge.f32 v40, $0.0e+00;
	v41 =	vmul.f32 $2.000000030e-01, v40;
	v42 =	vld [tilespmem:s9+$0x10];
	v43 =	vadd.f32 v26, v25  }
0x118: {  	vm4 =	vge.f32 v34, $0.0e+00;
	v26 =	vmul.f32 $2.000000030e-01, v34;
	v44 =	vadd.f32 v28, v21;
	v25 =	vld [tilespmem:s11+$0xFFFFFFA0];
	v33 =	vpop (erf)  }
0x119: {  	v28 =	vsel vm2, v37, v38;
	v45 =	vld [tilespmem:s9+$0xFFFFFFA0];
	v37 =	vsel vm3, v40, v41;
	v38 =	vperm.xlane v43, v1  }
0x11a: {  	v48 =	vsel vm4, v34, v26;
	v40 =	vmul.f32 $2.000000030e-01, v44;
	v39 =	vadd.f32 v39, v22;
	v26 =	vld [tilespmem:s11+$0xFFFFFFE0]  }
0x11b: {  	v46 =	vmul.f32 v28, v5;
	v41 =	vmul.f32 v48, v5;
	v47 =	vld [tilespmem:s9+$0xFFFFFFE0];
	v38 =	vadd.f32 v43, v38;
	v34 =	vpop (erf)  }
0x11c: {  	v37 =	vmul.f32 v37, v5;
	v43 =	vmul.f32 $2.000000030e-01, v39;
	v42 =	vadd.f32 v42, v23;
	v28 =	vld [tilespmem:s11+$0x20]  }
0x11d: {  	vm2 =	vge.f32 v44, $0.0e+00;
	vm3 =	vge.f32 v39, $0.0e+00;
	v48 =	vld [tilespmem:s9+$0x20];
	v49 =	vperm.xlane v38, v2  }
0x11e: {  	v45 =	vadd.f32 v45, v25;
	v50 =	vld [tilespmem:s11+$0xFFFFFFB0];
	vm4 =	vge.f32 v42, $0.0e+00;
	v51 =	vmul.f32 $2.000000030e-01, v42  }
0x11f: {  	v40 =	vsel vm2, v44, v40;
	v39 =	vsel vm3, v39, v43;
	v44 =	vld [tilespmem:s9+$0xFFFFFFB0];
	v38 =	vadd.f32 v38, v49  }
0x120: {  	v43 =	vmul.f32 $2.000000030e-01, v45;
	v47 =	vadd.f32 v47, v26;
	v49 =	vld [tilespmem:s11+$0xFFFFFFF0];
	v42 =	vsel vm4, v42, v51  }
0x121: {  	v46 =	vadd.f32 $0.0e+00, v46;
	v41 =	vadd.f32 $0.0e+00, v41;
	v51 =	vld [tilespmem:s9+$0xFFFFFFF0];
	v52 =	vperm.xlane v38, v3  }
0x122: {  	v37 =	vadd.f32 $0.0e+00, v37;
	v53 =	vmul.f32 $2.000000030e-01, v47;
	v48 =	vadd.f32 v48, v28;
	v54 =	vld [tilespmem:s11+$0x30]  }
0x123: {  	v40 =	vmul.f32 v40, v6;
	v39 =	vmul.f32 v39, v6;
	v55 =	vld [tilespmem:s9+$0x30];
	v38 =	vadd.f32 v38, v52  }
0x124: {  	v42 =	vmul.f32 v42, v6;
	v44 =	vadd.f32 v44, v50;
	v52 =	vmul.f32 $2.000000030e-01, v48  }
0x125: {  	vm2 =	vge.f32 v45, $0.0e+00;
	vm3 =	vge.f32 v47, $0.0e+00;
	v56 =	vperm.xlane v38, v4  }
0x126: {  	v43 =	vsel vm2, v45, v43;
	vm2 =	vge.f32 v48, $0.0e+00;
	v45 =	vadd.f32 v51, v49  }
0x127: {  	v47 =	vsel vm3, v47, v53;
	v48 =	vsel vm2, v48, v52;
	v38 =	vadd.f32 v38, v56  }
0x128: {  	v51 =	vmul.f32 $2.000000030e-01, v44;
	v52 =	vmul.f32 $2.000000030e-01, v45;
	v53 =	vadd.f32 v55, v54  }
0x129: {  	v40 =	vadd.f32 v40, v41;
	v39 =	vadd.f32 v39, v46;
	v38 =	vmul.f32 $1.442695020e+00, v38  }
0x12a: {  	v41 =	vmul.f32 v43, v7;
	v37 =	vadd.f32 v42, v37;
	v42 =	vmul.f32 $2.000000030e-01, v53  }
0x12b: {  	v43 =	vmul.f32 v47, v7;
	vm2 =	vge.f32 v44, $0.0e+00;
	(erf) = vpow2.f32 v38  }
0x12c: {  	vm3 =	vge.f32 v45, $0.0e+00;
	vm4 =	vge.f32 v53, $0.0e+00;
	v38 =	vmul.f32 v48, v7  }
0x12d: {  	v44 =	vsel vm2, v44, v51;
	v45 =	vsel vm3, v45, v52;
	v42 =	vsel vm4, v53, v42  }
0x12e: {  	v40 =	vadd.f32 v41, v40;
	v39 =	vadd.f32 v43, v39;
	v41 =	vmul.f32 v44, v8  }
0x12f: {  	v43 =	vmul.f32 v45, v8;
	v37 =	vadd.f32 v38, v37;
	v38 =	vmul.f32 v42, v8  }
0x130: {  	v41 =	vadd.f32 v41, v40;
	v40 =	vmul.f32 v36, v24;
	v24 =	vmovc v50;
	v42 =	vmul.f32 v33, v27  }
0x131: {  	v43 =	vadd.f32 v43, v39;
	v39 =	vmul.f32 v34, v29;
	v27 =	vmovc v49;
	v38 =	vadd.f32 v38, v37  }
0x132: {  	v45 =	vsel vm0, $0x0, v36;
	v49 =	vperm.xlane v41, v1;
	v44 =	vperm.xlane v40, v4;
	v29 =	vmovc v54;
	[tilespmem:s16+$0xFFFFFFA0] =	vst v40  }
0x133: {  	v46 =	vperm.xlane v43, v1;
	v47 =	vperm.xlane v38, v1;
	v40 =	vsel vm0, $0x0, v33;
	[tilespmem:s16+$0xFFFFFFE8] =	vst v42  }
0x134: {  	v48 =	vadd.f32 v41, v49;
	v41 =	vperm.xlane v42, v4;
	v37 =	vpop (erf);
	[tilespmem:s16+$0x30] =	vst v39;
	v39 =	vperm.xlane v39, v4  }
0x135: {  	v43 =	vadd.f32 v43, v46;
	v46 =	vadd.f32 v38, v47;
	v30 =	vmul.f32 v37, v30  }
.Ltmp8:
0x136: {  	v47 =	vperm.xlane v48, v2;
	v42 =	vmul.f32 v36, v20;
	v38 =	vsel vm0, $0x0, v34;
	v20 =	vmovc v35;
	(pc) =	sbr.rel @p1 .LBB2_8-.Ltmp8, $4  }
0x137: {  	v44 =	vsel vm1, v44, v45;
	v49 =	vperm.xlane v43, v2;
	v50 =	vperm.xlane v30, v4  }
0x138: {  	s16 =	sadd.s32 $0x120, s16;
	v35 =	vadd.f32 v48, v47;
	v47 =	vperm.xlane v46, v2;
	v45 =	vsel vm0, $0x0, v37;
	[tilespmem:s20+$0xFFFFFFA8] =	vst v44  }
0x139: {  	v43 =	vadd.f32 v43, v49;
	[tilespmem:s16+$0x78] =	vst v30;
	v48 =	vsel vm1, v50, v45;
	v30 =	vmul.f32 v36, v31  }
0x13a: {  	s11 =	sadd.s32 $0x100, s11;
	v44 =	vadd.f32 v46, v47;
	v45 =	vperm.xlane v35, v3;
	v31 =	vmul.f32 v36, v32;
	[tilespmem:s16+$0x80] =	vst v48  }
0x13b: {  	_ = 	snop  }
0x13c: {  	v5 =	vperm.xlane v43, v3;
	v6 =	vadd.f32 v35, v45  }
0x13d: {  	v7 =	vperm.xlane v44, v3  }
0x13e: {  	v5 =	vadd.f32 v43, v5;
	v8 =	vperm.xlane v6, v4  }
0x13f: {  	v7 =	vadd.f32 v44, v7  }
0x140: {  	v32 =	vperm.xlane v5, v4;
	v6 =	vadd.f32 v6, v8  }
0x141: {  	v50 =	vperm.xlane v7, v4  }
0x142: {  	[tilespmem:s20+$0xFFFFFF70] =	vst v42;
	v5 =	vadd.f32 v5, v32;
	v6 =	vmul.f32 $1.442695020e+00, v6  }
0x143: {  	v51 =	vsel vm1, v41, v40;
	v52 =	vmul.f32 v33, v10;
	[tilespmem:s20+$0xFFFFFF80] =	vst v30;
	v7 =	vadd.f32 v7, v50  }
0x144: {  	[tilespmem:s20+$0xFFFFFFF0] =	vst v51;
	v5 =	vmul.f32 $1.442695020e+00, v5;
	(erf) = vpow2.f32 v6  }
0x145: {  	[tilespmem:s20+$0xFFFFFF90] =	vst v31;
	v7 =	vmul.f32 $1.442695020e+00, v7  }
0x146: {  	[tilespmem:s20+$0xFFFFFFB8] =	vst v52;
	v6 =	vsel vm1, v39, v38;
	(erf) = vpow2.f32 v5;
	v5 =	vmul.f32 v33, v12  }
0x147: {  	[tilespmem:s20+$0x38] =	vst v6;
	v6 =	vmul.f32 v34, v9  }
0x148: {  	(erf) = vpow2.f32 v7;
	v7 =	vmul.f32 v33, v14;
	[tilespmem:s20+$0xFFFFFFC8] =	vst v5  }
0x149: {  	v5 =	vmul.f32 v34, v11;
	[tilespmem:s20+$0x0] =	vst v6;
	v6 =	vmul.f32 v37, v17  }
0x14a: {  	[tilespmem:s20+$0xFFFFFFD8] =	vst v7  }
0x14b: {  	v7 =	vmul.f32 v34, v13;
	[tilespmem:s20+$0x10] =	vst v5  }
0x14c: {  	v5 =	vmul.f32 v37, v18;
	[tilespmem:s16+$0x48] =	vst v6  }
0x14d: {  	[tilespmem:s20+$0x20] =	vst v7;
	v7 =	vmul.f32 v37, v19;
	v6 =	vpop (erf)  }
0x14e: {  	[tilespmem:s16+$0x58] =	vst v5;
	v53 =	vmul.f32 v6, v24  }
0x14f: {  	[tilespmem:s16+$0x68] =	vst v7;
	v57 =	vmul.f32 v6, v20  }
0x150: {  	v59 =	vmul.f32 v6, v21;
	[tilespmem:s16+$0xFFFFFFA0] =	vst v53  }
0x151: {  	v5 =	vpop (erf);
	v56 =	vsel vm0, $0x0, v6;
	v6 =	vmul.f32 v6, v25;
	[tilespmem:s16+$0xFFFFFF70] =	vst v57  }
0x152: {  	v54 =	vmul.f32 v5, v27;
	[tilespmem:s16+$0xFFFFFF80] =	vst v59  }
0x153: {  	v7 =	vpop (erf);
	v61 =	vmul.f32 v5, v15;
	[tilespmem:s16+$0xFFFFFF90] =	vst v6  }
0x154: {  	v55 =	vmul.f32 v7, v29;
	[tilespmem:s16+$0xFFFFFFE8] =	vst v54  }
0x155: {  	v6 =	vmul.f32 v5, v22;
	[tilespmem:s16+$0xFFFFFFB8] =	vst v61  }
0x156: {  	v58 =	vsel vm0, $0x0, v5;
	v5 =	vmul.f32 v5, v26;
	[tilespmem:s16+$0x30] =	vst v55  }
0x157: {  	v8 =	vperm.xlane v53, v4;
	v63 =	vmul.f32 v7, v16;
	[tilespmem:s16+$0xFFFFFFC8] =	vst v6  }
0x158: {  	v9 =	vperm.xlane v54, v4;
	[tilespmem:s16+$0xFFFFFFD8] =	vst v5  }
0x159: {  	v8 =	vsel vm1, v8, v56;
	[tilespmem:s16+$0x0] =	vst v63  }
0x15a: {  	v6 =	vmul.f32 v7, v23;
	[tilespmem:s16+$0xFFFFFFA8] =	vst v8;
	v9 =	vsel vm1, v9, v58  }
0x15b: {  	v60 =	vperm.xlane v55, v4;
	v5 =	vmul.f32 v7, v28;
	[tilespmem:s16+$0xFFFFFFF0] =	vst v9  }
0x15c: {  	v62 =	vsel vm0, $0x0, v7;
	[tilespmem:s16+$0x10] =	vst v6  }
0x15d: {  	v8 =	vsel vm1, v60, v62;
	[tilespmem:s16+$0x20] =	vst v5  }
0x15e: {  	[tilespmem:s16+$0x38] =	vst v8  }
0x15f: {  	[spmem:s3] =	stream.indirect.scatter.add.f32 [tilespmem:s2], [sflag:$0x7], $0x48, s12, s26, $0xb8;
	[tilespmem:$0x1E4C0] =	vst v63  }
.LBB2_10:
0x160: {  	s9 =	sadd.s32 s13, s25  }
0x161: {  	p1 =	sgt.u32 s9, $0x9C3  }
0x162: {  	s10 =	simm.s32 @!p1 $0x3  }
0x163: {  	_ =	swait.ge @!p1 [sflag:s10], $0x2000  }
0x164: {  	[sflag:s10] =	ssyncset.done @!p1 $0x0  }
0x165: {  	[sflag:s10] =	ssyncadd.s32 @!p1 $0xFFFFE000;
	s10 =	simm.s32 @!p1 $0x4  }
0x166: {  	p2 =	sgt.u32 @!p0 s9, $0xA23;
	p3 =	sgt.u32 s9, $0x983;
	_ =	swait.ge @!p1 [sflag:s10], $0x2000  }
.Ltmp9:
0x167: {  	p2 =	por p2, p0;
	[sflag:s10] =	ssyncset.done @!p1 $0x0;
	(pc) =	sbr.rel @p3 .LBB2_12-.Ltmp9, $4  }
0x168: {  	[sflag:s10] =	ssyncadd.s32 @!p1 $0xFFFFE000;
	s10 =	simm.s32 @!p2 $0x8  }
0x169: {  	_ =	swait.ge @!p2 [sflag:s10], $0x2400  }
0x16a: {  	[sflag:s10] =	ssyncset.done @!p2 $0x0  }
0x16b: {  	[sflag:s10] =	ssyncadd.s32 @!p2 $0xFFFFDC00  }
0x16c: {  	s9 =	sshll.u32 s9, $0x4  }
0x16d: {  	s9 =	sand.u32 $0x1FFFFFF0, s9  }
0x16e: {  	s9 =	sadd.s32 s7, s9  }
0x16f: {  	s10 =	sadd.s32 $0x400, s9  }
0x170: {  	[tilespmem:s5], [sflag:$0xA] =	stream.linear.gather [hbm4b:s10+s5], $0x80, $0x38;
	[tilespmem:$0x1E4C0] =	vst v63  }
0x171: {  	_ =	swait.ge [sflag:s23], $0x80  }
0x172: {  	[sflag:s23] =	ssyncset.done $0x0  }
0x173: {  	s9 =	sadd.s32 $0xA040, s9;
	[sflag:s23] =	ssyncadd.s32 $0xFFFFFF80  }
0x174: {  	[tilespmem:s24], [sflag:$0xA] =	stream.linear.gather [hbm4b:s9+s5], $0x80, $0x38;
	[tilespmem:$0x1E4C0] =	vst v63  }
0x175: {  	_ =	swait.ge [sflag:s23], $0x80  }
.Ltmp10:
0x176: {  	[sflag:s23] =	ssyncset.done $0x0;
	(pc) =	sbr.rel .LBB2_13-.Ltmp10, $4  }
0x177: {  	[sflag:s23] =	ssyncadd.s32 $0xFFFFFF80  }
0x178: {  	[tilespmem:s28], [sflag:$0x1] =	stream.indirect.gather [hbm4b:s1+s26], $0x40, s5, s26, $0xb8;
	[tilespmem:$0x1E4C0] =	vst v63  }
0x179: {  	_ = 	snop  }
0x17a: {  	[tilespmem:s29], [sflag:$0x2] =	stream.indirect.gather [hbm4b:s6+s26], $0x40, s24, s26, $0xb8;
	[tilespmem:$0x1E4C0] =	vst v63  }
.LBB2_12:
.Ltmp11:
0x17b: {  	(pc) =	sbr.rel @p1 .LBB2_16-.Ltmp11, $1  }
0x17c: {  	_ =	sdelay $0x3  }
.LBB2_13:
0x17d: {  	v5 =	vld [tilespmem:$0x200]  }
0x17e: {  	v6 =	vld [tilespmem:$0x210]  }
0x17f: {  	v7 =	vld [tilespmem:$0x220]  }
0x180: {  	v8 =	vld [tilespmem:$0x230]  }
0x181: {  	v9 =	vld [tilespmem:$0x240]  }
0x182: {  	v10 =	vld [tilespmem:$0x250];
	[tilespmem:$0x380] =	vst v5  }
0x183: {  	v11 =	vld [tilespmem:$0x260];
	[tilespmem:$0x390] =	vst v6  }
0x184: {  	v12 =	vld [tilespmem:$0x270];
	[tilespmem:$0x3A0] =	vst v7  }
0x185: {  	[tilespmem:$0x3B0] =	vst v8  }
0x186: {  	[tilespmem:$0x3C0] =	vst v9  }
0x187: {  	[tilespmem:$0x3D0] =	vst v10  }
0x188: {  	v5 =	vld [tilespmem:$0x13080];
	[tilespmem:$0x3E0] =	vst v11  }
0x189: {  	s10 =	simm.s32 $0x2500;
	v6 =	vld [tilespmem:$0x13090];
	[tilespmem:$0x3F0] =	vst v12  }
0x18a: {  	s9 =	simm.s32 $0x8500;
	v20 =	vld [tilespmem:s10+$0x40]  }
0x18b: {  	v9 =	vld [tilespmem:s9+$0x40]  }
0x18c: {  	v16 =	vld [tilespmem:s10+$0x50]  }
0x18d: {  	v10 =	vld [tilespmem:s9+$0x50]  }
0x18e: {  	v15 =	vld [tilespmem:s10+$0x60]  }
0x18f: {  	v11 =	vld [tilespmem:s9+$0x60]  }
0x190: {  	v18 =	vld [tilespmem:s10+$0x70]  }
0x191: {  	v12 =	vld [tilespmem:s9+$0x70]  }
0x192: {  	v13 =	vld [tilespmem:s9+$0xFFFFFF80]  }
0x193: {  	v31 =	vld [tilespmem:s10+$0xFFFFFF80]  }
0x194: {  	v32 =	vld [tilespmem:s10+$0xFFFFFFA0]  }
0x195: {  	v27 =	vld [tilespmem:s9+$0xFFFFFFA0];
	v9 =	vadd.f32 v9, v20  }
0x196: {  	v19 =	vld [tilespmem:s9+$0xFFFFFFC0]  }
0x197: {  	v17 =	vadd.f32 v10, v16;
	v10 =	vld [tilespmem:s10+$0xFFFFFFC0];
	v14 =	vmul.f32 $2.000000030e-01, v9  }
0x198: {  	v7 =	vld [tilespmem:$0x130A0];
	v11 =	vadd.f32 v11, v15;
	v23 =	vadd.f32 v12, v18;
	vm2 =	vge.f32 v9, $0.0e+00  }
0x199: {  	v22 =	vld [tilespmem:s9+$0x0];
	v13 =	vadd.f32 v13, v31;
	v21 =	vmul.f32 $2.000000030e-01, v17;
	v14 =	vsel vm2, v9, v14  }
0x19a: {  	v27 =	vadd.f32 v27, v32;
	v9 =	vld [tilespmem:s10+$0x0];
	vm2 =	vge.f32 v17, $0.0e+00;
	v14 =	vmul.f32 v14, v5  }
0x19b: {  	v8 =	vld [tilespmem:$0x130B0];
	v17 =	vsel vm2, v17, v21;
	v21 =	vmul.f32 $2.000000030e-01, v11;
	vm2 =	vge.f32 v11, $0.0e+00  }
0x19c: {  	v30 =	vld [tilespmem:s10+$0xFFFFFF90];
	v19 =	vadd.f32 v19, v10;
	v12 =	vadd.f32 $0.0e+00, v14;
	v14 =	vmul.f32 v17, v6  }
0x19d: {  	v11 =	vsel vm2, v11, v21;
	v17 =	vmul.f32 $2.000000030e-01, v23;
	v21 =	vld [tilespmem:s9+$0xFFFFFF90];
	vm2 =	vge.f32 v23, $0.0e+00  }
0x19e: {  	v24 =	vmul.f32 $2.000000030e-01, v19;
	v11 =	vmul.f32 v11, v7;
	v14 =	vadd.f32 v14, v12;
	v12 =	vld [tilespmem:s10+$0xFFFFFFD0]  }
0x19f: {  	v17 =	vsel vm2, v23, v17;
	v23 =	vld [tilespmem:s9+$0xFFFFFFD0];
	v22 =	vadd.f32 v22, v9;
	vm2 =	vge.f32 v19, $0.0e+00  }
0x1a0: {  	v26 =	vld [tilespmem:s9+$0x10];
	v17 =	vmul.f32 v17, v8;
	v19 =	vsel vm2, v19, v24;
	v14 =	vadd.f32 v11, v14  }
0x1a1: {  	vm4 =	vge.f32 v13, $0.0e+00;
	v11 =	vld [tilespmem:s10+$0x10];
	v25 =	vmul.f32 $2.000000030e-01, v22;
	v19 =	vmul.f32 v19, v5  }
0x1a2: {  	v29 =	vld [tilespmem:s9+$0xFFFFFFE0];
	vm3 =	vge.f32 v22, $0.0e+00;
	v21 =	vadd.f32 v21, v30;
	v17 =	vadd.f32 v17, v14  }
0x1a3: {  	v33 =	vld [tilespmem:s9+$0x20];
	v14 =	vmul.f32 $2.000000030e-01, v13;
	v22 =	vsel vm3, v22, v25;
	v19 =	vadd.f32 $0.0e+00, v19  }
0x1a4: {  	v35 =	vld [tilespmem:s10+$0xFFFFFFB0];
	v25 =	vmul.f32 $2.000000030e-01, v21;
	v23 =	vadd.f32 v23, v12;
	v22 =	vmul.f32 v22, v5  }
0x1a5: {  	v36 =	vld [tilespmem:s10+$0xFFFFFFF0];
	vm2 =	vge.f32 v21, $0.0e+00;
	v24 =	vperm.xlane v17, v1;
	v13 =	vsel vm4, v13, v14  }
0x1a6: {  	v14 =	vld [tilespmem:s10+$0xFFFFFFE0];
	v28 =	vmul.f32 v13, v5;
	v26 =	vadd.f32 v26, v11;
	vm3 =	vge.f32 v23, $0.0e+00  }
0x1a7: {  	v13 =	vld [tilespmem:s10+$0x20];
	v21 =	vsel vm2, v21, v25;
	v22 =	vadd.f32 $0.0e+00, v22;
	vm2 =	vge.f32 v27, $0.0e+00  }
0x1a8: {  	v25 =	vld [tilespmem:s9+$0xFFFFFFB0];
	v17 =	vadd.f32 v17, v24;
	v24 =	vmul.f32 $2.000000030e-01, v23;
	v21 =	vmul.f32 v21, v6  }
0x1a9: {  	v48 =	vld [tilespmem:s9+$0xFFFFFFF0];
	vm11 =	vge.f32 v26, $0.0e+00;
	v37 =	vmul.f32 $2.000000030e-01, v26;
	v28 =	vadd.f32 $0.0e+00, v28  }
0x1aa: {  	v34 =	vperm.xlane v17, v2;
	v23 =	vsel vm3, v23, v24;
	v24 =	vmul.f32 $2.000000030e-01, v27  }
0x1ab: {  	v29 =	vadd.f32 v29, v14;
	v26 =	vsel vm11, v26, v37;
	v21 =	vadd.f32 v21, v28  }
0x1ac: {  	v23 =	vmul.f32 v23, v6;
	v17 =	vadd.f32 v17, v34;
	v33 =	vadd.f32 v33, v13  }
0x1ad: {  	v40 =	vld [tilespmem:s9+$0x30];
	v25 =	vadd.f32 v25, v35;
	v26 =	vmul.f32 v26, v6;
	v24 =	vsel vm2, v27, v24  }
0x1ae: {  	v37 =	vld [tilespmem:s10+$0x30];
	v27 =	vadd.f32 v48, v36;
	v39 =	vmul.f32 $2.000000030e-01, v29;
	vm3 =	vge.f32 v29, $0.0e+00  }
0x1af: {  	v19 =	vadd.f32 v23, v19;
	v23 =	vmul.f32 v24, v7;
	v38 =	vperm.xlane v17, v3  }
0x1b0: {  	v49 =	vmul.f32 $2.000000030e-01, v33;
	vm2 =	vge.f32 v33, $0.0e+00;
	v50 =	vmul.f32 $2.000000030e-01, v25  }
0x1b1: {  	v51 =	vmul.f32 $2.000000030e-01, v27;
	v22 =	vadd.f32 v26, v22;
	v29 =	vsel vm3, v29, v39  }
0x1b2: {  	vm3 =	vge.f32 v27, $0.0e+00;
	v21 =	vadd.f32 v23, v21;
	v17 =	vadd.f32 v17, v38  }
0x1b3: {  	v33 =	vsel vm2, v33, v49;
	v52 =	vadd.f32 v40, v37;
	vm2 =	vge.f32 v25, $0.0e+00  }
0x1b4: {  	v26 =	vmul.f32 v29, v7;
	v27 =	vsel vm3, v27, v51;
	v28 =	vmul.f32 v33, v7  }
0x1b5: {  	v25 =	vsel vm2, v25, v50;
	v41 =	vperm.xlane v17, v4;
	v24 =	vmul.f32 $2.000000030e-01, v52  }
0x1b6: {  	v23 =	vmul.f32 v25, v8;
	v19 =	vadd.f32 v26, v19;
	v25 =	vmul.f32 v27, v8  }
0x1b7: {  	vm12 =	vge.f32 v52, $0.0e+00;
	v17 =	vadd.f32 v17, v41  }
0x1b8: {  	v22 =	vadd.f32 v28, v22;
	v24 =	vsel vm12, v52, v24;
	v19 =	vadd.f32 v25, v19  }
0x1b9: {  	v21 =	vadd.f32 v23, v21;
	v24 =	vmul.f32 v24, v8;
	v17 =	vmul.f32 $1.442695020e+00, v17  }
0x1ba: {  	v23 =	vperm.xlane v19, v1  }
0x1bb: {  	(erf) = vpow2.f32 v17;
	v17 =	vadd.f32 v24, v22;
	v22 =	vperm.xlane v21, v1;
	_ =	sdelay $0x1  }
0x1bc: {  	v19 =	vadd.f32 v19, v23;
	v21 =	vadd.f32 v21, v22  }
0x1bd: {  	v24 =	vperm.xlane v17, v1  }
0x1be: {  	v23 =	vperm.xlane v19, v2;
	v22 =	vperm.xlane v21, v2  }
0x1bf: {  	v17 =	vadd.f32 v17, v24  }
0x1c0: {  	v19 =	vadd.f32 v19, v23;
	v21 =	vadd.f32 v21, v22  }
0x1c1: {  	s9 =	simm.s32 $0x8600;
	v22 =	vperm.xlane v17, v2  }
0x1c2: {  	s20 =	simm.s32 $0x2600;
	v26 =	vld [tilespmem:s9+$0x40];
	v25 =	vperm.xlane v19, v3;
	v23 =	vperm.xlane v21, v3  }
0x1c3: {  	v22 =	vadd.f32 v17, v22;
	v17 =	vld [tilespmem:s20+$0x40]  }
0x1c4: {  	v38 =	vld [tilespmem:s20+$0x70];
	v25 =	vadd.f32 v19, v25;
	v24 =	vpop (erf);
	v21 =	vadd.f32 v21, v23  }
0x1c5: {  	v28 =	vld [tilespmem:s9+$0x50];
	v34 =	vmul.f32 v24, v18;
	v23 =	vperm.xlane v22, v3  }
0x1c6: {  	v18 =	vld [tilespmem:s20+$0x50];
	v53 =	vperm.xlane v25, v4;
	v29 =	vperm.xlane v21, v4  }
0x1c7: {  	v19 =	vld [tilespmem:s20+$0x60];
	v40 =	vmul.f32 v24, v20;
	v27 =	vperm.xlane v34, v4;
	v22 =	vadd.f32 v22, v23  }
0x1c8: {  	v23 =	vsel vm0, $0x0, v24;
	v20 =	vadd.f32 v26, v17;
	v26 =	vld [tilespmem:s9+$0x70];
	v21 =	vadd.f32 v21, v29  }
0x1c9: {  	v39 =	vsel vm1, v27, v23;
	v23 =	vld [tilespmem:s9+$0x60];
	v27 =	vperm.xlane v22, v4  }
0x1ca: {  	v54 =	vld [tilespmem:s9+$0x0];
	v41 =	vmul.f32 v24, v16;
	v25 =	vadd.f32 v25, v53;
	v16 =	vmul.f32 $1.442695020e+00, v21  }
0x1cb: {  	v45 =	vld [tilespmem:s9+$0x10];
	v21 =	vadd.f32 v22, v27;
	v22 =	vmul.f32 $2.000000030e-01, v20;
	v27 =	vadd.f32 v28, v18  }
0x1cc: {  	v42 =	vmul.f32 v24, v15;
	v15 =	vld [tilespmem:s20+$0xFFFFFFC0];
	v25 =	vmul.f32 $1.442695020e+00, v25;
	vm2 =	vge.f32 v20, $0.0e+00  }
0x1cd: {  	v29 =	vld [tilespmem:s9+$0xFFFFFFC0];
	v28 =	vmul.f32 $1.442695020e+00, v21;
	v20 =	vsel vm2, v20, v22;
	v21 =	vmul.f32 $2.000000030e-01, v27  }
0x1ce: {  	v24 =	vld [tilespmem:s9+$0xFFFFFF80];
	(erf) = vpow2.f32 v16;
	v26 =	vadd.f32 v26, v38;
	v22 =	vadd.f32 v23, v19  }
0x1cf: {  	v16 =	vld [tilespmem:s20+$0x0];
	vm2 =	vge.f32 v27, $0.0e+00;
	v23 =	vmul.f32 v20, v5;
	(erf) = vpow2.f32 v25  }
0x1d0: {  	v20 =	vld [tilespmem:s20+$0xFFFFFF80];
	v21 =	vsel vm2, v27, v21;
	v25 =	vmul.f32 $2.000000030e-01, v26;
	v27 =	vmul.f32 $2.000000030e-01, v22  }
0x1d1: {  	v47 =	vld [tilespmem:s9+$0xFFFFFFA0];
	v23 =	vadd.f32 $0.0e+00, v23;
	v43 =	vmul.f32 v21, v6;
	vm2 =	vge.f32 v22, $0.0e+00  }
0x1d2: {  	(erf) = vpow2.f32 v28;
	v28 =	vadd.f32 v29, v15;
	v21 =	vld [tilespmem:s20+$0xFFFFFF90];
	v22 =	vsel vm2, v22, v27  }
0x1d3: {  	v27 =	vld [tilespmem:s9+$0xFFFFFF90];
	v23 =	vadd.f32 v43, v23;
	vm2 =	vge.f32 v26, $0.0e+00;
	v55 =	vmul.f32 v22, v7  }
0x1d4: {  	v57 =	vmul.f32 $2.000000030e-01, v28;
	v29 =	vadd.f32 v54, v16;
	v22 =	vld [tilespmem:s20+$0xFFFFFFD0];
	v25 =	vsel vm2, v26, v25  }
0x1d5: {  	v26 =	vld [tilespmem:s9+$0xFFFFFFD0];
	v24 =	vadd.f32 v24, v20;
	v25 =	vmul.f32 v25, v8;
	v56 =	vadd.f32 v55, v23  }
0x1d6: {  	v51 =	vld [tilespmem:s9+$0x20];
	vm2 =	vge.f32 v28, $0.0e+00;
	vm3 =	vge.f32 v29, $0.0e+00;
	v44 =	vmul.f32 $2.000000030e-01, v29  }
0x1d7: {  	v50 =	vld [tilespmem:s9+$0xFFFFFFE0];
	v28 =	vsel vm2, v28, v57;
	v46 =	vmul.f32 $2.000000030e-01, v24;
	v33 =	vadd.f32 v25, v56  }
0x1d8: {  	v23 =	vld [tilespmem:s20+$0x10];
	vm13 =	vge.f32 v24, $0.0e+00;
	v49 =	vmul.f32 v28, v5;
	v29 =	vsel vm3, v29, v44  }
0x1d9: {  	v28 =	vld [tilespmem:s20+$0x20];
	v27 =	vadd.f32 v27, v21;
	v24 =	vsel vm13, v24, v46;
	v58 =	vperm.xlane v33, v1  }
0x1da: {  	v25 =	vld [tilespmem:s20+$0xFFFFFFA0];
	v29 =	vmul.f32 v29, v5;
	v49 =	vadd.f32 $0.0e+00, v49;
	v60 =	vadd.f32 v26, v22  }
0x1db: {  	v54 =	vld [tilespmem:s9+$0xFFFFFFB0];
	v48 =	vmul.f32 v24, v5;
	v59 =	vmul.f32 $2.000000030e-01, v27;
	v33 =	vadd.f32 v33, v58  }
0x1dc: {  	v26 =	vld [tilespmem:s20+$0xFFFFFFE0];
	vm2 =	vge.f32 v27, $0.0e+00;
	v56 =	vadd.f32 $0.0e+00, v29;
	v61 =	vmul.f32 $2.000000030e-01, v60  }
0x1dd: {  	v24 =	vld [tilespmem:s20+$0xFFFFFFB0];
	v45 =	vadd.f32 v45, v23;
	vm3 =	vge.f32 v60, $0.0e+00;
	v52 =	vperm.xlane v33, v2  }
0x1de: {  	v48 =	vadd.f32 $0.0e+00, v48;
	v51 =	vadd.f32 v51, v28;
	v44 =	vsel vm2, v27, v59  }
0x1df: {  	v47 =	vadd.f32 v47, v25;
	vm14 =	vge.f32 v45, $0.0e+00;
	v33 =	vadd.f32 v33, v52  }
0x1e0: {  	v53 =	vmul.f32 $2.000000030e-01, v45;
	v43 =	vsel vm3, v60, v61;
	v44 =	vmul.f32 v44, v6  }
0x1e1: {  	v29 =	vld [tilespmem:s20+$0x30];
	v61 =	vmul.f32 $2.000000030e-01, v51;
	v50 =	vadd.f32 v50, v26;
	v63 =	vperm.xlane v33, v3  }
0x1e2: {  	v60 =	vld [tilespmem:s9+$0x30];
	v43 =	vmul.f32 v43, v6;
	v54 =	vadd.f32 v54, v24;
	v62 =	vmul.f32 $2.000000030e-01, v47  }
0x1e3: {  	v45 =	vsel vm14, v45, v53;
	vm2 =	vge.f32 v47, $0.0e+00;
	v33 =	vadd.f32 v33, v63  }
0x1e4: {  	v27 =	vld [tilespmem:s20+$0xFFFFFFF0];
	v44 =	vadd.f32 v44, v48;
	v55 =	vmul.f32 $2.000000030e-01, v50;
	vm3 =	vge.f32 v50, $0.0e+00  }
0x1e5: {  	v52 =	vld [tilespmem:s9+$0xFFFFFFF0];
	v45 =	vmul.f32 v45, v6;
	v46 =	vsel vm2, v47, v62;
	v62 =	vperm.xlane v33, v4  }
0x1e6: {  	v43 =	vadd.f32 v43, v49;
	vm2 =	vge.f32 v51, $0.0e+00;
	v50 =	vsel vm3, v50, v55  }
0x1e7: {  	v47 =	vsel vm2, v51, v61;
	v53 =	vadd.f32 v60, v29;
	v33 =	vadd.f32 v33, v62  }
0x1e8: {  	v46 =	vmul.f32 v46, v7;
	v45 =	vadd.f32 v45, v56;
	v59 =	vmul.f32 v50, v7  }
0x1e9: {  	vm2 =	vge.f32 v54, $0.0e+00;
	v51 =	vpop (erf);
	v47 =	vmul.f32 v47, v7;
	v33 =	vmul.f32 $1.442695020e+00, v33  }
0x1ea: {  	v35 =	vmul.f32 v51, v35;
	v58 =	vmul.f32 $2.000000030e-01, v53;
	v52 =	vadd.f32 v52, v27  }
0x1eb: {  	v63 =	vmul.f32 $2.000000030e-01, v54;
	vm15 =	vge.f32 v53, $0.0e+00;
	(erf) = vpow2.f32 v33  }
0x1ec: {  	v45 =	vadd.f32 v47, v45;
	v48 =	vsel vm15, v53, v58;
	v57 =	vmul.f32 $2.000000030e-01, v52  }
0x1ed: {  	v60 =	vsel vm2, v54, v63;
	vm3 =	vge.f32 v52, $0.0e+00;
	v50 =	vmul.f32 v48, v8  }
0x1ee: {  	v44 =	vadd.f32 v46, v44;
	v62 =	vmul.f32 v60, v8;
	v61 =	vsel vm3, v52, v57  }
0x1ef: {  	s20 =	simm.s32 $0xE910;
	v43 =	vadd.f32 v59, v43;
	v45 =	vadd.f32 v50, v45;
	v63 =	vmul.f32 v61, v8  }
0x1f0: {  	[tilespmem:s20+$0x68] =	vst v42;
	v42 =	vmul.f32 v51, v31;
	v44 =	vadd.f32 v62, v44  }
0x1f1: {  	[tilespmem:s20+$0x78] =	vst v34;
	v54 =	vperm.xlane v35, v4;
	v56 =	vperm.xlane v45, v1;
	v43 =	vadd.f32 v63, v43  }
0x1f2: {  	[tilespmem:s20+$0x48] =	vst v40;
	v55 =	vsel vm0, $0x0, v51;
	v30 =	vmul.f32 v51, v30;
	v53 =	vperm.xlane v44, v1;
	v33 =	vpop (erf)  }
0x1f3: {  	[tilespmem:s20+$0x58] =	vst v41;
	v61 =	vsel vm1, v54, v55;
	v57 =	vadd.f32 v45, v56;
	v49 =	vperm.xlane v43, v1;
	v34 =	vpop (erf)  }
0x1f4: {  	[tilespmem:s20+$0x80] =	vst v39;
	v44 =	vadd.f32 v44, v53;
	v36 =	vmul.f32 v33, v36;
	v52 =	vmul.f32 v34, v37;
	v37 =	vpop (erf)  }
0x1f5: {  	[tilespmem:s20+$0xFFFFFFA0] =	vst v35;
	v62 =	vperm.xlane v57, v2;
	v43 =	vadd.f32 v43, v49;
	v58 =	vmul.f32 v37, v38  }
0x1f6: {  	[tilespmem:s20+$0xFFFFFFA8] =	vst v61;
	v59 =	vperm.xlane v44, v2;
	v41 =	vperm.xlane v36, v4  }
0x1f7: {  	v40 =	vsel vm0, $0x0, v33;
	[tilespmem:s20+$0xFFFFFFE8] =	vst v36;
	v31 =	vperm.xlane v43, v2;
	v60 =	vperm.xlane v58, v4  }
0x1f8: {  	s16 =	simm.s32 $0xEA30;
	v39 =	vperm.xlane v52, v4;
	[tilespmem:s20+$0x30] =	vst v52;
	v35 =	vadd.f32 v44, v59;
	v63 =	vsel vm0, $0x0, v37  }
0x1f9: {  	v44 =	vadd.f32 v57, v62;
	v43 =	vadd.f32 v43, v31;
	[tilespmem:s16+$0x78] =	vst v58;
	v31 =	vsel vm1, v60, v63  }
0x1fa: {  	s11 =	simm.s32 $0x2700;
	s10 =	simm.s32 $0x4;
	v45 =	vperm.xlane v35, v3;
	v38 =	vsel vm0, $0x0, v34;
	[tilespmem:s16+$0x80] =	vst v31;
	v31 =	vmul.f32 v51, v32  }
.LBB2_14:
0x1fb: {  	v32 =	vld [tilespmem:s11+$0x40];
	v36 =	vperm.xlane v43, v3;
	s9 =	sadd.s32 $0x100, s9;
	[tilespmem:s20+$0xFFFFFF70] =	vst v42;
	v10 =	vmul.f32 v33, v10;
	v40 =	vsel vm1, v41, v40  }
0x1fc: {  	s10 =	sadd.s32 $0x4, s10;
	v12 =	vmul.f32 v33, v12;
	v41 =	vld [tilespmem:s9+$0x40];
	v35 =	vadd.f32 v35, v45;
	v42 =	vperm.xlane v44, v3;
	[tilespmem:s20+$0xFFFFFFF0] =	vst v40  }
0x1fd: {  	v14 =	vmul.f32 v33, v14;
	v9 =	vmul.f32 v34, v9;
	p1 =	slt.u32 s10, $0x7C;
	v40 =	vld [tilespmem:s11+$0x50];
	v36 =	vadd.f32 v43, v36;
	[tilespmem:s20+$0xFFFFFF80] =	vst v30  }
0x1fe: {  	v11 =	vmul.f32 v34, v11;
	v33 =	vld [tilespmem:s9+$0x50];
	v30 =	vperm.xlane v35, v4;
	v42 =	vadd.f32 v44, v42;
	[tilespmem:s20+$0xFFFFFF90] =	vst v31  }
0x1ff: {  	v13 =	vmul.f32 v34, v13;
	v31 =	vld [tilespmem:s11+$0x60];
	v43 =	vperm.xlane v36, v4;
	[tilespmem:s20+$0xFFFFFFB8] =	vst v10;
	v10 =	vsel vm1, v39, v38  }
0x200: {  	v39 =	vmul.f32 v37, v17;
	v34 =	vld [tilespmem:s9+$0x60];
	v35 =	vadd.f32 v35, v30;
	v38 =	vperm.xlane v42, v4;
	[tilespmem:s20+$0x38] =	vst v10  }
0x201: {  	v41 =	vadd.f32 v41, v32;
	v30 =	vld [tilespmem:s11+$0x70];
	v44 =	vadd.f32 v36, v43;
	v36 =	vmul.f32 v37, v18;
	[tilespmem:s20+$0xFFFFFFC8] =	vst v12  }
0x202: {  	v17 =	vmovc v32;
	v37 =	vmul.f32 v37, v19;
	v43 =	vld [tilespmem:s9+$0x70];
	v12 =	vmul.f32 $1.442695020e+00, v35;
	v35 =	vadd.f32 v42, v38;
	[tilespmem:s20+$0xFFFFFFD8] =	vst v14  }
0x203: {  	v18 =	vmovc v40;
	v10 =	vmovc v15;
	v38 =	vld [tilespmem:s9+$0xFFFFFF80];
	v14 =	vmul.f32 $2.000000030e-01, v41;
	v32 =	vadd.f32 v33, v40;
	v33 =	vmul.f32 $1.442695020e+00, v44;
	[tilespmem:s20+$0x0] =	vst v9  }
0x204: {  	vm2 =	vge.f32 v41, $0.0e+00;
	v9 =	vmovc v16;
	v15 =	vld [tilespmem:s11+$0xFFFFFFC0];
	v40 =	vmul.f32 $1.442695020e+00, v35;
	(erf) = vpow2.f32 v12;
	[tilespmem:s20+$0x10] =	vst v11;
	v19 =	vmovc v31  }
0x205: {  	v31 =	vmovc v21;
	v42 =	vld [tilespmem:s9+$0xFFFFFFC0];
	v35 =	vsel vm2, v41, v14;
	v44 =	vmul.f32 $2.000000030e-01, v32;
	v34 =	vadd.f32 v34, v19;
	[tilespmem:s20+$0x20] =	vst v13;
	s20 =	smov.u32 s16  }
0x206: {  	v11 =	vmovc v23;
	vm2 =	vge.f32 v32, $0.0e+00;
	v16 =	vld [tilespmem:s11+$0x0];
	v41 =	vmul.f32 v35, v5;
	[tilespmem:s16+$0x48] =	vst v39;
	(erf) = vpow2.f32 v33;
	v12 =	vmovc v22  }
0x207: {  	v23 =	vld [tilespmem:s9+$0x0];
	v21 =	vsel vm2, v32, v44;
	v22 =	vmul.f32 $2.000000030e-01, v34;
	v33 =	vadd.f32 v43, v30;
	[tilespmem:s16+$0x58] =	vst v36;
	v32 =	vmovc v25  }
0x208: {  	v13 =	vmovc v28;
	vm2 =	vge.f32 v34, $0.0e+00;
	v14 =	vmovc v26;
	v35 =	vld [tilespmem:s11+$0xFFFFFF80];
	v25 =	vadd.f32 $0.0e+00, v41;
	v36 =	vmul.f32 v21, v6;
	[tilespmem:s16+$0x68] =	vst v37  }
0x209: {  	v21 =	vld [tilespmem:s11+$0xFFFFFF90];
	v22 =	vsel vm2, v34, v22;
	v26 =	vmul.f32 $2.000000030e-01, v33;
	(erf) = vpow2.f32 v40  }
0x20a: {  	vm2 =	vge.f32 v33, $0.0e+00;
	v28 =	vld [tilespmem:s9+$0xFFFFFF90];
	v25 =	vadd.f32 v36, v25;
	v34 =	vmul.f32 v22, v7  }
0x20b: {  	v37 =	vadd.f32 v42, v15;
	v22 =	vld [tilespmem:s11+$0xFFFFFFD0];
	v26 =	vsel vm2, v33, v26  }
0x20c: {  	v39 =	vld [tilespmem:s9+$0xFFFFFFD0];
	v40 =	vadd.f32 v23, v16;
	v25 =	vadd.f32 v34, v25;
	v26 =	vmul.f32 v26, v8  }
0x20d: {  	vm2 =	vge.f32 v37, $0.0e+00;
	v34 =	vadd.f32 v38, v35;
	v38 =	vmul.f32 $2.000000030e-01, v37;
	v23 =	vld [tilespmem:s11+$0x10];
	v36 =	vpop (erf)  }
0x20e: {  	vm3 =	vge.f32 v40, $0.0e+00;
	v41 =	vmul.f32 $2.000000030e-01, v40;
	v42 =	vld [tilespmem:s9+$0x10];
	v43 =	vadd.f32 v26, v25  }
0x20f: {  	vm4 =	vge.f32 v34, $0.0e+00;
	v26 =	vmul.f32 $2.000000030e-01, v34;
	v44 =	vadd.f32 v28, v21;
	v25 =	vld [tilespmem:s11+$0xFFFFFFA0];
	v33 =	vpop (erf)  }
0x210: {  	v28 =	vsel vm2, v37, v38;
	v45 =	vld [tilespmem:s9+$0xFFFFFFA0];
	v37 =	vsel vm3, v40, v41;
	v38 =	vperm.xlane v43, v1  }
0x211: {  	v48 =	vsel vm4, v34, v26;
	v40 =	vmul.f32 $2.000000030e-01, v44;
	v39 =	vadd.f32 v39, v22;
	v26 =	vld [tilespmem:s11+$0xFFFFFFE0]  }
0x212: {  	v46 =	vmul.f32 v28, v5;
	v41 =	vmul.f32 v48, v5;
	v47 =	vld [tilespmem:s9+$0xFFFFFFE0];
	v38 =	vadd.f32 v43, v38;
	v34 =	vpop (erf)  }
0x213: {  	v37 =	vmul.f32 v37, v5;
	v43 =	vmul.f32 $2.000000030e-01, v39;
	v42 =	vadd.f32 v42, v23;
	v28 =	vld [tilespmem:s11+$0x20]  }
0x214: {  	vm2 =	vge.f32 v44, $0.0e+00;
	vm3 =	vge.f32 v39, $0.0e+00;
	v48 =	vld [tilespmem:s9+$0x20];
	v49 =	vperm.xlane v38, v2  }
0x215: {  	v45 =	vadd.f32 v45, v25;
	v50 =	vld [tilespmem:s11+$0xFFFFFFB0];
	vm4 =	vge.f32 v42, $0.0e+00;
	v51 =	vmul.f32 $2.000000030e-01, v42  }
0x216: {  	v40 =	vsel vm2, v44, v40;
	v39 =	vsel vm3, v39, v43;
	v44 =	vld [tilespmem:s9+$0xFFFFFFB0];
	v38 =	vadd.f32 v38, v49  }
0x217: {  	v43 =	vmul.f32 $2.000000030e-01, v45;
	v47 =	vadd.f32 v47, v26;
	v49 =	vld [tilespmem:s11+$0xFFFFFFF0];
	v42 =	vsel vm4, v42, v51  }
0x218: {  	v46 =	vadd.f32 $0.0e+00, v46;
	v41 =	vadd.f32 $0.0e+00, v41;
	v51 =	vld [tilespmem:s9+$0xFFFFFFF0];
	v52 =	vperm.xlane v38, v3  }
0x219: {  	v37 =	vadd.f32 $0.0e+00, v37;
	v53 =	vmul.f32 $2.000000030e-01, v47;
	v48 =	vadd.f32 v48, v28;
	v54 =	vld [tilespmem:s11+$0x30]  }
0x21a: {  	v40 =	vmul.f32 v40, v6;
	v39 =	vmul.f32 v39, v6;
	v55 =	vld [tilespmem:s9+$0x30];
	v38 =	vadd.f32 v38, v52  }
0x21b: {  	v42 =	vmul.f32 v42, v6;
	v44 =	vadd.f32 v44, v50;
	v52 =	vmul.f32 $2.000000030e-01, v48  }
0x21c: {  	vm2 =	vge.f32 v45, $0.0e+00;
	vm3 =	vge.f32 v47, $0.0e+00;
	v56 =	vperm.xlane v38, v4  }
0x21d: {  	v43 =	vsel vm2, v45, v43;
	vm2 =	vge.f32 v48, $0.0e+00;
	v45 =	vadd.f32 v51, v49  }
0x21e: {  	v47 =	vsel vm3, v47, v53;
	v48 =	vsel vm2, v48, v52;
	v38 =	vadd.f32 v38, v56  }
0x21f: {  	v51 =	vmul.f32 $2.000000030e-01, v44;
	v52 =	vmul.f32 $2.000000030e-01, v45;
	v53 =	vadd.f32 v55, v54  }
0x220: {  	v40 =	vadd.f32 v40, v41;
	v39 =	vadd.f32 v39, v46;
	v38 =	vmul.f32 $1.442695020e+00, v38  }
0x221: {  	v41 =	vmul.f32 v43, v7;
	v37 =	vadd.f32 v42, v37;
	v42 =	vmul.f32 $2.000000030e-01, v53  }
0x222: {  	v43 =	vmul.f32 v47, v7;
	vm2 =	vge.f32 v44, $0.0e+00;
	(erf) = vpow2.f32 v38  }
0x223: {  	vm3 =	vge.f32 v45, $0.0e+00;
	vm4 =	vge.f32 v53, $0.0e+00;
	v38 =	vmul.f32 v48, v7  }
0x224: {  	v44 =	vsel vm2, v44, v51;
	v45 =	vsel vm3, v45, v52;
	v42 =	vsel vm4, v53, v42  }
0x225: {  	v40 =	vadd.f32 v41, v40;
	v39 =	vadd.f32 v43, v39;
	v41 =	vmul.f32 v44, v8  }
0x226: {  	v43 =	vmul.f32 v45, v8;
	v37 =	vadd.f32 v38, v37;
	v38 =	vmul.f32 v42, v8  }
0x227: {  	v41 =	vadd.f32 v41, v40;
	v40 =	vmul.f32 v36, v24;
	v24 =	vmovc v50;
	v42 =	vmul.f32 v33, v27  }
0x228: {  	v43 =	vadd.f32 v43, v39;
	v39 =	vmul.f32 v34, v29;
	v27 =	vmovc v49;
	v38 =	vadd.f32 v38, v37  }
0x229: {  	v45 =	vsel vm0, $0x0, v36;
	v49 =	vperm.xlane v41, v1;
	v44 =	vperm.xlane v40, v4;
	v29 =	vmovc v54;
	[tilespmem:s16+$0xFFFFFFA0] =	vst v40  }
0x22a: {  	v46 =	vperm.xlane v43, v1;
	v47 =	vperm.xlane v38, v1;
	v40 =	vsel vm0, $0x0, v33;
	[tilespmem:s16+$0xFFFFFFE8] =	vst v42  }
0x22b: {  	v48 =	vadd.f32 v41, v49;
	v41 =	vperm.xlane v42, v4;
	v37 =	vpop (erf);
	[tilespmem:s16+$0x30] =	vst v39;
	v39 =	vperm.xlane v39, v4  }
0x22c: {  	v43 =	vadd.f32 v43, v46;
	v46 =	vadd.f32 v38, v47;
	v30 =	vmul.f32 v37, v30  }
.Ltmp12:
0x22d: {  	v47 =	vperm.xlane v48, v2;
	v42 =	vmul.f32 v36, v20;
	v38 =	vsel vm0, $0x0, v34;
	v20 =	vmovc v35;
	(pc) =	sbr.rel @p1 .LBB2_14-.Ltmp12, $4  }
0x22e: {  	v44 =	vsel vm1, v44, v45;
	v49 =	vperm.xlane v43, v2;
	v50 =	vperm.xlane v30, v4  }
0x22f: {  	s16 =	sadd.s32 $0x120, s16;
	v35 =	vadd.f32 v48, v47;
	v47 =	vperm.xlane v46, v2;
	v45 =	vsel vm0, $0x0, v37;
	[tilespmem:s20+$0xFFFFFFA8] =	vst v44  }
0x230: {  	v43 =	vadd.f32 v43, v49;
	[tilespmem:s16+$0x78] =	vst v30;
	v48 =	vsel vm1, v50, v45;
	v30 =	vmul.f32 v36, v31  }
0x231: {  	s11 =	sadd.s32 $0x100, s11;
	v44 =	vadd.f32 v46, v47;
	v45 =	vperm.xlane v35, v3;
	v31 =	vmul.f32 v36, v32;
	[tilespmem:s16+$0x80] =	vst v48  }
0x232: {  	_ = 	snop  }
0x233: {  	v5 =	vperm.xlane v43, v3;
	v6 =	vadd.f32 v35, v45  }
0x234: {  	v7 =	vperm.xlane v44, v3  }
0x235: {  	v5 =	vadd.f32 v43, v5;
	v8 =	vperm.xlane v6, v4  }
0x236: {  	v7 =	vadd.f32 v44, v7  }
0x237: {  	v32 =	vperm.xlane v5, v4;
	v6 =	vadd.f32 v6, v8  }
0x238: {  	v50 =	vperm.xlane v7, v4  }
0x239: {  	[tilespmem:s20+$0xFFFFFF70] =	vst v42;
	v5 =	vadd.f32 v5, v32;
	v6 =	vmul.f32 $1.442695020e+00, v6  }
0x23a: {  	v51 =	vsel vm1, v41, v40;
	v52 =	vmul.f32 v33, v10;
	[tilespmem:s20+$0xFFFFFF80] =	vst v30;
	v7 =	vadd.f32 v7, v50  }
0x23b: {  	[tilespmem:s20+$0xFFFFFFF0] =	vst v51;
	v5 =	vmul.f32 $1.442695020e+00, v5;
	(erf) = vpow2.f32 v6  }
0x23c: {  	[tilespmem:s20+$0xFFFFFF90] =	vst v31;
	v7 =	vmul.f32 $1.442695020e+00, v7  }
0x23d: {  	[tilespmem:s20+$0xFFFFFFB8] =	vst v52;
	v6 =	vsel vm1, v39, v38;
	(erf) = vpow2.f32 v5;
	v5 =	vmul.f32 v33, v12  }
0x23e: {  	[tilespmem:s20+$0x38] =	vst v6;
	v6 =	vmul.f32 v34, v9  }
0x23f: {  	(erf) = vpow2.f32 v7;
	v7 =	vmul.f32 v33, v14;
	[tilespmem:s20+$0xFFFFFFC8] =	vst v5  }
0x240: {  	v5 =	vmul.f32 v34, v11;
	[tilespmem:s20+$0x0] =	vst v6;
	v6 =	vmul.f32 v37, v17  }
0x241: {  	[tilespmem:s20+$0xFFFFFFD8] =	vst v7  }
0x242: {  	v7 =	vmul.f32 v34, v13;
	[tilespmem:s20+$0x10] =	vst v5  }
0x243: {  	v5 =	vmul.f32 v37, v18;
	[tilespmem:s16+$0x48] =	vst v6  }
0x244: {  	[tilespmem:s20+$0x20] =	vst v7;
	v7 =	vmul.f32 v37, v19;
	v6 =	vpop (erf)  }
0x245: {  	[tilespmem:s16+$0x58] =	vst v5;
	v53 =	vmul.f32 v6, v24  }
0x246: {  	[tilespmem:s16+$0x68] =	vst v7;
	v57 =	vmul.f32 v6, v20  }
0x247: {  	v59 =	vmul.f32 v6, v21;
	[tilespmem:s16+$0xFFFFFFA0] =	vst v53  }
0x248: {  	v5 =	vpop (erf);
	v56 =	vsel vm0, $0x0, v6;
	v6 =	vmul.f32 v6, v25;
	[tilespmem:s16+$0xFFFFFF70] =	vst v57  }
0x249: {  	v54 =	vmul.f32 v5, v27;
	[tilespmem:s16+$0xFFFFFF80] =	vst v59  }
0x24a: {  	v7 =	vpop (erf);
	v61 =	vmul.f32 v5, v15;
	[tilespmem:s16+$0xFFFFFF90] =	vst v6  }
0x24b: {  	v55 =	vmul.f32 v7, v29;
	[tilespmem:s16+$0xFFFFFFE8] =	vst v54  }
0x24c: {  	v6 =	vmul.f32 v5, v22;
	[tilespmem:s16+$0xFFFFFFB8] =	vst v61  }
0x24d: {  	v58 =	vsel vm0, $0x0, v5;
	v5 =	vmul.f32 v5, v26;
	[tilespmem:s16+$0x30] =	vst v55  }
0x24e: {  	v8 =	vperm.xlane v53, v4;
	v63 =	vmul.f32 v7, v16;
	[tilespmem:s16+$0xFFFFFFC8] =	vst v6  }
0x24f: {  	v9 =	vperm.xlane v54, v4;
	[tilespmem:s16+$0xFFFFFFD8] =	vst v5  }
0x250: {  	v8 =	vsel vm1, v8, v56;
	[tilespmem:s16+$0x0] =	vst v63  }
0x251: {  	v6 =	vmul.f32 v7, v23;
	[tilespmem:s16+$0xFFFFFFA8] =	vst v8;
	v9 =	vsel vm1, v9, v58  }
0x252: {  	v60 =	vperm.xlane v55, v4;
	v5 =	vmul.f32 v7, v28;
	[tilespmem:s16+$0xFFFFFFF0] =	vst v9  }
0x253: {  	v62 =	vsel vm0, $0x0, v7;
	[tilespmem:s16+$0x10] =	vst v6  }
0x254: {  	v8 =	vsel vm1, v60, v62;
	[tilespmem:s16+$0x20] =	vst v5  }
0x255: {  	[tilespmem:s16+$0x38] =	vst v8  }
0x256: {  	[spmem:s3] =	stream.indirect.scatter.add.f32 [tilespmem:s17], [sflag:$0x8], $0x48, s15, s26, $0xb8;
	[tilespmem:$0x1E4C0] =	vst v63  }
.LBB2_16:
0x257: {  	s9 =	sadd.s32 s14, s25  }
0x258: {  	p1 =	sgt.u32 s9, $0x9C3  }
0x259: {  	s10 =	simm.s32 @!p1 $0x5  }
0x25a: {  	_ =	swait.ge @!p1 [sflag:s10], $0x2000  }
0x25b: {  	[sflag:s10] =	ssyncset.done @!p1 $0x0  }
0x25c: {  	p2 =	sgt.u32 @!p0 s9, $0xA23;
	[sflag:s10] =	ssyncadd.s32 @!p1 $0xFFFFE000;
	s10 =	simm.s32 @!p1 $0x6  }
0x25d: {  	p0 =	por p2, p0;
	p2 =	sgt.u32 s9, $0x983;
	_ =	swait.ge @!p1 [sflag:s10], $0x2000  }
.Ltmp13:
0x25e: {  	[sflag:s10] =	ssyncset.done @!p1 $0x0;
	(pc) =	sbr.rel @p2 .LBB2_18-.Ltmp13, $4  }
0x25f: {  	[sflag:s10] =	ssyncadd.s32 @!p1 $0xFFFFE000;
	s10 =	simm.s32 @!p0 $0x9  }
0x260: {  	_ =	swait.ge @!p0 [sflag:s10], $0x2400  }
0x261: {  	[sflag:s10] =	ssyncset.done @!p0 $0x0  }
0x262: {  	[sflag:s10] =	ssyncadd.s32 @!p0 $0xFFFFDC00  }
0x263: {  	s9 =	sshll.u32 s9, $0x4  }
0x264: {  	s9 =	sand.u32 $0x1FFFFFF0, s9  }
0x265: {  	s9 =	sadd.s32 s7, s9  }
0x266: {  	s10 =	sadd.s32 $0x400, s9  }
0x267: {  	[tilespmem:s26], [sflag:$0xA] =	stream.linear.gather [hbm4b:s10+s5], $0x80, $0x38;
	[tilespmem:$0x1E4C0] =	vst v63  }
0x268: {  	_ =	swait.ge [sflag:s23], $0x80  }
0x269: {  	[sflag:s23] =	ssyncset.done $0x0  }
0x26a: {  	s9 =	sadd.s32 $0xA040, s9;
	[sflag:s23] =	ssyncadd.s32 $0xFFFFFF80  }
0x26b: {  	[tilespmem:s30], [sflag:$0xA] =	stream.linear.gather [hbm4b:s9+s5], $0x80, $0x38;
	[tilespmem:$0x1E4C0] =	vst v63  }
0x26c: {  	_ =	swait.ge [sflag:s23], $0x80  }
.Ltmp14:
0x26d: {  	[sflag:s23] =	ssyncset.done $0x0;
	(pc) =	sbr.rel .LBB2_19-.Ltmp14, $4  }
0x26e: {  	[sflag:s23] =	ssyncadd.s32 $0xFFFFFF80  }
0x26f: {  	[tilespmem:s31], [sflag:$0x3] =	stream.indirect.gather [hbm4b:s1+s26], $0x40, s26, s26, $0xb8;
	[tilespmem:$0x1E4C0] =	vst v63  }
0x270: {  	_ = 	snop  }
0x271: {  	[tilespmem:s0], [sflag:$0x4] =	stream.indirect.gather [hbm4b:s6+s26], $0x40, s30, s26, $0xb8;
	[tilespmem:$0x1E4C0] =	vst v63  }
.LBB2_18:
.Ltmp15:
0x272: {  	(pc) =	sbr.rel @p1 .LBB2_22-.Ltmp15, $1  }
0x273: {  	_ =	sdelay $0x3  }
.LBB2_19:
0x274: {  	v5 =	vld [tilespmem:$0x280]  }
0x275: {  	v6 =	vld [tilespmem:$0x290]  }
0x276: {  	v7 =	vld [tilespmem:$0x2A0]  }
0x277: {  	v8 =	vld [tilespmem:$0x2B0]  }
0x278: {  	v9 =	vld [tilespmem:$0x2C0]  }
0x279: {  	v10 =	vld [tilespmem:$0x2D0];
	[tilespmem:$0x400] =	vst v5  }
0x27a: {  	v11 =	vld [tilespmem:$0x2E0];
	[tilespmem:$0x410] =	vst v6  }
0x27b: {  	v12 =	vld [tilespmem:$0x2F0];
	[tilespmem:$0x420] =	vst v7  }
0x27c: {  	[tilespmem:$0x430] =	vst v8  }
0x27d: {  	[tilespmem:$0x440] =	vst v9  }
0x27e: {  	[tilespmem:$0x450] =	vst v10  }
0x27f: {  	v5 =	vld [tilespmem:$0x13080];
	[tilespmem:$0x460] =	vst v11  }
0x280: {  	s10 =	simm.s32 $0x4500;
	v6 =	vld [tilespmem:$0x13090];
	[tilespmem:$0x470] =	vst v12  }
0x281: {  	s9 =	simm.s32 $0xA500;
	v20 =	vld [tilespmem:s10+$0x40]  }
0x282: {  	v9 =	vld [tilespmem:s9+$0x40]  }
0x283: {  	v16 =	vld [tilespmem:s10+$0x50]  }
0x284: {  	v10 =	vld [tilespmem:s9+$0x50]  }
0x285: {  	v15 =	vld [tilespmem:s10+$0x60]  }
0x286: {  	v11 =	vld [tilespmem:s9+$0x60]  }
0x287: {  	v18 =	vld [tilespmem:s10+$0x70]  }
0x288: {  	v12 =	vld [tilespmem:s9+$0x70]  }
0x289: {  	v13 =	vld [tilespmem:s9+$0xFFFFFF80]  }
0x28a: {  	v31 =	vld [tilespmem:s10+$0xFFFFFF80]  }
0x28b: {  	v32 =	vld [tilespmem:s10+$0xFFFFFFA0]  }
0x28c: {  	v27 =	vld [tilespmem:s9+$0xFFFFFFA0];
	v9 =	vadd.f32 v9, v20  }
0x28d: {  	v19 =	vld [tilespmem:s9+$0xFFFFFFC0]  }
0x28e: {  	v17 =	vadd.f32 v10, v16;
	v10 =	vld [tilespmem:s10+$0xFFFFFFC0];
	v14 =	vmul.f32 $2.000000030e-01, v9  }
0x28f: {  	v7 =	vld [tilespmem:$0x130A0];
	v11 =	vadd.f32 v11, v15;
	v23 =	vadd.f32 v12, v18;
	vm2 =	vge.f32 v9, $0.0e+00  }
0x290: {  	v22 =	vld [tilespmem:s9+$0x0];
	v13 =	vadd.f32 v13, v31;
	v21 =	vmul.f32 $2.000000030e-01, v17;
	v14 =	vsel vm2, v9, v14  }
0x291: {  	v27 =	vadd.f32 v27, v32;
	v9 =	vld [tilespmem:s10+$0x0];
	vm2 =	vge.f32 v17, $0.0e+00;
	v14 =	vmul.f32 v14, v5  }
0x292: {  	v8 =	vld [tilespmem:$0x130B0];
	v17 =	vsel vm2, v17, v21;
	v21 =	vmul.f32 $2.000000030e-01, v11;
	vm2 =	vge.f32 v11, $0.0e+00  }
0x293: {  	v30 =	vld [tilespmem:s10+$0xFFFFFF90];
	v19 =	vadd.f32 v19, v10;
	v12 =	vadd.f32 $0.0e+00, v14;
	v14 =	vmul.f32 v17, v6  }
0x294: {  	v11 =	vsel vm2, v11, v21;
	v17 =	vmul.f32 $2.000000030e-01, v23;
	v21 =	vld [tilespmem:s9+$0xFFFFFF90];
	vm2 =	vge.f32 v23, $0.0e+00  }
0x295: {  	v24 =	vmul.f32 $2.000000030e-01, v19;
	v11 =	vmul.f32 v11, v7;
	v14 =	vadd.f32 v14, v12;
	v12 =	vld [tilespmem:s10+$0xFFFFFFD0]  }
0x296: {  	v17 =	vsel vm2, v23, v17;
	v23 =	vld [tilespmem:s9+$0xFFFFFFD0];
	v22 =	vadd.f32 v22, v9;
	vm2 =	vge.f32 v19, $0.0e+00  }
0x297: {  	v26 =	vld [tilespmem:s9+$0x10];
	v17 =	vmul.f32 v17, v8;
	v19 =	vsel vm2, v19, v24;
	v14 =	vadd.f32 v11, v14  }
0x298: {  	vm4 =	vge.f32 v13, $0.0e+00;
	v11 =	vld [tilespmem:s10+$0x10];
	v25 =	vmul.f32 $2.000000030e-01, v22;
	v19 =	vmul.f32 v19, v5  }
0x299: {  	v29 =	vld [tilespmem:s9+$0xFFFFFFE0];
	vm3 =	vge.f32 v22, $0.0e+00;
	v21 =	vadd.f32 v21, v30;
	v17 =	vadd.f32 v17, v14  }
0x29a: {  	v33 =	vld [tilespmem:s9+$0x20];
	v14 =	vmul.f32 $2.000000030e-01, v13;
	v22 =	vsel vm3, v22, v25;
	v19 =	vadd.f32 $0.0e+00, v19  }
0x29b: {  	v35 =	vld [tilespmem:s10+$0xFFFFFFB0];
	v25 =	vmul.f32 $2.000000030e-01, v21;
	v23 =	vadd.f32 v23, v12;
	v22 =	vmul.f32 v22, v5  }
0x29c: {  	v36 =	vld [tilespmem:s10+$0xFFFFFFF0];
	vm2 =	vge.f32 v21, $0.0e+00;
	v24 =	vperm.xlane v17, v1;
	v13 =	vsel vm4, v13, v14  }
0x29d: {  	v14 =	vld [tilespmem:s10+$0xFFFFFFE0];
	v28 =	vmul.f32 v13, v5;
	v26 =	vadd.f32 v26, v11;
	vm3 =	vge.f32 v23, $0.0e+00  }
0x29e: {  	v13 =	vld [tilespmem:s10+$0x20];
	v21 =	vsel vm2, v21, v25;
	v22 =	vadd.f32 $0.0e+00, v22;
	vm2 =	vge.f32 v27, $0.0e+00  }
0x29f: {  	v25 =	vld [tilespmem:s9+$0xFFFFFFB0];
	v17 =	vadd.f32 v17, v24;
	v24 =	vmul.f32 $2.000000030e-01, v23;
	v21 =	vmul.f32 v21, v6  }
0x2a0: {  	v48 =	vld [tilespmem:s9+$0xFFFFFFF0];
	vm11 =	vge.f32 v26, $0.0e+00;
	v37 =	vmul.f32 $2.000000030e-01, v26;
	v28 =	vadd.f32 $0.0e+00, v28  }
0x2a1: {  	v34 =	vperm.xlane v17, v2;
	v23 =	vsel vm3, v23, v24;
	v24 =	vmul.f32 $2.000000030e-01, v27  }
0x2a2: {  	v29 =	vadd.f32 v29, v14;
	v26 =	vsel vm11, v26, v37;
	v21 =	vadd.f32 v21, v28  }
0x2a3: {  	v23 =	vmul.f32 v23, v6;
	v17 =	vadd.f32 v17, v34;
	v33 =	vadd.f32 v33, v13  }
0x2a4: {  	v40 =	vld [tilespmem:s9+$0x30];
	v25 =	vadd.f32 v25, v35;
	v26 =	vmul.f32 v26, v6;
	v24 =	vsel vm2, v27, v24  }
0x2a5: {  	v37 =	vld [tilespmem:s10+$0x30];
	v27 =	vadd.f32 v48, v36;
	v39 =	vmul.f32 $2.000000030e-01, v29;
	vm3 =	vge.f32 v29, $0.0e+00  }
0x2a6: {  	v19 =	vadd.f32 v23, v19;
	v23 =	vmul.f32 v24, v7;
	v38 =	vperm.xlane v17, v3  }
0x2a7: {  	v49 =	vmul.f32 $2.000000030e-01, v33;
	vm2 =	vge.f32 v33, $0.0e+00;
	v50 =	vmul.f32 $2.000000030e-01, v25  }
0x2a8: {  	v51 =	vmul.f32 $2.000000030e-01, v27;
	v22 =	vadd.f32 v26, v22;
	v29 =	vsel vm3, v29, v39  }
0x2a9: {  	vm3 =	vge.f32 v27, $0.0e+00;
	v21 =	vadd.f32 v23, v21;
	v17 =	vadd.f32 v17, v38  }
0x2aa: {  	v33 =	vsel vm2, v33, v49;
	v52 =	vadd.f32 v40, v37;
	vm2 =	vge.f32 v25, $0.0e+00  }
0x2ab: {  	v26 =	vmul.f32 v29, v7;
	v27 =	vsel vm3, v27, v51;
	v28 =	vmul.f32 v33, v7  }
0x2ac: {  	v25 =	vsel vm2, v25, v50;
	v41 =	vperm.xlane v17, v4;
	v24 =	vmul.f32 $2.000000030e-01, v52  }
0x2ad: {  	v23 =	vmul.f32 v25, v8;
	v19 =	vadd.f32 v26, v19;
	v25 =	vmul.f32 v27, v8  }
0x2ae: {  	vm12 =	vge.f32 v52, $0.0e+00;
	v17 =	vadd.f32 v17, v41  }
0x2af: {  	v22 =	vadd.f32 v28, v22;
	v24 =	vsel vm12, v52, v24;
	v19 =	vadd.f32 v25, v19  }
0x2b0: {  	v21 =	vadd.f32 v23, v21;
	v24 =	vmul.f32 v24, v8;
	v17 =	vmul.f32 $1.442695020e+00, v17  }
0x2b1: {  	v23 =	vperm.xlane v19, v1  }
0x2b2: {  	(erf) = vpow2.f32 v17;
	v17 =	vadd.f32 v24, v22;
	v22 =	vperm.xlane v21, v1;
	_ =	sdelay $0x1  }
0x2b3: {  	v19 =	vadd.f32 v19, v23;
	v21 =	vadd.f32 v21, v22  }
0x2b4: {  	v24 =	vperm.xlane v17, v1  }
0x2b5: {  	v23 =	vperm.xlane v19, v2;
	v22 =	vperm.xlane v21, v2  }
0x2b6: {  	v17 =	vadd.f32 v17, v24  }
0x2b7: {  	v19 =	vadd.f32 v19, v23;
	v21 =	vadd.f32 v21, v22  }
0x2b8: {  	s9 =	simm.s32 $0xA600;
	v22 =	vperm.xlane v17, v2  }
0x2b9: {  	s25 =	simm.s32 $0x4600;
	v26 =	vld [tilespmem:s9+$0x40];
	v25 =	vperm.xlane v19, v3;
	v23 =	vperm.xlane v21, v3  }
0x2ba: {  	v22 =	vadd.f32 v17, v22;
	v17 =	vld [tilespmem:s25+$0x40]  }
0x2bb: {  	v38 =	vld [tilespmem:s25+$0x70];
	v25 =	vadd.f32 v19, v25;
	v24 =	vpop (erf);
	v21 =	vadd.f32 v21, v23  }
0x2bc: {  	v28 =	vld [tilespmem:s9+$0x50];
	v34 =	vmul.f32 v24, v18;
	v23 =	vperm.xlane v22, v3  }
0x2bd: {  	v18 =	vld [tilespmem:s25+$0x50];
	v53 =	vperm.xlane v25, v4;
	v29 =	vperm.xlane v21, v4  }
0x2be: {  	v19 =	vld [tilespmem:s25+$0x60];
	v40 =	vmul.f32 v24, v20;
	v27 =	vperm.xlane v34, v4;
	v22 =	vadd.f32 v22, v23  }
0x2bf: {  	v23 =	vsel vm0, $0x0, v24;
	v20 =	vadd.f32 v26, v17;
	v26 =	vld [tilespmem:s9+$0x70];
	v21 =	vadd.f32 v21, v29  }
0x2c0: {  	v39 =	vsel vm1, v27, v23;
	v23 =	vld [tilespmem:s9+$0x60];
	v27 =	vperm.xlane v22, v4  }
0x2c1: {  	v54 =	vld [tilespmem:s9+$0x0];
	v41 =	vmul.f32 v24, v16;
	v25 =	vadd.f32 v25, v53;
	v16 =	vmul.f32 $1.442695020e+00, v21  }
0x2c2: {  	v45 =	vld [tilespmem:s9+$0x10];
	v21 =	vadd.f32 v22, v27;
	v22 =	vmul.f32 $2.000000030e-01, v20;
	v27 =	vadd.f32 v28, v18  }
0x2c3: {  	v42 =	vmul.f32 v24, v15;
	v15 =	vld [tilespmem:s25+$0xFFFFFFC0];
	v25 =	vmul.f32 $1.442695020e+00, v25;
	vm2 =	vge.f32 v20, $0.0e+00  }
0x2c4: {  	v29 =	vld [tilespmem:s9+$0xFFFFFFC0];
	v28 =	vmul.f32 $1.442695020e+00, v21;
	v20 =	vsel vm2, v20, v22;
	v21 =	vmul.f32 $2.000000030e-01, v27  }
0x2c5: {  	v24 =	vld [tilespmem:s9+$0xFFFFFF80];
	(erf) = vpow2.f32 v16;
	v26 =	vadd.f32 v26, v38;
	v22 =	vadd.f32 v23, v19  }
0x2c6: {  	v16 =	vld [tilespmem:s25+$0x0];
	vm2 =	vge.f32 v27, $0.0e+00;
	v23 =	vmul.f32 v20, v5;
	(erf) = vpow2.f32 v25  }
0x2c7: {  	v20 =	vld [tilespmem:s25+$0xFFFFFF80];
	v21 =	vsel vm2, v27, v21;
	v25 =	vmul.f32 $2.000000030e-01, v26;
	v27 =	vmul.f32 $2.000000030e-01, v22  }
0x2c8: {  	v47 =	vld [tilespmem:s9+$0xFFFFFFA0];
	v23 =	vadd.f32 $0.0e+00, v23;
	v43 =	vmul.f32 v21, v6;
	vm2 =	vge.f32 v22, $0.0e+00  }
0x2c9: {  	(erf) = vpow2.f32 v28;
	v28 =	vadd.f32 v29, v15;
	v21 =	vld [tilespmem:s25+$0xFFFFFF90];
	v22 =	vsel vm2, v22, v27  }
0x2ca: {  	v27 =	vld [tilespmem:s9+$0xFFFFFF90];
	v23 =	vadd.f32 v43, v23;
	vm2 =	vge.f32 v26, $0.0e+00;
	v55 =	vmul.f32 v22, v7  }
0x2cb: {  	v57 =	vmul.f32 $2.000000030e-01, v28;
	v29 =	vadd.f32 v54, v16;
	v22 =	vld [tilespmem:s25+$0xFFFFFFD0];
	v25 =	vsel vm2, v26, v25  }
0x2cc: {  	v26 =	vld [tilespmem:s9+$0xFFFFFFD0];
	v24 =	vadd.f32 v24, v20;
	v25 =	vmul.f32 v25, v8;
	v56 =	vadd.f32 v55, v23  }
0x2cd: {  	v51 =	vld [tilespmem:s9+$0x20];
	vm2 =	vge.f32 v28, $0.0e+00;
	vm3 =	vge.f32 v29, $0.0e+00;
	v44 =	vmul.f32 $2.000000030e-01, v29  }
0x2ce: {  	v50 =	vld [tilespmem:s9+$0xFFFFFFE0];
	v28 =	vsel vm2, v28, v57;
	v46 =	vmul.f32 $2.000000030e-01, v24;
	v33 =	vadd.f32 v25, v56  }
0x2cf: {  	v23 =	vld [tilespmem:s25+$0x10];
	vm13 =	vge.f32 v24, $0.0e+00;
	v49 =	vmul.f32 v28, v5;
	v29 =	vsel vm3, v29, v44  }
0x2d0: {  	v28 =	vld [tilespmem:s25+$0x20];
	v27 =	vadd.f32 v27, v21;
	v24 =	vsel vm13, v24, v46;
	v58 =	vperm.xlane v33, v1  }
0x2d1: {  	v25 =	vld [tilespmem:s25+$0xFFFFFFA0];
	v29 =	vmul.f32 v29, v5;
	v49 =	vadd.f32 $0.0e+00, v49;
	v60 =	vadd.f32 v26, v22  }
0x2d2: {  	v54 =	vld [tilespmem:s9+$0xFFFFFFB0];
	v48 =	vmul.f32 v24, v5;
	v59 =	vmul.f32 $2.000000030e-01, v27;
	v33 =	vadd.f32 v33, v58  }
0x2d3: {  	v26 =	vld [tilespmem:s25+$0xFFFFFFE0];
	vm2 =	vge.f32 v27, $0.0e+00;
	v56 =	vadd.f32 $0.0e+00, v29;
	v61 =	vmul.f32 $2.000000030e-01, v60  }
0x2d4: {  	v24 =	vld [tilespmem:s25+$0xFFFFFFB0];
	v45 =	vadd.f32 v45, v23;
	vm3 =	vge.f32 v60, $0.0e+00;
	v52 =	vperm.xlane v33, v2  }
0x2d5: {  	v48 =	vadd.f32 $0.0e+00, v48;
	v51 =	vadd.f32 v51, v28;
	v44 =	vsel vm2, v27, v59  }
0x2d6: {  	v47 =	vadd.f32 v47, v25;
	vm14 =	vge.f32 v45, $0.0e+00;
	v33 =	vadd.f32 v33, v52  }
0x2d7: {  	v53 =	vmul.f32 $2.000000030e-01, v45;
	v43 =	vsel vm3, v60, v61;
	v44 =	vmul.f32 v44, v6  }
0x2d8: {  	v29 =	vld [tilespmem:s25+$0x30];
	v61 =	vmul.f32 $2.000000030e-01, v51;
	v50 =	vadd.f32 v50, v26;
	v63 =	vperm.xlane v33, v3  }
0x2d9: {  	v60 =	vld [tilespmem:s9+$0x30];
	v43 =	vmul.f32 v43, v6;
	v54 =	vadd.f32 v54, v24;
	v62 =	vmul.f32 $2.000000030e-01, v47  }
0x2da: {  	v45 =	vsel vm14, v45, v53;
	vm2 =	vge.f32 v47, $0.0e+00;
	v33 =	vadd.f32 v33, v63  }
0x2db: {  	v27 =	vld [tilespmem:s25+$0xFFFFFFF0];
	v44 =	vadd.f32 v44, v48;
	v55 =	vmul.f32 $2.000000030e-01, v50;
	vm3 =	vge.f32 v50, $0.0e+00  }
0x2dc: {  	v52 =	vld [tilespmem:s9+$0xFFFFFFF0];
	v45 =	vmul.f32 v45, v6;
	v46 =	vsel vm2, v47, v62;
	v62 =	vperm.xlane v33, v4  }
0x2dd: {  	v43 =	vadd.f32 v43, v49;
	vm2 =	vge.f32 v51, $0.0e+00;
	v50 =	vsel vm3, v50, v55  }
0x2de: {  	v47 =	vsel vm2, v51, v61;
	v53 =	vadd.f32 v60, v29;
	v33 =	vadd.f32 v33, v62  }
0x2df: {  	v46 =	vmul.f32 v46, v7;
	v45 =	vadd.f32 v45, v56;
	v59 =	vmul.f32 v50, v7  }
0x2e0: {  	vm2 =	vge.f32 v54, $0.0e+00;
	v51 =	vpop (erf);
	v47 =	vmul.f32 v47, v7;
	v33 =	vmul.f32 $1.442695020e+00, v33  }
0x2e1: {  	v35 =	vmul.f32 v51, v35;
	v58 =	vmul.f32 $2.000000030e-01, v53;
	v52 =	vadd.f32 v52, v27  }
0x2e2: {  	v63 =	vmul.f32 $2.000000030e-01, v54;
	vm15 =	vge.f32 v53, $0.0e+00;
	(erf) = vpow2.f32 v33  }
0x2e3: {  	v45 =	vadd.f32 v47, v45;
	v48 =	vsel vm15, v53, v58;
	v57 =	vmul.f32 $2.000000030e-01, v52  }
0x2e4: {  	v60 =	vsel vm2, v54, v63;
	vm3 =	vge.f32 v52, $0.0e+00;
	v50 =	vmul.f32 v48, v8  }
0x2e5: {  	v44 =	vadd.f32 v46, v44;
	v62 =	vmul.f32 v60, v8;
	v61 =	vsel vm3, v52, v57  }
0x2e6: {  	s20 =	simm.s32 $0x10D10;
	v43 =	vadd.f32 v59, v43;
	v45 =	vadd.f32 v50, v45;
	v63 =	vmul.f32 v61, v8  }
0x2e7: {  	[tilespmem:s20+$0x68] =	vst v42;
	v42 =	vmul.f32 v51, v31;
	v44 =	vadd.f32 v62, v44  }
0x2e8: {  	[tilespmem:s20+$0x78] =	vst v34;
	v54 =	vperm.xlane v35, v4;
	v56 =	vperm.xlane v45, v1;
	v43 =	vadd.f32 v63, v43  }
0x2e9: {  	[tilespmem:s20+$0x48] =	vst v40;
	v55 =	vsel vm0, $0x0, v51;
	v30 =	vmul.f32 v51, v30;
	v53 =	vperm.xlane v44, v1;
	v33 =	vpop (erf)  }
0x2ea: {  	[tilespmem:s20+$0x58] =	vst v41;
	v61 =	vsel vm1, v54, v55;
	v57 =	vadd.f32 v45, v56;
	v49 =	vperm.xlane v43, v1;
	v34 =	vpop (erf)  }
0x2eb: {  	[tilespmem:s20+$0x80] =	vst v39;
	v44 =	vadd.f32 v44, v53;
	v36 =	vmul.f32 v33, v36;
	v52 =	vmul.f32 v34, v37;
	v37 =	vpop (erf)  }
0x2ec: {  	[tilespmem:s20+$0xFFFFFFA0] =	vst v35;
	v62 =	vperm.xlane v57, v2;
	v43 =	vadd.f32 v43, v49;
	v58 =	vmul.f32 v37, v38  }
0x2ed: {  	[tilespmem:s20+$0xFFFFFFA8] =	vst v61;
	v59 =	vperm.xlane v44, v2;
	v41 =	vperm.xlane v36, v4  }
0x2ee: {  	v40 =	vsel vm0, $0x0, v33;
	[tilespmem:s20+$0xFFFFFFE8] =	vst v36;
	v31 =	vperm.xlane v43, v2;
	v60 =	vperm.xlane v58, v4  }
0x2ef: {  	s16 =	simm.s32 $0x10E30;
	v39 =	vperm.xlane v52, v4;
	[tilespmem:s20+$0x30] =	vst v52;
	v35 =	vadd.f32 v44, v59;
	v63 =	vsel vm0, $0x0, v37  }
0x2f0: {  	v44 =	vadd.f32 v57, v62;
	v43 =	vadd.f32 v43, v31;
	[tilespmem:s16+$0x78] =	vst v58;
	v31 =	vsel vm1, v60, v63  }
0x2f1: {  	s11 =	simm.s32 $0x4700;
	s10 =	simm.s32 $0x4;
	v45 =	vperm.xlane v35, v3;
	v38 =	vsel vm0, $0x0, v34;
	[tilespmem:s16+$0x80] =	vst v31;
	v31 =	vmul.f32 v51, v32  }
.LBB2_20:
0x2f2: {  	v32 =	vld [tilespmem:s11+$0x40];
	v36 =	vperm.xlane v43, v3;
	s9 =	sadd.s32 $0x100, s9;
	[tilespmem:s20+$0xFFFFFF70] =	vst v42;
	v10 =	vmul.f32 v33, v10;
	v40 =	vsel vm1, v41, v40  }
0x2f3: {  	s10 =	sadd.s32 $0x4, s10;
	v12 =	vmul.f32 v33, v12;
	v41 =	vld [tilespmem:s9+$0x40];
	v35 =	vadd.f32 v35, v45;
	v42 =	vperm.xlane v44, v3;
	[tilespmem:s20+$0xFFFFFFF0] =	vst v40  }
0x2f4: {  	v14 =	vmul.f32 v33, v14;
	v9 =	vmul.f32 v34, v9;
	p0 =	slt.u32 s10, $0x7C;
	v40 =	vld [tilespmem:s11+$0x50];
	v36 =	vadd.f32 v43, v36;
	[tilespmem:s20+$0xFFFFFF80] =	vst v30  }
0x2f5: {  	v11 =	vmul.f32 v34, v11;
	v33 =	vld [tilespmem:s9+$0x50];
	v30 =	vperm.xlane v35, v4;
	v42 =	vadd.f32 v44, v42;
	[tilespmem:s20+$0xFFFFFF90] =	vst v31  }
0x2f6: {  	v13 =	vmul.f32 v34, v13;
	v31 =	vld [tilespmem:s11+$0x60];
	v43 =	vperm.xlane v36, v4;
	[tilespmem:s20+$0xFFFFFFB8] =	vst v10;
	v10 =	vsel vm1, v39, v38  }
0x2f7: {  	v39 =	vmul.f32 v37, v17;
	v34 =	vld [tilespmem:s9+$0x60];
	v35 =	vadd.f32 v35, v30;
	v38 =	vperm.xlane v42, v4;
	[tilespmem:s20+$0x38] =	vst v10  }
0x2f8: {  	v41 =	vadd.f32 v41, v32;
	v30 =	vld [tilespmem:s11+$0x70];
	v44 =	vadd.f32 v36, v43;
	v36 =	vmul.f32 v37, v18;
	[tilespmem:s20+$0xFFFFFFC8] =	vst v12  }
0x2f9: {  	v17 =	vmovc v32;
	v37 =	vmul.f32 v37, v19;
	v43 =	vld [tilespmem:s9+$0x70];
	v12 =	vmul.f32 $1.442695020e+00, v35;
	v35 =	vadd.f32 v42, v38;
	[tilespmem:s20+$0xFFFFFFD8] =	vst v14  }
0x2fa: {  	v18 =	vmovc v40;
	v10 =	vmovc v15;
	v38 =	vld [tilespmem:s9+$0xFFFFFF80];
	v14 =	vmul.f32 $2.000000030e-01, v41;
	v32 =	vadd.f32 v33, v40;
	v33 =	vmul.f32 $1.442695020e+00, v44;
	[tilespmem:s20+$0x0] =	vst v9  }
0x2fb: {  	vm2 =	vge.f32 v41, $0.0e+00;
	v9 =	vmovc v16;
	v15 =	vld [tilespmem:s11+$0xFFFFFFC0];
	v40 =	vmul.f32 $1.442695020e+00, v35;
	(erf) = vpow2.f32 v12;
	[tilespmem:s20+$0x10] =	vst v11;
	v19 =	vmovc v31  }
0x2fc: {  	v31 =	vmovc v21;
	v42 =	vld [tilespmem:s9+$0xFFFFFFC0];
	v35 =	vsel vm2, v41, v14;
	v44 =	vmul.f32 $2.000000030e-01, v32;
	v34 =	vadd.f32 v34, v19;
	[tilespmem:s20+$0x20] =	vst v13;
	s20 =	smov.u32 s16  }
0x2fd: {  	v11 =	vmovc v23;
	vm2 =	vge.f32 v32, $0.0e+00;
	v16 =	vld [tilespmem:s11+$0x0];
	v41 =	vmul.f32 v35, v5;
	[tilespmem:s16+$0x48] =	vst v39;
	(erf) = vpow2.f32 v33;
	v12 =	vmovc v22  }
0x2fe: {  	v23 =	vld [tilespmem:s9+$0x0];
	v21 =	vsel vm2, v32, v44;
	v22 =	vmul.f32 $2.000000030e-01, v34;
	v33 =	vadd.f32 v43, v30;
	[tilespmem:s16+$0x58] =	vst v36;
	v32 =	vmovc v25  }
0x2ff: {  	v13 =	vmovc v28;
	vm2 =	vge.f32 v34, $0.0e+00;
	v14 =	vmovc v26;
	v35 =	vld [tilespmem:s11+$0xFFFFFF80];
	v25 =	vadd.f32 $0.0e+00, v41;
	v36 =	vmul.f32 v21, v6;
	[tilespmem:s16+$0x68] =	vst v37  }
0x300: {  	v21 =	vld [tilespmem:s11+$0xFFFFFF90];
	v22 =	vsel vm2, v34, v22;
	v26 =	vmul.f32 $2.000000030e-01, v33;
	(erf) = vpow2.f32 v40  }
0x301: {  	vm2 =	vge.f32 v33, $0.0e+00;
	v28 =	vld [tilespmem:s9+$0xFFFFFF90];
	v25 =	vadd.f32 v36, v25;
	v34 =	vmul.f32 v22, v7  }
0x302: {  	v37 =	vadd.f32 v42, v15;
	v22 =	vld [tilespmem:s11+$0xFFFFFFD0];
	v26 =	vsel vm2, v33, v26  }
0x303: {  	v39 =	vld [tilespmem:s9+$0xFFFFFFD0];
	v40 =	vadd.f32 v23, v16;
	v25 =	vadd.f32 v34, v25;
	v26 =	vmul.f32 v26, v8  }
0x304: {  	vm2 =	vge.f32 v37, $0.0e+00;
	v34 =	vadd.f32 v38, v35;
	v38 =	vmul.f32 $2.000000030e-01, v37;
	v23 =	vld [tilespmem:s11+$0x10];
	v36 =	vpop (erf)  }
0x305: {  	vm3 =	vge.f32 v40, $0.0e+00;
	v41 =	vmul.f32 $2.000000030e-01, v40;
	v42 =	vld [tilespmem:s9+$0x10];
	v43 =	vadd.f32 v26, v25  }
0x306: {  	vm4 =	vge.f32 v34, $0.0e+00;
	v26 =	vmul.f32 $2.000000030e-01, v34;
	v44 =	vadd.f32 v28, v21;
	v25 =	vld [tilespmem:s11+$0xFFFFFFA0];
	v33 =	vpop (erf)  }
0x307: {  	v28 =	vsel vm2, v37, v38;
	v45 =	vld [tilespmem:s9+$0xFFFFFFA0];
	v37 =	vsel vm3, v40, v41;
	v38 =	vperm.xlane v43, v1  }
0x308: {  	v48 =	vsel vm4, v34, v26;
	v40 =	vmul.f32 $2.000000030e-01, v44;
	v39 =	vadd.f32 v39, v22;
	v26 =	vld [tilespmem:s11+$0xFFFFFFE0]  }
0x309: {  	v46 =	vmul.f32 v28, v5;
	v41 =	vmul.f32 v48, v5;
	v47 =	vld [tilespmem:s9+$0xFFFFFFE0];
	v38 =	vadd.f32 v43, v38;
	v34 =	vpop (erf)  }
0x30a: {  	v37 =	vmul.f32 v37, v5;
	v43 =	vmul.f32 $2.000000030e-01, v39;
	v42 =	vadd.f32 v42, v23;
	v28 =	vld [tilespmem:s11+$0x20]  }
0x30b: {  	vm2 =	vge.f32 v44, $0.0e+00;
	vm3 =	vge.f32 v39, $0.0e+00;
	v48 =	vld [tilespmem:s9+$0x20];
	v49 =	vperm.xlane v38, v2  }
0x30c: {  	v45 =	vadd.f32 v45, v25;
	v50 =	vld [tilespmem:s11+$0xFFFFFFB0];
	vm4 =	vge.f32 v42, $0.0e+00;
	v51 =	vmul.f32 $2.000000030e-01, v42  }
0x30d: {  	v40 =	vsel vm2, v44, v40;
	v39 =	vsel vm3, v39, v43;
	v44 =	vld [tilespmem:s9+$0xFFFFFFB0];
	v38 =	vadd.f32 v38, v49  }
0x30e: {  	v43 =	vmul.f32 $2.000000030e-01, v45;
	v47 =	vadd.f32 v47, v26;
	v49 =	vld [tilespmem:s11+$0xFFFFFFF0];
	v42 =	vsel vm4, v42, v51  }
0x30f: {  	v46 =	vadd.f32 $0.0e+00, v46;
	v41 =	vadd.f32 $0.0e+00, v41;
	v51 =	vld [tilespmem:s9+$0xFFFFFFF0];
	v52 =	vperm.xlane v38, v3  }
0x310: {  	v37 =	vadd.f32 $0.0e+00, v37;
	v53 =	vmul.f32 $2.000000030e-01, v47;
	v48 =	vadd.f32 v48, v28;
	v54 =	vld [tilespmem:s11+$0x30]  }
0x311: {  	v40 =	vmul.f32 v40, v6;
	v39 =	vmul.f32 v39, v6;
	v55 =	vld [tilespmem:s9+$0x30];
	v38 =	vadd.f32 v38, v52  }
0x312: {  	v42 =	vmul.f32 v42, v6;
	v44 =	vadd.f32 v44, v50;
	v52 =	vmul.f32 $2.000000030e-01, v48  }
0x313: {  	vm2 =	vge.f32 v45, $0.0e+00;
	vm3 =	vge.f32 v47, $0.0e+00;
	v56 =	vperm.xlane v38, v4  }
0x314: {  	v43 =	vsel vm2, v45, v43;
	vm2 =	vge.f32 v48, $0.0e+00;
	v45 =	vadd.f32 v51, v49  }
0x315: {  	v47 =	vsel vm3, v47, v53;
	v48 =	vsel vm2, v48, v52;
	v38 =	vadd.f32 v38, v56  }
0x316: {  	v51 =	vmul.f32 $2.000000030e-01, v44;
	v52 =	vmul.f32 $2.000000030e-01, v45;
	v53 =	vadd.f32 v55, v54  }
0x317: {  	v40 =	vadd.f32 v40, v41;
	v39 =	vadd.f32 v39, v46;
	v38 =	vmul.f32 $1.442695020e+00, v38  }
0x318: {  	v41 =	vmul.f32 v43, v7;
	v37 =	vadd.f32 v42, v37;
	v42 =	vmul.f32 $2.000000030e-01, v53  }
0x319: {  	v43 =	vmul.f32 v47, v7;
	vm2 =	vge.f32 v44, $0.0e+00;
	(erf) = vpow2.f32 v38  }
0x31a: {  	vm3 =	vge.f32 v45, $0.0e+00;
	vm4 =	vge.f32 v53, $0.0e+00;
	v38 =	vmul.f32 v48, v7  }
0x31b: {  	v44 =	vsel vm2, v44, v51;
	v45 =	vsel vm3, v45, v52;
	v42 =	vsel vm4, v53, v42  }
0x31c: {  	v40 =	vadd.f32 v41, v40;
	v39 =	vadd.f32 v43, v39;
	v41 =	vmul.f32 v44, v8  }
0x31d: {  	v43 =	vmul.f32 v45, v8;
	v37 =	vadd.f32 v38, v37;
	v38 =	vmul.f32 v42, v8  }
0x31e: {  	v41 =	vadd.f32 v41, v40;
	v40 =	vmul.f32 v36, v24;
	v24 =	vmovc v50;
	v42 =	vmul.f32 v33, v27  }
0x31f: {  	v43 =	vadd.f32 v43, v39;
	v39 =	vmul.f32 v34, v29;
	v27 =	vmovc v49;
	v38 =	vadd.f32 v38, v37  }
0x320: {  	v45 =	vsel vm0, $0x0, v36;
	v49 =	vperm.xlane v41, v1;
	v44 =	vperm.xlane v40, v4;
	v29 =	vmovc v54;
	[tilespmem:s16+$0xFFFFFFA0] =	vst v40  }
0x321: {  	v46 =	vperm.xlane v43, v1;
	v47 =	vperm.xlane v38, v1;
	v40 =	vsel vm0, $0x0, v33;
	[tilespmem:s16+$0xFFFFFFE8] =	vst v42  }
0x322: {  	v48 =	vadd.f32 v41, v49;
	v41 =	vperm.xlane v42, v4;
	v37 =	vpop (erf);
	[tilespmem:s16+$0x30] =	vst v39;
	v39 =	vperm.xlane v39, v4  }
0x323: {  	v43 =	vadd.f32 v43, v46;
	v46 =	vadd.f32 v38, v47;
	v30 =	vmul.f32 v37, v30  }
.Ltmp16:
0x324: {  	v47 =	vperm.xlane v48, v2;
	v42 =	vmul.f32 v36, v20;
	v38 =	vsel vm0, $0x0, v34;
	v20 =	vmovc v35;
	(pc) =	sbr.rel @p0 .LBB2_20-.Ltmp16, $4  }
0x325: {  	v44 =	vsel vm1, v44, v45;
	v49 =	vperm.xlane v43, v2;
	v50 =	vperm.xlane v30, v4  }
0x326: {  	s16 =	sadd.s32 $0x120, s16;
	v35 =	vadd.f32 v48, v47;
	v47 =	vperm.xlane v46, v2;
	v45 =	vsel vm0, $0x0, v37;
	[tilespmem:s20+$0xFFFFFFA8] =	vst v44  }
0x327: {  	v43 =	vadd.f32 v43, v49;
	[tilespmem:s16+$0x78] =	vst v30;
	v48 =	vsel vm1, v50, v45;
	v30 =	vmul.f32 v36, v31  }
0x328: {  	s11 =	sadd.s32 $0x100, s11;
	v44 =	vadd.f32 v46, v47;
	v45 =	vperm.xlane v35, v3;
	v31 =	vmul.f32 v36, v32;
	[tilespmem:s16+$0x80] =	vst v48  }
0x329: {  	_ = 	snop  }
0x32a: {  	v5 =	vperm.xlane v43, v3;
	v6 =	vadd.f32 v35, v45  }
0x32b: {  	v7 =	vperm.xlane v44, v3  }
0x32c: {  	v5 =	vadd.f32 v43, v5;
	v8 =	vperm.xlane v6, v4  }
0x32d: {  	v7 =	vadd.f32 v44, v7  }
0x32e: {  	v32 =	vperm.xlane v5, v4;
	v6 =	vadd.f32 v6, v8  }
0x32f: {  	v50 =	vperm.xlane v7, v4  }
0x330: {  	[tilespmem:s20+$0xFFFFFF70] =	vst v42;
	v5 =	vadd.f32 v5, v32;
	v6 =	vmul.f32 $1.442695020e+00, v6  }
0x331: {  	v51 =	vsel vm1, v41, v40;
	v52 =	vmul.f32 v33, v10;
	[tilespmem:s20+$0xFFFFFF80] =	vst v30;
	v7 =	vadd.f32 v7, v50  }
0x332: {  	[tilespmem:s20+$0xFFFFFFF0] =	vst v51;
	v5 =	vmul.f32 $1.442695020e+00, v5;
	(erf) = vpow2.f32 v6  }
0x333: {  	[tilespmem:s20+$0xFFFFFF90] =	vst v31;
	v7 =	vmul.f32 $1.442695020e+00, v7  }
0x334: {  	[tilespmem:s20+$0xFFFFFFB8] =	vst v52;
	v6 =	vsel vm1, v39, v38;
	(erf) = vpow2.f32 v5;
	v5 =	vmul.f32 v33, v12  }
0x335: {  	[tilespmem:s20+$0x38] =	vst v6;
	v6 =	vmul.f32 v34, v9  }
0x336: {  	(erf) = vpow2.f32 v7;
	v7 =	vmul.f32 v33, v14;
	[tilespmem:s20+$0xFFFFFFC8] =	vst v5  }
0x337: {  	v5 =	vmul.f32 v34, v11;
	[tilespmem:s20+$0x0] =	vst v6;
	v6 =	vmul.f32 v37, v17  }
0x338: {  	[tilespmem:s20+$0xFFFFFFD8] =	vst v7  }
0x339: {  	v7 =	vmul.f32 v34, v13;
	[tilespmem:s20+$0x10] =	vst v5  }
0x33a: {  	v5 =	vmul.f32 v37, v18;
	[tilespmem:s16+$0x48] =	vst v6  }
0x33b: {  	[tilespmem:s20+$0x20] =	vst v7;
	v7 =	vmul.f32 v37, v19;
	v6 =	vpop (erf)  }
0x33c: {  	[tilespmem:s16+$0x58] =	vst v5;
	v53 =	vmul.f32 v6, v24  }
0x33d: {  	[tilespmem:s16+$0x68] =	vst v7;
	v57 =	vmul.f32 v6, v20  }
0x33e: {  	v59 =	vmul.f32 v6, v21;
	[tilespmem:s16+$0xFFFFFFA0] =	vst v53  }
0x33f: {  	v5 =	vpop (erf);
	v56 =	vsel vm0, $0x0, v6;
	v6 =	vmul.f32 v6, v25;
	[tilespmem:s16+$0xFFFFFF70] =	vst v57  }
0x340: {  	v54 =	vmul.f32 v5, v27;
	[tilespmem:s16+$0xFFFFFF80] =	vst v59  }
0x341: {  	v7 =	vpop (erf);
	v61 =	vmul.f32 v5, v15;
	[tilespmem:s16+$0xFFFFFF90] =	vst v6  }
0x342: {  	v55 =	vmul.f32 v7, v29;
	[tilespmem:s16+$0xFFFFFFE8] =	vst v54  }
0x343: {  	v6 =	vmul.f32 v5, v22;
	[tilespmem:s16+$0xFFFFFFB8] =	vst v61  }
0x344: {  	v58 =	vsel vm0, $0x0, v5;
	v5 =	vmul.f32 v5, v26;
	[tilespmem:s16+$0x30] =	vst v55  }
0x345: {  	v8 =	vperm.xlane v53, v4;
	v63 =	vmul.f32 v7, v16;
	[tilespmem:s16+$0xFFFFFFC8] =	vst v6  }
0x346: {  	v9 =	vperm.xlane v54, v4;
	[tilespmem:s16+$0xFFFFFFD8] =	vst v5  }
0x347: {  	v8 =	vsel vm1, v8, v56;
	[tilespmem:s16+$0x0] =	vst v63  }
0x348: {  	v6 =	vmul.f32 v7, v23;
	[tilespmem:s16+$0xFFFFFFA8] =	vst v8;
	v9 =	vsel vm1, v9, v58  }
.Ltmp17:
0x349: {  	v60 =	vperm.xlane v55, v4;
	v5 =	vmul.f32 v7, v28;
	[tilespmem:s16+$0xFFFFFFF0] =	vst v9;
	(pc) =	sbr.rel .LBB2_22-.Ltmp17, $4  }
0x34a: {  	v62 =	vsel vm0, $0x0, v7;
	[tilespmem:s16+$0x10] =	vst v6  }
0x34b: {  	v8 =	vsel vm1, v60, v62;
	[tilespmem:s16+$0x20] =	vst v5  }
0x34c: {  	[tilespmem:s16+$0x38] =	vst v8  }
0x34d: {  	[spmem:s3] =	stream.indirect.scatter.add.f32 [tilespmem:s19], [sflag:$0x9], $0x48, s18, s26, $0xb8;
	[tilespmem:$0x1E4C0] =	vst v63  }
.LBB2_24:
0x34e: {  	_ =	sfence.sel $0x180000  }
0x34f: {  	[bflag:$0x0] =	sbarrier.arrive $0xFFFF  }
0x350: {  	_ =	strace $0x9000004A  }
0x351: {  	s0 =	stileid.u32;
	[bflag:$0x2] =	sbarrier.arrive $0xFFFF  }
0x352: {  	p0 =	sne.s32 s0, $0x0;
	s0 =	rddreg [dreg:$0x4]  }
0x353: {  	s0 =	sadd.s32 @!p0 $0x100000, s0  }
0x354: {  	[sflag:s0] =	ssyncadd.tile.s32 @!p0 $0x1;
	_ =	shalt  }
.Lfunc_end2:
_tile_overlayer_lowered:
.L_overlay_start_2:
0x355: {  	(tag) =	ssettag $0x2  }
0x356: {  	s0 =	rddreg [dreg:$0x0];
	s2 =	stileid.u32  }
0x357: {  	s1 =	rddreg [dreg:$0x1];
	p0 =	sne.s32 s2, $0x0  }
0x358: {  	s3 =	rddreg [dreg:$0x2];
	[bflag:$0x3] =	sbarrier.arrive $0xFFFF;
	s2 =	simm.s32 @!p0 $0x1C0A  }
0x359: {  	[timem:s3], [sflag:s2] =	dma.local @!p0 [hbm:s0], s1  }
0x35a: {  	s0 =	simm.s32 @!p0 $0xA  }
0x35b: {  	_ =	swait.ge @!p0 [sflag:s0], s1  }
0x35c: {  	s1 =	ssub.s32 @!p0 $0x0, s1;
	[sflag:s0] =	ssyncset.done @!p0 $0x0  }
0x35d: {  	[sflag:s0] =	ssyncadd.s32 @!p0 s1  }
0x35e: {  	[bflag:$0x3] =	sbarrier.arrive $0xFFFF  }
0x35f: {  	_ =	shalt  }

// kernel: kernel.7.cloned.1.call-start
scs
__scs_entry_jumppad:
0x0: {  	(pc) =	sbr.rel $0x88, $3  }
0x1: {  	(tag) =	ssettag $0x0;
	lr =	simm.s32 $0x1  }
0x2: {  	[smem:$0x3F93] =	sst lr;
	_ =	strace $0xD0000000  }
0x3: {  	_ = 	snop  }
0x4: {  	_ = 	snop  }
0x5: {  	_ = 	snop  }
0x6: {  	_ = 	snop  }
0x7: {  	_ = 	snop  }
__scs_overlays_trampoline_lowered:
0x8: {  	[smem:$0x3FA2] =	sst s0  }
0x9: {  	[smem:$0x3FA3] =	sst s1  }
0xa: {  	[smem:$0x3FA4] =	sst s2  }
0xb: {  	[smem:$0x3FA5] =	sst s3  }
0xc: {  	[smem:$0x3FA6] =	sst s4  }
0xd: {  	[smem:$0x3FA7] =	sst s5  }
0xe: {  	[smem:$0x3FA8] =	sst s6  }
0xf: {  	[smem:$0x3FA9] =	sst s7  }
0x10: {  	[smem:$0x3FAA] =	sst s8  }
0x11: {  	[smem:$0x3FAB] =	sst s9;
	s0 =	simm.s32 @!p0 $0x0  }
0x12: {  	s1 =	sld [smem:$0x3F91];
	s0 =	simm.s32 @p0 $0x1  }
0x13: {  	[smem:$0x3FAC] =	sst s0;
	s0 =	simm.s32 @!p1 $0x0  }
0x14: {  	s2 =	sld [smem:$0x3F90];
	s0 =	simm.s32 @p1 $0x1  }
0x15: {  	[smem:$0x3FAD] =	sst s0;
	s0 =	simm.s32 @!p2 $0x0  }
0x16: {  	s3 =	sld [smem:$0x3FDB];
	s0 =	simm.s32 @p2 $0x1  }
0x17: {  	s4 =	simm.s32 $0x1BF5;
	[smem:$0x3FAF] =	sst s0  }
0x18: {  	s0 =	sld [smem:$0x3F92];
	_ =	swait.ge [sflag:s4], $0x0  }
0x19: {  	s7 =	sld [smem:$0x3F93]  }
0x1a: {  	s8 =	sadd.s32 $0xFFFFE003, lr  }
0x1b: {  	s9 =	sadd.s32 $0xFFFFFEF7, lr;
	s5 =	simm.s32 $0xFFFFFFFF;
	p2 =	slt.u32 s8, $0xFFFFF086  }
0x1c: {  	p1 =	slt.u32 s9, $0xF7A;
	s5 =	simm.s32 @!p2 $0x0  }
0x1d: {  	s5 =	simm.s32 @p1 $0x1;
	p0 =	seq.s32 s7, s2  }
0x1e: {  	s7 =	smul.u32 @!p0 $0xF7A, s2;
	p2 =	seq.s32 @!p0 s5, $0x0  }
0x1f: {  	s9 =	smul.u32 $0xF7A, s1;
	s8 =	simm.s32 @!p0 $0x1BF5;
	p2 =	por !p2, p0  }
0x20: {  	[sflag:s8] =	ssyncset.s32 @!p0 $0xFFFFF086;
	s6 =	sadd.s32 @!p0 s3, s7;
	s7 =	simm.s32 @!p0 $0x108  }
0x21: {  	s3 =	sadd.s32 s3, s9;
	s6 =	sadd.s32 @!p0 $0x88, s6;
	s7 =	simm.s32 @p2 $0x1082  }
0x22: {  	[simem:s7], [sflag:s8] =	dma.local @!p0 [hbm:s6], $0xF7A  }
0x23: {  	s9 =	sor.u32 $0xD0000000, s2;
	s6 =	simm.s32 $0x108;
	_ =	swait.ge @!p0 [sflag:s8], $0x0  }
0x24: {  	s3 =	sadd.s32 $0x88, s3;
	s6 =	simm.s32 @!p1 $0x1082;
	[sflag:s4] =	ssyncset.s32 $0xFFFFF086  }
0x25: {  	[simem:s6], [sflag:s4] =	dma.local [hbm:s3], $0xF7A  }
0x26: {  	[smem:$0x3F93] =	sst s1;
	(tag) =	ssettag s2;
	_ =	strace s9  }
0x27: {  	s1 =	sld [smem:$0x3FA3]  }
0x28: {  	s2 =	sld [smem:$0x3FA4]  }
0x29: {  	s4 =	sld [smem:$0x3FA6]  }
0x2a: {  	p0 =	seq.s32 s5, $0x0;
	s5 =	sld [smem:$0x3FA7]  }
0x2b: {  	s6 =	sld [smem:$0x3FA8]  }
0x2c: {  	s7 =	sld [smem:$0x3FA9]  }
0x2d: {  	s3 =	simm.s32 $0x108;
	s8 =	sld [smem:$0x3FAA]  }
0x2e: {  	s3 =	simm.s32 @!p0 $0x1082;
	s9 =	sld [smem:$0x3FAB]  }
0x2f: {  	lr =	sadd.s32 s0, s3;
	s0 =	sld [smem:$0x3FA2]  }
0x30: {  	s3 =	sld [smem:$0x3FA5]  }
0x31: {  	[smem:$0x3FAE] =	sst s10  }
0x32: {  	s10 =	sld [smem:$0x3FAC];
	_ =	sdelay $0x3  }
0x33: {  	p0 =	seq.s32 s10, $0x1;
	s10 =	sld [smem:$0x3FAE];
	_ =	sdelay $0x3  }
0x34: {  	[smem:$0x3FAE] =	sst s10  }
0x35: {  	s10 =	sld [smem:$0x3FAD];
	_ =	sdelay $0x3  }
0x36: {  	p1 =	seq.s32 s10, $0x1;
	s10 =	sld [smem:$0x3FAE];
	_ =	sdelay $0x3  }
0x37: {  	[smem:$0x3FAE] =	sst s10  }
0x38: {  	s10 =	sld [smem:$0x3FAF]  }
0x39: {  	_ = 	snop;
	(pc) =	sbr.ind lr, $3  }
0x3a: {  	_ = 	snop  }
0x3b: {  	_ = 	snop  }
0x3c: {  	p2 =	seq.s32 s10, $0x1;
	s10 =	sld [smem:$0x3FAE]  }
0x3d: {  	_ =	shalt  }
0x3e: {  	_ =	shalt  }
0x3f: {  	_ =	shalt  }
0x40: {  	_ =	shalt  }
0x41: {  	_ =	shalt  }
0x42: {  	_ =	shalt  }
0x43: {  	_ =	shalt  }
0x44: {  	_ =	shalt  }
0x45: {  	_ =	shalt  }
0x46: {  	_ =	shalt  }
0x47: {  	_ =	shalt  }
0x48: {  	_ =	shalt  }
0x49: {  	_ =	shalt  }
0x4a: {  	_ =	shalt  }
0x4b: {  	_ =	shalt  }
0x4c: {  	_ =	shalt  }
0x4d: {  	_ =	shalt  }
0x4e: {  	_ =	shalt  }
0x4f: {  	_ =	shalt  }
0x50: {  	_ =	shalt  }
0x51: {  	_ =	shalt  }
0x52: {  	_ =	shalt  }
0x53: {  	_ =	shalt  }
0x54: {  	_ =	shalt  }
0x55: {  	_ =	shalt  }
0x56: {  	_ =	shalt  }
0x57: {  	_ =	shalt  }
0x58: {  	_ =	shalt  }
0x59: {  	_ =	shalt  }
0x5a: {  	_ =	shalt  }
0x5b: {  	_ =	shalt  }
0x5c: {  	_ =	shalt  }
0x5d: {  	_ =	shalt  }
0x5e: {  	_ =	shalt  }
0x5f: {  	_ =	shalt  }
0x60: {  	_ =	shalt  }
0x61: {  	_ =	shalt  }
0x62: {  	_ =	shalt  }
0x63: {  	_ =	shalt  }
0x64: {  	_ =	shalt  }
0x65: {  	_ =	shalt  }
0x66: {  	_ =	shalt  }
0x67: {  	_ =	shalt  }
0x68: {  	_ =	shalt  }
0x69: {  	_ =	shalt  }
0x6a: {  	_ =	shalt  }
0x6b: {  	_ =	shalt  }
0x6c: {  	_ =	shalt  }
0x6d: {  	_ =	shalt  }
0x6e: {  	_ =	shalt  }
0x6f: {  	_ =	shalt  }
0x70: {  	_ =	shalt  }
0x71: {  	_ =	shalt  }
0x72: {  	_ =	shalt  }
0x73: {  	_ =	shalt  }
0x74: {  	_ =	shalt  }
0x75: {  	_ =	shalt  }
0x76: {  	_ =	shalt  }
0x77: {  	_ =	shalt  }
0x78: {  	_ =	shalt  }
0x79: {  	_ =	shalt  }
0x7a: {  	_ =	shalt  }
0x7b: {  	_ =	shalt  }
0x7c: {  	_ =	shalt  }
0x7d: {  	_ =	shalt  }
0x7e: {  	_ =	shalt  }
0x7f: {  	_ =	shalt  }
0x80: {  	_ =	shalt  }
0x81: {  	_ =	shalt  }
0x82: {  	_ =	shalt  }
0x83: {  	_ =	shalt  }
0x84: {  	_ =	shalt  }
0x85: {  	_ =	shalt  }
0x86: {  	_ =	shalt  }
0x87: {  	_ =	shalt  }
.Lfunc_end0:
.L_simem_size_0:
called_computation_lowered:
.L_overlay_start_0:
0x88: {  	s2 =	sld [smem:$0x3FD9]  }
0x89: {  	s3 =	sld [smem:$0x3FFE];
	_ =	sdelay $0x1  }
0x8a: {  	s1 =	srdreg.scid  }
0x8b: {  	s0 =	sand.u32 $0x1, s1  }
0x8c: {  	s17 =	sshll.u32 s0, $0xA;
	s2 =	sadd.s32 s3, s2  }
0x8d: {  	s2 =	sadd.s32 s2, s17  }
0x8e: {  	[smem:$0x3FBA] =	sst s2  }
0x8f: {  	_ = 	snop  }
0x90: {  	s2 =	sld [smem:$0x3FC3]  }
0x91: {  	s18 =	sld [smem:$0x3FD0];
	(tm) =	ssettm $0x1  }
0x92: {  	s4 =	sld [smem:$0x3FFB];
	_ =	sdelay $0x3  }
0x93: {  	_ =	strace s4  }
0x94: {  	s4 =	sld [smem:$0x3FFC];
	_ =	sdelay $0x3  }
0x95: {  	_ =	strace s4  }
0x96: {  	s4 =	sld [smem:$0x3FFD];
	_ =	sdelay $0x3  }
0x97: {  	_ =	strace s4  }
0x98: {  	_ =	strace $0x8FFFFFFF  }
0x99: {  	s19 =	sld [smem:$0x3FDB];
	_ =	sdelay $0x1  }
0x9a: {  	s5 =	simm.s32 $_scs_section_size  }
0x9b: {  	s6 =	simm.s32 $_size__tile_overlayer_lowered;
	s7 =	simm.s32 $_tile_overlayer_lowered  }
0x9c: {  	s22 =	simm.s32 $0x1BFF;
	s21 =	sshll.u32 s7, $0x1;
	s4 =	sadd.s32 s5, s19  }
0x9d: {  	s8 =	simm.s32 $0x0;
	s20 =	sshll.u32 s6, $0x1;
	s6 =	sadd.s32 s21, s4  }
0x9e: {  	[timem:s8], [sflag:s22] =	dma.local [hbm:s6], s20  }
0x9f: {  	_ =	swait.ge [sflag:s22], s20  }
0xa0: {  	s5 =	ssub.s32 $0x0, s20;
	[sflag:s22] =	ssyncset.done $0x0  }
0xa1: {  	[sflag:s22] =	ssyncadd.s32 s5;
	_ =	sdelay $0x1  }
0xa2: {  	s23 =	simm.s32 $0x1B8B  }
0xa3: {  	_ =	swait.ge [sflag:s23], $0x1  }
0xa4: {  	[sflag:s23] =	ssyncset.done $0x0  }
0xa5: {  	s25 =	simm.s32 $0x1B8E;
	s24 =	sld [smem:$0x3FFE];
	[sflag:s23] =	ssyncadd.s32 $0xFFFFFFFF  }
0xa6: {  	s26 =	simm.s32 $execute0_lowered;
	[smem:$0x3FD2] =	sst s25  }
0xa7: {  	s6 =	sshll.u32 s26, $0x1;
	_ =	strace $0x80000046;
	[dreg:$0x1] =	wrdreg $0xFFFFFFFF  }
0xa8: {  	s28 =	simm.s32 $_size_execute0_lowered;
	s4 =	sadd.s32 s4, s6;
	[dreg:$0x0] =	wrdreg $0x0  }
0xa9: {  	s6 =	sshll.u32 s28, $0x1;
	[dreg:$0x2] =	wrdreg s4  }
0xaa: {  	[dreg:$0x3] =	wrdreg s6  }
0xab: {  	[dreg:$0x4] =	wrdreg $0xC0  }
0xac: {  	_ =	task [dreg:s8], $0x5FFFF  }
0xad: {  	[dreg:$0x1] =	wrdreg $0xFFFFFFFF  }
0xae: {  	[dreg:$0x0] =	wrdreg $0x60  }
0xaf: {  	[dreg:$0x2] =	wrdreg s18  }
0xb0: {  	[dreg:$0x3] =	wrdreg s24  }
0xb1: {  	[dreg:$0x4] =	wrdreg s2  }
0xb2: {  	[dreg:$0x5] =	wrdreg $0x130C00  }
0xb3: {  	[dreg:$0x6] =	wrdreg $0x9  }
0xb4: {  	_ =	task.clear_ibuf [dreg:s8], $0x7FFFF;
	_ =	strace $0x90000046  }
0xb5: {  	s29 =	simm.s32 $0x9;
	_ =	strace $0x80000048  }
0xb6: {  	_ =	swait.ge [sflag:s29], $0x1  }
0xb7: {  	[sflag:s29] =	ssyncadd.s32 $0xFFFFFFFF  }
0xb8: {  	_ =	strace $0x90000048  }
0xb9: {  	_ =	sfence  }
0xba: {  	s30 =	sld [smem:$0x0];
	_ =	sdelay $0x2  }
0xbb: {  	s31 =	sshll.u32 s1, $0xD;
	s1 =	sshrl.u32 s1, $0x2  }
0xbc: {  	s3 =	sand.u32 $0x4000, s31;
	s1 =	sadd.s32 s1, s30  }
0xbd: {  	s0 =	sor.u32 s3, s0;
	s1 =	sshll.u32 s1, $0x11  }
0xbe: {  	s0 =	sor.u32 s1, s0  }
0xbf: {  	s0 =	sadd.s32 $0x8F2B, s0  }
0xc0: {  	[sflag:s0] =	ssyncadd.remote.s32 $0x1  }
0xc1: {  	_ =	sfence.sel $0xFFFF  }
0xc2: {  	[dreg:$0x0] =	wrdreg $0xFFFFFFFF;
	(pc) =	sbr.abs _section_cstart, $3  }
0xc3: {  	[dreg:$0x1] =	wrdreg $0xFFFFFFFF  }
0xc4: {  	_ =	task.clear_ibuf [dreg:s8], $0x2FFFF;
	_ =	strace $0x9FFFFFFF  }
0xc5: {  	(tm) =	ssettm $0x7FFFFFFF  }
tec
execute0_lowered:
.L_overlay_start_1:
0x0: {  	(tag) =	ssettag $0x1  }
0x1: {  	s1 =	rddreg [dreg:$0x0]  }
0x2: {  	s0 =	rddreg [dreg:$0x1]  }
0x3: {  	s3 =	rddreg [dreg:$0x3]  }
0x4: {  	s2 =	srdreg.scid;
	s5 =	simm.s32 $0x0;
	s11 =	stileid.u32  }
0x5: {  	s28 =	simm.s32 $0x480;
	s29 =	simm.s32 $0x6480;
	s30 =	simm.s32 $0x200  }
0x6: {  	s31 =	simm.s32 $0x2480;
	s15 =	simm.s32 $0x380;
	s2 =	sand.u32 $0x1, s2  }
0x7: {  	[smem:$0x7FF] =	sst s5;
	s9 =	smul.u32 $0xB400, s11;
	s6 =	sadd.s32 $0x15800, s0  }
0x8: {  	s8 =	sshll.u32 s11, $0x1;
	s7 =	sadd.s32 $0x1E00, s0;
	s18 =	smul.u32 $0x2D000, s11  }
0x9: {  	s4 =	smul.u32 $0xB4000, s2;
	s8 =	sor.u32 s2, s8;
	s2 =	ssub.s32 $0x2, s2  }
0xa: {  	_ =	strace $0x80000047;
	s17 =	sshll.u32 s8, $0x4;
	s10 =	sshrl.u32 s2, $0x1  }
0xb: {  	s13 =	sor.u32 $0x20, s8;
	s14 =	sor.u32 $0x40, s8;
	s22 =	sadd.s32 s9, s3  }
0xc: {  	s4 =	sadd.s32 s9, s4;
	s12 =	sadd.s32 s7, s17;
	s2 =	ssub.s32 s2, s10  }
0xd: {  	v0 =	vimm.s32 $0xEFCDAB89;
	v1 =	vimm.s32 $0x67452301;
	s17 =	simm.s32 $0xE880;
	s19 =	sadd.s32 $0x9C40, s12;
	[dreg:$0x5] =	wrdreg s12  }
0xe: {  	v2 =	vimm.s32 $0xDCFE98BA;
	v3 =	vimm.s32 $0x54761032;
	s10 =	simm.s32 $0x0;
	s20 =	sadd.s32 $0x200, s12;
	[dreg:$0x6] =	wrdreg s19  }
0xf: {  	v4 =	vimm.s32 $0xBA98FEDC;
	v5 =	vimm.s32 $0x32107654;
	s4 =	sshrl.u32 s4, $0x3;
	s21 =	sadd.s32 $0x9E40, s12;
	[dreg:$0x7] =	wrdreg s20  }
0x10: {  	v6 =	vimm.s32 $0xFEDCBA98;
	v7 =	vimm.s32 $0x76543210;
	v0 =	vunpack.c.l.s4.s8 v0;
	s2 =	smax.u32 s2, $0x1;
	s12 =	simm.s32 $0x300;
	[dreg:$0x8] =	wrdreg s21  }
0x11: {  	v1 =	vunpack.c.l.s4.s8 v1;
	v2 =	vunpack.c.l.s4.s8 v2;
	v3 =	vunpack.c.l.s4.s8 v3;
	s0 =	sadd.s32 s4, s0;
	s4 =	sshrl.u32 s18, $0x2;
	[dreg:$0xb] =	wrdreg s2  }
0x12: {  	v4 =	vunpack.c.l.s4.s8 v4;
	v5 =	vunpack.c.l.s4.s8 v5;
	v6 =	vunpack.c.l.s4.s8 v6;
	s2 =	simm.s32 $0xC480;
	s18 =	simm.s32 $0x400;
	s0 =	sadd.s32 $0x29200, s0  }
0x13: {  	v0 =	vunpack.c.0.s8.s32 v0;
	v1 =	vunpack.c.0.s8.s32 v1;
	v2 =	vunpack.c.0.s8.s32 v2;
	s19 =	simm.s32 $0x10C80;
	s4 =	sadd.s32 s4, s3;
	[dreg:$0x9] =	wrdreg s0  }
0x14: {  	v3 =	vunpack.c.0.s8.s32 v3;
	v4 =	vunpack.c.0.s8.s32 v4;
	v5 =	vunpack.c.0.s8.s32 v5;
	s23 =	sadd.s32 $0x2400, s4;
	s24 =	sadd.s32 $0x4800, s4;
	[dreg:$0xa] =	wrdreg s4  }
.Ltmp0:
0x15: {  	v7 =	vunpack.c.l.s4.s8 v7;
	v1 =	vcombine.low v1, v0;
	s25 =	sadd.s32 $0x6C00, s4;
	[dreg:$0xc] =	wrdreg s23;
	(pc) =	sbr.rel .LBB2_1-.Ltmp0, $4  }
0x16: {  	v2 =	vcombine.low v3, v2;
	v3 =	vcombine.low v5, v4;
	v4 =	vunpack.c.0.s8.s32 v6;
	s26 =	sadd.s32 $0x9000, s4;
	s0 =	sshrl.u32 s22, $0x3;
	[dreg:$0xd] =	wrdreg s24  }
0x17: {  	vm0 =	vcmask $0x3F24;
	vm1 =	vmmov $0xff;
	v5 =	vunpack.c.0.s8.s32 v7;
	s22 =	simm.s32 $0x100;
	s4 =	simm.s32 $0x280;
	[dreg:$0xe] =	wrdreg s25  }
0x18: {  	v0 =	vimm.f32 $0.0e+00;
	v1 =	vand.u32 $0xF, v1;
	v4 =	vand.u32 $0xF, v4;
	[dreg:$0xf] =	wrdreg s26;
	s23 =	simm.s32 $0xA;
	s24 =	simm.s32 $0x180  }
0x19: {  	v2 =	vand.u32 $0xF, v2;
	v3 =	vand.u32 $0xF, v3;
	v4 =	vcombine.low v4, v5;
	[dreg:$0x10] =	wrdreg s0;
	s26 =	simm.s32 $0x80;
	s0 =	simm.s32 $0x8480  }
.LBB2_23:
0x1a: {  	s9 =	stileid.u32;
	[bflag:$0x0] =	sbarrier.arrive $0xFFFF  }
0x1b: {  	s9 =	sshll.u32 s9, $0x6;
	s10 =	rddreg [dreg:$0x9]  }
0x1c: {  	s11 =	rddreg [dreg:$0x10];
	s9 =	sor.u32 $0x1C0A, s9  }
0x1d: {  	[hbm:s10], [sflag:s9] =	dma.local [spmem:s11], $0x1680  }
0x1e: {  	_ =	swait.ge [sflag:s23], $0x1680  }
0x1f: {  	s21 =	rddreg [dreg:$0x11]  }
0x20: {  	s25 =	rddreg [dreg:$0xb];
	s10 =	sadd.s32 $0x1, s21  }
0x21: {  	p0 =	sne.s32 s10, s25  }
.Ltmp1:
0x22: {  	_ = 	snop;
	(pc) =	sbr.rel @!p0 .LBB2_24-.Ltmp1, $3  }
0x23: {  	_ =	sdelay $0x1  }
0x24: {  	[sflag:s23] =	ssyncset.done $0x0  }
0x25: {  	[sflag:s23] =	ssyncadd.s32 $0xFFFFE980  }
.LBB2_1:
0x26: {  	[dreg:$0x11] =	wrdreg s10  }
0x27: {  	s9 =	rddreg [dreg:$0x2];
	s11 =	simm.s32 $0x13080  }
0x28: {  	[tilespmem:s11], [sflag:$0xA] =	stream.linear.gather [hbm4b:s9+s5], $0x40, $0x38;
	[tilespmem:$0x1E4C0] =	vst v63  }
0x29: {  	_ =	swait.ge [sflag:s23], $0x40  }
0x2a: {  	[sflag:s23] =	ssyncset.done $0x0  }
0x2b: {  	s16 =	rddreg [dreg:$0x5];
	[sflag:s23] =	ssyncadd.s32 $0xFFFFFFC0  }
0x2c: {  	[tilespmem:s5], [sflag:$0xA] =	stream.linear.gather [hbm4b:s16+s5], $0x80, $0x38;
	[tilespmem:$0x1E4C0] =	vst v63  }
0x2d: {  	_ =	swait.ge [sflag:s23], $0x80  }
0x2e: {  	[sflag:s23] =	ssyncset.done $0x0  }
0x2f: {  	s20 =	rddreg [dreg:$0x6];
	[sflag:s23] =	ssyncadd.s32 $0xFFFFFF80  }
0x30: {  	[tilespmem:s24], [sflag:$0xA] =	stream.linear.gather [hbm4b:s20+s5], $0x80, $0x38;
	[tilespmem:$0x1E4C0] =	vst v63  }
0x31: {  	_ =	swait.ge [sflag:s23], $0x80  }
0x32: {  	[sflag:s23] =	ssyncset.done $0x0  }
0x33: {  	[sflag:s23] =	ssyncadd.s32 $0xFFFFFF80  }
0x34: {  	[tilespmem:s28], [sflag:$0x1] =	stream.indirect.gather [hbm4b:s1+s26], $0x40, s5, s26, $0xb8;
	[tilespmem:$0x1E4C0] =	vst v63  }
0x35: {  	_ = 	snop  }
0x36: {  	[tilespmem:s29], [sflag:$0x2] =	stream.indirect.gather [hbm4b:s6+s26], $0x40, s24, s26, $0xb8;
	[tilespmem:$0x1E4C0] =	vst v63  }
0x37: {  	s21 =	rddreg [dreg:$0x7]  }
0x38: {  	[tilespmem:s26], [sflag:$0xA] =	stream.linear.gather [hbm4b:s21+s5], $0x80, $0x38;
	[tilespmem:$0x1E4C0] =	vst v63  }
0x39: {  	_ =	swait.ge [sflag:s23], $0x80  }
0x3a: {  	[sflag:s23] =	ssyncset.done $0x0  }
0x3b: {  	s25 =	rddreg [dreg:$0x8];
	[sflag:s23] =	ssyncadd.s32 $0xFFFFFF80  }
0x3c: {  	[tilespmem:s30], [sflag:$0xA] =	stream.linear.gather [hbm4b:s25+s5], $0x80, $0x38;
	[tilespmem:$0x1E4C0] =	vst v63  }
0x3d: {  	_ =	swait.ge [sflag:s23], $0x80  }
0x3e: {  	[sflag:s23] =	ssyncset.done $0x0  }
0x3f: {  	[sflag:s23] =	ssyncadd.s32 $0xFFFFFF80  }
0x40: {  	[tilespmem:s31], [sflag:$0x3] =	stream.indirect.gather [hbm4b:s1+s26], $0x40, s26, s26, $0xb8;
	[tilespmem:$0x1E4C0] =	vst v63  }
0x41: {  	s9 =	simm.s32 $0x0  }
0x42: {  	[tilespmem:s0], [sflag:$0x4] =	stream.indirect.gather [hbm4b:s6+s26], $0x40, s30, s26, $0xb8;
	[tilespmem:$0x1E4C0] =	vst v63  }
0x43: {  	s10 =	simm.s32 $0x120;
	[tilespmem:s9+$0xC4A0] =	vst v0  }
.LBB2_2:
0x44: {  	p0 =	sne.s32 s10, $0x8EE0;
	[tilespmem:s9+$0xC490] =	vst v0;
	s11 =	smov.u32 s10;
	s10 =	sadd.s32 $0x120, s10  }
.Ltmp2:
0x45: {  	[tilespmem:s9+$0xC4B0] =	vst v0;
	(pc) =	sbr.rel @p0 .LBB2_2-.Ltmp2, $4  }
0x46: {  	[tilespmem:s9+$0xC4B8] =	vst v0  }
0x47: {  	[tilespmem:s9+$0xC480] =	vst v0  }
0x48: {  	s9 =	sshra.s32 s11, $0x2  }
0x49: {  	[tilespmem:s9+$0xC4A0] =	vst v0  }
0x4a: {  	[tilespmem:s9+$0xC490] =	vst v0  }
0x4b: {  	[tilespmem:s9+$0xC4B0] =	vst v0  }
0x4c: {  	[tilespmem:s9+$0xC480] =	vst v0  }
0x4d: {  	s11 =	rddreg [dreg:$0xa];
	[tilespmem:s9+$0xC4B8] =	vst v0  }
0x4e: {  	[spmem:s11] =	stream.linear.scatter [tilespmem:s2], [sflag:$0xA], $0x2400, $0x38;
	[tilespmem:$0x1E4C0] =	vst v63  }
0x4f: {  	_ =	swait.ge [sflag:s23], $0x2400  }
0x50: {  	[sflag:s23] =	ssyncset.done $0x0  }
0x51: {  	s16 =	rddreg [dreg:$0xc];
	[sflag:s23] =	ssyncadd.s32 $0xFFFFDC00  }
0x52: {  	[spmem:s16] =	stream.linear.scatter [tilespmem:s2], [sflag:$0xA], $0x2400, $0x38;
	[tilespmem:$0x1E4C0] =	vst v63  }
0x53: {  	_ =	swait.ge [sflag:s23], $0x2400  }
0x54: {  	[sflag:s23] =	ssyncset.done $0x0  }
0x55: {  	s20 =	rddreg [dreg:$0xd];
	[sflag:s23] =	ssyncadd.s32 $0xFFFFDC00  }
0x56: {  	[spmem:s20] =	stream.linear.scatter [tilespmem:s2], [sflag:$0xA], $0x2400, $0x38;
	[tilespmem:$0x1E4C0] =	vst v63  }
0x57: {  	_ =	swait.ge [sflag:s23], $0x2400  }
0x58: {  	[sflag:s23] =	ssyncset.done $0x0  }
0x59: {  	s21 =	rddreg [dreg:$0xe];
	[sflag:s23] =	ssyncadd.s32 $0xFFFFDC00  }
0x5a: {  	[spmem:s21] =	stream.linear.scatter [tilespmem:s2], [sflag:$0xA], $0x2400, $0x38;
	[tilespmem:$0x1E4C0] =	vst v63  }
0x5b: {  	_ =	swait.ge [sflag:s23], $0x2400  }
0x5c: {  	[sflag:s23] =	ssyncset.done $0x0  }
0x5d: {  	s25 =	rddreg [dreg:$0xf];
	[sflag:s23] =	ssyncadd.s32 $0xFFFFDC00  }
0x5e: {  	[spmem:s25] =	stream.linear.scatter [tilespmem:s2], [sflag:$0xA], $0x2400, $0x38;
	[tilespmem:$0x1E4C0] =	vst v63  }
.Ltmp3:
0x5f: {  	_ =	swait.ge [sflag:s23], $0x2400;
	(pc) =	sbr.rel .LBB2_4-.Ltmp3, $4  }
0x60: {  	[sflag:s23] =	ssyncset.done $0x0  }
0x61: {  	[sflag:s23] =	ssyncadd.s32 $0xFFFFDC00  }
0x62: {  	[bflag:$0x0] =	sbarrier.arrive $0xFFFF  }
0x63: {  	s21 =	simm.s32 $0x0  }
.LBB2_22:
0x64: {  	s21 =	sadd.s32 $0x1, s21  }
0x65: {  	p0 =	sne.s32 s21, $0x1C  }
.Ltmp4:
0x66: {  	_ = 	snop;
	(pc) =	sbr.rel @!p0 .LBB2_23-.Ltmp4, $1  }
0x67: {  	_ =	sdelay $0x3  }
.LBB2_4:
0x68: {  	s25 =	smul.u32 $0x60, s21;
	_ =	sdelay $0x1  }
0x69: {  	s9 =	sor.u32 s8, s25  }
0x6a: {  	p1 =	sgt.u32 s9, $0x9C3  }
0x6b: {  	s10 =	simm.s32 @!p1 $0x1  }
0x6c: {  	_ =	swait.ge @!p1 [sflag:s10], $0x2000  }
0x6d: {  	[sflag:s10] =	ssyncset.done @!p1 $0x0  }
0x6e: {  	p0 =	seq.s32 s21, $0x0;
	[sflag:s10] =	ssyncadd.s32 @!p1 $0xFFFFE000;
	s10 =	simm.s32 @!p1 $0x2  }
0x6f: {  	p2 =	sgt.u32 @!p0 s9, $0xA23;
	p3 =	sgt.u32 s9, $0x983;
	_ =	swait.ge @!p1 [sflag:s10], $0x2000  }
.Ltmp5:
0x70: {  	p2 =	por p2, p0;
	[sflag:s10] =	ssyncset.done @!p1 $0x0;
	(pc) =	sbr.rel @p3 .LBB2_6-.Ltmp5, $4  }
0x71: {  	[sflag:s10] =	ssyncadd.s32 @!p1 $0xFFFFE000;
	s10 =	simm.s32 @!p2 $0x7  }
0x72: {  	_ =	swait.ge @!p2 [sflag:s10], $0x2400  }
0x73: {  	[sflag:s10] =	ssyncset.done @!p2 $0x0  }
0x74: {  	[sflag:s10] =	ssyncadd.s32 @!p2 $0xFFFFDC00  }
0x75: {  	s9 =	sshll.u32 s9, $0x4  }
0x76: {  	s9 =	sand.u32 $0x1FFFFFF0, s9  }
0x77: {  	s9 =	sadd.s32 s7, s9  }
0x78: {  	s10 =	sadd.s32 $0x400, s9  }
0x79: {  	[tilespmem:s22], [sflag:$0xA] =	stream.linear.gather [hbm4b:s10+s5], $0x80, $0x38;
	[tilespmem:$0x1E4C0] =	vst v63  }
0x7a: {  	_ =	swait.ge [sflag:s23], $0x80  }
0x7b: {  	[sflag:s23] =	ssyncset.done $0x0  }
0x7c: {  	s9 =	sadd.s32 $0xA040, s9;
	[sflag:s23] =	ssyncadd.s32 $0xFFFFFF80  }
0x7d: {  	[tilespmem:s4], [sflag:$0xA] =	stream.linear.gather [hbm4b:s9+s5], $0x80, $0x38;
	[tilespmem:$0x1E4C0] =	vst v63  }
0x7e: {  	_ =	swait.ge [sflag:s23], $0x80  }
.Ltmp6:
0x7f: {  	[sflag:s23] =	ssyncset.done $0x0;
	(pc) =	sbr.rel .LBB2_7-.Ltmp6, $4  }
0x80: {  	s16 =	simm.s32 $0x4480;
	[sflag:s23] =	ssyncadd.s32 $0xFFFFFF80  }
0x81: {  	[tilespmem:s16], [sflag:$0x5] =	stream.indirect.gather [hbm4b:s1+s26], $0x40, s22, s26, $0xb8;
	[tilespmem:$0x1E4C0] =	vst v63  }
0x82: {  	s20 =	simm.s32 $0xA480  }
0x83: {  	[tilespmem:s20], [sflag:$0x6] =	stream.indirect.gather [hbm4b:s6+s26], $0x40, s4, s26, $0xb8;
	[tilespmem:$0x1E4C0] =	vst v63  }
.LBB2_6:
.Ltmp7:
0x84: {  	(pc) =	sbr.rel @p1 .LBB2_10-.Ltmp7, $1  }
0x85: {  	_ =	sdelay $0x3  }
.LBB2_7:
0x86: {  	v5 =	vld [tilespmem:$0x180]  }
0x87: {  	v6 =	vld [tilespmem:$0x190]  }
0x88: {  	v7 =	vld [tilespmem:$0x1A0]  }
0x89: {  	v8 =	vld [tilespmem:$0x1B0]  }
0x8a: {  	v9 =	vld [tilespmem:$0x1C0]  }
0x8b: {  	v10 =	vld [tilespmem:$0x1D0];
	[tilespmem:$0x300] =	vst v5  }
0x8c: {  	v11 =	vld [tilespmem:$0x1E0];
	[tilespmem:$0x310] =	vst v6  }
0x8d: {  	v12 =	vld [tilespmem:$0x1F0];
	[tilespmem:$0x320] =	vst v7  }
0x8e: {  	[tilespmem:$0x330] =	vst v8  }
0x8f: {  	[tilespmem:$0x340] =	vst v9  }
0x90: {  	[tilespmem:$0x350] =	vst v10  }
0x91: {  	v5 =	vld [tilespmem:$0x13080];
	[tilespmem:$0x360] =	vst v11  }
0x92: {  	s10 =	simm.s32 $0x500;
	v6 =	vld [tilespmem:$0x13090];
	[tilespmem:$0x370] =	vst v12  }
0x93: {  	s9 =	simm.s32 $0x6500;
	v20 =	vld [tilespmem:s10+$0x40]  }
0x94: {  	v9 =	vld [tilespmem:s9+$0x40]  }
0x95: {  	v16 =	vld [tilespmem:s10+$0x50]  }
0x96: {  	v10 =	vld [tilespmem:s9+$0x50]  }
0x97: {  	v15 =	vld [tilespmem:s10+$0x60]  }
0x98: {  	v11 =	vld [tilespmem:s9+$0x60]  }
0x99: {  	v18 =	vld [tilespmem:s10+$0x70]  }
0x9a: {  	v12 =	vld [tilespmem:s9+$0x70]  }
0x9b: {  	v13 =	vld [tilespmem:s9+$0xFFFFFF80]  }
0x9c: {  	v31 =	vld [tilespmem:s10+$0xFFFFFF80]  }
0x9d: {  	v32 =	vld [tilespmem:s10+$0xFFFFFFA0]  }
0x9e: {  	v27 =	vld [tilespmem:s9+$0xFFFFFFA0];
	v9 =	vadd.f32 v9, v20  }
0x9f: {  	v19 =	vld [tilespmem:s9+$0xFFFFFFC0]  }
0xa0: {  	v17 =	vadd.f32 v10, v16;
	v10 =	vld [tilespmem:s10+$0xFFFFFFC0];
	v14 =	vmul.f32 $2.000000030e-01, v9  }
0xa1: {  	v7 =	vld [tilespmem:$0x130A0];
	v11 =	vadd.f32 v11, v15;
	v23 =	vadd.f32 v12, v18;
	vm2 =	vge.f32 v9, $0.0e+00  }
0xa2: {  	v22 =	vld [tilespmem:s9+$0x0];
	v13 =	vadd.f32 v13, v31;
	v21 =	vmul.f32 $2.000000030e-01, v17;
	v14 =	vsel vm2, v9, v14  }
0xa3: {  	v27 =	vadd.f32 v27, v32;
	v9 =	vld [tilespmem:s10+$0x0];
	vm2 =	vge.f32 v17, $0.0e+00;
	v14 =	vmul.f32 v14, v5  }
0xa4: {  	v8 =	vld [tilespmem:$0x130B0];
	v17 =	vsel vm2, v17, v21;
	v21 =	vmul.f32 $2.000000030e-01, v11;
	vm2 =	vge.f32 v11, $0.0e+00  }
0xa5: {  	v30 =	vld [tilespmem:s10+$0xFFFFFF90];
	v19 =	vadd.f32 v19, v10;
	v12 =	vadd.f32 $0.0e+00, v14;
	v14 =	vmul.f32 v17, v6  }
0xa6: {  	v11 =	vsel vm2, v11, v21;
	v17 =	vmul.f32 $2.000000030e-01, v23;
	v21 =	vld [tilespmem:s9+$0xFFFFFF90];
	vm2 =	vge.f32 v23, $0.0e+00  }
0xa7: {  	v24 =	vmul.f32 $2.000000030e-01, v19;
	v11 =	vmul.f32 v11, v7;
	v14 =	vadd.f32 v14, v12;
	v12 =	vld [tilespmem:s10+$0xFFFFFFD0]  }
0xa8: {  	v17 =	vsel vm2, v23, v17;
	v23 =	vld [tilespmem:s9+$0xFFFFFFD0];
	v22 =	vadd.f32 v22, v9;
	vm2 =	vge.f32 v19, $0.0e+00  }
0xa9: {  	v26 =	vld [tilespmem:s9+$0x10];
	v17 =	vmul.f32 v17, v8;
	v19 =	vsel vm2, v19, v24;
	v14 =	vadd.f32 v11, v14  }
0xaa: {  	vm4 =	vge.f32 v13, $0.0e+00;
	v11 =	vld [tilespmem:s10+$0x10];
	v25 =	vmul.f32 $2.000000030e-01, v22;
	v19 =	vmul.f32 v19, v5  }
0xab: {  	v29 =	vld [tilespmem:s9+$0xFFFFFFE0];
	vm3 =	vge.f32 v22, $0.0e+00;
	v21 =	vadd.f32 v21, v30;
	v17 =	vadd.f32 v17, v14  }
0xac: {  	v33 =	vld [tilespmem:s9+$0x20];
	v14 =	vmul.f32 $2.000000030e-01, v13;
	v22 =	vsel vm3, v22, v25;
	v19 =	vadd.f32 $0.0e+00, v19  }
0xad: {  	v35 =	vld [tilespmem:s10+$0xFFFFFFB0];
	v25 =	vmul.f32 $2.000000030e-01, v21;
	v23 =	vadd.f32 v23, v12;
	v22 =	vmul.f32 v22, v5  }
0xae: {  	v36 =	vld [tilespmem:s10+$0xFFFFFFF0];
	vm2 =	vge.f32 v21, $0.0e+00;
	v24 =	vperm.xlane v17, v1;
	v13 =	vsel vm4, v13, v14  }
0xaf: {  	v14 =	vld [tilespmem:s10+$0xFFFFFFE0];
	v28 =	vmul.f32 v13, v5;
	v26 =	vadd.f32 v26, v11;
	vm3 =	vge.f32 v23, $0.0e+00  }
0xb0: {  	v13 =	vld [tilespmem:s10+$0x20];
	v21 =	vsel vm2, v21, v25;
	v22 =	vadd.f32 $0.0e+00, v22;
	vm2 =	vge.f32 v27, $0.0e+00  }
0xb1: {  	v25 =	vld [tilespmem:s9+$0xFFFFFFB0];
	v17 =	vadd.f32 v17, v24;
	v24 =	vmul.f32 $2.000000030e-01, v23;
	v21 =	vmul.f32 v21, v6  }
0xb2: {  	v48 =	vld [tilespmem:s9+$0xFFFFFFF0];
	vm11 =	vge.f32 v26, $0.0e+00;
	v37 =	vmul.f32 $2.000000030e-01, v26;
	v28 =	vadd.f32 $0.0e+00, v28  }
0xb3: {  	v34 =	vperm.xlane v17, v2;
	v23 =	vsel vm3, v23, v24;
	v24 =	vmul.f32 $2.000000030e-01, v27  }
0xb4: {  	v29 =	vadd.f32 v29, v14;
	v26 =	vsel vm11, v26, v37;
	v21 =	vadd.f32 v21, v28  }
0xb5: {  	v23 =	vmul.f32 v23, v6;
	v17 =	vadd.f32 v17, v34;
	v33 =	vadd.f32 v33, v13  }
0xb6: {  	v40 =	vld [tilespmem:s9+$0x30];
	v25 =	vadd.f32 v25, v35;
	v26 =	vmul.f32 v26, v6;
	v24 =	vsel vm2, v27, v24  }
0xb7: {  	v37 =	vld [tilespmem:s10+$0x30];
	v27 =	vadd.f32 v48, v36;
	v39 =	vmul.f32 $2.000000030e-01, v29;
	vm3 =	vge.f32 v29, $0.0e+00  }
0xb8: {  	v19 =	vadd.f32 v23, v19;
	v23 =	vmul.f32 v24, v7;
	v38 =	vperm.xlane v17, v3  }
0xb9: {  	v49 =	vmul.f32 $2.000000030e-01, v33;
	vm2 =	vge.f32 v33, $0.0e+00;
	v50 =	vmul.f32 $2.000000030e-01, v25  }
0xba: {  	v51 =	vmul.f32 $2.000000030e-01, v27;
	v22 =	vadd.f32 v26, v22;
	v29 =	vsel vm3, v29, v39  }
0xbb: {  	vm3 =	vge.f32 v27, $0.0e+00;
	v21 =	vadd.f32 v23, v21;
	v17 =	vadd.f32 v17, v38  }
0xbc: {  	v33 =	vsel vm2, v33, v49;
	v52 =	vadd.f32 v40, v37;
	vm2 =	vge.f32 v25, $0.0e+00  }
0xbd: {  	v26 =	vmul.f32 v29, v7;
	v27 =	vsel vm3, v27, v51;
	v28 =	vmul.f32 v33, v7  }
0xbe: {  	v25 =	vsel vm2, v25, v50;
	v41 =	vperm.xlane v17, v4;
	v24 =	vmul.f32 $2.000000030e-01, v52  }
0xbf: {  	v23 =	vmul.f32 v25, v8;
	v19 =	vadd.f32 v26, v19;
	v25 =	vmul.f32 v27, v8  }
0xc0: {  	vm12 =	vge.f32 v52, $0.0e+00;
	v17 =	vadd.f32 v17, v41  }
0xc1: {  	v22 =	vadd.f32 v28, v22;
	v24 =	vsel vm12, v52, v24;
	v19 =	vadd.f32 v25, v19  }
0xc2: {  	v21 =	vadd.f32 v23, v21;
	v24 =	vmul.f32 v24, v8;
	v17 =	vmul.f32 $1.442695020e+00, v17  }
0xc3: {  	v23 =	vperm.xlane v19, v1  }
0xc4: {  	(erf) = vpow2.f32 v17;
	v17 =	vadd.f32 v24, v22;
	v22 =	vperm.xlane v21, v1;
	_ =	sdelay $0x1  }
0xc5: {  	v19 =	vadd.f32 v19, v23;
	v21 =	vadd.f32 v21, v22  }
0xc6: {  	v24 =	vperm.xlane v17, v1  }
0xc7: {  	v23 =	vperm.xlane v19, v2;
	v22 =	vperm.xlane v21, v2  }
0xc8: {  	v17 =	vadd.f32 v17, v24  }
0xc9: {  	v19 =	vadd.f32 v19, v23;
	v21 =	vadd.f32 v21, v22  }
0xca: {  	s9 =	simm.s32 $0x6600;
	v22 =	vperm.xlane v17, v2  }
0xcb: {  	s20 =	simm.s32 $0x600;
	v26 =	vld [tilespmem:s9+$0x40];
	v25 =	vperm.xlane v19, v3;
	v23 =	vperm.xlane v21, v3  }
0xcc: {  	v22 =	vadd.f32 v17, v22;
	v17 =	vld [tilespmem:s20+$0x40]  }
0xcd: {  	v38 =	vld [tilespmem:s20+$0x70];
	v25 =	vadd.f32 v19, v25;
	v24 =	vpop (erf);
	v21 =	vadd.f32 v21, v23  }
0xce: {  	v28 =	vld [tilespmem:s9+$0x50];
	v34 =	vmul.f32 v24, v18;
	v23 =	vperm.xlane v22, v3  }
0xcf: {  	v18 =	vld [tilespmem:s20+$0x50];
	v53 =	vperm.xlane v25, v4;
	v29 =	vperm.xlane v21, v4  }
0xd0: {  	v19 =	vld [tilespmem:s20+$0x60];
	v40 =	vmul.f32 v24, v20;
	v27 =	vperm.xlane v34, v4;
	v22 =	vadd.f32 v22, v23  }
0xd1: {  	v23 =	vsel vm0, $0x0, v24;
	v20 =	vadd.f32 v26, v17;
	v26 =	vld [tilespmem:s9+$0x70];
	v21 =	vadd.f32 v21, v29  }
0xd2: {  	v39 =	vsel vm1, v27, v23;
	v23 =	vld [tilespmem:s9+$0x60];
	v27 =	vperm.xlane v22, v4  }
0xd3: {  	v54 =	vld [tilespmem:s9+$0x0];
	v41 =	vmul.f32 v24, v16;
	v25 =	vadd.f32 v25, v53;
	v16 =	vmul.f32 $1.442695020e+00, v21  }
0xd4: {  	v45 =	vld [tilespmem:s9+$0x10];
	v21 =	vadd.f32 v22, v27;
	v22 =	vmul.f32 $2.000000030e-01, v20;
	v27 =	vadd.f32 v28, v18  }
0xd5: {  	v42 =	vmul.f32 v24, v15;
	v15 =	vld [tilespmem:s20+$0xFFFFFFC0];
	v25 =	vmul.f32 $1.442695020e+00, v25;
	vm2 =	vge.f32 v20, $0.0e+00  }
0xd6: {  	v29 =	vld [tilespmem:s9+$0xFFFFFFC0];
	v28 =	vmul.f32 $1.442695020e+00, v21;
	v20 =	vsel vm2, v20, v22;
	v21 =	vmul.f32 $2.000000030e-01, v27  }
0xd7: {  	v24 =	vld [tilespmem:s9+$0xFFFFFF80];
	(erf) = vpow2.f32 v16;
	v26 =	vadd.f32 v26, v38;
	v22 =	vadd.f32 v23, v19  }
0xd8: {  	v16 =	vld [tilespmem:s20+$0x0];
	vm2 =	vge.f32 v27, $0.0e+00;
	v23 =	vmul.f32 v20, v5;
	(erf) = vpow2.f32 v25  }
0xd9: {  	v20 =	vld [tilespmem:s20+$0xFFFFFF80];
	v21 =	vsel vm2, v27, v21;
	v25 =	vmul.f32 $2.000000030e-01, v26;
	v27 =	vmul.f32 $2.000000030e-01, v22  }
0xda: {  	v47 =	vld [tilespmem:s9+$0xFFFFFFA0];
	v23 =	vadd.f32 $0.0e+00, v23;
	v43 =	vmul.f32 v21, v6;
	vm2 =	vge.f32 v22, $0.0e+00  }
0xdb: {  	(erf) = vpow2.f32 v28;
	v28 =	vadd.f32 v29, v15;
	v21 =	vld [tilespmem:s20+$0xFFFFFF90];
	v22 =	vsel vm2, v22, v27  }
0xdc: {  	v27 =	vld [tilespmem:s9+$0xFFFFFF90];
	v23 =	vadd.f32 v43, v23;
	vm2 =	vge.f32 v26, $0.0e+00;
	v55 =	vmul.f32 v22, v7  }
0xdd: {  	v57 =	vmul.f32 $2.000000030e-01, v28;
	v29 =	vadd.f32 v54, v16;
	v22 =	vld [tilespmem:s20+$0xFFFFFFD0];
	v25 =	vsel vm2, v26, v25  }
0xde: {  	v26 =	vld [tilespmem:s9+$0xFFFFFFD0];
	v24 =	vadd.f32 v24, v20;
	v25 =	vmul.f32 v25, v8;
	v56 =	vadd.f32 v55, v23  }
0xdf: {  	v51 =	vld [tilespmem:s9+$0x20];
	vm2 =	vge.f32 v28, $0.0e+00;
	vm3 =	vge.f32 v29, $0.0e+00;
	v44 =	vmul.f32 $2.000000030e-01, v29  }
0xe0: {  	v50 =	vld [tilespmem:s9+$0xFFFFFFE0];
	v28 =	vsel vm2, v28, v57;
	v46 =	vmul.f32 $2.000000030e-01, v24;
	v33 =	vadd.f32 v25, v56  }
0xe1: {  	v23 =	vld [tilespmem:s20+$0x10];
	vm13 =	vge.f32 v24, $0.0e+00;
	v49 =	vmul.f32 v28, v5;
	v29 =	vsel vm3, v29, v44  }
0xe2: {  	v28 =	vld [tilespmem:s20+$0x20];
	v27 =	vadd.f32 v27, v21;
	v24 =	vsel vm13, v24, v46;
	v58 =	vperm.xlane v33, v1  }
0xe3: {  	v25 =	vld [tilespmem:s20+$0xFFFFFFA0];
	v29 =	vmul.f32 v29, v5;
	v49 =	vadd.f32 $0.0e+00, v49;
	v60 =	vadd.f32 v26, v22  }
0xe4: {  	v54 =	vld [tilespmem:s9+$0xFFFFFFB0];
	v48 =	vmul.f32 v24, v5;
	v59 =	vmul.f32 $2.000000030e-01, v27;
	v33 =	vadd.f32 v33, v58  }
0xe5: {  	v26 =	vld [tilespmem:s20+$0xFFFFFFE0];
	vm2 =	vge.f32 v27, $0.0e+00;
	v56 =	vadd.f32 $0.0e+00, v29;
	v61 =	vmul.f32 $2.000000030e-01, v60  }
0xe6: {  	v24 =	vld [tilespmem:s20+$0xFFFFFFB0];
	v45 =	vadd.f32 v45, v23;
	vm3 =	vge.f32 v60, $0.0e+00;
	v52 =	vperm.xlane v33, v2  }
0xe7: {  	v48 =	vadd.f32 $0.0e+00, v48;
	v51 =	vadd.f32 v51, v28;
	v44 =	vsel vm2, v27, v59  }
0xe8: {  	v47 =	vadd.f32 v47, v25;
	vm14 =	vge.f32 v45, $0.0e+00;
	v33 =	vadd.f32 v33, v52  }
0xe9: {  	v53 =	vmul.f32 $2.000000030e-01, v45;
	v43 =	vsel vm3, v60, v61;
	v44 =	vmul.f32 v44, v6  }
0xea: {  	v29 =	vld [tilespmem:s20+$0x30];
	v61 =	vmul.f32 $2.000000030e-01, v51;
	v50 =	vadd.f32 v50, v26;
	v63 =	vperm.xlane v33, v3  }
0xeb: {  	v60 =	vld [tilespmem:s9+$0x30];
	v43 =	vmul.f32 v43, v6;
	v54 =	vadd.f32 v54, v24;
	v62 =	vmul.f32 $2.000000030e-01, v47  }
0xec: {  	v45 =	vsel vm14, v45, v53;
	vm2 =	vge.f32 v47, $0.0e+00;
	v33 =	vadd.f32 v33, v63  }
0xed: {  	v27 =	vld [tilespmem:s20+$0xFFFFFFF0];
	v44 =	vadd.f32 v44, v48;
	v55 =	vmul.f32 $2.000000030e-01, v50;
	vm3 =	vge.f32 v50, $0.0e+00  }
0xee: {  	v52 =	vld [tilespmem:s9+$0xFFFFFFF0];
	v45 =	vmul.f32 v45, v6;
	v46 =	vsel vm2, v47, v62;
	v62 =	vperm.xlane v33, v4  }
0xef: {  	v43 =	vadd.f32 v43, v49;
	vm2 =	vge.f32 v51, $0.0e+00;
	v50 =	vsel vm3, v50, v55  }
0xf0: {  	v47 =	vsel vm2, v51, v61;
	v53 =	vadd.f32 v60, v29;
	v33 =	vadd.f32 v33, v62  }
0xf1: {  	v46 =	vmul.f32 v46, v7;
	v45 =	vadd.f32 v45, v56;
	v59 =	vmul.f32 v50, v7  }
0xf2: {  	vm2 =	vge.f32 v54, $0.0e+00;
	v51 =	vpop (erf);
	v47 =	vmul.f32 v47, v7;
	v33 =	vmul.f32 $1.442695020e+00, v33  }
0xf3: {  	v35 =	vmul.f32 v51, v35;
	v58 =	vmul.f32 $2.000000030e-01, v53;
	v52 =	vadd.f32 v52, v27  }
0xf4: {  	v63 =	vmul.f32 $2.000000030e-01, v54;
	vm15 =	vge.f32 v53, $0.0e+00;
	(erf) = vpow2.f32 v33  }
0xf5: {  	v45 =	vadd.f32 v47, v45;
	v48 =	vsel vm15, v53, v58;
	v57 =	vmul.f32 $2.000000030e-01, v52  }
0xf6: {  	v60 =	vsel vm2, v54, v63;
	vm3 =	vge.f32 v52, $0.0e+00;
	v50 =	vmul.f32 v48, v8  }
0xf7: {  	v44 =	vadd.f32 v46, v44;
	v62 =	vmul.f32 v60, v8;
	v61 =	vsel vm3, v52, v57  }
0xf8: {  	s20 =	simm.s32 $0xC510;
	v43 =	vadd.f32 v59, v43;
	v45 =	vadd.f32 v50, v45;
	v63 =	vmul.f32 v61, v8  }
0xf9: {  	[tilespmem:s20+$0x68] =	vst v42;
	v42 =	vmul.f32 v51, v31;
	v44 =	vadd.f32 v62, v44  }
0xfa: {  	[tilespmem:s20+$0x78] =	vst v34;
	v54 =	vperm.xlane v35, v4;
	v56 =	vperm.xlane v45, v1;
	v43 =	vadd.f32 v63, v43  }
0xfb: {  	[tilespmem:s20+$0x48] =	vst v40;
	v55 =	vsel vm0, $0x0, v51;
	v30 =	vmul.f32 v51, v30;
	v53 =	vperm.xlane v44, v1;
	v33 =	vpop (erf)  }
0xfc: {  	[tilespmem:s20+$0x58] =	vst v41;
	v61 =	vsel vm1, v54, v55;
	v57 =	vadd.f32 v45, v56;
	v49 =	vperm.xlane v43, v1;
	v34 =	vpop (erf)  }
0xfd: {  	[tilespmem:s20+$0x80] =	vst v39;
	v44 =	vadd.f32 v44, v53;
	v36 =	vmul.f32 v33, v36;
	v52 =	vmul.f32 v34, v37;
	v37 =	vpop (erf)  }
0xfe: {  	[tilespmem:s20+$0xFFFFFFA0] =	vst v35;
	v62 =	vperm.xlane v57, v2;
	v43 =	vadd.f32 v43, v49;
	v58 =	vmul.f32 v37, v38  }
0xff: {  	[tilespmem:s20+$0xFFFFFFA8] =	vst v61;
	v59 =	vperm.xlane v44, v2;
	v41 =	vperm.xlane v36, v4  }
0x100: {  	v40 =	vsel vm0, $0x0, v33;
	[tilespmem:s20+$0xFFFFFFE8] =	vst v36;
	v31 =	vperm.xlane v43, v2;
	v60 =	vperm.xlane v58, v4  }
0x101: {  	s16 =	simm.s32 $0xC630;
	v39 =	vperm.xlane v52, v4;
	[tilespmem:s20+$0x30] =	vst v52;
	v35 =	vadd.f32 v44, v59;
	v63 =	vsel vm0, $0x0, v37  }
0x102: {  	v44 =	vadd.f32 v57, v62;
	v43 =	vadd.f32 v43, v31;
	[tilespmem:s16+$0x78] =	vst v58;
	v31 =	vsel vm1, v60, v63  }
0x103: {  	s11 =	simm.s32 $0x700;
	s10 =	simm.s32 $0x4;
	v45 =	vperm.xlane v35, v3;
	v38 =	vsel vm0, $0x0, v34;
	[tilespmem:s16+$0x80] =	vst v31;
	v31 =	vmul.f32 v51, v32  }
.LBB2_8:
0x104: {  	v32 =	vld [tilespmem:s11+$0x40];
	v36 =	vperm.xlane v43, v3;
	s9 =	sadd.s32 $0x100, s9;
	[tilespmem:s20+$0xFFFFFF70] =	vst v42;
	v10 =	vmul.f32 v33, v10;
	v40 =	vsel vm1, v41, v40  }
0x105: {  	s10 =	sadd.s32 $0x4, s10;
	v12 =	vmul.f32 v33, v12;
	v41 =	vld [tilespmem:s9+$0x40];
	v35 =	vadd.f32 v35, v45;
	v42 =	vperm.xlane v44, v3;
	[tilespmem:s20+$0xFFFFFFF0] =	vst v40  }
0x106: {  	v14 =	vmul.f32 v33, v14;
	v9 =	vmul.f32 v34, v9;
	p1 =	slt.u32 s10, $0x7C;
	v40 =	vld [tilespmem:s11+$0x50];
	v36 =	vadd.f32 v43, v36;
	[tilespmem:s20+$0xFFFFFF80] =	vst v30  }
0x107: {  	v11 =	vmul.f32 v34, v11;
	v33 =	vld [tilespmem:s9+$0x50];
	v30 =	vperm.xlane v35, v4;
	v42 =	vadd.f32 v44, v42;
	[tilespmem:s20+$0xFFFFFF90] =	vst v31  }
0x108: {  	v13 =	vmul.f32 v34, v13;
	v31 =	vld [tilespmem:s11+$0x60];
	v43 =	vperm.xlane v36, v4;
	[tilespmem:s20+$0xFFFFFFB8] =	vst v10;
	v10 =	vsel vm1, v39, v38  }
0x109: {  	v39 =	vmul.f32 v37, v17;
	v34 =	vld [tilespmem:s9+$0x60];
	v35 =	vadd.f32 v35, v30;
	v38 =	vperm.xlane v42, v4;
	[tilespmem:s20+$0x38] =	vst v10  }
0x10a: {  	v41 =	vadd.f32 v41, v32;
	v30 =	vld [tilespmem:s11+$0x70];
	v44 =	vadd.f32 v36, v43;
	v36 =	vmul.f32 v37, v18;
	[tilespmem:s20+$0xFFFFFFC8] =	vst v12  }
0x10b: {  	v17 =	vmovc v32;
	v37 =	vmul.f32 v37, v19;
	v43 =	vld [tilespmem:s9+$0x70];
	v12 =	vmul.f32 $1.442695020e+00, v35;
	v35 =	vadd.f32 v42, v38;
	[tilespmem:s20+$0xFFFFFFD8] =	vst v14  }
0x10c: {  	v18 =	vmovc v40;
	v10 =	vmovc v15;
	v38 =	vld [tilespmem:s9+$0xFFFFFF80];
	v14 =	vmul.f32 $2.000000030e-01, v41;
	v32 =	vadd.f32 v33, v40;
	v33 =	vmul.f32 $1.442695020e+00, v44;
	[tilespmem:s20+$0x0] =	vst v9  }
0x10d: {  	vm2 =	vge.f32 v41, $0.0e+00;
	v9 =	vmovc v16;
	v15 =	vld [tilespmem:s11+$0xFFFFFFC0];
	v40 =	vmul.f32 $1.442695020e+00, v35;
	(erf) = vpow2.f32 v12;
	[tilespmem:s20+$0x10] =	vst v11;
	v19 =	vmovc v31  }
0x10e: {  	v31 =	vmovc v21;
	v42 =	vld [tilespmem:s9+$0xFFFFFFC0];
	v35 =	vsel vm2, v41, v14;
	v44 =	vmul.f32 $2.000000030e-01, v32;
	v34 =	vadd.f32 v34, v19;
	[tilespmem:s20+$0x20] =	vst v13;
	s20 =	smov.u32 s16  }
0x10f: {  	v11 =	vmovc v23;
	vm2 =	vge.f32 v32, $0.0e+00;
	v16 =	vld [tilespmem:s11+$0x0];
	v41 =	vmul.f32 v35, v5;
	[tilespmem:s16+$0x48] =	vst v39;
	(erf) = vpow2.f32 v33;
	v12 =	vmovc v22  }
0x110: {  	v23 =	vld [tilespmem:s9+$0x0];
	v21 =	vsel vm2, v32, v44;
	v22 =	vmul.f32 $2.000000030e-01, v34;
	v33 =	vadd.f32 v43, v30;
	[tilespmem:s16+$0x58] =	vst v36;
	v32 =	vmovc v25  }
0x111: {  	v13 =	vmovc v28;
	vm2 =	vge.f32 v34, $0.0e+00;
	v14 =	vmovc v26;
	v35 =	vld [tilespmem:s11+$0xFFFFFF80];
	v25 =	vadd.f32 $0.0e+00, v41;
	v36 =	vmul.f32 v21, v6;
	[tilespmem:s16+$0x68] =	vst v37  }
0x112: {  	v21 =	vld [tilespmem:s11+$0xFFFFFF90];
	v22 =	vsel vm2, v34, v22;
	v26 =	vmul.f32 $2.000000030e-01, v33;
	(erf) = vpow2.f32 v40  }
0x113: {  	vm2 =	vge.f32 v33, $0.0e+00;
	v28 =	vld [tilespmem:s9+$0xFFFFFF90];
	v25 =	vadd.f32 v36, v25;
	v34 =	vmul.f32 v22, v7  }
0x114: {  	v37 =	vadd.f32 v42, v15;
	v22 =	vld [tilespmem:s11+$0xFFFFFFD0];
	v26 =	vsel vm2, v33, v26  }
0x115: {  	v39 =	vld [tilespmem:s9+$0xFFFFFFD0];
	v40 =	vadd.f32 v23, v16;
	v25 =	vadd.f32 v34, v25;
	v26 =	vmul.f32 v26, v8  }
0x116: {  	vm2 =	vge.f32 v37, $0.0e+00;
	v34 =	vadd.f32 v38, v35;
	v38 =	vmul.f32 $2.000000030e-01, v37;
	v23 =	vld [tilespmem:s11+$0x10];
	v36 =	vpop (erf)  }
0x117: {  	vm3 =	vge.f32 v40, $0.0e+00;
	v41 =	vmul.f32 $2.000000030e-01, v40;
	v42 =	vld [tilespmem:s9+$0x10];
	v43 =	vadd.f32 v26, v25  }
0x118: {  	vm4 =	vge.f32 v34, $0.0e+00;
	v26 =	vmul.f32 $2.000000030e-01, v34;
	v44 =	vadd.f32 v28, v21;
	v25 =	vld [tilespmem:s11+$0xFFFFFFA0];
	v33 =	vpop (erf)  }
0x119: {  	v28 =	vsel vm2, v37, v38;
	v45 =	vld [tilespmem:s9+$0xFFFFFFA0];
	v37 =	vsel vm3, v40, v41;
	v38 =	vperm.xlane v43, v1  }
0x11a: {  	v48 =	vsel vm4, v34, v26;
	v40 =	vmul.f32 $2.000000030e-01, v44;
	v39 =	vadd.f32 v39, v22;
	v26 =	vld [tilespmem:s11+$0xFFFFFFE0]  }
0x11b: {  	v46 =	vmul.f32 v28, v5;
	v41 =	vmul.f32 v48, v5;
	v47 =	vld [tilespmem:s9+$0xFFFFFFE0];
	v38 =	vadd.f32 v43, v38;
	v34 =	vpop (erf)  }
0x11c: {  	v37 =	vmul.f32 v37, v5;
	v43 =	vmul.f32 $2.000000030e-01, v39;
	v42 =	vadd.f32 v42, v23;
	v28 =	vld [tilespmem:s11+$0x20]  }
0x11d: {  	vm2 =	vge.f32 v44, $0.0e+00;
	vm3 =	vge.f32 v39, $0.0e+00;
	v48 =	vld [tilespmem:s9+$0x20];
	v49 =	vperm.xlane v38, v2  }
0x11e: {  	v45 =	vadd.f32 v45, v25;
	v50 =	vld [tilespmem:s11+$0xFFFFFFB0];
	vm4 =	vge.f32 v42, $0.0e+00;
	v51 =	vmul.f32 $2.000000030e-01, v42  }
0x11f: {  	v40 =	vsel vm2, v44, v40;
	v39 =	vsel vm3, v39, v43;
	v44 =	vld [tilespmem:s9+$0xFFFFFFB0];
	v38 =	vadd.f32 v38, v49  }
0x120: {  	v43 =	vmul.f32 $2.000000030e-01, v45;
	v47 =	vadd.f32 v47, v26;
	v49 =	vld [tilespmem:s11+$0xFFFFFFF0];
	v42 =	vsel vm4, v42, v51  }
0x121: {  	v46 =	vadd.f32 $0.0e+00, v46;
	v41 =	vadd.f32 $0.0e+00, v41;
	v51 =	vld [tilespmem:s9+$0xFFFFFFF0];
	v52 =	vperm.xlane v38, v3  }
0x122: {  	v37 =	vadd.f32 $0.0e+00, v37;
	v53 =	vmul.f32 $2.000000030e-01, v47;
	v48 =	vadd.f32 v48, v28;
	v54 =	vld [tilespmem:s11+$0x30]  }
0x123: {  	v40 =	vmul.f32 v40, v6;
	v39 =	vmul.f32 v39, v6;
	v55 =	vld [tilespmem:s9+$0x30];
	v38 =	vadd.f32 v38, v52  }
0x124: {  	v42 =	vmul.f32 v42, v6;
	v44 =	vadd.f32 v44, v50;
	v52 =	vmul.f32 $2.000000030e-01, v48  }
0x125: {  	vm2 =	vge.f32 v45, $0.0e+00;
	vm3 =	vge.f32 v47, $0.0e+00;
	v56 =	vperm.xlane v38, v4  }
0x126: {  	v43 =	vsel vm2, v45, v43;
	vm2 =	vge.f32 v48, $0.0e+00;
	v45 =	vadd.f32 v51, v49  }
0x127: {  	v47 =	vsel vm3, v47, v53;
	v48 =	vsel vm2, v48, v52;
	v38 =	vadd.f32 v38, v56  }
0x128: {  	v51 =	vmul.f32 $2.000000030e-01, v44;
	v52 =	vmul.f32 $2.000000030e-01, v45;
	v53 =	vadd.f32 v55, v54  }
0x129: {  	v40 =	vadd.f32 v40, v41;
	v39 =	vadd.f32 v39, v46;
	v38 =	vmul.f32 $1.442695020e+00, v38  }
0x12a: {  	v41 =	vmul.f32 v43, v7;
	v37 =	vadd.f32 v42, v37;
	v42 =	vmul.f32 $2.000000030e-01, v53  }
0x12b: {  	v43 =	vmul.f32 v47, v7;
	vm2 =	vge.f32 v44, $0.0e+00;
	(erf) = vpow2.f32 v38  }
0x12c: {  	vm3 =	vge.f32 v45, $0.0e+00;
	vm4 =	vge.f32 v53, $0.0e+00;
	v38 =	vmul.f32 v48, v7  }
0x12d: {  	v44 =	vsel vm2, v44, v51;
	v45 =	vsel vm3, v45, v52;
	v42 =	vsel vm4, v53, v42  }
0x12e: {  	v40 =	vadd.f32 v41, v40;
	v39 =	vadd.f32 v43, v39;
	v41 =	vmul.f32 v44, v8  }
0x12f: {  	v43 =	vmul.f32 v45, v8;
	v37 =	vadd.f32 v38, v37;
	v38 =	vmul.f32 v42, v8  }
0x130: {  	v41 =	vadd.f32 v41, v40;
	v40 =	vmul.f32 v36, v24;
	v24 =	vmovc v50;
	v42 =	vmul.f32 v33, v27  }
0x131: {  	v43 =	vadd.f32 v43, v39;
	v39 =	vmul.f32 v34, v29;
	v27 =	vmovc v49;
	v38 =	vadd.f32 v38, v37  }
0x132: {  	v45 =	vsel vm0, $0x0, v36;
	v49 =	vperm.xlane v41, v1;
	v44 =	vperm.xlane v40, v4;
	v29 =	vmovc v54;
	[tilespmem:s16+$0xFFFFFFA0] =	vst v40  }
0x133: {  	v46 =	vperm.xlane v43, v1;
	v47 =	vperm.xlane v38, v1;
	v40 =	vsel vm0, $0x0, v33;
	[tilespmem:s16+$0xFFFFFFE8] =	vst v42  }
0x134: {  	v48 =	vadd.f32 v41, v49;
	v41 =	vperm.xlane v42, v4;
	v37 =	vpop (erf);
	[tilespmem:s16+$0x30] =	vst v39;
	v39 =	vperm.xlane v39, v4  }
0x135: {  	v43 =	vadd.f32 v43, v46;
	v46 =	vadd.f32 v38, v47;
	v30 =	vmul.f32 v37, v30  }
.Ltmp8:
0x136: {  	v47 =	vperm.xlane v48, v2;
	v42 =	vmul.f32 v36, v20;
	v38 =	vsel vm0, $0x0, v34;
	v20 =	vmovc v35;
	(pc) =	sbr.rel @p1 .LBB2_8-.Ltmp8, $4  }
0x137: {  	v44 =	vsel vm1, v44, v45;
	v49 =	vperm.xlane v43, v2;
	v50 =	vperm.xlane v30, v4  }
0x138: {  	s16 =	sadd.s32 $0x120, s16;
	v35 =	vadd.f32 v48, v47;
	v47 =	vperm.xlane v46, v2;
	v45 =	vsel vm0, $0x0, v37;
	[tilespmem:s20+$0xFFFFFFA8] =	vst v44  }
0x139: {  	v43 =	vadd.f32 v43, v49;
	[tilespmem:s16+$0x78] =	vst v30;
	v48 =	vsel vm1, v50, v45;
	v30 =	vmul.f32 v36, v31  }
0x13a: {  	s11 =	sadd.s32 $0x100, s11;
	v44 =	vadd.f32 v46, v47;
	v45 =	vperm.xlane v35, v3;
	v31 =	vmul.f32 v36, v32;
	[tilespmem:s16+$0x80] =	vst v48  }
0x13b: {  	_ = 	snop  }
0x13c: {  	v5 =	vperm.xlane v43, v3;
	v6 =	vadd.f32 v35, v45  }
0x13d: {  	v7 =	vperm.xlane v44, v3  }
0x13e: {  	v5 =	vadd.f32 v43, v5;
	v8 =	vperm.xlane v6, v4  }
0x13f: {  	v7 =	vadd.f32 v44, v7  }
0x140: {  	v32 =	vperm.xlane v5, v4;
	v6 =	vadd.f32 v6, v8  }
0x141: {  	v50 =	vperm.xlane v7, v4  }
0x142: {  	[tilespmem:s20+$0xFFFFFF70] =	vst v42;
	v5 =	vadd.f32 v5, v32;
	v6 =	vmul.f32 $1.442695020e+00, v6  }
0x143: {  	v51 =	vsel vm1, v41, v40;
	v52 =	vmul.f32 v33, v10;
	[tilespmem:s20+$0xFFFFFF80] =	vst v30;
	v7 =	vadd.f32 v7, v50  }
0x144: {  	[tilespmem:s20+$0xFFFFFFF0] =	vst v51;
	v5 =	vmul.f32 $1.442695020e+00, v5;
	(erf) = vpow2.f32 v6  }
0x145: {  	[tilespmem:s20+$0xFFFFFF90] =	vst v31;
	v7 =	vmul.f32 $1.442695020e+00, v7  }
0x146: {  	[tilespmem:s20+$0xFFFFFFB8] =	vst v52;
	v6 =	vsel vm1, v39, v38;
	(erf) = vpow2.f32 v5;
	v5 =	vmul.f32 v33, v12  }
0x147: {  	[tilespmem:s20+$0x38] =	vst v6;
	v6 =	vmul.f32 v34, v9  }
0x148: {  	(erf) = vpow2.f32 v7;
	v7 =	vmul.f32 v33, v14;
	[tilespmem:s20+$0xFFFFFFC8] =	vst v5  }
0x149: {  	v5 =	vmul.f32 v34, v11;
	[tilespmem:s20+$0x0] =	vst v6;
	v6 =	vmul.f32 v37, v17  }
0x14a: {  	[tilespmem:s20+$0xFFFFFFD8] =	vst v7  }
0x14b: {  	v7 =	vmul.f32 v34, v13;
	[tilespmem:s20+$0x10] =	vst v5  }
0x14c: {  	v5 =	vmul.f32 v37, v18;
	[tilespmem:s16+$0x48] =	vst v6  }
0x14d: {  	[tilespmem:s20+$0x20] =	vst v7;
	v7 =	vmul.f32 v37, v19;
	v6 =	vpop (erf)  }
0x14e: {  	[tilespmem:s16+$0x58] =	vst v5;
	v53 =	vmul.f32 v6, v24  }
0x14f: {  	[tilespmem:s16+$0x68] =	vst v7;
	v57 =	vmul.f32 v6, v20  }
0x150: {  	v59 =	vmul.f32 v6, v21;
	[tilespmem:s16+$0xFFFFFFA0] =	vst v53  }
0x151: {  	v5 =	vpop (erf);
	v56 =	vsel vm0, $0x0, v6;
	v6 =	vmul.f32 v6, v25;
	[tilespmem:s16+$0xFFFFFF70] =	vst v57  }
0x152: {  	v54 =	vmul.f32 v5, v27;
	[tilespmem:s16+$0xFFFFFF80] =	vst v59  }
0x153: {  	v7 =	vpop (erf);
	v61 =	vmul.f32 v5, v15;
	[tilespmem:s16+$0xFFFFFF90] =	vst v6  }
0x154: {  	v55 =	vmul.f32 v7, v29;
	[tilespmem:s16+$0xFFFFFFE8] =	vst v54  }
0x155: {  	v6 =	vmul.f32 v5, v22;
	[tilespmem:s16+$0xFFFFFFB8] =	vst v61  }
0x156: {  	v58 =	vsel vm0, $0x0, v5;
	v5 =	vmul.f32 v5, v26;
	[tilespmem:s16+$0x30] =	vst v55  }
0x157: {  	v8 =	vperm.xlane v53, v4;
	v63 =	vmul.f32 v7, v16;
	[tilespmem:s16+$0xFFFFFFC8] =	vst v6  }
0x158: {  	v9 =	vperm.xlane v54, v4;
	[tilespmem:s16+$0xFFFFFFD8] =	vst v5  }
0x159: {  	v8 =	vsel vm1, v8, v56;
	[tilespmem:s16+$0x0] =	vst v63  }
0x15a: {  	v6 =	vmul.f32 v7, v23;
	[tilespmem:s16+$0xFFFFFFA8] =	vst v8;
	v9 =	vsel vm1, v9, v58  }
0x15b: {  	v60 =	vperm.xlane v55, v4;
	v5 =	vmul.f32 v7, v28;
	[tilespmem:s16+$0xFFFFFFF0] =	vst v9  }
0x15c: {  	v62 =	vsel vm0, $0x0, v7;
	[tilespmem:s16+$0x10] =	vst v6  }
0x15d: {  	v8 =	vsel vm1, v60, v62;
	[tilespmem:s16+$0x20] =	vst v5  }
0x15e: {  	[tilespmem:s16+$0x38] =	vst v8  }
0x15f: {  	[spmem:s3] =	stream.indirect.scatter.add.f32 [tilespmem:s2], [sflag:$0x7], $0x48, s12, s26, $0xb8;
	[tilespmem:$0x1E4C0] =	vst v63  }
.LBB2_10:
0x160: {  	s9 =	sadd.s32 s13, s25  }
0x161: {  	p1 =	sgt.u32 s9, $0x9C3  }
0x162: {  	s10 =	simm.s32 @!p1 $0x3  }
0x163: {  	_ =	swait.ge @!p1 [sflag:s10], $0x2000  }
0x164: {  	[sflag:s10] =	ssyncset.done @!p1 $0x0  }
0x165: {  	[sflag:s10] =	ssyncadd.s32 @!p1 $0xFFFFE000;
	s10 =	simm.s32 @!p1 $0x4  }
0x166: {  	p2 =	sgt.u32 @!p0 s9, $0xA23;
	p3 =	sgt.u32 s9, $0x983;
	_ =	swait.ge @!p1 [sflag:s10], $0x2000  }
.Ltmp9:
0x167: {  	p2 =	por p2, p0;
	[sflag:s10] =	ssyncset.done @!p1 $0x0;
	(pc) =	sbr.rel @p3 .LBB2_12-.Ltmp9, $4  }
0x168: {  	[sflag:s10] =	ssyncadd.s32 @!p1 $0xFFFFE000;
	s10 =	simm.s32 @!p2 $0x8  }
0x169: {  	_ =	swait.ge @!p2 [sflag:s10], $0x2400  }
0x16a: {  	[sflag:s10] =	ssyncset.done @!p2 $0x0  }
0x16b: {  	[sflag:s10] =	ssyncadd.s32 @!p2 $0xFFFFDC00  }
0x16c: {  	s9 =	sshll.u32 s9, $0x4  }
0x16d: {  	s9 =	sand.u32 $0x1FFFFFF0, s9  }
0x16e: {  	s9 =	sadd.s32 s7, s9  }
0x16f: {  	s10 =	sadd.s32 $0x400, s9  }
0x170: {  	[tilespmem:s5], [sflag:$0xA] =	stream.linear.gather [hbm4b:s10+s5], $0x80, $0x38;
	[tilespmem:$0x1E4C0] =	vst v63  }
0x171: {  	_ =	swait.ge [sflag:s23], $0x80  }
0x172: {  	[sflag:s23] =	ssyncset.done $0x0  }
0x173: {  	s9 =	sadd.s32 $0xA040, s9;
	[sflag:s23] =	ssyncadd.s32 $0xFFFFFF80  }
0x174: {  	[tilespmem:s24], [sflag:$0xA] =	stream.linear.gather [hbm4b:s9+s5], $0x80, $0x38;
	[tilespmem:$0x1E4C0] =	vst v63  }
0x175: {  	_ =	swait.ge [sflag:s23], $0x80  }
.Ltmp10:
0x176: {  	[sflag:s23] =	ssyncset.done $0x0;
	(pc) =	sbr.rel .LBB2_13-.Ltmp10, $4  }
0x177: {  	[sflag:s23] =	ssyncadd.s32 $0xFFFFFF80  }
0x178: {  	[tilespmem:s28], [sflag:$0x1] =	stream.indirect.gather [hbm4b:s1+s26], $0x40, s5, s26, $0xb8;
	[tilespmem:$0x1E4C0] =	vst v63  }
0x179: {  	_ = 	snop  }
0x17a: {  	[tilespmem:s29], [sflag:$0x2] =	stream.indirect.gather [hbm4b:s6+s26], $0x40, s24, s26, $0xb8;
	[tilespmem:$0x1E4C0] =	vst v63  }
.LBB2_12:
.Ltmp11:
0x17b: {  	(pc) =	sbr.rel @p1 .LBB2_16-.Ltmp11, $1  }
0x17c: {  	_ =	sdelay $0x3  }
.LBB2_13:
0x17d: {  	v5 =	vld [tilespmem:$0x200]  }
0x17e: {  	v6 =	vld [tilespmem:$0x210]  }
0x17f: {  	v7 =	vld [tilespmem:$0x220]  }
0x180: {  	v8 =	vld [tilespmem:$0x230]  }
0x181: {  	v9 =	vld [tilespmem:$0x240]  }
0x182: {  	v10 =	vld [tilespmem:$0x250];
	[tilespmem:$0x380] =	vst v5  }
0x183: {  	v11 =	vld [tilespmem:$0x260];
	[tilespmem:$0x390] =	vst v6  }
0x184: {  	v12 =	vld [tilespmem:$0x270];
	[tilespmem:$0x3A0] =	vst v7  }
0x185: {  	[tilespmem:$0x3B0] =	vst v8  }
0x186: {  	[tilespmem:$0x3C0] =	vst v9  }
0x187: {  	[tilespmem:$0x3D0] =	vst v10  }
0x188: {  	v5 =	vld [tilespmem:$0x13080];
	[tilespmem:$0x3E0] =	vst v11  }
0x189: {  	s10 =	simm.s32 $0x2500;
	v6 =	vld [tilespmem:$0x13090];
	[tilespmem:$0x3F0] =	vst v12  }
0x18a: {  	s9 =	simm.s32 $0x8500;
	v20 =	vld [tilespmem:s10+$0x40]  }
0x18b: {  	v9 =	vld [tilespmem:s9+$0x40]  }
0x18c: {  	v16 =	vld [tilespmem:s10+$0x50]  }
0x18d: {  	v10 =	vld [tilespmem:s9+$0x50]  }
0x18e: {  	v15 =	vld [tilespmem:s10+$0x60]  }
0x18f: {  	v11 =	vld [tilespmem:s9+$0x60]  }
0x190: {  	v18 =	vld [tilespmem:s10+$0x70]  }
0x191: {  	v12 =	vld [tilespmem:s9+$0x70]  }
0x192: {  	v13 =	vld [tilespmem:s9+$0xFFFFFF80]  }
0x193: {  	v31 =	vld [tilespmem:s10+$0xFFFFFF80]  }
0x194: {  	v32 =	vld [tilespmem:s10+$0xFFFFFFA0]  }
0x195: {  	v27 =	vld [tilespmem:s9+$0xFFFFFFA0];
	v9 =	vadd.f32 v9, v20  }
0x196: {  	v19 =	vld [tilespmem:s9+$0xFFFFFFC0]  }
0x197: {  	v17 =	vadd.f32 v10, v16;
	v10 =	vld [tilespmem:s10+$0xFFFFFFC0];
	v14 =	vmul.f32 $2.000000030e-01, v9  }
0x198: {  	v7 =	vld [tilespmem:$0x130A0];
	v11 =	vadd.f32 v11, v15;
	v23 =	vadd.f32 v12, v18;
	vm2 =	vge.f32 v9, $0.0e+00  }
0x199: {  	v22 =	vld [tilespmem:s9+$0x0];
	v13 =	vadd.f32 v13, v31;
	v21 =	vmul.f32 $2.000000030e-01, v17;
	v14 =	vsel vm2, v9, v14  }
0x19a: {  	v27 =	vadd.f32 v27, v32;
	v9 =	vld [tilespmem:s10+$0x0];
	vm2 =	vge.f32 v17, $0.0e+00;
	v14 =	vmul.f32 v14, v5  }
0x19b: {  	v8 =	vld [tilespmem:$0x130B0];
	v17 =	vsel vm2, v17, v21;
	v21 =	vmul.f32 $2.000000030e-01, v11;
	vm2 =	vge.f32 v11, $0.0e+00  }
0x19c: {  	v30 =	vld [tilespmem:s10+$0xFFFFFF90];
	v19 =	vadd.f32 v19, v10;
	v12 =	vadd.f32 $0.0e+00, v14;
	v14 =	vmul.f32 v17, v6  }
0x19d: {  	v11 =	vsel vm2, v11, v21;
	v17 =	vmul.f32 $2.000000030e-01, v23;
	v21 =	vld [tilespmem:s9+$0xFFFFFF90];
	vm2 =	vge.f32 v23, $0.0e+00  }
0x19e: {  	v24 =	vmul.f32 $2.000000030e-01, v19;
	v11 =	vmul.f32 v11, v7;
	v14 =	vadd.f32 v14, v12;
	v12 =	vld [tilespmem:s10+$0xFFFFFFD0]  }
0x19f: {  	v17 =	vsel vm2, v23, v17;
	v23 =	vld [tilespmem:s9+$0xFFFFFFD0];
	v22 =	vadd.f32 v22, v9;
	vm2 =	vge.f32 v19, $0.0e+00  }
0x1a0: {  	v26 =	vld [tilespmem:s9+$0x10];
	v17 =	vmul.f32 v17, v8;
	v19 =	vsel vm2, v19, v24;
	v14 =	vadd.f32 v11, v14  }
0x1a1: {  	vm4 =	vge.f32 v13, $0.0e+00;
	v11 =	vld [tilespmem:s10+$0x10];
	v25 =	vmul.f32 $2.000000030e-01, v22;
	v19 =	vmul.f32 v19, v5  }
0x1a2: {  	v29 =	vld [tilespmem:s9+$0xFFFFFFE0];
	vm3 =	vge.f32 v22, $0.0e+00;
	v21 =	vadd.f32 v21, v30;
	v17 =	vadd.f32 v17, v14  }
0x1a3: {  	v33 =	vld [tilespmem:s9+$0x20];
	v14 =	vmul.f32 $2.000000030e-01, v13;
	v22 =	vsel vm3, v22, v25;
	v19 =	vadd.f32 $0.0e+00, v19  }
0x1a4: {  	v35 =	vld [tilespmem:s10+$0xFFFFFFB0];
	v25 =	vmul.f32 $2.000000030e-01, v21;
	v23 =	vadd.f32 v23, v12;
	v22 =	vmul.f32 v22, v5  }
0x1a5: {  	v36 =	vld [tilespmem:s10+$0xFFFFFFF0];
	vm2 =	vge.f32 v21, $0.0e+00;
	v24 =	vperm.xlane v17, v1;
	v13 =	vsel vm4, v13, v14  }
0x1a6: {  	v14 =	vld [tilespmem:s10+$0xFFFFFFE0];
	v28 =	vmul.f32 v13, v5;
	v26 =	vadd.f32 v26, v11;
	vm3 =	vge.f32 v23, $0.0e+00  }
0x1a7: {  	v13 =	vld [tilespmem:s10+$0x20];
	v21 =	vsel vm2, v21, v25;
	v22 =	vadd.f32 $0.0e+00, v22;
	vm2 =	vge.f32 v27, $0.0e+00  }
0x1a8: {  	v25 =	vld [tilespmem:s9+$0xFFFFFFB0];
	v17 =	vadd.f32 v17, v24;
	v24 =	vmul.f32 $2.000000030e-01, v23;
	v21 =	vmul.f32 v21, v6  }
0x1a9: {  	v48 =	vld [tilespmem:s9+$0xFFFFFFF0];
	vm11 =	vge.f32 v26, $0.0e+00;
	v37 =	vmul.f32 $2.000000030e-01, v26;
	v28 =	vadd.f32 $0.0e+00, v28  }
0x1aa: {  	v34 =	vperm.xlane v17, v2;
	v23 =	vsel vm3, v23, v24;
	v24 =	vmul.f32 $2.000000030e-01, v27  }
0x1ab: {  	v29 =	vadd.f32 v29, v14;
	v26 =	vsel vm11, v26, v37;
	v21 =	vadd.f32 v21, v28  }
0x1ac: {  	v23 =	vmul.f32 v23, v6;
	v17 =	vadd.f32 v17, v34;
	v33 =	vadd.f32 v33, v13  }
0x1ad: {  	v40 =	vld [tilespmem:s9+$0x30];
	v25 =	vadd.f32 v25, v35;
	v26 =	vmul.f32 v26, v6;
	v24 =	vsel vm2, v27, v24  }
0x1ae: {  	v37 =	vld [tilespmem:s10+$0x30];
	v27 =	vadd.f32 v48, v36;
	v39 =	vmul.f32 $2.000000030e-01, v29;
	vm3 =	vge.f32 v29, $0.0e+00  }
0x1af: {  	v19 =	vadd.f32 v23, v19;
	v23 =	vmul.f32 v24, v7;
	v38 =	vperm.xlane v17, v3  }
0x1b0: {  	v49 =	vmul.f32 $2.000000030e-01, v33;
	vm2 =	vge.f32 v33, $0.0e+00;
	v50 =	vmul.f32 $2.000000030e-01, v25  }
0x1b1: {  	v51 =	vmul.f32 $2.000000030e-01, v27;
	v22 =	vadd.f32 v26, v22;
	v29 =	vsel vm3, v29, v39  }
0x1b2: {  	vm3 =	vge.f32 v27, $0.0e+00;
	v21 =	vadd.f32 v23, v21;
	v17 =	vadd.f32 v17, v38  }
0x1b3: {  	v33 =	vsel vm2, v33, v49;
	v52 =	vadd.f32 v40, v37;
	vm2 =	vge.f32 v25, $0.0e+00  }
0x1b4: {  	v26 =	vmul.f32 v29, v7;
	v27 =	vsel vm3, v27, v51;
	v28 =	vmul.f32 v33, v7  }
0x1b5: {  	v25 =	vsel vm2, v25, v50;
	v41 =	vperm.xlane v17, v4;
	v24 =	vmul.f32 $2.000000030e-01, v52  }
0x1b6: {  	v23 =	vmul.f32 v25, v8;
	v19 =	vadd.f32 v26, v19;
	v25 =	vmul.f32 v27, v8  }
0x1b7: {  	vm12 =	vge.f32 v52, $0.0e+00;
	v17 =	vadd.f32 v17, v41  }
0x1b8: {  	v22 =	vadd.f32 v28, v22;
	v24 =	vsel vm12, v52, v24;
	v19 =	vadd.f32 v25, v19  }
0x1b9: {  	v21 =	vadd.f32 v23, v21;
	v24 =	vmul.f32 v24, v8;
	v17 =	vmul.f32 $1.442695020e+00, v17  }
0x1ba: {  	v23 =	vperm.xlane v19, v1  }
0x1bb: {  	(erf) = vpow2.f32 v17;
	v17 =	vadd.f32 v24, v22;
	v22 =	vperm.xlane v21, v1;
	_ =	sdelay $0x1  }
0x1bc: {  	v19 =	vadd.f32 v19, v23;
	v21 =	vadd.f32 v21, v22  }
0x1bd: {  	v24 =	vperm.xlane v17, v1  }
0x1be: {  	v23 =	vperm.xlane v19, v2;
	v22 =	vperm.xlane v21, v2  }
0x1bf: {  	v17 =	vadd.f32 v17, v24  }
0x1c0: {  	v19 =	vadd.f32 v19, v23;
	v21 =	vadd.f32 v21, v22  }
0x1c1: {  	s9 =	simm.s32 $0x8600;
	v22 =	vperm.xlane v17, v2  }
0x1c2: {  	s20 =	simm.s32 $0x2600;
	v26 =	vld [tilespmem:s9+$0x40];
	v25 =	vperm.xlane v19, v3;
	v23 =	vperm.xlane v21, v3  }
0x1c3: {  	v22 =	vadd.f32 v17, v22;
	v17 =	vld [tilespmem:s20+$0x40]  }
0x1c4: {  	v38 =	vld [tilespmem:s20+$0x70];
	v25 =	vadd.f32 v19, v25;
	v24 =	vpop (erf);
	v21 =	vadd.f32 v21, v23  }
0x1c5: {  	v28 =	vld [tilespmem:s9+$0x50];
	v34 =	vmul.f32 v24, v18;
	v23 =	vperm.xlane v22, v3  }
0x1c6: {  	v18 =	vld [tilespmem:s20+$0x50];
	v53 =	vperm.xlane v25, v4;
	v29 =	vperm.xlane v21, v4  }
0x1c7: {  	v19 =	vld [tilespmem:s20+$0x60];
	v40 =	vmul.f32 v24, v20;
	v27 =	vperm.xlane v34, v4;
	v22 =	vadd.f32 v22, v23  }
0x1c8: {  	v23 =	vsel vm0, $0x0, v24;
	v20 =	vadd.f32 v26, v17;
	v26 =	vld [tilespmem:s9+$0x70];
	v21 =	vadd.f32 v21, v29  }
0x1c9: {  	v39 =	vsel vm1, v27, v23;
	v23 =	vld [tilespmem:s9+$0x60];
	v27 =	vperm.xlane v22, v4  }
0x1ca: {  	v54 =	vld [tilespmem:s9+$0x0];
	v41 =	vmul.f32 v24, v16;
	v25 =	vadd.f32 v25, v53;
	v16 =	vmul.f32 $1.442695020e+00, v21  }
0x1cb: {  	v45 =	vld [tilespmem:s9+$0x10];
	v21 =	vadd.f32 v22, v27;
	v22 =	vmul.f32 $2.000000030e-01, v20;
	v27 =	vadd.f32 v28, v18  }
0x1cc: {  	v42 =	vmul.f32 v24, v15;
	v15 =	vld [tilespmem:s20+$0xFFFFFFC0];
	v25 =	vmul.f32 $1.442695020e+00, v25;
	vm2 =	vge.f32 v20, $0.0e+00  }
0x1cd: {  	v29 =	vld [tilespmem:s9+$0xFFFFFFC0];
	v28 =	vmul.f32 $1.442695020e+00, v21;
	v20 =	vsel vm2, v20, v22;
	v21 =	vmul.f32 $2.000000030e-01, v27  }
0x1ce: {  	v24 =	vld [tilespmem:s9+$0xFFFFFF80];
	(erf) = vpow2.f32 v16;
	v26 =	vadd.f32 v26, v38;
	v22 =	vadd.f32 v23, v19  }
0x1cf: {  	v16 =	vld [tilespmem:s20+$0x0];
	vm2 =	vge.f32 v27, $0.0e+00;
	v23 =	vmul.f32 v20, v5;
	(erf) = vpow2.f32 v25  }
0x1d0: {  	v20 =	vld [tilespmem:s20+$0xFFFFFF80];
	v21 =	vsel vm2, v27, v21;
	v25 =	vmul.f32 $2.000000030e-01, v26;
	v27 =	vmul.f32 $2.000000030e-01, v22  }
0x1d1: {  	v47 =	vld [tilespmem:s9+$0xFFFFFFA0];
	v23 =	vadd.f32 $0.0e+00, v23;
	v43 =	vmul.f32 v21, v6;
	vm2 =	vge.f32 v22, $0.0e+00  }
0x1d2: {  	(erf) = vpow2.f32 v28;
	v28 =	vadd.f32 v29, v15;
	v21 =	vld [tilespmem:s20+$0xFFFFFF90];
	v22 =	vsel vm2, v22, v27  }
0x1d3: {  	v27 =	vld [tilespmem:s9+$0xFFFFFF90];
	v23 =	vadd.f32 v43, v23;
	vm2 =	vge.f32 v26, $0.0e+00;
	v55 =	vmul.f32 v22, v7  }
0x1d4: {  	v57 =	vmul.f32 $2.000000030e-01, v28;
	v29 =	vadd.f32 v54, v16;
	v22 =	vld [tilespmem:s20+$0xFFFFFFD0];
	v25 =	vsel vm2, v26, v25  }
0x1d5: {  	v26 =	vld [tilespmem:s9+$0xFFFFFFD0];
	v24 =	vadd.f32 v24, v20;
	v25 =	vmul.f32 v25, v8;
	v56 =	vadd.f32 v55, v23  }
0x1d6: {  	v51 =	vld [tilespmem:s9+$0x20];
	vm2 =	vge.f32 v28, $0.0e+00;
	vm3 =	vge.f32 v29, $0.0e+00;
	v44 =	vmul.f32 $2.000000030e-01, v29  }
0x1d7: {  	v50 =	vld [tilespmem:s9+$0xFFFFFFE0];
	v28 =	vsel vm2, v28, v57;
	v46 =	vmul.f32 $2.000000030e-01, v24;
	v33 =	vadd.f32 v25, v56  }
0x1d8: {  	v23 =	vld [tilespmem:s20+$0x10];
	vm13 =	vge.f32 v24, $0.0e+00;
	v49 =	vmul.f32 v28, v5;
	v29 =	vsel vm3, v29, v44  }
0x1d9: {  	v28 =	vld [tilespmem:s20+$0x20];
	v27 =	vadd.f32 v27, v21;
	v24 =	vsel vm13, v24, v46;
	v58 =	vperm.xlane v33, v1  }
0x1da: {  	v25 =	vld [tilespmem:s20+$0xFFFFFFA0];
	v29 =	vmul.f32 v29, v5;
	v49 =	vadd.f32 $0.0e+00, v49;
	v60 =	vadd.f32 v26, v22  }
0x1db: {  	v54 =	vld [tilespmem:s9+$0xFFFFFFB0];
	v48 =	vmul.f32 v24, v5;
	v59 =	vmul.f32 $2.000000030e-01, v27;
	v33 =	vadd.f32 v33, v58  }
0x1dc: {  	v26 =	vld [tilespmem:s20+$0xFFFFFFE0];
	vm2 =	vge.f32 v27, $0.0e+00;
	v56 =	vadd.f32 $0.0e+00, v29;
	v61 =	vmul.f32 $2.000000030e-01, v60  }
0x1dd: {  	v24 =	vld [tilespmem:s20+$0xFFFFFFB0];
	v45 =	vadd.f32 v45, v23;
	vm3 =	vge.f32 v60, $0.0e+00;
	v52 =	vperm.xlane v33, v2  }
0x1de: {  	v48 =	vadd.f32 $0.0e+00, v48;
	v51 =	vadd.f32 v51, v28;
	v44 =	vsel vm2, v27, v59  }
0x1df: {  	v47 =	vadd.f32 v47, v25;
	vm14 =	vge.f32 v45, $0.0e+00;
	v33 =	vadd.f32 v33, v52  }
0x1e0: {  	v53 =	vmul.f32 $2.000000030e-01, v45;
	v43 =	vsel vm3, v60, v61;
	v44 =	vmul.f32 v44, v6  }
0x1e1: {  	v29 =	vld [tilespmem:s20+$0x30];
	v61 =	vmul.f32 $2.000000030e-01, v51;
	v50 =	vadd.f32 v50, v26;
	v63 =	vperm.xlane v33, v3  }
0x1e2: {  	v60 =	vld [tilespmem:s9+$0x30];
	v43 =	vmul.f32 v43, v6;
	v54 =	vadd.f32 v54, v24;
	v62 =	vmul.f32 $2.000000030e-01, v47  }
0x1e3: {  	v45 =	vsel vm14, v45, v53;
	vm2 =	vge.f32 v47, $0.0e+00;
	v33 =	vadd.f32 v33, v63  }
0x1e4: {  	v27 =	vld [tilespmem:s20+$0xFFFFFFF0];
	v44 =	vadd.f32 v44, v48;
	v55 =	vmul.f32 $2.000000030e-01, v50;
	vm3 =	vge.f32 v50, $0.0e+00  }
0x1e5: {  	v52 =	vld [tilespmem:s9+$0xFFFFFFF0];
	v45 =	vmul.f32 v45, v6;
	v46 =	vsel vm2, v47, v62;
	v62 =	vperm.xlane v33, v4  }
0x1e6: {  	v43 =	vadd.f32 v43, v49;
	vm2 =	vge.f32 v51, $0.0e+00;
	v50 =	vsel vm3, v50, v55  }
0x1e7: {  	v47 =	vsel vm2, v51, v61;
	v53 =	vadd.f32 v60, v29;
	v33 =	vadd.f32 v33, v62  }
0x1e8: {  	v46 =	vmul.f32 v46, v7;
	v45 =	vadd.f32 v45, v56;
	v59 =	vmul.f32 v50, v7  }
0x1e9: {  	vm2 =	vge.f32 v54, $0.0e+00;
	v51 =	vpop (erf);
	v47 =	vmul.f32 v47, v7;
	v33 =	vmul.f32 $1.442695020e+00, v33  }
0x1ea: {  	v35 =	vmul.f32 v51, v35;
	v58 =	vmul.f32 $2.000000030e-01, v53;
	v52 =	vadd.f32 v52, v27  }
0x1eb: {  	v63 =	vmul.f32 $2.000000030e-01, v54;
	vm15 =	vge.f32 v53, $0.0e+00;
	(erf) = vpow2.f32 v33  }
0x1ec: {  	v45 =	vadd.f32 v47, v45;
	v48 =	vsel vm15, v53, v58;
	v57 =	vmul.f32 $2.000000030e-01, v52  }
0x1ed: {  	v60 =	vsel vm2, v54, v63;
	vm3 =	vge.f32 v52, $0.0e+00;
	v50 =	vmul.f32 v48, v8  }
0x1ee: {  	v44 =	vadd.f32 v46, v44;
	v62 =	vmul.f32 v60, v8;
	v61 =	vsel vm3, v52, v57  }
0x1ef: {  	s20 =	simm.s32 $0xE910;
	v43 =	vadd.f32 v59, v43;
	v45 =	vadd.f32 v50, v45;
	v63 =	vmul.f32 v61, v8  }
0x1f0: {  	[tilespmem:s20+$0x68] =	vst v42;
	v42 =	vmul.f32 v51, v31;
	v44 =	vadd.f32 v62, v44  }
0x1f1: {  	[tilespmem:s20+$0x78] =	vst v34;
	v54 =	vperm.xlane v35, v4;
	v56 =	vperm.xlane v45, v1;
	v43 =	vadd.f32 v63, v43  }
0x1f2: {  	[tilespmem:s20+$0x48] =	vst v40;
	v55 =	vsel vm0, $0x0, v51;
	v30 =	vmul.f32 v51, v30;
	v53 =	vperm.xlane v44, v1;
	v33 =	vpop (erf)  }
0x1f3: {  	[tilespmem:s20+$0x58] =	vst v41;
	v61 =	vsel vm1, v54, v55;
	v57 =	vadd.f32 v45, v56;
	v49 =	vperm.xlane v43, v1;
	v34 =	vpop (erf)  }
0x1f4: {  	[tilespmem:s20+$0x80] =	vst v39;
	v44 =	vadd.f32 v44, v53;
	v36 =	vmul.f32 v33, v36;
	v52 =	vmul.f32 v34, v37;
	v37 =	vpop (erf)  }
0x1f5: {  	[tilespmem:s20+$0xFFFFFFA0] =	vst v35;
	v62 =	vperm.xlane v57, v2;
	v43 =	vadd.f32 v43, v49;
	v58 =	vmul.f32 v37, v38  }
0x1f6: {  	[tilespmem:s20+$0xFFFFFFA8] =	vst v61;
	v59 =	vperm.xlane v44, v2;
	v41 =	vperm.xlane v36, v4  }
0x1f7: {  	v40 =	vsel vm0, $0x0, v33;
	[tilespmem:s20+$0xFFFFFFE8] =	vst v36;
	v31 =	vperm.xlane v43, v2;
	v60 =	vperm.xlane v58, v4  }
0x1f8: {  	s16 =	simm.s32 $0xEA30;
	v39 =	vperm.xlane v52, v4;
	[tilespmem:s20+$0x30] =	vst v52;
	v35 =	vadd.f32 v44, v59;
	v63 =	vsel vm0, $0x0, v37  }
0x1f9: {  	v44 =	vadd.f32 v57, v62;
	v43 =	vadd.f32 v43, v31;
	[tilespmem:s16+$0x78] =	vst v58;
	v31 =	vsel vm1, v60, v63  }
0x1fa: {  	s11 =	simm.s32 $0x2700;
	s10 =	simm.s32 $0x4;
	v45 =	vperm.xlane v35, v3;
	v38 =	vsel vm0, $0x0, v34;
	[tilespmem:s16+$0x80] =	vst v31;
	v31 =	vmul.f32 v51, v32  }
.LBB2_14:
0x1fb: {  	v32 =	vld [tilespmem:s11+$0x40];
	v36 =	vperm.xlane v43, v3;
	s9 =	sadd.s32 $0x100, s9;
	[tilespmem:s20+$0xFFFFFF70] =	vst v42;
	v10 =	vmul.f32 v33, v10;
	v40 =	vsel vm1, v41, v40  }
0x1fc: {  	s10 =	sadd.s32 $0x4, s10;
	v12 =	vmul.f32 v33, v12;
	v41 =	vld [tilespmem:s9+$0x40];
	v35 =	vadd.f32 v35, v45;
	v42 =	vperm.xlane v44, v3;
	[tilespmem:s20+$0xFFFFFFF0] =	vst v40  }
0x1fd: {  	v14 =	vmul.f32 v33, v14;
	v9 =	vmul.f32 v34, v9;
	p1 =	slt.u32 s10, $0x7C;
	v40 =	vld [tilespmem:s11+$0x50];
	v36 =	vadd.f32 v43, v36;
	[tilespmem:s20+$0xFFFFFF80] =	vst v30  }
0x1fe: {  	v11 =	vmul.f32 v34, v11;
	v33 =	vld [tilespmem:s9+$0x50];
	v30 =	vperm.xlane v35, v4;
	v42 =	vadd.f32 v44, v42;
	[tilespmem:s20+$0xFFFFFF90] =	vst v31  }
0x1ff: {  	v13 =	vmul.f32 v34, v13;
	v31 =	vld [tilespmem:s11+$0x60];
	v43 =	vperm.xlane v36, v4;
	[tilespmem:s20+$0xFFFFFFB8] =	vst v10;
	v10 =	vsel vm1, v39, v38  }
0x200: {  	v39 =	vmul.f32 v37, v17;
	v34 =	vld [tilespmem:s9+$0x60];
	v35 =	vadd.f32 v35, v30;
	v38 =	vperm.xlane v42, v4;
	[tilespmem:s20+$0x38] =	vst v10  }
0x201: {  	v41 =	vadd.f32 v41, v32;
	v30 =	vld [tilespmem:s11+$0x70];
	v44 =	vadd.f32 v36, v43;
	v36 =	vmul.f32 v37, v18;
	[tilespmem:s20+$0xFFFFFFC8] =	vst v12  }
0x202: {  	v17 =	vmovc v32;
	v37 =	vmul.f32 v37, v19;
	v43 =	vld [tilespmem:s9+$0x70];
	v12 =	vmul.f32 $1.442695020e+00, v35;
	v35 =	vadd.f32 v42, v38;
	[tilespmem:s20+$0xFFFFFFD8] =	vst v14  }
0x203: {  	v18 =	vmovc v40;
	v10 =	vmovc v15;
	v38 =	vld [tilespmem:s9+$0xFFFFFF80];
	v14 =	vmul.f32 $2.000000030e-01, v41;
	v32 =	vadd.f32 v33, v40;
	v33 =	vmul.f32 $1.442695020e+00, v44;
	[tilespmem:s20+$0x0] =	vst v9  }
0x204: {  	vm2 =	vge.f32 v41, $0.0e+00;
	v9 =	vmovc v16;
	v15 =	vld [tilespmem:s11+$0xFFFFFFC0];
	v40 =	vmul.f32 $1.442695020e+00, v35;
	(erf) = vpow2.f32 v12;
	[tilespmem:s20+$0x10] =	vst v11;
	v19 =	vmovc v31  }
0x205: {  	v31 =	vmovc v21;
	v42 =	vld [tilespmem:s9+$0xFFFFFFC0];
	v35 =	vsel vm2, v41, v14;
	v44 =	vmul.f32 $2.000000030e-01, v32;
	v34 =	vadd.f32 v34, v19;
	[tilespmem:s20+$0x20] =	vst v13;
	s20 =	smov.u32 s16  }
0x206: {  	v11 =	vmovc v23;
	vm2 =	vge.f32 v32, $0.0e+00;
	v16 =	vld [tilespmem:s11+$0x0];
	v41 =	vmul.f32 v35, v5;
	[tilespmem:s16+$0x48] =	vst v39;
	(erf) = vpow2.f32 v33;
	v12 =	vmovc v22  }
0x207: {  	v23 =	vld [tilespmem:s9+$0x0];
	v21 =	vsel vm2, v32, v44;
	v22 =	vmul.f32 $2.000000030e-01, v34;
	v33 =	vadd.f32 v43, v30;
	[tilespmem:s16+$0x58] =	vst v36;
	v32 =	vmovc v25  }
0x208: {  	v13 =	vmovc v28;
	vm2 =	vge.f32 v34, $0.0e+00;
	v14 =	vmovc v26;
	v35 =	vld [tilespmem:s11+$0xFFFFFF80];
	v25 =	vadd.f32 $0.0e+00, v41;
	v36 =	vmul.f32 v21, v6;
	[tilespmem:s16+$0x68] =	vst v37  }
0x209: {  	v21 =	vld [tilespmem:s11+$0xFFFFFF90];
	v22 =	vsel vm2, v34, v22;
	v26 =	vmul.f32 $2.000000030e-01, v33;
	(erf) = vpow2.f32 v40  }
0x20a: {  	vm2 =	vge.f32 v33, $0.0e+00;
	v28 =	vld [tilespmem:s9+$0xFFFFFF90];
	v25 =	vadd.f32 v36, v25;
	v34 =	vmul.f32 v22, v7  }
0x20b: {  	v37 =	vadd.f32 v42, v15;
	v22 =	vld [tilespmem:s11+$0xFFFFFFD0];
	v26 =	vsel vm2, v33, v26  }
0x20c: {  	v39 =	vld [tilespmem:s9+$0xFFFFFFD0];
	v40 =	vadd.f32 v23, v16;
	v25 =	vadd.f32 v34, v25;
	v26 =	vmul.f32 v26, v8  }
0x20d: {  	vm2 =	vge.f32 v37, $0.0e+00;
	v34 =	vadd.f32 v38, v35;
	v38 =	vmul.f32 $2.000000030e-01, v37;
	v23 =	vld [tilespmem:s11+$0x10];
	v36 =	vpop (erf)  }
0x20e: {  	vm3 =	vge.f32 v40, $0.0e+00;
	v41 =	vmul.f32 $2.000000030e-01, v40;
	v42 =	vld [tilespmem:s9+$0x10];
	v43 =	vadd.f32 v26, v25  }
0x20f: {  	vm4 =	vge.f32 v34, $0.0e+00;
	v26 =	vmul.f32 $2.000000030e-01, v34;
	v44 =	vadd.f32 v28, v21;
	v25 =	vld [tilespmem:s11+$0xFFFFFFA0];
	v33 =	vpop (erf)  }
0x210: {  	v28 =	vsel vm2, v37, v38;
	v45 =	vld [tilespmem:s9+$0xFFFFFFA0];
	v37 =	vsel vm3, v40, v41;
	v38 =	vperm.xlane v43, v1  }
0x211: {  	v48 =	vsel vm4, v34, v26;
	v40 =	vmul.f32 $2.000000030e-01, v44;
	v39 =	vadd.f32 v39, v22;
	v26 =	vld [tilespmem:s11+$0xFFFFFFE0]  }
0x212: {  	v46 =	vmul.f32 v28, v5;
	v41 =	vmul.f32 v48, v5;
	v47 =	vld [tilespmem:s9+$0xFFFFFFE0];
	v38 =	vadd.f32 v43, v38;
	v34 =	vpop (erf)  }
0x213: {  	v37 =	vmul.f32 v37, v5;
	v43 =	vmul.f32 $2.000000030e-01, v39;
	v42 =	vadd.f32 v42, v23;
	v28 =	vld [tilespmem:s11+$0x20]  }
0x214: {  	vm2 =	vge.f32 v44, $0.0e+00;
	vm3 =	vge.f32 v39, $0.0e+00;
	v48 =	vld [tilespmem:s9+$0x20];
	v49 =	vperm.xlane v38, v2  }
0x215: {  	v45 =	vadd.f32 v45, v25;
	v50 =	vld [tilespmem:s11+$0xFFFFFFB0];
	vm4 =	vge.f32 v42, $0.0e+00;
	v51 =	vmul.f32 $2.000000030e-01, v42  }
0x216: {  	v40 =	vsel vm2, v44, v40;
	v39 =	vsel vm3, v39, v43;
	v44 =	vld [tilespmem:s9+$0xFFFFFFB0];
	v38 =	vadd.f32 v38, v49  }
0x217: {  	v43 =	vmul.f32 $2.000000030e-01, v45;
	v47 =	vadd.f32 v47, v26;
	v49 =	vld [tilespmem:s11+$0xFFFFFFF0];
	v42 =	vsel vm4, v42, v51  }
0x218: {  	v46 =	vadd.f32 $0.0e+00, v46;
	v41 =	vadd.f32 $0.0e+00, v41;
	v51 =	vld [tilespmem:s9+$0xFFFFFFF0];
	v52 =	vperm.xlane v38, v3  }
0x219: {  	v37 =	vadd.f32 $0.0e+00, v37;
	v53 =	vmul.f32 $2.000000030e-01, v47;
	v48 =	vadd.f32 v48, v28;
	v54 =	vld [tilespmem:s11+$0x30]  }
0x21a: {  	v40 =	vmul.f32 v40, v6;
	v39 =	vmul.f32 v39, v6;
	v55 =	vld [tilespmem:s9+$0x30];
	v38 =	vadd.f32 v38, v52  }
0x21b: {  	v42 =	vmul.f32 v42, v6;
	v44 =	vadd.f32 v44, v50;
	v52 =	vmul.f32 $2.000000030e-01, v48  }
0x21c: {  	vm2 =	vge.f32 v45, $0.0e+00;
	vm3 =	vge.f32 v47, $0.0e+00;
	v56 =	vperm.xlane v38, v4  }
0x21d: {  	v43 =	vsel vm2, v45, v43;
	vm2 =	vge.f32 v48, $0.0e+00;
	v45 =	vadd.f32 v51, v49  }
0x21e: {  	v47 =	vsel vm3, v47, v53;
	v48 =	vsel vm2, v48, v52;
	v38 =	vadd.f32 v38, v56  }
0x21f: {  	v51 =	vmul.f32 $2.000000030e-01, v44;
	v52 =	vmul.f32 $2.000000030e-01, v45;
	v53 =	vadd.f32 v55, v54  }
0x220: {  	v40 =	vadd.f32 v40, v41;
	v39 =	vadd.f32 v39, v46;
	v38 =	vmul.f32 $1.442695020e+00, v38  }
0x221: {  	v41 =	vmul.f32 v43, v7;
	v37 =	vadd.f32 v42, v37;
	v42 =	vmul.f32 $2.000000030e-01, v53  }
0x222: {  	v43 =	vmul.f32 v47, v7;
	vm2 =	vge.f32 v44, $0.0e+00;
	(erf) = vpow2.f32 v38  }
0x223: {  	vm3 =	vge.f32 v45, $0.0e+00;
	vm4 =	vge.f32 v53, $0.0e+00;
	v38 =	vmul.f32 v48, v7  }
0x224: {  	v44 =	vsel vm2, v44, v51;
	v45 =	vsel vm3, v45, v52;
	v42 =	vsel vm4, v53, v42  }
0x225: {  	v40 =	vadd.f32 v41, v40;
	v39 =	vadd.f32 v43, v39;
	v41 =	vmul.f32 v44, v8  }
0x226: {  	v43 =	vmul.f32 v45, v8;
	v37 =	vadd.f32 v38, v37;
	v38 =	vmul.f32 v42, v8  }
0x227: {  	v41 =	vadd.f32 v41, v40;
	v40 =	vmul.f32 v36, v24;
	v24 =	vmovc v50;
	v42 =	vmul.f32 v33, v27  }
0x228: {  	v43 =	vadd.f32 v43, v39;
	v39 =	vmul.f32 v34, v29;
	v27 =	vmovc v49;
	v38 =	vadd.f32 v38, v37  }
0x229: {  	v45 =	vsel vm0, $0x0, v36;
	v49 =	vperm.xlane v41, v1;
	v44 =	vperm.xlane v40, v4;
	v29 =	vmovc v54;
	[tilespmem:s16+$0xFFFFFFA0] =	vst v40  }
0x22a: {  	v46 =	vperm.xlane v43, v1;
	v47 =	vperm.xlane v38, v1;
	v40 =	vsel vm0, $0x0, v33;
	[tilespmem:s16+$0xFFFFFFE8] =	vst v42  }
0x22b: {  	v48 =	vadd.f32 v41, v49;
	v41 =	vperm.xlane v42, v4;
	v37 =	vpop (erf);
	[tilespmem:s16+$0x30] =	vst v39;
	v39 =	vperm.xlane v39, v4  }
0x22c: {  	v43 =	vadd.f32 v43, v46;
	v46 =	vadd.f32 v38, v47;
	v30 =	vmul.f32 v37, v30  }
.Ltmp12:
0x22d: {  	v47 =	vperm.xlane v48, v2;
	v42 =	vmul.f32 v36, v20;
	v38 =	vsel vm0, $0x0, v34;
	v20 =	vmovc v35;
	(pc) =	sbr.rel @p1 .LBB2_14-.Ltmp12, $4  }
0x22e: {  	v44 =	vsel vm1, v44, v45;
	v49 =	vperm.xlane v43, v2;
	v50 =	vperm.xlane v30, v4  }
0x22f: {  	s16 =	sadd.s32 $0x120, s16;
	v35 =	vadd.f32 v48, v47;
	v47 =	vperm.xlane v46, v2;
	v45 =	vsel vm0, $0x0, v37;
	[tilespmem:s20+$0xFFFFFFA8] =	vst v44  }
0x230: {  	v43 =	vadd.f32 v43, v49;
	[tilespmem:s16+$0x78] =	vst v30;
	v48 =	vsel vm1, v50, v45;
	v30 =	vmul.f32 v36, v31  }
0x231: {  	s11 =	sadd.s32 $0x100, s11;
	v44 =	vadd.f32 v46, v47;
	v45 =	vperm.xlane v35, v3;
	v31 =	vmul.f32 v36, v32;
	[tilespmem:s16+$0x80] =	vst v48  }
0x232: {  	_ = 	snop  }
0x233: {  	v5 =	vperm.xlane v43, v3;
	v6 =	vadd.f32 v35, v45  }
0x234: {  	v7 =	vperm.xlane v44, v3  }
0x235: {  	v5 =	vadd.f32 v43, v5;
	v8 =	vperm.xlane v6, v4  }
0x236: {  	v7 =	vadd.f32 v44, v7  }
0x237: {  	v32 =	vperm.xlane v5, v4;
	v6 =	vadd.f32 v6, v8  }
0x238: {  	v50 =	vperm.xlane v7, v4  }
0x239: {  	[tilespmem:s20+$0xFFFFFF70] =	vst v42;
	v5 =	vadd.f32 v5, v32;
	v6 =	vmul.f32 $1.442695020e+00, v6  }
0x23a: {  	v51 =	vsel vm1, v41, v40;
	v52 =	vmul.f32 v33, v10;
	[tilespmem:s20+$0xFFFFFF80] =	vst v30;
	v7 =	vadd.f32 v7, v50  }
0x23b: {  	[tilespmem:s20+$0xFFFFFFF0] =	vst v51;
	v5 =	vmul.f32 $1.442695020e+00, v5;
	(erf) = vpow2.f32 v6  }
0x23c: {  	[tilespmem:s20+$0xFFFFFF90] =	vst v31;
	v7 =	vmul.f32 $1.442695020e+00, v7  }
0x23d: {  	[tilespmem:s20+$0xFFFFFFB8] =	vst v52;
	v6 =	vsel vm1, v39, v38;
	(erf) = vpow2.f32 v5;
	v5 =	vmul.f32 v33, v12  }
0x23e: {  	[tilespmem:s20+$0x38] =	vst v6;
	v6 =	vmul.f32 v34, v9  }
0x23f: {  	(erf) = vpow2.f32 v7;
	v7 =	vmul.f32 v33, v14;
	[tilespmem:s20+$0xFFFFFFC8] =	vst v5  }
0x240: {  	v5 =	vmul.f32 v34, v11;
	[tilespmem:s20+$0x0] =	vst v6;
	v6 =	vmul.f32 v37, v17  }
0x241: {  	[tilespmem:s20+$0xFFFFFFD8] =	vst v7  }
0x242: {  	v7 =	vmul.f32 v34, v13;
	[tilespmem:s20+$0x10] =	vst v5  }
0x243: {  	v5 =	vmul.f32 v37, v18;
	[tilespmem:s16+$0x48] =	vst v6  }
0x244: {  	[tilespmem:s20+$0x20] =	vst v7;
	v7 =	vmul.f32 v37, v19;
	v6 =	vpop (erf)  }
0x245: {  	[tilespmem:s16+$0x58] =	vst v5;
	v53 =	vmul.f32 v6, v24  }
0x246: {  	[tilespmem:s16+$0x68] =	vst v7;
	v57 =	vmul.f32 v6, v20  }
0x247: {  	v59 =	vmul.f32 v6, v21;
	[tilespmem:s16+$0xFFFFFFA0] =	vst v53  }
0x248: {  	v5 =	vpop (erf);
	v56 =	vsel vm0, $0x0, v6;
	v6 =	vmul.f32 v6, v25;
	[tilespmem:s16+$0xFFFFFF70] =	vst v57  }
0x249: {  	v54 =	vmul.f32 v5, v27;
	[tilespmem:s16+$0xFFFFFF80] =	vst v59  }
0x24a: {  	v7 =	vpop (erf);
	v61 =	vmul.f32 v5, v15;
	[tilespmem:s16+$0xFFFFFF90] =	vst v6  }
0x24b: {  	v55 =	vmul.f32 v7, v29;
	[tilespmem:s16+$0xFFFFFFE8] =	vst v54  }
0x24c: {  	v6 =	vmul.f32 v5, v22;
	[tilespmem:s16+$0xFFFFFFB8] =	vst v61  }
0x24d: {  	v58 =	vsel vm0, $0x0, v5;
	v5 =	vmul.f32 v5, v26;
	[tilespmem:s16+$0x30] =	vst v55  }
0x24e: {  	v8 =	vperm.xlane v53, v4;
	v63 =	vmul.f32 v7, v16;
	[tilespmem:s16+$0xFFFFFFC8] =	vst v6  }
0x24f: {  	v9 =	vperm.xlane v54, v4;
	[tilespmem:s16+$0xFFFFFFD8] =	vst v5  }
0x250: {  	v8 =	vsel vm1, v8, v56;
	[tilespmem:s16+$0x0] =	vst v63  }
0x251: {  	v6 =	vmul.f32 v7, v23;
	[tilespmem:s16+$0xFFFFFFA8] =	vst v8;
	v9 =	vsel vm1, v9, v58  }
0x252: {  	v60 =	vperm.xlane v55, v4;
	v5 =	vmul.f32 v7, v28;
	[tilespmem:s16+$0xFFFFFFF0] =	vst v9  }
0x253: {  	v62 =	vsel vm0, $0x0, v7;
	[tilespmem:s16+$0x10] =	vst v6  }
0x254: {  	v8 =	vsel vm1, v60, v62;
	[tilespmem:s16+$0x20] =	vst v5  }
0x255: {  	[tilespmem:s16+$0x38] =	vst v8  }
0x256: {  	[spmem:s3] =	stream.indirect.scatter.add.f32 [tilespmem:s17], [sflag:$0x8], $0x48, s15, s26, $0xb8;
	[tilespmem:$0x1E4C0] =	vst v63  }
.LBB2_16:
0x257: {  	s9 =	sadd.s32 s14, s25  }
0x258: {  	p1 =	sgt.u32 s9, $0x9C3  }
0x259: {  	s10 =	simm.s32 @!p1 $0x5  }
0x25a: {  	_ =	swait.ge @!p1 [sflag:s10], $0x2000  }
0x25b: {  	[sflag:s10] =	ssyncset.done @!p1 $0x0  }
0x25c: {  	p2 =	sgt.u32 @!p0 s9, $0xA23;
	[sflag:s10] =	ssyncadd.s32 @!p1 $0xFFFFE000;
	s10 =	simm.s32 @!p1 $0x6  }
0x25d: {  	p0 =	por p2, p0;
	p2 =	sgt.u32 s9, $0x983;
	_ =	swait.ge @!p1 [sflag:s10], $0x2000  }
.Ltmp13:
0x25e: {  	[sflag:s10] =	ssyncset.done @!p1 $0x0;
	(pc) =	sbr.rel @p2 .LBB2_18-.Ltmp13, $4  }
0x25f: {  	[sflag:s10] =	ssyncadd.s32 @!p1 $0xFFFFE000;
	s10 =	simm.s32 @!p0 $0x9  }
0x260: {  	_ =	swait.ge @!p0 [sflag:s10], $0x2400  }
0x261: {  	[sflag:s10] =	ssyncset.done @!p0 $0x0  }
0x262: {  	[sflag:s10] =	ssyncadd.s32 @!p0 $0xFFFFDC00  }
0x263: {  	s9 =	sshll.u32 s9, $0x4  }
0x264: {  	s9 =	sand.u32 $0x1FFFFFF0, s9  }
0x265: {  	s9 =	sadd.s32 s7, s9  }
0x266: {  	s10 =	sadd.s32 $0x400, s9  }
0x267: {  	[tilespmem:s26], [sflag:$0xA] =	stream.linear.gather [hbm4b:s10+s5], $0x80, $0x38;
	[tilespmem:$0x1E4C0] =	vst v63  }
0x268: {  	_ =	swait.ge [sflag:s23], $0x80  }
0x269: {  	[sflag:s23] =	ssyncset.done $0x0  }
0x26a: {  	s9 =	sadd.s32 $0xA040, s9;
	[sflag:s23] =	ssyncadd.s32 $0xFFFFFF80  }
0x26b: {  	[tilespmem:s30], [sflag:$0xA] =	stream.linear.gather [hbm4b:s9+s5], $0x80, $0x38;
	[tilespmem:$0x1E4C0] =	vst v63  }
0x26c: {  	_ =	swait.ge [sflag:s23], $0x80  }
.Ltmp14:
0x26d: {  	[sflag:s23] =	ssyncset.done $0x0;
	(pc) =	sbr.rel .LBB2_19-.Ltmp14, $4  }
0x26e: {  	[sflag:s23] =	ssyncadd.s32 $0xFFFFFF80  }
0x26f: {  	[tilespmem:s31], [sflag:$0x3] =	stream.indirect.gather [hbm4b:s1+s26], $0x40, s26, s26, $0xb8;
	[tilespmem:$0x1E4C0] =	vst v63  }
0x270: {  	_ = 	snop  }
0x271: {  	[tilespmem:s0], [sflag:$0x4] =	stream.indirect.gather [hbm4b:s6+s26], $0x40, s30, s26, $0xb8;
	[tilespmem:$0x1E4C0] =	vst v63  }
.LBB2_18:
.Ltmp15:
0x272: {  	(pc) =	sbr.rel @p1 .LBB2_22-.Ltmp15, $1  }
0x273: {  	_ =	sdelay $0x3  }
.LBB2_19:
0x274: {  	v5 =	vld [tilespmem:$0x280]  }
0x275: {  	v6 =	vld [tilespmem:$0x290]  }
0x276: {  	v7 =	vld [tilespmem:$0x2A0]  }
0x277: {  	v8 =	vld [tilespmem:$0x2B0]  }
0x278: {  	v9 =	vld [tilespmem:$0x2C0]  }
0x279: {  	v10 =	vld [tilespmem:$0x2D0];
	[tilespmem:$0x400] =	vst v5  }
0x27a: {  	v11 =	vld [tilespmem:$0x2E0];
	[tilespmem:$0x410] =	vst v6  }
0x27b: {  	v12 =	vld [tilespmem:$0x2F0];
	[tilespmem:$0x420] =	vst v7  }
0x27c: {  	[tilespmem:$0x430] =	vst v8  }
0x27d: {  	[tilespmem:$0x440] =	vst v9  }
0x27e: {  	[tilespmem:$0x450] =	vst v10  }
0x27f: {  	v5 =	vld [tilespmem:$0x13080];
	[tilespmem:$0x460] =	vst v11  }
0x280: {  	s10 =	simm.s32 $0x4500;
	v6 =	vld [tilespmem:$0x13090];
	[tilespmem:$0x470] =	vst v12  }
0x281: {  	s9 =	simm.s32 $0xA500;
	v20 =	vld [tilespmem:s10+$0x40]  }
0x282: {  	v9 =	vld [tilespmem:s9+$0x40]  }
0x283: {  	v16 =	vld [tilespmem:s10+$0x50]  }
0x284: {  	v10 =	vld [tilespmem:s9+$0x50]  }
0x285: {  	v15 =	vld [tilespmem:s10+$0x60]  }
0x286: {  	v11 =	vld [tilespmem:s9+$0x60]  }
0x287: {  	v18 =	vld [tilespmem:s10+$0x70]  }
0x288: {  	v12 =	vld [tilespmem:s9+$0x70]  }
0x289: {  	v13 =	vld [tilespmem:s9+$0xFFFFFF80]  }
0x28a: {  	v31 =	vld [tilespmem:s10+$0xFFFFFF80]  }
0x28b: {  	v32 =	vld [tilespmem:s10+$0xFFFFFFA0]  }
0x28c: {  	v27 =	vld [tilespmem:s9+$0xFFFFFFA0];
	v9 =	vadd.f32 v9, v20  }
0x28d: {  	v19 =	vld [tilespmem:s9+$0xFFFFFFC0]  }
0x28e: {  	v17 =	vadd.f32 v10, v16;
	v10 =	vld [tilespmem:s10+$0xFFFFFFC0];
	v14 =	vmul.f32 $2.000000030e-01, v9  }
0x28f: {  	v7 =	vld [tilespmem:$0x130A0];
	v11 =	vadd.f32 v11, v15;
	v23 =	vadd.f32 v12, v18;
	vm2 =	vge.f32 v9, $0.0e+00  }
0x290: {  	v22 =	vld [tilespmem:s9+$0x0];
	v13 =	vadd.f32 v13, v31;
	v21 =	vmul.f32 $2.000000030e-01, v17;
	v14 =	vsel vm2, v9, v14  }
0x291: {  	v27 =	vadd.f32 v27, v32;
	v9 =	vld [tilespmem:s10+$0x0];
	vm2 =	vge.f32 v17, $0.0e+00;
	v14 =	vmul.f32 v14, v5  }
0x292: {  	v8 =	vld [tilespmem:$0x130B0];
	v17 =	vsel vm2, v17, v21;
	v21 =	vmul.f32 $2.000000030e-01, v11;
	vm2 =	vge.f32 v11, $0.0e+00  }
0x293: {  	v30 =	vld [tilespmem:s10+$0xFFFFFF90];
	v19 =	vadd.f32 v19, v10;
	v12 =	vadd.f32 $0.0e+00, v14;
	v14 =	vmul.f32 v17, v6  }
0x294: {  	v11 =	vsel vm2, v11, v21;
	v17 =	vmul.f32 $2.000000030e-01, v23;
	v21 =	vld [tilespmem:s9+$0xFFFFFF90];
	vm2 =	vge.f32 v23, $0.0e+00  }
0x295: {  	v24 =	vmul.f32 $2.000000030e-01, v19;
	v11 =	vmul.f32 v11, v7;
	v14 =	vadd.f32 v14, v12;
	v12 =	vld [tilespmem:s10+$0xFFFFFFD0]  }
0x296: {  	v17 =	vsel vm2, v23, v17;
	v23 =	vld [tilespmem:s9+$0xFFFFFFD0];
	v22 =	vadd.f32 v22, v9;
	vm2 =	vge.f32 v19, $0.0e+00  }
0x297: {  	v26 =	vld [tilespmem:s9+$0x10];
	v17 =	vmul.f32 v17, v8;
	v19 =	vsel vm2, v19, v24;
	v14 =	vadd.f32 v11, v14  }
0x298: {  	vm4 =	vge.f32 v13, $0.0e+00;
	v11 =	vld [tilespmem:s10+$0x10];
	v25 =	vmul.f32 $2.000000030e-01, v22;
	v19 =	vmul.f32 v19, v5  }
0x299: {  	v29 =	vld [tilespmem:s9+$0xFFFFFFE0];
	vm3 =	vge.f32 v22, $0.0e+00;
	v21 =	vadd.f32 v21, v30;
	v17 =	vadd.f32 v17, v14  }
0x29a: {  	v33 =	vld [tilespmem:s9+$0x20];
	v14 =	vmul.f32 $2.000000030e-01, v13;
	v22 =	vsel vm3, v22, v25;
	v19 =	vadd.f32 $0.0e+00, v19  }
0x29b: {  	v35 =	vld [tilespmem:s10+$0xFFFFFFB0];
	v25 =	vmul.f32 $2.000000030e-01, v21;
	v23 =	vadd.f32 v23, v12;
	v22 =	vmul.f32 v22, v5  }
0x29c: {  	v36 =	vld [tilespmem:s10+$0xFFFFFFF0];
	vm2 =	vge.f32 v21, $0.0e+00;
	v24 =	vperm.xlane v17, v1;
	v13 =	vsel vm4, v13, v14  }
0x29d: {  	v14 =	vld [tilespmem:s10+$0xFFFFFFE0];
	v28 =	vmul.f32 v13, v5;
	v26 =	vadd.f32 v26, v11;
	vm3 =	vge.f32 v23, $0.0e+00  }
0x29e: {  	v13 =	vld [tilespmem:s10+$0x20];
	v21 =	vsel vm2, v21, v25;
	v22 =	vadd.f32 $0.0e+00, v22;
	vm2 =	vge.f32 v27, $0.0e+00  }
0x29f: {  	v25 =	vld [tilespmem:s9+$0xFFFFFFB0];
	v17 =	vadd.f32 v17, v24;
	v24 =	vmul.f32 $2.000000030e-01, v23;
	v21 =	vmul.f32 v21, v6  }
0x2a0: {  	v48 =	vld [tilespmem:s9+$0xFFFFFFF0];
	vm11 =	vge.f32 v26, $0.0e+00;
	v37 =	vmul.f32 $2.000000030e-01, v26;
	v28 =	vadd.f32 $0.0e+00, v28  }
0x2a1: {  	v34 =	vperm.xlane v17, v2;
	v23 =	vsel vm3, v23, v24;
	v24 =	vmul.f32 $2.000000030e-01, v27  }
0x2a2: {  	v29 =	vadd.f32 v29, v14;
	v26 =	vsel vm11, v26, v37;
	v21 =	vadd.f32 v21, v28  }
0x2a3: {  	v23 =	vmul.f32 v23, v6;
	v17 =	vadd.f32 v17, v34;
	v33 =	vadd.f32 v33, v13  }
0x2a4: {  	v40 =	vld [tilespmem:s9+$0x30];
	v25 =	vadd.f32 v25, v35;
	v26 =	vmul.f32 v26, v6;
	v24 =	vsel vm2, v27, v24  }
0x2a5: {  	v37 =	vld [tilespmem:s10+$0x30];
	v27 =	vadd.f32 v48, v36;
	v39 =	vmul.f32 $2.000000030e-01, v29;
	vm3 =	vge.f32 v29, $0.0e+00  }
0x2a6: {  	v19 =	vadd.f32 v23, v19;
	v23 =	vmul.f32 v24, v7;
	v38 =	vperm.xlane v17, v3  }
0x2a7: {  	v49 =	vmul.f32 $2.000000030e-01, v33;
	vm2 =	vge.f32 v33, $0.0e+00;
	v50 =	vmul.f32 $2.000000030e-01, v25  }
0x2a8: {  	v51 =	vmul.f32 $2.000000030e-01, v27;
	v22 =	vadd.f32 v26, v22;
	v29 =	vsel vm3, v29, v39  }
0x2a9: {  	vm3 =	vge.f32 v27, $0.0e+00;
	v21 =	vadd.f32 v23, v21;
	v17 =	vadd.f32 v17, v38  }
0x2aa: {  	v33 =	vsel vm2, v33, v49;
	v52 =	vadd.f32 v40, v37;
	vm2 =	vge.f32 v25, $0.0e+00  }
0x2ab: {  	v26 =	vmul.f32 v29, v7;
	v27 =	vsel vm3, v27, v51;
	v28 =	vmul.f32 v33, v7  }
0x2ac: {  	v25 =	vsel vm2, v25, v50;
	v41 =	vperm.xlane v17, v4;
	v24 =	vmul.f32 $2.000000030e-01, v52  }
0x2ad: {  	v23 =	vmul.f32 v25, v8;
	v19 =	vadd.f32 v26, v19;
	v25 =	vmul.f32 v27, v8  }
0x2ae: {  	vm12 =	vge.f32 v52, $0.0e+00;
	v17 =	vadd.f32 v17, v41  }
0x2af: {  	v22 =	vadd.f32 v28, v22;
	v24 =	vsel vm12, v52, v24;
	v19 =	vadd.f32 v25, v19  }
0x2b0: {  	v21 =	vadd.f32 v23, v21;
	v24 =	vmul.f32 v24, v8;
	v17 =	vmul.f32 $1.442695020e+00, v17  }
0x2b1: {  	v23 =	vperm.xlane v19, v1  }
0x2b2: {  	(erf) = vpow2.f32 v17;
	v17 =	vadd.f32 v24, v22;
	v22 =	vperm.xlane v21, v1;
	_ =	sdelay $0x1  }
0x2b3: {  	v19 =	vadd.f32 v19, v23;
	v21 =	vadd.f32 v21, v22  }
0x2b4: {  	v24 =	vperm.xlane v17, v1  }
0x2b5: {  	v23 =	vperm.xlane v19, v2;
	v22 =	vperm.xlane v21, v2  }
0x2b6: {  	v17 =	vadd.f32 v17, v24  }
0x2b7: {  	v19 =	vadd.f32 v19, v23;
	v21 =	vadd.f32 v21, v22  }
0x2b8: {  	s9 =	simm.s32 $0xA600;
	v22 =	vperm.xlane v17, v2  }
0x2b9: {  	s25 =	simm.s32 $0x4600;
	v26 =	vld [tilespmem:s9+$0x40];
	v25 =	vperm.xlane v19, v3;
	v23 =	vperm.xlane v21, v3  }
0x2ba: {  	v22 =	vadd.f32 v17, v22;
	v17 =	vld [tilespmem:s25+$0x40]  }
0x2bb: {  	v38 =	vld [tilespmem:s25+$0x70];
	v25 =	vadd.f32 v19, v25;
	v24 =	vpop (erf);
	v21 =	vadd.f32 v21, v23  }
0x2bc: {  	v28 =	vld [tilespmem:s9+$0x50];
	v34 =	vmul.f32 v24, v18;
	v23 =	vperm.xlane v22, v3  }
0x2bd: {  	v18 =	vld [tilespmem:s25+$0x50];
	v53 =	vperm.xlane v25, v4;
	v29 =	vperm.xlane v21, v4  }
0x2be: {  	v19 =	vld [tilespmem:s25+$0x60];
	v40 =	vmul.f32 v24, v20;
	v27 =	vperm.xlane v34, v4;
	v22 =	vadd.f32 v22, v23  }
0x2bf: {  	v23 =	vsel vm0, $0x0, v24;
	v20 =	vadd.f32 v26, v17;
	v26 =	vld [tilespmem:s9+$0x70];
	v21 =	vadd.f32 v21, v29  }
0x2c0: {  	v39 =	vsel vm1, v27, v23;
	v23 =	vld [tilespmem:s9+$0x60];
	v27 =	vperm.xlane v22, v4  }
0x2c1: {  	v54 =	vld [tilespmem:s9+$0x0];
	v41 =	vmul.f32 v24, v16;
	v25 =	vadd.f32 v25, v53;
	v16 =	vmul.f32 $1.442695020e+00, v21  }
0x2c2: {  	v45 =	vld [tilespmem:s9+$0x10];
	v21 =	vadd.f32 v22, v27;
	v22 =	vmul.f32 $2.000000030e-01, v20;
	v27 =	vadd.f32 v28, v18  }
0x2c3: {  	v42 =	vmul.f32 v24, v15;
	v15 =	vld [tilespmem:s25+$0xFFFFFFC0];
	v25 =	vmul.f32 $1.442695020e+00, v25;
	vm2 =	vge.f32 v20, $0.0e+00  }
0x2c4: {  	v29 =	vld [tilespmem:s9+$0xFFFFFFC0];
	v28 =	vmul.f32 $1.442695020e+00, v21;
	v20 =	vsel vm2, v20, v22;
	v21 =	vmul.f32 $2.000000030e-01, v27  }
0x2c5: {  	v24 =	vld [tilespmem:s9+$0xFFFFFF80];
	(erf) = vpow2.f32 v16;
	v26 =	vadd.f32 v26, v38;
	v22 =	vadd.f32 v23, v19  }
0x2c6: {  	v16 =	vld [tilespmem:s25+$0x0];
	vm2 =	vge.f32 v27, $0.0e+00;
	v23 =	vmul.f32 v20, v5;
	(erf) = vpow2.f32 v25  }
0x2c7: {  	v20 =	vld [tilespmem:s25+$0xFFFFFF80];
	v21 =	vsel vm2, v27, v21;
	v25 =	vmul.f32 $2.000000030e-01, v26;
	v27 =	vmul.f32 $2.000000030e-01, v22  }
0x2c8: {  	v47 =	vld [tilespmem:s9+$0xFFFFFFA0];
	v23 =	vadd.f32 $0.0e+00, v23;
	v43 =	vmul.f32 v21, v6;
	vm2 =	vge.f32 v22, $0.0e+00  }
0x2c9: {  	(erf) = vpow2.f32 v28;
	v28 =	vadd.f32 v29, v15;
	v21 =	vld [tilespmem:s25+$0xFFFFFF90];
	v22 =	vsel vm2, v22, v27  }
0x2ca: {  	v27 =	vld [tilespmem:s9+$0xFFFFFF90];
	v23 =	vadd.f32 v43, v23;
	vm2 =	vge.f32 v26, $0.0e+00;
	v55 =	vmul.f32 v22, v7  }
0x2cb: {  	v57 =	vmul.f32 $2.000000030e-01, v28;
	v29 =	vadd.f32 v54, v16;
	v22 =	vld [tilespmem:s25+$0xFFFFFFD0];
	v25 =	vsel vm2, v26, v25  }
0x2cc: {  	v26 =	vld [tilespmem:s9+$0xFFFFFFD0];
	v24 =	vadd.f32 v24, v20;
	v25 =	vmul.f32 v25, v8;
	v56 =	vadd.f32 v55, v23  }
0x2cd: {  	v51 =	vld [tilespmem:s9+$0x20];
	vm2 =	vge.f32 v28, $0.0e+00;
	vm3 =	vge.f32 v29, $0.0e+00;
	v44 =	vmul.f32 $2.000000030e-01, v29  }
0x2ce: {  	v50 =	vld [tilespmem:s9+$0xFFFFFFE0];
	v28 =	vsel vm2, v28, v57;
	v46 =	vmul.f32 $2.000000030e-01, v24;
	v33 =	vadd.f32 v25, v56  }
0x2cf: {  	v23 =	vld [tilespmem:s25+$0x10];
	vm13 =	vge.f32 v24, $0.0e+00;
	v49 =	vmul.f32 v28, v5;
	v29 =	vsel vm3, v29, v44  }
0x2d0: {  	v28 =	vld [tilespmem:s25+$0x20];
	v27 =	vadd.f32 v27, v21;
	v24 =	vsel vm13, v24, v46;
	v58 =	vperm.xlane v33, v1  }
0x2d1: {  	v25 =	vld [tilespmem:s25+$0xFFFFFFA0];
	v29 =	vmul.f32 v29, v5;
	v49 =	vadd.f32 $0.0e+00, v49;
	v60 =	vadd.f32 v26, v22  }
0x2d2: {  	v54 =	vld [tilespmem:s9+$0xFFFFFFB0];
	v48 =	vmul.f32 v24, v5;
	v59 =	vmul.f32 $2.000000030e-01, v27;
	v33 =	vadd.f32 v33, v58  }
0x2d3: {  	v26 =	vld [tilespmem:s25+$0xFFFFFFE0];
	vm2 =	vge.f32 v27, $0.0e+00;
	v56 =	vadd.f32 $0.0e+00, v29;
	v61 =	vmul.f32 $2.000000030e-01, v60  }
0x2d4: {  	v24 =	vld [tilespmem:s25+$0xFFFFFFB0];
	v45 =	vadd.f32 v45, v23;
	vm3 =	vge.f32 v60, $0.0e+00;
	v52 =	vperm.xlane v33, v2  }
0x2d5: {  	v48 =	vadd.f32 $0.0e+00, v48;
	v51 =	vadd.f32 v51, v28;
	v44 =	vsel vm2, v27, v59  }
0x2d6: {  	v47 =	vadd.f32 v47, v25;
	vm14 =	vge.f32 v45, $0.0e+00;
	v33 =	vadd.f32 v33, v52  }
0x2d7: {  	v53 =	vmul.f32 $2.000000030e-01, v45;
	v43 =	vsel vm3, v60, v61;
	v44 =	vmul.f32 v44, v6  }
0x2d8: {  	v29 =	vld [tilespmem:s25+$0x30];
	v61 =	vmul.f32 $2.000000030e-01, v51;
	v50 =	vadd.f32 v50, v26;
	v63 =	vperm.xlane v33, v3  }
0x2d9: {  	v60 =	vld [tilespmem:s9+$0x30];
	v43 =	vmul.f32 v43, v6;
	v54 =	vadd.f32 v54, v24;
	v62 =	vmul.f32 $2.000000030e-01, v47  }
0x2da: {  	v45 =	vsel vm14, v45, v53;
	vm2 =	vge.f32 v47, $0.0e+00;
	v33 =	vadd.f32 v33, v63  }
0x2db: {  	v27 =	vld [tilespmem:s25+$0xFFFFFFF0];
	v44 =	vadd.f32 v44, v48;
	v55 =	vmul.f32 $2.000000030e-01, v50;
	vm3 =	vge.f32 v50, $0.0e+00  }
0x2dc: {  	v52 =	vld [tilespmem:s9+$0xFFFFFFF0];
	v45 =	vmul.f32 v45, v6;
	v46 =	vsel vm2, v47, v62;
	v62 =	vperm.xlane v33, v4  }
0x2dd: {  	v43 =	vadd.f32 v43, v49;
	vm2 =	vge.f32 v51, $0.0e+00;
	v50 =	vsel vm3, v50, v55  }
0x2de: {  	v47 =	vsel vm2, v51, v61;
	v53 =	vadd.f32 v60, v29;
	v33 =	vadd.f32 v33, v62  }
0x2df: {  	v46 =	vmul.f32 v46, v7;
	v45 =	vadd.f32 v45, v56;
	v59 =	vmul.f32 v50, v7  }
0x2e0: {  	vm2 =	vge.f32 v54, $0.0e+00;
	v51 =	vpop (erf);
	v47 =	vmul.f32 v47, v7;
	v33 =	vmul.f32 $1.442695020e+00, v33  }
0x2e1: {  	v35 =	vmul.f32 v51, v35;
	v58 =	vmul.f32 $2.000000030e-01, v53;
	v52 =	vadd.f32 v52, v27  }
0x2e2: {  	v63 =	vmul.f32 $2.000000030e-01, v54;
	vm15 =	vge.f32 v53, $0.0e+00;
	(erf) = vpow2.f32 v33  }
0x2e3: {  	v45 =	vadd.f32 v47, v45;
	v48 =	vsel vm15, v53, v58;
	v57 =	vmul.f32 $2.000000030e-01, v52  }
0x2e4: {  	v60 =	vsel vm2, v54, v63;
	vm3 =	vge.f32 v52, $0.0e+00;
	v50 =	vmul.f32 v48, v8  }
0x2e5: {  	v44 =	vadd.f32 v46, v44;
	v62 =	vmul.f32 v60, v8;
	v61 =	vsel vm3, v52, v57  }
0x2e6: {  	s20 =	simm.s32 $0x10D10;
	v43 =	vadd.f32 v59, v43;
	v45 =	vadd.f32 v50, v45;
	v63 =	vmul.f32 v61, v8  }
0x2e7: {  	[tilespmem:s20+$0x68] =	vst v42;
	v42 =	vmul.f32 v51, v31;
	v44 =	vadd.f32 v62, v44  }
0x2e8: {  	[tilespmem:s20+$0x78] =	vst v34;
	v54 =	vperm.xlane v35, v4;
	v56 =	vperm.xlane v45, v1;
	v43 =	vadd.f32 v63, v43  }
0x2e9: {  	[tilespmem:s20+$0x48] =	vst v40;
	v55 =	vsel vm0, $0x0, v51;
	v30 =	vmul.f32 v51, v30;
	v53 =	vperm.xlane v44, v1;
	v33 =	vpop (erf)  }
0x2ea: {  	[tilespmem:s20+$0x58] =	vst v41;
	v61 =	vsel vm1, v54, v55;
	v57 =	vadd.f32 v45, v56;
	v49 =	vperm.xlane v43, v1;
	v34 =	vpop (erf)  }
0x2eb: {  	[tilespmem:s20+$0x80] =	vst v39;
	v44 =	vadd.f32 v44, v53;
	v36 =	vmul.f32 v33, v36;
	v52 =	vmul.f32 v34, v37;
	v37 =	vpop (erf)  }
0x2ec: {  	[tilespmem:s20+$0xFFFFFFA0] =	vst v35;
	v62 =	vperm.xlane v57, v2;
	v43 =	vadd.f32 v43, v49;
	v58 =	vmul.f32 v37, v38  }
0x2ed: {  	[tilespmem:s20+$0xFFFFFFA8] =	vst v61;
	v59 =	vperm.xlane v44, v2;
	v41 =	vperm.xlane v36, v4  }
0x2ee: {  	v40 =	vsel vm0, $0x0, v33;
	[tilespmem:s20+$0xFFFFFFE8] =	vst v36;
	v31 =	vperm.xlane v43, v2;
	v60 =	vperm.xlane v58, v4  }
0x2ef: {  	s16 =	simm.s32 $0x10E30;
	v39 =	vperm.xlane v52, v4;
	[tilespmem:s20+$0x30] =	vst v52;
	v35 =	vadd.f32 v44, v59;
	v63 =	vsel vm0, $0x0, v37  }
0x2f0: {  	v44 =	vadd.f32 v57, v62;
	v43 =	vadd.f32 v43, v31;
	[tilespmem:s16+$0x78] =	vst v58;
	v31 =	vsel vm1, v60, v63  }
0x2f1: {  	s11 =	simm.s32 $0x4700;
	s10 =	simm.s32 $0x4;
	v45 =	vperm.xlane v35, v3;
	v38 =	vsel vm0, $0x0, v34;
	[tilespmem:s16+$0x80] =	vst v31;
	v31 =	vmul.f32 v51, v32  }
.LBB2_20:
0x2f2: {  	v32 =	vld [tilespmem:s11+$0x40];
	v36 =	vperm.xlane v43, v3;
	s9 =	sadd.s32 $0x100, s9;
	[tilespmem:s20+$0xFFFFFF70] =	vst v42;
	v10 =	vmul.f32 v33, v10;
	v40 =	vsel vm1, v41, v40  }
0x2f3: {  	s10 =	sadd.s32 $0x4, s10;
	v12 =	vmul.f32 v33, v12;
	v41 =	vld [tilespmem:s9+$0x40];
	v35 =	vadd.f32 v35, v45;
	v42 =	vperm.xlane v44, v3;
	[tilespmem:s20+$0xFFFFFFF0] =	vst v40  }
0x2f4: {  	v14 =	vmul.f32 v33, v14;
	v9 =	vmul.f32 v34, v9;
	p0 =	slt.u32 s10, $0x7C;
	v40 =	vld [tilespmem:s11+$0x50];
	v36 =	vadd.f32 v43, v36;
	[tilespmem:s20+$0xFFFFFF80] =	vst v30  }
0x2f5: {  	v11 =	vmul.f32 v34, v11;
	v33 =	vld [tilespmem:s9+$0x50];
	v30 =	vperm.xlane v35, v4;
	v42 =	vadd.f32 v44, v42;
	[tilespmem:s20+$0xFFFFFF90] =	vst v31  }
0x2f6: {  	v13 =	vmul.f32 v34, v13;
	v31 =	vld [tilespmem:s11+$0x60];
	v43 =	vperm.xlane v36, v4;
	[tilespmem:s20+$0xFFFFFFB8] =	vst v10;
	v10 =	vsel vm1, v39, v38  }
0x2f7: {  	v39 =	vmul.f32 v37, v17;
	v34 =	vld [tilespmem:s9+$0x60];
	v35 =	vadd.f32 v35, v30;
	v38 =	vperm.xlane v42, v4;
	[tilespmem:s20+$0x38] =	vst v10  }
0x2f8: {  	v41 =	vadd.f32 v41, v32;
	v30 =	vld [tilespmem:s11+$0x70];
	v44 =	vadd.f32 v36, v43;
	v36 =	vmul.f32 v37, v18;
	[tilespmem:s20+$0xFFFFFFC8] =	vst v12  }
0x2f9: {  	v17 =	vmovc v32;
	v37 =	vmul.f32 v37, v19;
	v43 =	vld [tilespmem:s9+$0x70];
	v12 =	vmul.f32 $1.442695020e+00, v35;
	v35 =	vadd.f32 v42, v38;
	[tilespmem:s20+$0xFFFFFFD8] =	vst v14  }
0x2fa: {  	v18 =	vmovc v40;
	v10 =	vmovc v15;
	v38 =	vld [tilespmem:s9+$0xFFFFFF80];
	v14 =	vmul.f32 $2.000000030e-01, v41;
	v32 =	vadd.f32 v33, v40;
	v33 =	vmul.f32 $1.442695020e+00, v44;
	[tilespmem:s20+$0x0] =	vst v9  }
0x2fb: {  	vm2 =	vge.f32 v41, $0.0e+00;
	v9 =	vmovc v16;
	v15 =	vld [tilespmem:s11+$0xFFFFFFC0];
	v40 =	vmul.f32 $1.442695020e+00, v35;
	(erf) = vpow2.f32 v12;
	[tilespmem:s20+$0x10] =	vst v11;
	v19 =	vmovc v31  }
0x2fc: {  	v31 =	vmovc v21;
	v42 =	vld [tilespmem:s9+$0xFFFFFFC0];
	v35 =	vsel vm2, v41, v14;
	v44 =	vmul.f32 $2.000000030e-01, v32;
	v34 =	vadd.f32 v34, v19;
	[tilespmem:s20+$0x20] =	vst v13;
	s20 =	smov.u32 s16  }
0x2fd: {  	v11 =	vmovc v23;
	vm2 =	vge.f32 v32, $0.0e+00;
	v16 =	vld [tilespmem:s11+$0x0];
	v41 =	vmul.f32 v35, v5;
	[tilespmem:s16+$0x48] =	vst v39;
	(erf) = vpow2.f32 v33;
	v12 =	vmovc v22  }
0x2fe: {  	v23 =	vld [tilespmem:s9+$0x0];
	v21 =	vsel vm2, v32, v44;
	v22 =	vmul.f32 $2.000000030e-01, v34;
	v33 =	vadd.f32 v43, v30;
	[tilespmem:s16+$0x58] =	vst v36;
	v32 =	vmovc v25  }
0x2ff: {  	v13 =	vmovc v28;
	vm2 =	vge.f32 v34, $0.0e+00;
	v14 =	vmovc v26;
	v35 =	vld [tilespmem:s11+$0xFFFFFF80];
	v25 =	vadd.f32 $0.0e+00, v41;
	v36 =	vmul.f32 v21, v6;
	[tilespmem:s16+$0x68] =	vst v37  }
0x300: {  	v21 =	vld [tilespmem:s11+$0xFFFFFF90];
	v22 =	vsel vm2, v34, v22;
	v26 =	vmul.f32 $2.000000030e-01, v33;
	(erf) = vpow2.f32 v40  }
0x301: {  	vm2 =	vge.f32 v33, $0.0e+00;
	v28 =	vld [tilespmem:s9+$0xFFFFFF90];
	v25 =	vadd.f32 v36, v25;
	v34 =	vmul.f32 v22, v7  }
0x302: {  	v37 =	vadd.f32 v42, v15;
	v22 =	vld [tilespmem:s11+$0xFFFFFFD0];
	v26 =	vsel vm2, v33, v26  }
0x303: {  	v39 =	vld [tilespmem:s9+$0xFFFFFFD0];
	v40 =	vadd.f32 v23, v16;
	v25 =	vadd.f32 v34, v25;
	v26 =	vmul.f32 v26, v8  }
0x304: {  	vm2 =	vge.f32 v37, $0.0e+00;
	v34 =	vadd.f32 v38, v35;
	v38 =	vmul.f32 $2.000000030e-01, v37;
	v23 =	vld [tilespmem:s11+$0x10];
	v36 =	vpop (erf)  }
0x305: {  	vm3 =	vge.f32 v40, $0.0e+00;
	v41 =	vmul.f32 $2.000000030e-01, v40;
	v42 =	vld [tilespmem:s9+$0x10];
	v43 =	vadd.f32 v26, v25  }
0x306: {  	vm4 =	vge.f32 v34, $0.0e+00;
	v26 =	vmul.f32 $2.000000030e-01, v34;
	v44 =	vadd.f32 v28, v21;
	v25 =	vld [tilespmem:s11+$0xFFFFFFA0];
	v33 =	vpop (erf)  }
0x307: {  	v28 =	vsel vm2, v37, v38;
	v45 =	vld [tilespmem:s9+$0xFFFFFFA0];
	v37 =	vsel vm3, v40, v41;
	v38 =	vperm.xlane v43, v1  }
0x308: {  	v48 =	vsel vm4, v34, v26;
	v40 =	vmul.f32 $2.000000030e-01, v44;
	v39 =	vadd.f32 v39, v22;
	v26 =	vld [tilespmem:s11+$0xFFFFFFE0]  }
0x309: {  	v46 =	vmul.f32 v28, v5;
	v41 =	vmul.f32 v48, v5;
	v47 =	vld [tilespmem:s9+$0xFFFFFFE0];
	v38 =	vadd.f32 v43, v38;
	v34 =	vpop (erf)  }
0x30a: {  	v37 =	vmul.f32 v37, v5;
	v43 =	vmul.f32 $2.000000030e-01, v39;
	v42 =	vadd.f32 v42, v23;
	v28 =	vld [tilespmem:s11+$0x20]  }
0x30b: {  	vm2 =	vge.f32 v44, $0.0e+00;
	vm3 =	vge.f32 v39, $0.0e+00;
	v48 =	vld [tilespmem:s9+$0x20];
	v49 =	vperm.xlane v38, v2  }
0x30c: {  	v45 =	vadd.f32 v45, v25;
	v50 =	vld [tilespmem:s11+$0xFFFFFFB0];
	vm4 =	vge.f32 v42, $0.0e+00;
	v51 =	vmul.f32 $2.000000030e-01, v42  }
0x30d: {  	v40 =	vsel vm2, v44, v40;
	v39 =	vsel vm3, v39, v43;
	v44 =	vld [tilespmem:s9+$0xFFFFFFB0];
	v38 =	vadd.f32 v38, v49  }
0x30e: {  	v43 =	vmul.f32 $2.000000030e-01, v45;
	v47 =	vadd.f32 v47, v26;
	v49 =	vld [tilespmem:s11+$0xFFFFFFF0];
	v42 =	vsel vm4, v42, v51  }
0x30f: {  	v46 =	vadd.f32 $0.0e+00, v46;
	v41 =	vadd.f32 $0.0e+00, v41;
	v51 =	vld [tilespmem:s9+$0xFFFFFFF0];
	v52 =	vperm.xlane v38, v3  }
0x310: {  	v37 =	vadd.f32 $0.0e+00, v37;
	v53 =	vmul.f32 $2.000000030e-01, v47;
	v48 =	vadd.f32 v48, v28;
	v54 =	vld [tilespmem:s11+$0x30]  }
0x311: {  	v40 =	vmul.f32 v40, v6;
	v39 =	vmul.f32 v39, v6;
	v55 =	vld [tilespmem:s9+$0x30];
	v38 =	vadd.f32 v38, v52  }
0x312: {  	v42 =	vmul.f32 v42, v6;
	v44 =	vadd.f32 v44, v50;
	v52 =	vmul.f32 $2.000000030e-01, v48  }
0x313: {  	vm2 =	vge.f32 v45, $0.0e+00;
	vm3 =	vge.f32 v47, $0.0e+00;
	v56 =	vperm.xlane v38, v4  }
0x314: {  	v43 =	vsel vm2, v45, v43;
	vm2 =	vge.f32 v48, $0.0e+00;
	v45 =	vadd.f32 v51, v49  }
0x315: {  	v47 =	vsel vm3, v47, v53;
	v48 =	vsel vm2, v48, v52;
	v38 =	vadd.f32 v38, v56  }
0x316: {  	v51 =	vmul.f32 $2.000000030e-01, v44;
	v52 =	vmul.f32 $2.000000030e-01, v45;
	v53 =	vadd.f32 v55, v54  }
0x317: {  	v40 =	vadd.f32 v40, v41;
	v39 =	vadd.f32 v39, v46;
	v38 =	vmul.f32 $1.442695020e+00, v38  }
0x318: {  	v41 =	vmul.f32 v43, v7;
	v37 =	vadd.f32 v42, v37;
	v42 =	vmul.f32 $2.000000030e-01, v53  }
0x319: {  	v43 =	vmul.f32 v47, v7;
	vm2 =	vge.f32 v44, $0.0e+00;
	(erf) = vpow2.f32 v38  }
0x31a: {  	vm3 =	vge.f32 v45, $0.0e+00;
	vm4 =	vge.f32 v53, $0.0e+00;
	v38 =	vmul.f32 v48, v7  }
0x31b: {  	v44 =	vsel vm2, v44, v51;
	v45 =	vsel vm3, v45, v52;
	v42 =	vsel vm4, v53, v42  }
0x31c: {  	v40 =	vadd.f32 v41, v40;
	v39 =	vadd.f32 v43, v39;
	v41 =	vmul.f32 v44, v8  }
0x31d: {  	v43 =	vmul.f32 v45, v8;
	v37 =	vadd.f32 v38, v37;
	v38 =	vmul.f32 v42, v8  }
0x31e: {  	v41 =	vadd.f32 v41, v40;
	v40 =	vmul.f32 v36, v24;
	v24 =	vmovc v50;
	v42 =	vmul.f32 v33, v27  }
0x31f: {  	v43 =	vadd.f32 v43, v39;
	v39 =	vmul.f32 v34, v29;
	v27 =	vmovc v49;
	v38 =	vadd.f32 v38, v37  }
0x320: {  	v45 =	vsel vm0, $0x0, v36;
	v49 =	vperm.xlane v41, v1;
	v44 =	vperm.xlane v40, v4;
	v29 =	vmovc v54;
	[tilespmem:s16+$0xFFFFFFA0] =	vst v40  }
0x321: {  	v46 =	vperm.xlane v43, v1;
	v47 =	vperm.xlane v38, v1;
	v40 =	vsel vm0, $0x0, v33;
	[tilespmem:s16+$0xFFFFFFE8] =	vst v42  }
0x322: {  	v48 =	vadd.f32 v41, v49;
	v41 =	vperm.xlane v42, v4;
	v37 =	vpop (erf);
	[tilespmem:s16+$0x30] =	vst v39;
	v39 =	vperm.xlane v39, v4  }
0x323: {  	v43 =	vadd.f32 v43, v46;
	v46 =	vadd.f32 v38, v47;
	v30 =	vmul.f32 v37, v30  }
.Ltmp16:
0x324: {  	v47 =	vperm.xlane v48, v2;
	v42 =	vmul.f32 v36, v20;
	v38 =	vsel vm0, $0x0, v34;
	v20 =	vmovc v35;
	(pc) =	sbr.rel @p0 .LBB2_20-.Ltmp16, $4  }
0x325: {  	v44 =	vsel vm1, v44, v45;
	v49 =	vperm.xlane v43, v2;
	v50 =	vperm.xlane v30, v4  }
0x326: {  	s16 =	sadd.s32 $0x120, s16;
	v35 =	vadd.f32 v48, v47;
	v47 =	vperm.xlane v46, v2;
	v45 =	vsel vm0, $0x0, v37;
	[tilespmem:s20+$0xFFFFFFA8] =	vst v44  }
0x327: {  	v43 =	vadd.f32 v43, v49;
	[tilespmem:s16+$0x78] =	vst v30;
	v48 =	vsel vm1, v50, v45;
	v30 =	vmul.f32 v36, v31  }
0x328: {  	s11 =	sadd.s32 $0x100, s11;
	v44 =	vadd.f32 v46, v47;
	v45 =	vperm.xlane v35, v3;
	v31 =	vmul.f32 v36, v32;
	[tilespmem:s16+$0x80] =	vst v48  }
0x329: {  	_ = 	snop  }
0x32a: {  	v5 =	vperm.xlane v43, v3;
	v6 =	vadd.f32 v35, v45  }
0x32b: {  	v7 =	vperm.xlane v44, v3  }
0x32c: {  	v5 =	vadd.f32 v43, v5;
	v8 =	vperm.xlane v6, v4  }
0x32d: {  	v7 =	vadd.f32 v44, v7  }
0x32e: {  	v32 =	vperm.xlane v5, v4;
	v6 =	vadd.f32 v6, v8  }
0x32f: {  	v50 =	vperm.xlane v7, v4  }
0x330: {  	[tilespmem:s20+$0xFFFFFF70] =	vst v42;
	v5 =	vadd.f32 v5, v32;
	v6 =	vmul.f32 $1.442695020e+00, v6  }
0x331: {  	v51 =	vsel vm1, v41, v40;
	v52 =	vmul.f32 v33, v10;
	[tilespmem:s20+$0xFFFFFF80] =	vst v30;
	v7 =	vadd.f32 v7, v50  }
0x332: {  	[tilespmem:s20+$0xFFFFFFF0] =	vst v51;
	v5 =	vmul.f32 $1.442695020e+00, v5;
	(erf) = vpow2.f32 v6  }
0x333: {  	[tilespmem:s20+$0xFFFFFF90] =	vst v31;
	v7 =	vmul.f32 $1.442695020e+00, v7  }
0x334: {  	[tilespmem:s20+$0xFFFFFFB8] =	vst v52;
	v6 =	vsel vm1, v39, v38;
	(erf) = vpow2.f32 v5;
	v5 =	vmul.f32 v33, v12  }
0x335: {  	[tilespmem:s20+$0x38] =	vst v6;
	v6 =	vmul.f32 v34, v9  }
0x336: {  	(erf) = vpow2.f32 v7;
	v7 =	vmul.f32 v33, v14;
	[tilespmem:s20+$0xFFFFFFC8] =	vst v5  }
0x337: {  	v5 =	vmul.f32 v34, v11;
	[tilespmem:s20+$0x0] =	vst v6;
	v6 =	vmul.f32 v37, v17  }
0x338: {  	[tilespmem:s20+$0xFFFFFFD8] =	vst v7  }
0x339: {  	v7 =	vmul.f32 v34, v13;
	[tilespmem:s20+$0x10] =	vst v5  }
0x33a: {  	v5 =	vmul.f32 v37, v18;
	[tilespmem:s16+$0x48] =	vst v6  }
0x33b: {  	[tilespmem:s20+$0x20] =	vst v7;
	v7 =	vmul.f32 v37, v19;
	v6 =	vpop (erf)  }
0x33c: {  	[tilespmem:s16+$0x58] =	vst v5;
	v53 =	vmul.f32 v6, v24  }
0x33d: {  	[tilespmem:s16+$0x68] =	vst v7;
	v57 =	vmul.f32 v6, v20  }
0x33e: {  	v59 =	vmul.f32 v6, v21;
	[tilespmem:s16+$0xFFFFFFA0] =	vst v53  }
0x33f: {  	v5 =	vpop (erf);
	v56 =	vsel vm0, $0x0, v6;
	v6 =	vmul.f32 v6, v25;
	[tilespmem:s16+$0xFFFFFF70] =	vst v57  }
0x340: {  	v54 =	vmul.f32 v5, v27;
	[tilespmem:s16+$0xFFFFFF80] =	vst v59  }
0x341: {  	v7 =	vpop (erf);
	v61 =	vmul.f32 v5, v15;
	[tilespmem:s16+$0xFFFFFF90] =	vst v6  }
0x342: {  	v55 =	vmul.f32 v7, v29;
	[tilespmem:s16+$0xFFFFFFE8] =	vst v54  }
0x343: {  	v6 =	vmul.f32 v5, v22;
	[tilespmem:s16+$0xFFFFFFB8] =	vst v61  }
0x344: {  	v58 =	vsel vm0, $0x0, v5;
	v5 =	vmul.f32 v5, v26;
	[tilespmem:s16+$0x30] =	vst v55  }
0x345: {  	v8 =	vperm.xlane v53, v4;
	v63 =	vmul.f32 v7, v16;
	[tilespmem:s16+$0xFFFFFFC8] =	vst v6  }
0x346: {  	v9 =	vperm.xlane v54, v4;
	[tilespmem:s16+$0xFFFFFFD8] =	vst v5  }
0x347: {  	v8 =	vsel vm1, v8, v56;
	[tilespmem:s16+$0x0] =	vst v63  }
0x348: {  	v6 =	vmul.f32 v7, v23;
	[tilespmem:s16+$0xFFFFFFA8] =	vst v8;
	v9 =	vsel vm1, v9, v58  }
.Ltmp17:
0x349: {  	v60 =	vperm.xlane v55, v4;
	v5 =	vmul.f32 v7, v28;
	[tilespmem:s16+$0xFFFFFFF0] =	vst v9;
	(pc) =	sbr.rel .LBB2_22-.Ltmp17, $4  }
0x34a: {  	v62 =	vsel vm0, $0x0, v7;
	[tilespmem:s16+$0x10] =	vst v6  }
0x34b: {  	v8 =	vsel vm1, v60, v62;
	[tilespmem:s16+$0x20] =	vst v5  }
0x34c: {  	[tilespmem:s16+$0x38] =	vst v8  }
0x34d: {  	[spmem:s3] =	stream.indirect.scatter.add.f32 [tilespmem:s19], [sflag:$0x9], $0x48, s18, s26, $0xb8;
	[tilespmem:$0x1E4C0] =	vst v63  }
.LBB2_24:
0x34e: {  	_ =	sfence.sel $0x180000  }
0x34f: {  	[bflag:$0x0] =	sbarrier.arrive $0xFFFF  }
0x350: {  	_ =	strace $0x90000047  }
0x351: {  	s0 =	stileid.u32;
	[bflag:$0x2] =	sbarrier.arrive $0xFFFF  }
0x352: {  	p0 =	sne.s32 s0, $0x0;
	s0 =	rddreg [dreg:$0x4]  }
0x353: {  	s0 =	sadd.s32 @!p0 $0x100000, s0  }
0x354: {  	[sflag:s0] =	ssyncadd.tile.s32 @!p0 $0x1;
	_ =	shalt  }
.Lfunc_end2:
_tile_overlayer_lowered:
.L_overlay_start_2:
0x355: {  	(tag) =	ssettag $0x2  }
0x356: {  	s0 =	rddreg [dreg:$0x0];
	s2 =	stileid.u32  }
0x357: {  	s1 =	rddreg [dreg:$0x1];
	p0 =	sne.s32 s2, $0x0  }
0x358: {  	s3 =	rddreg [dreg:$0x2];
	[bflag:$0x3] =	sbarrier.arrive $0xFFFF;
	s2 =	simm.s32 @!p0 $0x1C0A  }
0x359: {  	[timem:s3], [sflag:s2] =	dma.local @!p0 [hbm:s0], s1  }
0x35a: {  	s0 =	simm.s32 @!p0 $0xA  }
0x35b: {  	_ =	swait.ge @!p0 [sflag:s0], s1  }
0x35c: {  	s1 =	ssub.s32 @!p0 $0x0, s1;
	[sflag:s0] =	ssyncset.done @!p0 $0x0  }
0x35d: {  	[sflag:s0] =	ssyncadd.s32 @!p0 s1  }
0x35e: {  	[bflag:$0x3] =	sbarrier.arrive $0xFFFF  }
0x35f: {  	_ =	shalt  }

</sc_bundles>
